<compile_context>
chip_gen: v7x
topology: tpu7x:2x2x1
jax: 0.10.2.dev20260603
libtpu: 0.0.44.dev20260713+nightly
codegen_flags: <defaults>
</compile_context>

<pallas_src>
import jax
import jax.numpy as jnp
from jax import lax
from jax.experimental import pallas as pl
from jax.experimental.pallas import tpu as pltpu
from jax.experimental.pallas import tpu_sc as plsc

N_NODES = 10000
N_PAD = 10240
E_EDGES = 320000
E_PAD = 321536
CHUNK = 128
CHUNKS_PER_TILE = E_PAD // (16 * CHUNK)
ACC_ROWS = 10112
STRIPE = ACC_ROWS // 16
DUMMY_DST = N_NODES + 100
ROW_BLK = 512


def _prep_body(x_ref, w_ref, b_ref, wa_ref, xt_ref, s_ref):
    xv = x_ref[...]
    xth = jnp.dot(xv, w_ref[0], preferred_element_type=jnp.float32) + b_ref[0]
    xtk = jnp.dot(xv, w_ref[1], preferred_element_type=jnp.float32) + b_ref[1]
    xt_ref[0] = xth
    xt_ref[1] = xtk
    s_ref[...] = (jnp.dot(xth, wa_ref[0], preferred_element_type=jnp.float32)
                  + jnp.dot(xtk, wa_ref[1], preferred_element_type=jnp.float32))


def _sc_body(xt_hbm, st_hbm, ba_hbm, e2_hbm, out_hbm,
             st_v, rows_v, ed_v, cc_v, ix_v, ba_v, acc, sem_s, sem_e, sem_g):
    c = lax.axis_index("c")
    s = lax.axis_index("s")
    base = s * STRIPE
    gbase = s * 156 + jnp.minimum(s, 4)
    nj = jnp.where(s < 4, 157, 156)

    pltpu.sync_copy(st_hbm.at[c], st_v)
    pltpu.sync_copy(ba_hbm, ba_v)
    bav = plsc.load_gather(ba_v, [jnp.full((16,), c * 16, jnp.int32)])
    cofs = jnp.full((16,), c * N_PAD, jnp.int32)

    def zrow(i, carry):
        for r in range(8):
            rows_v[0, i, pl.ds(r * 16, 16)] = jnp.zeros((16,), jnp.float32)
        return carry
    lax.fori_loop(0, CHUNK, zrow, 0)
    for k5 in range(4):
        pltpu.sync_copy(rows_v.at[0], acc.at[pl.ds(base + k5 * CHUNK, CHUNK)])
    pltpu.sync_copy(rows_v.at[0, pl.ds(0, STRIPE - 4 * CHUNK)],
                    acc.at[pl.ds(base + 4 * CHUNK, STRIPE - 4 * CHUNK)])
    plsc.subcore_barrier()

    pltpu.sync_copy(e2_hbm.at[c, 0, pl.ds(gbase * CHUNK, CHUNK)],
                    ed_v.at[0, 0])
    pltpu.sync_copy(e2_hbm.at[c, 1, pl.ds(gbase * CHUNK, CHUNK)],
                    ed_v.at[0, 1])
    pltpu.async_copy(e2_hbm.at[c, 0, pl.ds((gbase + 1) * CHUNK, CHUNK)],
                     ed_v.at[1, 0], sem_e)
    pltpu.async_copy(e2_hbm.at[c, 1, pl.ds((gbase + 1) * CHUNK, CHUNK)],
                     ed_v.at[1, 1], sem_e)
    pltpu.async_copy(xt_hbm.at[ed_v.at[0, 0]], rows_v.at[0], sem_g)

    def chunk_body(j, carry):
        b = j & 1
        nb = 1 - b

        for i in range(CHUNK // 16):
            sl = pl.ds(i * 16, 16)
            dstv = ed_v[b, 1, sl]
            srcl = ed_v[b, 0, sl] - cofs
            wd = plsc.load_gather(st_v, [dstv >> 7, dstv & 127])
            ws = plsc.load_gather(st_v, [srcl >> 7, srcl & 127])
            z = (plsc.bitcast(wd & jnp.int32(-65536), jnp.float32)
                 + plsc.bitcast(ws << 16, jnp.float32) + bav)
            cc_v[sl] = 1.0 / (1.0 + jnp.exp(-z))
            ix_v[b, sl] = dstv

        @pl.when(j >= 1)
        def _():
            pltpu.make_async_copy(
                xt_hbm.at[pl.ds(0, CHUNK)], rows_v.at[nb], sem_s).wait()

        @pl.when(j < nj - 1)
        def _():
            pltpu.make_async_copy(
                e2_hbm.at[c, 0, pl.ds(0, CHUNK)], ed_v.at[nb, 0], sem_e).wait()
            pltpu.make_async_copy(
                e2_hbm.at[c, 1, pl.ds(0, CHUNK)], ed_v.at[nb, 1], sem_e).wait()
            pltpu.async_copy(xt_hbm.at[ed_v.at[nb, 0]], rows_v.at[nb], sem_g)

        pltpu.make_async_copy(
            xt_hbm.at[pl.ds(0, CHUNK)], rows_v.at[b], sem_g).wait()

        @pl.when(j < nj - 2)
        def _():
            off = (gbase + j + 2) * CHUNK
            pltpu.async_copy(e2_hbm.at[c, 0, pl.ds(off, CHUNK)],
                             ed_v.at[b, 0], sem_e)
            pltpu.async_copy(e2_hbm.at[c, 1, pl.ds(off, CHUNK)],
                             ed_v.at[b, 1], sem_e)

        def edge(e8, cy):
            e0 = e8 * 8
            ces = [cc_v[pl.ds(e0 + u, 16)][0] for u in range(8)]
            for u in range(8):
                for r in range(8):
                    sl = pl.ds(r * 16, 16)
                    rows_v[b, e0 + u, sl] = rows_v[b, e0 + u, sl] * ces[u]
            return cy
        lax.fori_loop(0, CHUNK // 8, edge, 0)

        pltpu.async_copy(rows_v.at[b], acc.at[ix_v.at[b]], sem_s, add=True)
        return carry
    lax.fori_loop(0, nj, chunk_body, 0)
    pltpu.make_async_copy(
        xt_hbm.at[pl.ds(0, CHUNK)], rows_v.at[(nj - 1) & 1], sem_s).wait()
    plsc.subcore_barrier()
    pltpu.sync_copy(acc.at[pl.ds(base, STRIPE)],
                    out_hbm.at[c, pl.ds(base, STRIPE)])


def _gate_body(msg_ref, wg_ref, bg_ref, out_ref):
    h = msg_ref[0]
    k = msg_ref[1]
    logits = (jnp.dot(h, wg_ref[0], preferred_element_type=jnp.float32)
              + jnp.dot(k, wg_ref[1], preferred_element_type=jnp.float32)
              + bg_ref[...])
    g = 1.0 / (1.0 + jnp.exp(-logits))
    out_ref[...] = g[:, 0:1] * h + g[:, 1:2] * k


def kernel(x, hyperedge_index, knn_edge_index,
           W_h, b_h, Wa_h, ba_h,
           W_k, b_k, Wa_k, ba_k,
           Wg, bg):
    f32 = jnp.float32

    xp = jnp.pad(x, ((0, N_PAD - N_NODES), (0, 0)))
    E2 = jnp.stack([hyperedge_index,
                    knn_edge_index + jnp.array([[N_PAD], [0]], jnp.int32)])
    W2 = jnp.stack([W_h, W_k])
    B2 = jnp.stack([b_h, b_k])[:, None, :]
    z128 = jnp.zeros((128,), f32)
    wa0 = jnp.stack([Wa_h[:128, 0], Wa_h[128:, 0], z128, z128], axis=1)
    wa1 = jnp.stack([z128, z128, Wa_k[:128, 0], Wa_k[128:, 0]], axis=1)
    WA = jnp.stack([wa0, wa1])
    BA = jnp.broadcast_to(
        jnp.concatenate([ba_h, ba_k])[:, None], (2, 16)).astype(f32).reshape(32)

    grid = N_PAD // ROW_BLK
    xt, scores = pl.pallas_call(
        _prep_body,
        grid=(grid,),
        in_specs=[
            pl.BlockSpec((ROW_BLK, 128), lambda i: (i, 0)),
            pl.BlockSpec((2, 128, 128), lambda i: (0, 0, 0)),
            pl.BlockSpec((2, 1, 128), lambda i: (0, 0, 0)),
            pl.BlockSpec((2, 128, 4), lambda i: (0, 0, 0)),
        ],
        out_specs=[
            pl.BlockSpec((2, ROW_BLK, 128), lambda i: (0, i, 0)),
            pl.BlockSpec((ROW_BLK, 4), lambda i: (i, 0)),
        ],
        out_shape=[
            jax.ShapeDtypeStruct((2, N_PAD, 128), f32),
            jax.ShapeDtypeStruct((N_PAD, 4), f32),
        ],
    )(xp, W2, B2, WA)

    xt2 = xt.reshape(2 * N_PAD, 128)
    sd_all = jnp.stack([scores[:, 0], scores[:, 2]])
    ss_all = jnp.stack([scores[:, 1], scores[:, 3]])
    u_sd = lax.bitcast_convert_type(
        sd_all.astype(jnp.bfloat16), jnp.uint16).astype(jnp.uint32)
    u_ss = lax.bitcast_convert_type(
        ss_all.astype(jnp.bfloat16), jnp.uint16).astype(jnp.uint32)
    st32 = lax.bitcast_convert_type(
        (u_sd << 16) | u_ss, jnp.int32).reshape(2, N_PAD // 128, 128)

    mesh = plsc.VectorSubcoreMesh(core_axis_name="c", subcore_axis_name="s")
    msg = pl.kernel(
        _sc_body,
        out_type=jax.ShapeDtypeStruct((2, N_PAD, 128), f32),
        mesh=mesh,
        compiler_params=pltpu.CompilerParams(needs_layout_passes=False),
        scratch_types=[
            pltpu.VMEM((N_PAD // 128, 128), jnp.int32),
            pltpu.VMEM((2, CHUNK, 128), f32),
            pltpu.VMEM((2, 2, CHUNK), jnp.int32),
            pltpu.VMEM((CHUNK + 16,), f32),
            pltpu.VMEM((2, CHUNK), jnp.int32),
            pltpu.VMEM((32,), f32),
            pltpu.VMEM_SHARED((ACC_ROWS, 128), f32),
            pltpu.SemaphoreType.DMA,
            pltpu.SemaphoreType.DMA,
            pltpu.SemaphoreType.DMA,
        ],
    )(xt2, st32, BA, E2)

    WG = jnp.stack([Wg[:128], Wg[128:]])
    BG = bg[None, :]
    gated = pl.pallas_call(
        _gate_body,
        grid=(grid,),
        in_specs=[
            pl.BlockSpec((2, ROW_BLK, 128), lambda i: (0, i, 0)),
            pl.BlockSpec((2, 128, 2), lambda i: (0, 0, 0)),
            pl.BlockSpec((1, 2), lambda i: (0, 0)),
        ],
        out_specs=pl.BlockSpec((ROW_BLK, 128), lambda i: (i, 0)),
        out_shape=jax.ShapeDtypeStruct((N_NODES, 128), f32),
    )(msg, WG, BG)

    return gated

# --- scband reference (transcript-rebuilt; emitter-appended) ---
"""Pipeline reference for scband-cross-graph-attention-25039659336451 (READ-ONLY COPY).

The authoritative reference and input builder live on the scoring server;
editing this copy changes nothing except your own understanding.
"""

import jax, jax.numpy as jnp
import numpy as np

N = 10000
E = 320000
IN_C = 128
OUT_C = 128


def setup_inputs(seed: int = 0) -> dict:
    key = jax.random.key(seed)
    ks = jax.random.split(key, 16)
    s_in = 1.0 / np.sqrt(IN_C)
    s_attn = 1.0 / np.sqrt(2 * OUT_C)
    inp = {
        "x": jax.random.normal(ks[0], (N, IN_C), dtype=jnp.float32),
        "hyperedge_index": jax.random.randint(ks[1], (2, E), 0, N, dtype=jnp.int32),
        "knn_edge_index": jax.random.randint(ks[2], (2, E), 0, N, dtype=jnp.int32),
        # HyperGraphMessage params
        "W_h": jax.random.normal(ks[3], (IN_C, OUT_C), dtype=jnp.float32) * s_in,
        "b_h": jnp.zeros((OUT_C,), dtype=jnp.float32),
        "Wa_h": jax.random.normal(ks[4], (2 * OUT_C, 1), dtype=jnp.float32) * s_attn,
        "ba_h": jnp.zeros((1,), dtype=jnp.float32),
        # KNNGraphMessage params
        "W_k": jax.random.normal(ks[5], (IN_C, OUT_C), dtype=jnp.float32) * s_in,
        "b_k": jnp.zeros((OUT_C,), dtype=jnp.float32),
        "Wa_k": jax.random.normal(ks[6], (2 * OUT_C, 1), dtype=jnp.float32) * s_attn,
        "ba_k": jnp.zeros((1,), dtype=jnp.float32),
        # gate params
        "Wg": jax.random.normal(ks[7], (2 * OUT_C, 2), dtype=jnp.float32) * s_attn,
        "bg": jnp.zeros((2,), dtype=jnp.float32),
    }
    return inp


def _attn_message_pass(x, edge_index, W, b, Wa, ba):
    # Linear transform of node features
    x_trans = x @ W + b
    src = edge_index[0]  # x_j source nodes
    dst = edge_index[1]  # x_i target nodes (aggregation targets)
    x_i = jnp.take(x_trans, dst, axis=0)
    x_j = jnp.take(x_trans, src, axis=0)
    attn_input = jnp.concatenate([x_i, x_j], axis=-1)
    attn_coeff = jax.nn.sigmoid(attn_input @ Wa + ba)
    msg = attn_coeff * x_j
    # aggr='add' scatter into dst nodes
    return jax.ops.segment_sum(msg, dst, num_segments=x.shape[0])


def reference(x, hyperedge_index, knn_edge_index,
              W_h, b_h, Wa_h, ba_h,
              W_k, b_k, Wa_k, ba_k,
              Wg, bg):
    hyper_out = _attn_message_pass(x, hyperedge_index, W_h, b_h, Wa_h, ba_h)
    knn_out = _attn_message_pass(x, knn_edge_index, W_k, b_k, Wa_k, ba_k)
    combined = jnp.concatenate([hyper_out, knn_out], axis=-1)
    gate = jax.nn.sigmoid(combined @ Wg + bg)
    gate_hyper = gate[:, 0][:, None]
    gate_knn = gate[:, 1][:, None]
    out = gate_hyper * hyper_out + gate_knn * knn_out
    return out

if __name__ == "__main__":
    import jax
    _d = setup_inputs()
    print(jax.jit(kernel)(*tuple(_d.values())))

</pallas_src>

<mosaic_0001>
#map = affine_map<(d0, d1) -> (0, 0)>
#map1 = affine_map<(d0, d1) -> (0, 0, 0)>
#map2 = affine_map<(d0, d1) -> (0)>
module attributes {stable_mosaic.version = 14 : i64} {
  func.func @_sc_body(%arg0: i32, %arg1: i32, %arg2: memref<20480x128xf32, #tpu.memory_space<hbm>>, %arg3: memref<2x80x128xi32, #tpu.memory_space<hbm>>, %arg4: memref<32xf32, #tpu.memory_space<hbm>>, %arg5: memref<2x2x320000xi32, #tpu.memory_space<hbm>>, %arg6: memref<2x10240x128xf32, #tpu.memory_space<hbm>>, %arg7: memref<80x128xi32, #tpu.memory_space<vmem>>, %arg8: memref<2x128x128xf32, #tpu.memory_space<vmem>>, %arg9: memref<2x2x128xi32, #tpu.memory_space<vmem>>, %arg10: memref<144xf32, #tpu.memory_space<vmem>>, %arg11: memref<2x128xi32, #tpu.memory_space<vmem>>, %arg12: memref<32xf32, #tpu.memory_space<vmem>>, %arg13: memref<10112x128xf32, #tpu.memory_space<vmem_shared>>, %arg14: memref<!tpu.dma_semaphore, #tpu.memory_space<semaphore_mem>>, %arg15: memref<!tpu.dma_semaphore, #tpu.memory_space<semaphore_mem>>, %arg16: memref<!tpu.dma_semaphore, #tpu.memory_space<semaphore_mem>>) attributes {dimension_semantics = [#tpu.dimension_semantics<core_parallel>, #tpu.dimension_semantics<subcore_parallel>], iteration_bounds = array<i64: 2, 16>, scalar_prefetch = 0 : i64, scratch_operands = 10 : i64, tpu.core_type = #tpu.core_type<sc_vector_subcore>, window_params = [{transform_indices = #map}, {transform_indices = #map1}, {transform_indices = #map2}, {transform_indices = #map1}, {transform_indices = #map1}]} {
    %mul3A = arith.constant 632 : i32
    %mul3A_0 = arith.muli %arg1, %mul3A : i32
    %mul3A_1 = arith.constant 156 : i32
    %mul3A_2 = arith.muli %arg1, %mul3A_1 : i32
    %min3A = arith.constant 4 : i32
    %min3A_3 = arith.minsi %arg1, %min3A : i32
    %add3A = arith.addi %mul3A_2, %min3A_3 : i32
    %lt3A = arith.constant 4 : i32
    %lt3A_4 = arith.cmpi slt, %arg1, %lt3A : i32
    %jit3A = arith.constant 157 : i32
    %jit3A_5 = arith.constant 156 : i32
    %select_n3A = arith.select %lt3A_4, %jit3A, %jit3A_5 : i32
    "tpu.region"() ({
      %run_scoped3A_111 = tpu.sem_alloc : memref<!tpu.dma_semaphore, #tpu.memory_space<semaphore_mem>>
      %dma_start3A_112 = arith.constant 0 : i32
      %dma_start3A_113 = arith.constant 0 : i32
      %dma_start3A_114 = tpu.memref_slice %arg3[%arg0, %dma_start3A_112, %dma_start3A_113] : memref<2x80x128xi32, #tpu.memory_space<hbm>> -> memref<1x80x128xi32, #tpu.memory_space<hbm>>
      %dma_start3A_115 = tpu.memref_squeeze %dma_start3A_114 : memref<1x80x128xi32, #tpu.memory_space<hbm>> -> memref<80x128xi32, #tpu.memory_space<hbm>>
      %dma_start3A_116 = arith.constant 0 : i32
      %dma_start3A_117 = arith.constant 0 : i32
      %dma_start3A_118 = tpu.memref_slice %arg3[%arg0, %dma_start3A_116, %dma_start3A_117] : memref<2x80x128xi32, #tpu.memory_space<hbm>> -> memref<1x80x128xi32, #tpu.memory_space<hbm>>
      %dma_start3A_119 = tpu.memref_squeeze %dma_start3A_118 : memref<1x80x128xi32, #tpu.memory_space<hbm>> -> memref<80x128xi32, #tpu.memory_space<hbm>>
      tpu.enqueue_dma source(%dma_start3A_119 : memref<80x128xi32, #tpu.memory_space<hbm>>) target(%arg7 : memref<80x128xi32, #tpu.memory_space<vmem>>) target_semaphore(%run_scoped3A_111 : memref<!tpu.dma_semaphore, #tpu.memory_space<semaphore_mem>>)
      %dma_wait3A_120 = arith.constant 0 : i32
      %dma_wait3A_121 = arith.constant 0 : i32
      %dma_wait3A_122 = tpu.memref_slice %arg3[%arg0, %dma_wait3A_120, %dma_wait3A_121] : memref<2x80x128xi32, #tpu.memory_space<hbm>> -> memref<1x80x128xi32, #tpu.memory_space<hbm>>
      %dma_wait3A_123 = tpu.memref_squeeze %dma_wait3A_122 : memref<1x80x128xi32, #tpu.memory_space<hbm>> -> memref<80x128xi32, #tpu.memory_space<hbm>>
      %dma_wait3A_124 = arith.constant 0 : i32
      %dma_wait3A_125 = arith.constant 0 : i32
      %dma_wait3A_126 = tpu.memref_slice %arg3[%arg0, %dma_wait3A_124, %dma_wait3A_125] : memref<2x80x128xi32, #tpu.memory_space<hbm>> -> memref<1x80x128xi32, #tpu.memory_space<hbm>>
      %dma_wait3A_127 = tpu.memref_squeeze %dma_wait3A_126 : memref<1x80x128xi32, #tpu.memory_space<hbm>> -> memref<80x128xi32, #tpu.memory_space<hbm>>
      tpu.wait_dma2 semaphore(%run_scoped3A_111 : memref<!tpu.dma_semaphore, #tpu.memory_space<semaphore_mem>>) src(%dma_wait3A_127 : memref<80x128xi32, #tpu.memory_space<hbm>>) dst(%arg7 : memref<80x128xi32, #tpu.memory_space<vmem>>)
      tpu.yield
    }) : () -> ()
    "tpu.region"() ({
      %run_scoped3A_111 = tpu.sem_alloc : memref<!tpu.dma_semaphore, #tpu.memory_space<semaphore_mem>>
      tpu.enqueue_dma source(%arg4 : memref<32xf32, #tpu.memory_space<hbm>>) target(%arg12 : memref<32xf32, #tpu.memory_space<vmem>>) target_semaphore(%run_scoped3A_111 : memref<!tpu.dma_semaphore, #tpu.memory_space<semaphore_mem>>)
      tpu.wait_dma2 semaphore(%run_scoped3A_111 : memref<!tpu.dma_semaphore, #tpu.memory_space<semaphore_mem>>) src(%arg4 : memref<32xf32, #tpu.memory_space<hbm>>) dst(%arg12 : memref<32xf32, #tpu.memory_space<vmem>>)
      tpu.yield
    }) : () -> ()
    %mul3A_6 = arith.constant 16 : i32
    %mul3A_7 = arith.muli %arg0, %mul3A_6 : i32
    %broadcast_in_dim3A = vector.broadcast %mul3A_7 : i32 to vector<16xi32>
    %gather3A = tpu.vector_load_idx %arg12[%broadcast_in_dim3A] : memref<32xf32, #tpu.memory_space<vmem>>[vector<16xi32>], vector<16xf32>,
    %mul3A_8 = arith.constant 10240 : i32
    %mul3A_9 = arith.muli %arg0, %mul3A_8 : i32
    %broadcast_in_dim3A_10 = vector.broadcast %mul3A_9 : i32 to vector<16xi32>
    %scan3A = arith.constant 0 : i32
    %scan3A_11 = arith.constant 0 : i32
    %scan3A_12 = arith.constant 128 : i32
    %scan3A_13 = arith.addi %scan3A_11, %scan3A_12 : i32
    %scan3A_14 = arith.constant 1 : i32
    scf.for %scan3A_111 = %scan3A_11 to %scan3A_13 step %scan3A_14  : i32 {
      %broadcast_in_dim3A_112 = arith.constant 0.000000e+00 : f32
      %broadcast_in_dim3A_113 = vector.broadcast %broadcast_in_dim3A_112 : f32 to vector<16xf32>
      %swap3A = arith.constant 0 : i32
      %swap3A_114 = arith.index_cast %swap3A : i32 to index
      %swap3A_115 = arith.index_cast %scan3A_111 : i32 to index
      %swap3A_116 = arith.constant 0 : index
      %swap3A_117 = tpu.vector_load %arg8[%swap3A_114, %swap3A_115, %swap3A_116] {strides = array<i32>} : memref<2x128x128xf32, #tpu.memory_space<vmem>>, vector<16xf32>,
      tpu.vector_store %arg8[%swap3A_114, %swap3A_115, %swap3A_116], %broadcast_in_dim3A_113 {strides = array<i32>} : memref<2x128x128xf32, #tpu.memory_space<vmem>>, vector<16xf32>,
      %broadcast_in_dim3A_118 = arith.constant 0.000000e+00 : f32
      %broadcast_in_dim3A_119 = vector.broadcast %broadcast_in_dim3A_118 : f32 to vector<16xf32>
      %swap3A_120 = arith.constant 0 : i32
      %swap3A_121 = arith.index_cast %swap3A_120 : i32 to index
      %swap3A_122 = arith.index_cast %scan3A_111 : i32 to index
      %swap3A_123 = arith.constant 16 : index
      %swap3A_124 = tpu.vector_load %arg8[%swap3A_121, %swap3A_122, %swap3A_123] {strides = array<i32>} : memref<2x128x128xf32, #tpu.memory_space<vmem>>, vector<16xf32>,
      tpu.vector_store %arg8[%swap3A_121, %swap3A_122, %swap3A_123], %broadcast_in_dim3A_119 {strides = array<i32>} : memref<2x128x128xf32, #tpu.memory_space<vmem>>, vector<16xf32>,
      %broadcast_in_dim3A_125 = arith.constant 0.000000e+00 : f32
      %broadcast_in_dim3A_126 = vector.broadcast %broadcast_in_dim3A_125 : f32 to vector<16xf32>
      %swap3A_127 = arith.constant 0 : i32
      %swap3A_128 = arith.index_cast %swap3A_127 : i32 to index
      %swap3A_129 = arith.index_cast %scan3A_111 : i32 to index
      %swap3A_130 = arith.constant 32 : index
      %swap3A_131 = tpu.vector_load %arg8[%swap3A_128, %swap3A_129, %swap3A_130] {strides = array<i32>} : memref<2x128x128xf32, #tpu.memory_space<vmem>>, vector<16xf32>,
      tpu.vector_store %arg8[%swap3A_128, %swap3A_129, %swap3A_130], %broadcast_in_dim3A_126 {strides = array<i32>} : memref<2x128x128xf32, #tpu.memory_space<vmem>>, vector<16xf32>,
      %broadcast_in_dim3A_132 = arith.constant 0.000000e+00 : f32
      %broadcast_in_dim3A_133 = vector.broadcast %broadcast_in_dim3A_132 : f32 to vector<16xf32>
      %swap3A_134 = arith.constant 0 : i32
      %swap3A_135 = arith.index_cast %swap3A_134 : i32 to index
      %swap3A_136 = arith.index_cast %scan3A_111 : i32 to index
      %swap3A_137 = arith.constant 48 : index
      %swap3A_138 = tpu.vector_load %arg8[%swap3A_135, %swap3A_136, %swap3A_137] {strides = array<i32>} : memref<2x128x128xf32, #tpu.memory_space<vmem>>, vector<16xf32>,
      tpu.vector_store %arg8[%swap3A_135, %swap3A_136, %swap3A_137], %broadcast_in_dim3A_133 {strides = array<i32>} : memref<2x128x128xf32, #tpu.memory_space<vmem>>, vector<16xf32>,
      %broadcast_in_dim3A_139 = arith.constant 0.000000e+00 : f32
      %broadcast_in_dim3A_140 = vector.broadcast %broadcast_in_dim3A_139 : f32 to vector<16xf32>
      %swap3A_141 = arith.constant 0 : i32
      %swap3A_142 = arith.index_cast %swap3A_141 : i32 to index
      %swap3A_143 = arith.index_cast %scan3A_111 : i32 to index
      %swap3A_144 = arith.constant 64 : index
      %swap3A_145 = tpu.vector_load %arg8[%swap3A_142, %swap3A_143, %swap3A_144] {strides = array<i32>} : memref<2x128x128xf32, #tpu.memory_space<vmem>>, vector<16xf32>,
      tpu.vector_store %arg8[%swap3A_142, %swap3A_143, %swap3A_144], %broadcast_in_dim3A_140 {strides = array<i32>} : memref<2x128x128xf32, #tpu.memory_space<vmem>>, vector<16xf32>,
      %broadcast_in_dim3A_146 = arith.constant 0.000000e+00 : f32
      %broadcast_in_dim3A_147 = vector.broadcast %broadcast_in_dim3A_146 : f32 to vector<16xf32>
      %swap3A_148 = arith.constant 0 : i32
      %swap3A_149 = arith.index_cast %swap3A_148 : i32 to index
      %swap3A_150 = arith.index_cast %scan3A_111 : i32 to index
      %swap3A_151 = arith.constant 80 : index
      %swap3A_152 = tpu.vector_load %arg8[%swap3A_149, %swap3A_150, %swap3A_151] {strides = array<i32>} : memref<2x128x128xf32, #tpu.memory_space<vmem>>, vector<16xf32>,
      tpu.vector_store %arg8[%swap3A_149, %swap3A_150, %swap3A_151], %broadcast_in_dim3A_147 {strides = array<i32>} : memref<2x128x128xf32, #tpu.memory_space<vmem>>, vector<16xf32>,
      %broadcast_in_dim3A_153 = arith.constant 0.000000e+00 : f32
      %broadcast_in_dim3A_154 = vector.broadcast %broadcast_in_dim3A_153 : f32 to vector<16xf32>
      %swap3A_155 = arith.constant 0 : i32
      %swap3A_156 = arith.index_cast %swap3A_155 : i32 to index
      %swap3A_157 = arith.index_cast %scan3A_111 : i32 to index
      %swap3A_158 = arith.constant 96 : index
      %swap3A_159 = tpu.vector_load %arg8[%swap3A_156, %swap3A_157, %swap3A_158] {strides = array<i32>} : memref<2x128x128xf32, #tpu.memory_space<vmem>>, vector<16xf32>,
      tpu.vector_store %arg8[%swap3A_156, %swap3A_157, %swap3A_158], %broadcast_in_dim3A_154 {strides = array<i32>} : memref<2x128x128xf32, #tpu.memory_space<vmem>>, vector<16xf32>,
      %broadcast_in_dim3A_160 = arith.constant 0.000000e+00 : f32
      %broadcast_in_dim3A_161 = vector.broadcast %broadcast_in_dim3A_160 : f32 to vector<16xf32>
      %swap3A_162 = arith.constant 0 : i32
      %swap3A_163 = arith.index_cast %swap3A_162 : i32 to index
      %swap3A_164 = arith.index_cast %scan3A_111 : i32 to index
      %swap3A_165 = arith.constant 112 : index
      %swap3A_166 = tpu.vector_load %arg8[%swap3A_163, %swap3A_164, %swap3A_165] {strides = array<i32>} : memref<2x128x128xf32, #tpu.memory_space<vmem>>, vector<16xf32>,
      tpu.vector_store %arg8[%swap3A_163, %swap3A_164, %swap3A_165], %broadcast_in_dim3A_161 {strides = array<i32>} : memref<2x128x128xf32, #tpu.memory_space<vmem>>, vector<16xf32>,
    }
    %scan3A_15 = arith.constant 128 : i32
    %add3A_16 = arith.constant 0 : i32
    %add3A_17 = arith.addi %mul3A_0, %add3A_16 : i32
    %run_scoped3A = arith.constant 0 : i32
    "tpu.region"() ({
      %run_scoped3A_111 = tpu.sem_alloc : memref<!tpu.dma_semaphore, #tpu.memory_space<semaphore_mem>>
      %dma_start3A_112 = arith.constant 0 : i32
      %dma_start3A_113 = arith.constant 0 : i32
      %dma_start3A_114 = tpu.memref_slice %arg8[%run_scoped3A, %dma_start3A_112, %dma_start3A_113] : memref<2x128x128xf32, #tpu.memory_space<vmem>> -> memref<1x128x128xf32, #tpu.memory_space<vmem>>
      %dma_start3A_115 = tpu.memref_squeeze %dma_start3A_114 : memref<1x128x128xf32, #tpu.memory_space<vmem>> -> memref<128x128xf32, #tpu.memory_space<vmem>>
      %dma_start3A_116 = arith.constant 0 : i32
      %dma_start3A_117 = tpu.memref_slice %arg13[%add3A_17, %dma_start3A_116] : memref<10112x128xf32, #tpu.memory_space<vmem_shared>> -> memref<128x128xf32, #tpu.memory_space<vmem_shared>>
      %dma_start3A_118 = arith.constant 0 : i32
      %dma_start3A_119 = tpu.memref_slice %arg13[%add3A_17, %dma_start3A_118] : memref<10112x128xf32, #tpu.memory_space<vmem_shared>> -> memref<128x128xf32, #tpu.memory_space<vmem_shared>>
      %dma_start3A_120 = arith.constant 0 : i32
      %dma_start3A_121 = arith.constant 0 : i32
      %dma_start3A_122 = tpu.memref_slice %arg8[%run_scoped3A, %dma_start3A_120, %dma_start3A_121] : memref<2x128x128xf32, #tpu.memory_space<vmem>> -> memref<1x128x128xf32, #tpu.memory_space<vmem>>
      %dma_start3A_123 = tpu.memref_squeeze %dma_start3A_122 : memref<1x128x128xf32, #tpu.memory_space<vmem>> -> memref<128x128xf32, #tpu.memory_space<vmem>>
      tpu.enqueue_dma source(%dma_start3A_123 : memref<128x128xf32, #tpu.memory_space<vmem>>) target(%dma_start3A_119 : memref<128x128xf32, #tpu.memory_space<vmem_shared>>) target_semaphore(%run_scoped3A_111 : memref<!tpu.dma_semaphore, #tpu.memory_space<semaphore_mem>>)
      %dma_wait3A_124 = arith.constant 0 : i32
      %dma_wait3A_125 = arith.constant 0 : i32
      %dma_wait3A_126 = tpu.memref_slice %arg8[%run_scoped3A, %dma_wait3A_124, %dma_wait3A_125] : memref<2x128x128xf32, #tpu.memory_space<vmem>> -> memref<1x128x128xf32, #tpu.memory_space<vmem>>
      %dma_wait3A_127 = tpu.memref_squeeze %dma_wait3A_126 : memref<1x128x128xf32, #tpu.memory_space<vmem>> -> memref<128x128xf32, #tpu.memory_space<vmem>>
      %dma_wait3A_128 = arith.constant 0 : i32
      %dma_wait3A_129 = tpu.memref_slice %arg13[%add3A_17, %dma_wait3A_128] : memref<10112x128xf32, #tpu.memory_space<vmem_shared>> -> memref<128x128xf32, #tpu.memory_space<vmem_shared>>
      %dma_wait3A_130 = arith.constant 0 : i32
      %dma_wait3A_131 = tpu.memref_slice %arg13[%add3A_17, %dma_wait3A_130] : memref<10112x128xf32, #tpu.memory_space<vmem_shared>> -> memref<128x128xf32, #tpu.memory_space<vmem_shared>>
      %dma_wait3A_132 = arith.constant 0 : i32
      %dma_wait3A_133 = arith.constant 0 : i32
      %dma_wait3A_134 = tpu.memref_slice %arg8[%run_scoped3A, %dma_wait3A_132, %dma_wait3A_133] : memref<2x128x128xf32, #tpu.memory_space<vmem>> -> memref<1x128x128xf32, #tpu.memory_space<vmem>>
      %dma_wait3A_135 = tpu.memref_squeeze %dma_wait3A_134 : memref<1x128x128xf32, #tpu.memory_space<vmem>> -> memref<128x128xf32, #tpu.memory_space<vmem>>
      tpu.wait_dma2 semaphore(%run_scoped3A_111 : memref<!tpu.dma_semaphore, #tpu.memory_space<semaphore_mem>>) src(%dma_wait3A_135 : memref<128x128xf32, #tpu.memory_space<vmem>>) dst(%dma_wait3A_131 : memref<128x128xf32, #tpu.memory_space<vmem_shared>>)
      tpu.yield
    }) : () -> ()
    %add3A_18 = arith.constant 128 : i32
    %add3A_19 = arith.addi %mul3A_0, %add3A_18 : i32
    %run_scoped3A_20 = arith.constant 0 : i32
    "tpu.region"() ({
      %run_scoped3A_111 = tpu.sem_alloc : memref<!tpu.dma_semaphore, #tpu.memory_space<semaphore_mem>>
      %dma_start3A_112 = arith.constant 0 : i32
      %dma_start3A_113 = arith.constant 0 : i32
      %dma_start3A_114 = tpu.memref_slice %arg8[%run_scoped3A_20, %dma_start3A_112, %dma_start3A_113] : memref<2x128x128xf32, #tpu.memory_space<vmem>> -> memref<1x128x128xf32, #tpu.memory_space<vmem>>
      %dma_start3A_115 = tpu.memref_squeeze %dma_start3A_114 : memref<1x128x128xf32, #tpu.memory_space<vmem>> -> memref<128x128xf32, #tpu.memory_space<vmem>>
      %dma_start3A_116 = arith.constant 0 : i32
      %dma_start3A_117 = tpu.memref_slice %arg13[%add3A_19, %dma_start3A_116] : memref<10112x128xf32, #tpu.memory_space<vmem_shared>> -> memref<128x128xf32, #tpu.memory_space<vmem_shared>>
      %dma_start3A_118 = arith.constant 0 : i32
      %dma_start3A_119 = tpu.memref_slice %arg13[%add3A_19, %dma_start3A_118] : memref<10112x128xf32, #tpu.memory_space<vmem_shared>> -> memref<128x128xf32, #tpu.memory_space<vmem_shared>>
      %dma_start3A_120 = arith.constant 0 : i32
      %dma_start3A_121 = arith.constant 0 : i32
      %dma_start3A_122 = tpu.memref_slice %arg8[%run_scoped3A_20, %dma_start3A_120, %dma_start3A_121] : memref<2x128x128xf32, #tpu.memory_space<vmem>> -> memref<1x128x128xf32, #tpu.memory_space<vmem>>
      %dma_start3A_123 = tpu.memref_squeeze %dma_start3A_122 : memref<1x128x128xf32, #tpu.memory_space<vmem>> -> memref<128x128xf32, #tpu.memory_space<vmem>>
      tpu.enqueue_dma source(%dma_start3A_123 : memref<128x128xf32, #tpu.memory_space<vmem>>) target(%dma_start3A_119 : memref<128x128xf32, #tpu.memory_space<vmem_shared>>) target_semaphore(%run_scoped3A_111 : memref<!tpu.dma_semaphore, #tpu.memory_space<semaphore_mem>>)
      %dma_wait3A_124 = arith.constant 0 : i32
      %dma_wait3A_125 = arith.constant 0 : i32
      %dma_wait3A_126 = tpu.memref_slice %arg8[%run_scoped3A_20, %dma_wait3A_124, %dma_wait3A_125] : memref<2x128x128xf32, #tpu.memory_space<vmem>> -> memref<1x128x128xf32, #tpu.memory_space<vmem>>
      %dma_wait3A_127 = tpu.memref_squeeze %dma_wait3A_126 : memref<1x128x128xf32, #tpu.memory_space<vmem>> -> memref<128x128xf32, #tpu.memory_space<vmem>>
      %dma_wait3A_128 = arith.constant 0 : i32
      %dma_wait3A_129 = tpu.memref_slice %arg13[%add3A_19, %dma_wait3A_128] : memref<10112x128xf32, #tpu.memory_space<vmem_shared>> -> memref<128x128xf32, #tpu.memory_space<vmem_shared>>
      %dma_wait3A_130 = arith.constant 0 : i32
      %dma_wait3A_131 = tpu.memref_slice %arg13[%add3A_19, %dma_wait3A_130] : memref<10112x128xf32, #tpu.memory_space<vmem_shared>> -> memref<128x128xf32, #tpu.memory_space<vmem_shared>>
      %dma_wait3A_132 = arith.constant 0 : i32
      %dma_wait3A_133 = arith.constant 0 : i32
      %dma_wait3A_134 = tpu.memref_slice %arg8[%run_scoped3A_20, %dma_wait3A_132, %dma_wait3A_133] : memref<2x128x128xf32, #tpu.memory_space<vmem>> -> memref<1x128x128xf32, #tpu.memory_space<vmem>>
      %dma_wait3A_135 = tpu.memref_squeeze %dma_wait3A_134 : memref<1x128x128xf32, #tpu.memory_space<vmem>> -> memref<128x128xf32, #tpu.memory_space<vmem>>
      tpu.wait_dma2 semaphore(%run_scoped3A_111 : memref<!tpu.dma_semaphore, #tpu.memory_space<semaphore_mem>>) src(%dma_wait3A_135 : memref<128x128xf32, #tpu.memory_space<vmem>>) dst(%dma_wait3A_131 : memref<128x128xf32, #tpu.memory_space<vmem_shared>>)
      tpu.yield
    }) : () -> ()
    %add3A_21 = arith.constant 256 : i32
    %add3A_22 = arith.addi %mul3A_0, %add3A_21 : i32
    %run_scoped3A_23 = arith.constant 0 : i32
    "tpu.region"() ({
      %run_scoped3A_111 = tpu.sem_alloc : memref<!tpu.dma_semaphore, #tpu.memory_space<semaphore_mem>>
      %dma_start3A_112 = arith.constant 0 : i32
      %dma_start3A_113 = arith.constant 0 : i32
      %dma_start3A_114 = tpu.memref_slice %arg8[%run_scoped3A_23, %dma_start3A_112, %dma_start3A_113] : memref<2x128x128xf32, #tpu.memory_space<vmem>> -> memref<1x128x128xf32, #tpu.memory_space<vmem>>
      %dma_start3A_115 = tpu.memref_squeeze %dma_start3A_114 : memref<1x128x128xf32, #tpu.memory_space<vmem>> -> memref<128x128xf32, #tpu.memory_space<vmem>>
      %dma_start3A_116 = arith.constant 0 : i32
      %dma_start3A_117 = tpu.memref_slice %arg13[%add3A_22, %dma_start3A_116] : memref<10112x128xf32, #tpu.memory_space<vmem_shared>> -> memref<128x128xf32, #tpu.memory_space<vmem_shared>>
      %dma_start3A_118 = arith.constant 0 : i32
      %dma_start3A_119 = tpu.memref_slice %arg13[%add3A_22, %dma_start3A_118] : memref<10112x128xf32, #tpu.memory_space<vmem_shared>> -> memref<128x128xf32, #tpu.memory_space<vmem_shared>>
      %dma_start3A_120 = arith.constant 0 : i32
      %dma_start3A_121 = arith.constant 0 : i32
      %dma_start3A_122 = tpu.memref_slice %arg8[%run_scoped3A_23, %dma_start3A_120, %dma_start3A_121] : memref<2x128x128xf32, #tpu.memory_space<vmem>> -> memref<1x128x128xf32, #tpu.memory_space<vmem>>
      %dma_start3A_123 = tpu.memref_squeeze %dma_start3A_122 : memref<1x128x128xf32, #tpu.memory_space<vmem>> -> memref<128x128xf32, #tpu.memory_space<vmem>>
      tpu.enqueue_dma source(%dma_start3A_123 : memref<128x128xf32, #tpu.memory_space<vmem>>) target(%dma_start3A_119 : memref<128x128xf32, #tpu.memory_space<vmem_shared>>) target_semaphore(%run_scoped3A_111 : memref<!tpu.dma_semaphore, #tpu.memory_space<semaphore_mem>>)
      %dma_wait3A_124 = arith.constant 0 : i32
      %dma_wait3A_125 = arith.constant 0 : i32
      %dma_wait3A_126 = tpu.memref_slice %arg8[%run_scoped3A_23, %dma_wait3A_124, %dma_wait3A_125] : memref<2x128x128xf32, #tpu.memory_space<vmem>> -> memref<1x128x128xf32, #tpu.memory_space<vmem>>
      %dma_wait3A_127 = tpu.memref_squeeze %dma_wait3A_126 : memref<1x128x128xf32, #tpu.memory_space<vmem>> -> memref<128x128xf32, #tpu.memory_space<vmem>>
      %dma_wait3A_128 = arith.constant 0 : i32
      %dma_wait3A_129 = tpu.memref_slice %arg13[%add3A_22, %dma_wait3A_128] : memref<10112x128xf32, #tpu.memory_space<vmem_shared>> -> memref<128x128xf32, #tpu.memory_space<vmem_shared>>
      %dma_wait3A_130 = arith.constant 0 : i32
      %dma_wait3A_131 = tpu.memref_slice %arg13[%add3A_22, %dma_wait3A_130] : memref<10112x128xf32, #tpu.memory_space<vmem_shared>> -> memref<128x128xf32, #tpu.memory_space<vmem_shared>>
      %dma_wait3A_132 = arith.constant 0 : i32
      %dma_wait3A_133 = arith.constant 0 : i32
      %dma_wait3A_134 = tpu.memref_slice %arg8[%run_scoped3A_23, %dma_wait3A_132, %dma_wait3A_133] : memref<2x128x128xf32, #tpu.memory_space<vmem>> -> memref<1x128x128xf32, #tpu.memory_space<vmem>>
      %dma_wait3A_135 = tpu.memref_squeeze %dma_wait3A_134 : memref<1x128x128xf32, #tpu.memory_space<vmem>> -> memref<128x128xf32, #tpu.memory_space<vmem>>
      tpu.wait_dma2 semaphore(%run_scoped3A_111 : memref<!tpu.dma_semaphore, #tpu.memory_space<semaphore_mem>>) src(%dma_wait3A_135 : memref<128x128xf32, #tpu.memory_space<vmem>>) dst(%dma_wait3A_131 : memref<128x128xf32, #tpu.memory_space<vmem_shared>>)
      tpu.yield
    }) : () -> ()
    %add3A_24 = arith.constant 384 : i32
    %add3A_25 = arith.addi %mul3A_0, %add3A_24 : i32
    %run_scoped3A_26 = arith.constant 0 : i32
    "tpu.region"() ({
      %run_scoped3A_111 = tpu.sem_alloc : memref<!tpu.dma_semaphore, #tpu.memory_space<semaphore_mem>>
      %dma_start3A_112 = arith.constant 0 : i32
      %dma_start3A_113 = arith.constant 0 : i32
      %dma_start3A_114 = tpu.memref_slice %arg8[%run_scoped3A_26, %dma_start3A_112, %dma_start3A_113] : memref<2x128x128xf32, #tpu.memory_space<vmem>> -> memref<1x128x128xf32, #tpu.memory_space<vmem>>
      %dma_start3A_115 = tpu.memref_squeeze %dma_start3A_114 : memref<1x128x128xf32, #tpu.memory_space<vmem>> -> memref<128x128xf32, #tpu.memory_space<vmem>>
      %dma_start3A_116 = arith.constant 0 : i32
      %dma_start3A_117 = tpu.memref_slice %arg13[%add3A_25, %dma_start3A_116] : memref<10112x128xf32, #tpu.memory_space<vmem_shared>> -> memref<128x128xf32, #tpu.memory_space<vmem_shared>>
      %dma_start3A_118 = arith.constant 0 : i32
      %dma_start3A_119 = tpu.memref_slice %arg13[%add3A_25, %dma_start3A_118] : memref<10112x128xf32, #tpu.memory_space<vmem_shared>> -> memref<128x128xf32, #tpu.memory_space<vmem_shared>>
      %dma_start3A_120 = arith.constant 0 : i32
      %dma_start3A_121 = arith.constant 0 : i32
      %dma_start3A_122 = tpu.memref_slice %arg8[%run_scoped3A_26, %dma_start3A_120, %dma_start3A_121] : memref<2x128x128xf32, #tpu.memory_space<vmem>> -> memref<1x128x128xf32, #tpu.memory_space<vmem>>
      %dma_start3A_123 = tpu.memref_squeeze %dma_start3A_122 : memref<1x128x128xf32, #tpu.memory_space<vmem>> -> memref<128x128xf32, #tpu.memory_space<vmem>>
      tpu.enqueue_dma source(%dma_start3A_123 : memref<128x128xf32, #tpu.memory_space<vmem>>) target(%dma_start3A_119 : memref<128x128xf32, #tpu.memory_space<vmem_shared>>) target_semaphore(%run_scoped3A_111 : memref<!tpu.dma_semaphore, #tpu.memory_space<semaphore_mem>>)
      %dma_wait3A_124 = arith.constant 0 : i32
      %dma_wait3A_125 = arith.constant 0 : i32
      %dma_wait3A_126 = tpu.memref_slice %arg8[%run_scoped3A_26, %dma_wait3A_124, %dma_wait3A_125] : memref<2x128x128xf32, #tpu.memory_space<vmem>> -> memref<1x128x128xf32, #tpu.memory_space<vmem>>
      %dma_wait3A_127 = tpu.memref_squeeze %dma_wait3A_126 : memref<1x128x128xf32, #tpu.memory_space<vmem>> -> memref<128x128xf32, #tpu.memory_space<vmem>>
      %dma_wait3A_128 = arith.constant 0 : i32
      %dma_wait3A_129 = tpu.memref_slice %arg13[%add3A_25, %dma_wait3A_128] : memref<10112x128xf32, #tpu.memory_space<vmem_shared>> -> memref<128x128xf32, #tpu.memory_space<vmem_shared>>
      %dma_wait3A_130 = arith.constant 0 : i32
      %dma_wait3A_131 = tpu.memref_slice %arg13[%add3A_25, %dma_wait3A_130] : memref<10112x128xf32, #tpu.memory_space<vmem_shared>> -> memref<128x128xf32, #tpu.memory_space<vmem_shared>>
      %dma_wait3A_132 = arith.constant 0 : i32
      %dma_wait3A_133 = arith.constant 0 : i32
      %dma_wait3A_134 = tpu.memref_slice %arg8[%run_scoped3A_26, %dma_wait3A_132, %dma_wait3A_133] : memref<2x128x128xf32, #tpu.memory_space<vmem>> -> memref<1x128x128xf32, #tpu.memory_space<vmem>>
      %dma_wait3A_135 = tpu.memref_squeeze %dma_wait3A_134 : memref<1x128x128xf32, #tpu.memory_space<vmem>> -> memref<128x128xf32, #tpu.memory_space<vmem>>
      tpu.wait_dma2 semaphore(%run_scoped3A_111 : memref<!tpu.dma_semaphore, #tpu.memory_space<semaphore_mem>>) src(%dma_wait3A_135 : memref<128x128xf32, #tpu.memory_space<vmem>>) dst(%dma_wait3A_131 : memref<128x128xf32, #tpu.memory_space<vmem_shared>>)
      tpu.yield
    }) : () -> ()
    %add3A_27 = arith.constant 512 : i32
    %add3A_28 = arith.addi %mul3A_0, %add3A_27 : i32
    %run_scoped3A_29 = arith.constant 0 : i32
    "tpu.region"() ({
      %run_scoped3A_111 = tpu.sem_alloc : memref<!tpu.dma_semaphore, #tpu.memory_space<semaphore_mem>>
      %dma_start3A_112 = arith.constant 0 : i32
      %dma_start3A_113 = arith.constant 0 : i32
      %dma_start3A_114 = tpu.memref_slice %arg8[%run_scoped3A_29, %dma_start3A_112, %dma_start3A_113] : memref<2x128x128xf32, #tpu.memory_space<vmem>> -> memref<1x120x128xf32, #tpu.memory_space<vmem>>
      %dma_start3A_115 = tpu.memref_squeeze %dma_start3A_114 : memref<1x120x128xf32, #tpu.memory_space<vmem>> -> memref<120x128xf32, #tpu.memory_space<vmem>>
      %dma_start3A_116 = arith.constant 0 : i32
      %dma_start3A_117 = tpu.memref_slice %arg13[%add3A_28, %dma_start3A_116] : memref<10112x128xf32, #tpu.memory_space<vmem_shared>> -> memref<120x128xf32, #tpu.memory_space<vmem_shared>>
      %dma_start3A_118 = arith.constant 0 : i32
      %dma_start3A_119 = tpu.memref_slice %arg13[%add3A_28, %dma_start3A_118] : memref<10112x128xf32, #tpu.memory_space<vmem_shared>> -> memref<120x128xf32, #tpu.memory_space<vmem_shared>>
      %dma_start3A_120 = arith.constant 0 : i32
      %dma_start3A_121 = arith.constant 0 : i32
      %dma_start3A_122 = tpu.memref_slice %arg8[%run_scoped3A_29, %dma_start3A_120, %dma_start3A_121] : memref<2x128x128xf32, #tpu.memory_space<vmem>> -> memref<1x120x128xf32, #tpu.memory_space<vmem>>
      %dma_start3A_123 = tpu.memref_squeeze %dma_start3A_122 : memref<1x120x128xf32, #tpu.memory_space<vmem>> -> memref<120x128xf32, #tpu.memory_space<vmem>>
      tpu.enqueue_dma source(%dma_start3A_123 : memref<120x128xf32, #tpu.memory_space<vmem>>) target(%dma_start3A_119 : memref<120x128xf32, #tpu.memory_space<vmem_shared>>) target_semaphore(%run_scoped3A_111 : memref<!tpu.dma_semaphore, #tpu.memory_space<semaphore_mem>>)
      %dma_wait3A_124 = arith.constant 0 : i32
      %dma_wait3A_125 = arith.constant 0 : i32
      %dma_wait3A_126 = tpu.memref_slice %arg8[%run_scoped3A_29, %dma_wait3A_124, %dma_wait3A_125] : memref<2x128x128xf32, #tpu.memory_space<vmem>> -> memref<1x120x128xf32, #tpu.memory_space<vmem>>
      %dma_wait3A_127 = tpu.memref_squeeze %dma_wait3A_126 : memref<1x120x128xf32, #tpu.memory_space<vmem>> -> memref<120x128xf32, #tpu.memory_space<vmem>>
      %dma_wait3A_128 = arith.constant 0 : i32
      %dma_wait3A_129 = tpu.memref_slice %arg13[%add3A_28, %dma_wait3A_128] : memref<10112x128xf32, #tpu.memory_space<vmem_shared>> -> memref<120x128xf32, #tpu.memory_space<vmem_shared>>
      %dma_wait3A_130 = arith.constant 0 : i32
      %dma_wait3A_131 = tpu.memref_slice %arg13[%add3A_28, %dma_wait3A_130] : memref<10112x128xf32, #tpu.memory_space<vmem_shared>> -> memref<120x128xf32, #tpu.memory_space<vmem_shared>>
      %dma_wait3A_132 = arith.constant 0 : i32
      %dma_wait3A_133 = arith.constant 0 : i32
      %dma_wait3A_134 = tpu.memref_slice %arg8[%run_scoped3A_29, %dma_wait3A_132, %dma_wait3A_133] : memref<2x128x128xf32, #tpu.memory_space<vmem>> -> memref<1x120x128xf32, #tpu.memory_space<vmem>>
      %dma_wait3A_135 = tpu.memref_squeeze %dma_wait3A_134 : memref<1x120x128xf32, #tpu.memory_space<vmem>> -> memref<120x128xf32, #tpu.memory_space<vmem>>
      tpu.wait_dma2 semaphore(%run_scoped3A_111 : memref<!tpu.dma_semaphore, #tpu.memory_space<semaphore_mem>>) src(%dma_wait3A_135 : memref<120x128xf32, #tpu.memory_space<vmem>>) dst(%dma_wait3A_131 : memref<120x128xf32, #tpu.memory_space<vmem_shared>>)
      tpu.yield
    }) : () -> ()
    %barrier3A = arith.constant 0 : index
    tpu.barrier barrier_id(%barrier3A)
    %mul3A_30 = arith.constant 128 : i32
    %mul3A_31 = arith.muli %add3A, %mul3A_30 : i32
    %run_scoped3A_32 = arith.constant 0 : i32
    %run_scoped3A_33 = arith.constant 0 : i32
    %run_scoped3A_34 = arith.constant 0 : i32
    "tpu.region"() ({
      %run_scoped3A_111 = tpu.sem_alloc : memref<!tpu.dma_semaphore, #tpu.memory_space<semaphore_mem>>
      %dma_start3A_112 = arith.constant 0 : i32
      %dma_start3A_113 = tpu.memref_slice %arg9[%run_scoped3A_33, %run_scoped3A_34, %dma_start3A_112] : memref<2x2x128xi32, #tpu.memory_space<vmem>> -> memref<1x1x128xi32, #tpu.memory_space<vmem>>
      %dma_start3A_114 = tpu.memref_squeeze %dma_start3A_113 : memref<1x1x128xi32, #tpu.memory_space<vmem>> -> memref<128xi32, #tpu.memory_space<vmem>>
      %dma_start3A_115 = tpu.memref_slice %arg5[%arg0, %run_scoped3A_32, %mul3A_31] : memref<2x2x320000xi32, #tpu.memory_space<hbm>> -> memref<1x1x128xi32, #tpu.memory_space<hbm>>
      %dma_start3A_116 = tpu.memref_squeeze %dma_start3A_115 : memref<1x1x128xi32, #tpu.memory_space<hbm>> -> memref<128xi32, #tpu.memory_space<hbm>>
      %dma_start3A_117 = arith.constant 0 : i32
      %dma_start3A_118 = tpu.memref_slice %arg9[%run_scoped3A_33, %run_scoped3A_34, %dma_start3A_117] : memref<2x2x128xi32, #tpu.memory_space<vmem>> -> memref<1x1x128xi32, #tpu.memory_space<vmem>>
      %dma_start3A_119 = tpu.memref_squeeze %dma_start3A_118 : memref<1x1x128xi32, #tpu.memory_space<vmem>> -> memref<128xi32, #tpu.memory_space<vmem>>
      %dma_start3A_120 = tpu.memref_slice %arg5[%arg0, %run_scoped3A_32, %mul3A_31] : memref<2x2x320000xi32, #tpu.memory_space<hbm>> -> memref<1x1x128xi32, #tpu.memory_space<hbm>>
      %dma_start3A_121 = tpu.memref_squeeze %dma_start3A_120 : memref<1x1x128xi32, #tpu.memory_space<hbm>> -> memref<128xi32, #tpu.memory_space<hbm>>
      tpu.enqueue_dma source(%dma_start3A_121 : memref<128xi32, #tpu.memory_space<hbm>>) target(%dma_start3A_119 : memref<128xi32, #tpu.memory_space<vmem>>) target_semaphore(%run_scoped3A_111 : memref<!tpu.dma_semaphore, #tpu.memory_space<semaphore_mem>>)
      %dma_wait3A_122 = arith.constant 0 : i32
      %dma_wait3A_123 = tpu.memref_slice %arg9[%run_scoped3A_33, %run_scoped3A_34, %dma_wait3A_122] : memref<2x2x128xi32, #tpu.memory_space<vmem>> -> memref<1x1x128xi32, #tpu.memory_space<vmem>>
      %dma_wait3A_124 = tpu.memref_squeeze %dma_wait3A_123 : memref<1x1x128xi32, #tpu.memory_space<vmem>> -> memref<128xi32, #tpu.memory_space<vmem>>
      %dma_wait3A_125 = tpu.memref_slice %arg5[%arg0, %run_scoped3A_32, %mul3A_31] : memref<2x2x320000xi32, #tpu.memory_space<hbm>> -> memref<1x1x128xi32, #tpu.memory_space<hbm>>
      %dma_wait3A_126 = tpu.memref_squeeze %dma_wait3A_125 : memref<1x1x128xi32, #tpu.memory_space<hbm>> -> memref<128xi32, #tpu.memory_space<hbm>>
      %dma_wait3A_127 = arith.constant 0 : i32
      %dma_wait3A_128 = tpu.memref_slice %arg9[%run_scoped3A_33, %run_scoped3A_34, %dma_wait3A_127] : memref<2x2x128xi32, #tpu.memory_space<vmem>> -> memref<1x1x128xi32, #tpu.memory_space<vmem>>
      %dma_wait3A_129 = tpu.memref_squeeze %dma_wait3A_128 : memref<1x1x128xi32, #tpu.memory_space<vmem>> -> memref<128xi32, #tpu.memory_space<vmem>>
      %dma_wait3A_130 = tpu.memref_slice %arg5[%arg0, %run_scoped3A_32, %mul3A_31] : memref<2x2x320000xi32, #tpu.memory_space<hbm>> -> memref<1x1x128xi32, #tpu.memory_space<hbm>>
      %dma_wait3A_131 = tpu.memref_squeeze %dma_wait3A_130 : memref<1x1x128xi32, #tpu.memory_space<hbm>> -> memref<128xi32, #tpu.memory_space<hbm>>
      tpu.wait_dma2 semaphore(%run_scoped3A_111 : memref<!tpu.dma_semaphore, #tpu.memory_space<semaphore_mem>>) src(%dma_wait3A_131 : memref<128xi32, #tpu.memory_space<hbm>>) dst(%dma_wait3A_129 : memref<128xi32, #tpu.memory_space<vmem>>)
      tpu.yield
    }) : () -> ()
    %mul3A_35 = arith.constant 128 : i32
    %mul3A_36 = arith.muli %add3A, %mul3A_35 : i32
    %run_scoped3A_37 = arith.constant 1 : i32
    %run_scoped3A_38 = arith.constant 0 : i32
    %run_scoped3A_39 = arith.constant 1 : i32
    "tpu.region"() ({
      %run_scoped3A_111 = tpu.sem_alloc : memref<!tpu.dma_semaphore, #tpu.memory_space<semaphore_mem>>
      %dma_start3A_112 = arith.constant 0 : i32
      %dma_start3A_113 = tpu.memref_slice %arg9[%run_scoped3A_38, %run_scoped3A_39, %dma_start3A_112] : memref<2x2x128xi32, #tpu.memory_space<vmem>> -> memref<1x1x128xi32, #tpu.memory_space<vmem>>
      %dma_start3A_114 = tpu.memref_squeeze %dma_start3A_113 : memref<1x1x128xi32, #tpu.memory_space<vmem>> -> memref<128xi32, #tpu.memory_space<vmem>>
      %dma_start3A_115 = tpu.memref_slice %arg5[%arg0, %run_scoped3A_37, %mul3A_36] : memref<2x2x320000xi32, #tpu.memory_space<hbm>> -> memref<1x1x128xi32, #tpu.memory_space<hbm>>
      %dma_start3A_116 = tpu.memref_squeeze %dma_start3A_115 : memref<1x1x128xi32, #tpu.memory_space<hbm>> -> memref<128xi32, #tpu.memory_space<hbm>>
      %dma_start3A_117 = arith.constant 0 : i32
      %dma_start3A_118 = tpu.memref_slice %arg9[%run_scoped3A_38, %run_scoped3A_39, %dma_start3A_117] : memref<2x2x128xi32, #tpu.memory_space<vmem>> -> memref<1x1x128xi32, #tpu.memory_space<vmem>>
      %dma_start3A_119 = tpu.memref_squeeze %dma_start3A_118 : memref<1x1x128xi32, #tpu.memory_space<vmem>> -> memref<128xi32, #tpu.memory_space<vmem>>
      %dma_start3A_120 = tpu.memref_slice %arg5[%arg0, %run_scoped3A_37, %mul3A_36] : memref<2x2x320000xi32, #tpu.memory_space<hbm>> -> memref<1x1x128xi32, #tpu.memory_space<hbm>>
      %dma_start3A_121 = tpu.memref_squeeze %dma_start3A_120 : memref<1x1x128xi32, #tpu.memory_space<hbm>> -> memref<128xi32, #tpu.memory_space<hbm>>
      tpu.enqueue_dma source(%dma_start3A_121 : memref<128xi32, #tpu.memory_space<hbm>>) target(%dma_start3A_119 : memref<128xi32, #tpu.memory_space<vmem>>) target_semaphore(%run_scoped3A_111 : memref<!tpu.dma_semaphore, #tpu.memory_space<semaphore_mem>>)
      %dma_wait3A_122 = arith.constant 0 : i32
      %dma_wait3A_123 = tpu.memref_slice %arg9[%run_scoped3A_38, %run_scoped3A_39, %dma_wait3A_122] : memref<2x2x128xi32, #tpu.memory_space<vmem>> -> memref<1x1x128xi32, #tpu.memory_space<vmem>>
      %dma_wait3A_124 = tpu.memref_squeeze %dma_wait3A_123 : memref<1x1x128xi32, #tpu.memory_space<vmem>> -> memref<128xi32, #tpu.memory_space<vmem>>
      %dma_wait3A_125 = tpu.memref_slice %arg5[%arg0, %run_scoped3A_37, %mul3A_36] : memref<2x2x320000xi32, #tpu.memory_space<hbm>> -> memref<1x1x128xi32, #tpu.memory_space<hbm>>
      %dma_wait3A_126 = tpu.memref_squeeze %dma_wait3A_125 : memref<1x1x128xi32, #tpu.memory_space<hbm>> -> memref<128xi32, #tpu.memory_space<hbm>>
      %dma_wait3A_127 = arith.constant 0 : i32
      %dma_wait3A_128 = tpu.memref_slice %arg9[%run_scoped3A_38, %run_scoped3A_39, %dma_wait3A_127] : memref<2x2x128xi32, #tpu.memory_space<vmem>> -> memref<1x1x128xi32, #tpu.memory_space<vmem>>
      %dma_wait3A_129 = tpu.memref_squeeze %dma_wait3A_128 : memref<1x1x128xi32, #tpu.memory_space<vmem>> -> memref<128xi32, #tpu.memory_space<vmem>>
      %dma_wait3A_130 = tpu.memref_slice %arg5[%arg0, %run_scoped3A_37, %mul3A_36] : memref<2x2x320000xi32, #tpu.memory_space<hbm>> -> memref<1x1x128xi32, #tpu.memory_space<hbm>>
      %dma_wait3A_131 = tpu.memref_squeeze %dma_wait3A_130 : memref<1x1x128xi32, #tpu.memory_space<hbm>> -> memref<128xi32, #tpu.memory_space<hbm>>
      tpu.wait_dma2 semaphore(%run_scoped3A_111 : memref<!tpu.dma_semaphore, #tpu.memory_space<semaphore_mem>>) src(%dma_wait3A_131 : memref<128xi32, #tpu.memory_space<hbm>>) dst(%dma_wait3A_129 : memref<128xi32, #tpu.memory_space<vmem>>)
      tpu.yield
    }) : () -> ()
    %add3A_40 = arith.constant 1 : i32
    %add3A_41 = arith.addi %add3A, %add3A_40 : i32
    %mul3A_42 = arith.constant 128 : i32
    %mul3A_43 = arith.muli %add3A_41, %mul3A_42 : i32
    %dma_start3A = arith.constant 0 : i32
    %dma_start3A_44 = arith.constant 1 : i32
    %dma_start3A_45 = arith.constant 0 : i32
    %dma_start3A_46 = arith.constant 0 : i32
    %dma_start3A_47 = tpu.memref_slice %arg9[%dma_start3A_44, %dma_start3A_45, %dma_start3A_46] : memref<2x2x128xi32, #tpu.memory_space<vmem>> -> memref<1x1x128xi32, #tpu.memory_space<vmem>>
    %dma_start3A_48 = tpu.memref_squeeze %dma_start3A_47 : memref<1x1x128xi32, #tpu.memory_space<vmem>> -> memref<128xi32, #tpu.memory_space<vmem>>
    %dma_start3A_49 = tpu.memref_slice %arg5[%arg0, %dma_start3A, %mul3A_43] : memref<2x2x320000xi32, #tpu.memory_space<hbm>> -> memref<1x1x128xi32, #tpu.memory_space<hbm>>
    %dma_start3A_50 = tpu.memref_squeeze %dma_start3A_49 : memref<1x1x128xi32, #tpu.memory_space<hbm>> -> memref<128xi32, #tpu.memory_space<hbm>>
    %dma_start3A_51 = arith.constant 0 : i32
    %dma_start3A_52 = tpu.memref_slice %arg9[%dma_start3A_44, %dma_start3A_45, %dma_start3A_51] : memref<2x2x128xi32, #tpu.memory_space<vmem>> -> memref<1x1x128xi32, #tpu.memory_space<vmem>>
    %dma_start3A_53 = tpu.memref_squeeze %dma_start3A_52 : memref<1x1x128xi32, #tpu.memory_space<vmem>> -> memref<128xi32, #tpu.memory_space<vmem>>
    %dma_start3A_54 = tpu.memref_slice %arg5[%arg0, %dma_start3A, %mul3A_43] : memref<2x2x320000xi32, #tpu.memory_space<hbm>> -> memref<1x1x128xi32, #tpu.memory_space<hbm>>
    %dma_start3A_55 = tpu.memref_squeeze %dma_start3A_54 : memref<1x1x128xi32, #tpu.memory_space<hbm>> -> memref<128xi32, #tpu.memory_space<hbm>>
    tpu.enqueue_dma source(%dma_start3A_55 : memref<128xi32, #tpu.memory_space<hbm>>) target(%dma_start3A_53 : memref<128xi32, #tpu.memory_space<vmem>>) target_semaphore(%arg15 : memref<!tpu.dma_semaphore, #tpu.memory_space<semaphore_mem>>)
    %add3A_56 = arith.constant 1 : i32
    %add3A_57 = arith.addi %add3A, %add3A_56 : i32
    %mul3A_58 = arith.constant 128 : i32
    %mul3A_59 = arith.muli %add3A_57, %mul3A_58 : i32
    %dma_start3A_60 = arith.constant 1 : i32
    %dma_start3A_61 = arith.constant 1 : i32
    %dma_start3A_62 = arith.constant 1 : i32
    %dma_start3A_63 = arith.constant 0 : i32
    %dma_start3A_64 = tpu.memref_slice %arg9[%dma_start3A_61, %dma_start3A_62, %dma_start3A_63] : memref<2x2x128xi32, #tpu.memory_space<vmem>> -> memref<1x1x128xi32, #tpu.memory_space<vmem>>
    %dma_start3A_65 = tpu.memref_squeeze %dma_start3A_64 : memref<1x1x128xi32, #tpu.memory_space<vmem>> -> memref<128xi32, #tpu.memory_space<vmem>>
    %dma_start3A_66 = tpu.memref_slice %arg5[%arg0, %dma_start3A_60, %mul3A_59] : memref<2x2x320000xi32, #tpu.memory_space<hbm>> -> memref<1x1x128xi32, #tpu.memory_space<hbm>>
    %dma_start3A_67 = tpu.memref_squeeze %dma_start3A_66 : memref<1x1x128xi32, #tpu.memory_space<hbm>> -> memref<128xi32, #tpu.memory_space<hbm>>
    %dma_start3A_68 = arith.constant 0 : i32
    %dma_start3A_69 = tpu.memref_slice %arg9[%dma_start3A_61, %dma_start3A_62, %dma_start3A_68] : memref<2x2x128xi32, #tpu.memory_space<vmem>> -> memref<1x1x128xi32, #tpu.memory_space<vmem>>
    %dma_start3A_70 = tpu.memref_squeeze %dma_start3A_69 : memref<1x1x128xi32, #tpu.memory_space<vmem>> -> memref<128xi32, #tpu.memory_space<vmem>>
    %dma_start3A_71 = tpu.memref_slice %arg5[%arg0, %dma_start3A_60, %mul3A_59] : memref<2x2x320000xi32, #tpu.memory_space<hbm>> -> memref<1x1x128xi32, #tpu.memory_space<hbm>>
    %dma_start3A_72 = tpu.memref_squeeze %dma_start3A_71 : memref<1x1x128xi32, #tpu.memory_space<hbm>> -> memref<128xi32, #tpu.memory_space<hbm>>
    tpu.enqueue_dma source(%dma_start3A_72 : memref<128xi32, #tpu.memory_space<hbm>>) target(%dma_start3A_70 : memref<128xi32, #tpu.memory_space<vmem>>) target_semaphore(%arg15 : memref<!tpu.dma_semaphore, #tpu.memory_space<semaphore_mem>>)
    %dma_start3A_73 = arith.constant 0 : i32
    %dma_start3A_74 = arith.constant 0 : i32
    %dma_start3A_75 = arith.constant 0 : i32
    %dma_start3A_76 = arith.constant 0 : i32
    %dma_start3A_77 = arith.constant 0 : i32
    %dma_start3A_78 = tpu.memref_slice %arg8[%dma_start3A_75, %dma_start3A_76, %dma_start3A_77] : memref<2x128x128xf32, #tpu.memory_space<vmem>> -> memref<1x128x128xf32, #tpu.memory_space<vmem>>
    %dma_start3A_79 = tpu.memref_squeeze %dma_start3A_78 : memref<1x128x128xf32, #tpu.memory_space<vmem>> -> memref<128x128xf32, #tpu.memory_space<vmem>>
    %dma_start3A_80 = arith.constant 0 : i32
    %dma_start3A_81 = tpu.memref_slice %arg9[%dma_start3A_73, %dma_start3A_74, %dma_start3A_80] : memref<2x2x128xi32, #tpu.memory_space<vmem>> -> memref<1x1x128xi32, #tpu.memory_space<vmem>>
    %dma_start3A_82 = tpu.memref_squeeze %dma_start3A_81 : memref<1x1x128xi32, #tpu.memory_space<vmem>> -> memref<128xi32, #tpu.memory_space<vmem>>
    %dma_start3A_83 = arith.constant 0 : i32
    %dma_start3A_84 = arith.constant 0 : i32
    %dma_start3A_85 = tpu.memref_slice %arg2[%dma_start3A_83, %dma_start3A_84] : memref<20480x128xf32, #tpu.memory_space<hbm>> -> memref<20480x128xf32, #tpu.memory_space<hbm>>
    tpu.enqueue_indirect_dma source(%dma_start3A_85 : memref<20480x128xf32, #tpu.memory_space<hbm>>) target(%dma_start3A_79 : memref<128x128xf32, #tpu.memory_space<vmem>>) offsets(%dma_start3A_82 : memref<128xi32, #tpu.memory_space<vmem>>) semaphore(%arg16 : memref<!tpu.dma_semaphore, #tpu.memory_space<semaphore_mem>>)
    %while3A = arith.constant 0 : i32
    %while3A_86 = arith.constant 0 : i32
    %while3A_87 = arith.subi %select_n3A, %while3A_86 : i32
    %while3A_88 = arith.addi %while3A_86, %while3A_87 : i32
    %while3A_89 = arith.constant 1 : i32
    %while3A_90 = arith.divsi %while3A_87, %while3A_89 : i32
    %while3A_91 = arith.muli %while3A_90, %while3A_89 : i32
    %while3A_92 = arith.addi %while3A_86, %while3A_91 : i32
    %while3A_93 = arith.constant 1 : i32
    scf.for %while3A_111 = %while3A_86 to %while3A_92 step %while3A_93  : i32 {
      %and3A_112 = arith.constant 1 : i32
      %and3A_113 = arith.andi %while3A_111, %and3A_112 : i32
      %sub3A_114 = arith.constant 1 : i32
      %sub3A_115 = arith.subi %sub3A_114, %and3A_113 : i32
      %get3A = arith.constant 1 : i32
      %get3A_116 = arith.index_cast %and3A_113 : i32 to index
      %get3A_117 = arith.index_cast %get3A : i32 to index
      %get3A_118 = arith.constant 0 : index
      %get3A_119 = tpu.vector_load %arg9[%get3A_116, %get3A_117, %get3A_118] {strides = array<i32>} : memref<2x2x128xi32, #tpu.memory_space<vmem>>, vector<16xi32>,
      %get3A_120 = arith.constant 0 : i32
      %get3A_121 = arith.index_cast %and3A_113 : i32 to index
      %get3A_122 = arith.index_cast %get3A_120 : i32 to index
      %get3A_123 = arith.constant 0 : index
      %get3A_124 = tpu.vector_load %arg9[%get3A_121, %get3A_122, %get3A_123] {strides = array<i32>} : memref<2x2x128xi32, #tpu.memory_space<vmem>>, vector<16xi32>,
      %sub3A_125 = arith.subi %get3A_124, %broadcast_in_dim3A_10 : vector<16xi32>
      %shift_right_arithmetic3A = arith.constant 7 : i32
      %shift_right_arithmetic3A_126 = vector.broadcast %shift_right_arithmetic3A : i32 to vector<16xi32>
      %shift_right_arithmetic3A_127 = arith.shrsi %get3A_119, %shift_right_arithmetic3A_126 : vector<16xi32>
      %and3A_128 = arith.constant 127 : i32
      %and3A_129 = vector.broadcast %and3A_128 : i32 to vector<16xi32>
      %and3A_130 = arith.andi %get3A_119, %and3A_129 : vector<16xi32>
      %gather3A_131 = tpu.vector_load_idx %arg7[%shift_right_arithmetic3A_127, %and3A_130] : memref<80x128xi32, #tpu.memory_space<vmem>>[vector<16xi32>, vector<16xi32>], vector<16xi32>,
      %shift_right_arithmetic3A_132 = arith.constant 7 : i32
      %shift_right_arithmetic3A_133 = vector.broadcast %shift_right_arithmetic3A_132 : i32 to vector<16xi32>
      %shift_right_arithmetic3A_134 = arith.shrsi %sub3A_125, %shift_right_arithmetic3A_133 : vector<16xi32>
      %and3A_135 = arith.constant 127 : i32
      %and3A_136 = vector.broadcast %and3A_135 : i32 to vector<16xi32>
      %and3A_137 = arith.andi %sub3A_125, %and3A_136 : vector<16xi32>
      %gather3A_138 = tpu.vector_load_idx %arg7[%shift_right_arithmetic3A_134, %and3A_137] : memref<80x128xi32, #tpu.memory_space<vmem>>[vector<16xi32>, vector<16xi32>], vector<16xi32>,
      %and3A_139 = arith.constant -65536 : i32
      %and3A_140 = vector.broadcast %and3A_139 : i32 to vector<16xi32>
      %and3A_141 = arith.andi %gather3A_131, %and3A_140 : vector<16xi32>
      %bitcast3A = vector.bitcast %and3A_141 : vector<16xi32> to vector<16xf32>
      %shift_left3A = arith.constant 16 : i32
      %shift_left3A_142 = vector.broadcast %shift_left3A : i32 to vector<16xi32>
      %shift_left3A_143 = arith.shli %gather3A_138, %shift_left3A_142 : vector<16xi32>
      %bitcast3A_144 = vector.bitcast %shift_left3A_143 : vector<16xi32> to vector<16xf32>
      %add3A_145 = arith.addf %bitcast3A, %bitcast3A_144 : vector<16xf32>
      %add3A_146 = arith.addf %add3A_145, %gather3A : vector<16xf32>
      %neg3A = arith.constant 0.000000e+00 : f32
      %neg3A_147 = vector.broadcast %neg3A : f32 to vector<16xf32>
      %neg3A_148 = arith.subf %neg3A_147, %add3A_146 : vector<16xf32>
      %exp3A = math.exp %neg3A_148 : vector<16xf32>
      %add3A_149 = arith.constant 1.000000e+00 : f32
      %add3A_150 = vector.broadcast %add3A_149 : f32 to vector<16xf32>
      %add3A_151 = arith.addf %add3A_150, %exp3A : vector<16xf32>
      %div3A = arith.constant 1.000000e+00 : f32
      %div3A_152 = vector.broadcast %div3A : f32 to vector<16xf32>
      %div3A_153 = arith.divf %div3A_152, %add3A_151 : vector<16xf32>
      %swap3A = arith.constant 0 : index
      %swap3A_154 = tpu.vector_load %arg10[%swap3A] {strides = array<i32>} : memref<144xf32, #tpu.memory_space<vmem>>, vector<16xf32>,
      tpu.vector_store %arg10[%swap3A], %div3A_153 {strides = array<i32>} : memref<144xf32, #tpu.memory_space<vmem>>, vector<16xf32>,
      %swap3A_155 = arith.index_cast %and3A_113 : i32 to index
      %swap3A_156 = arith.constant 0 : index
      %swap3A_157 = tpu.vector_load %arg11[%swap3A_155, %swap3A_156] {strides = array<i32>} : memref<2x128xi32, #tpu.memory_space<vmem>>, vector<16xi32>,
      tpu.vector_store %arg11[%swap3A_155, %swap3A_156], %get3A_119 {strides = array<i32>} : memref<2x128xi32, #tpu.memory_space<vmem>>, vector<16xi32>,
      %get3A_158 = arith.constant 1 : i32
      %get3A_159 = arith.index_cast %and3A_113 : i32 to index
      %get3A_160 = arith.index_cast %get3A_158 : i32 to index
      %get3A_161 = arith.constant 16 : index
      %get3A_162 = tpu.vector_load %arg9[%get3A_159, %get3A_160, %get3A_161] {strides = array<i32>} : memref<2x2x128xi32, #tpu.memory_space<vmem>>, vector<16xi32>,
      %get3A_163 = arith.constant 0 : i32
      %get3A_164 = arith.index_cast %and3A_113 : i32 to index
      %get3A_165 = arith.index_cast %get3A_163 : i32 to index
      %get3A_166 = arith.constant 16 : index
      %get3A_167 = tpu.vector_load %arg9[%get3A_164, %get3A_165, %get3A_166] {strides = array<i32>} : memref<2x2x128xi32, #tpu.memory_space<vmem>>, vector<16xi32>,
      %sub3A_168 = arith.subi %get3A_167, %broadcast_in_dim3A_10 : vector<16xi32>
      %shift_right_arithmetic3A_169 = arith.constant 7 : i32
      %shift_right_arithmetic3A_170 = vector.broadcast %shift_right_arithmetic3A_169 : i32 to vector<16xi32>
      %shift_right_arithmetic3A_171 = arith.shrsi %get3A_162, %shift_right_arithmetic3A_170 : vector<16xi32>
      %and3A_172 = arith.constant 127 : i32
      %and3A_173 = vector.broadcast %and3A_172 : i32 to vector<16xi32>
      %and3A_174 = arith.andi %get3A_162, %and3A_173 : vector<16xi32>
      %gather3A_175 = tpu.vector_load_idx %arg7[%shift_right_arithmetic3A_171, %and3A_174] : memref<80x128xi32, #tpu.memory_space<vmem>>[vector<16xi32>, vector<16xi32>], vector<16xi32>,
      %shift_right_arithmetic3A_176 = arith.constant 7 : i32
      %shift_right_arithmetic3A_177 = vector.broadcast %shift_right_arithmetic3A_176 : i32 to vector<16xi32>
      %shift_right_arithmetic3A_178 = arith.shrsi %sub3A_168, %shift_right_arithmetic3A_177 : vector<16xi32>
      %and3A_179 = arith.constant 127 : i32
      %and3A_180 = vector.broadcast %and3A_179 : i32 to vector<16xi32>
      %and3A_181 = arith.andi %sub3A_168, %and3A_180 : vector<16xi32>
      %gather3A_182 = tpu.vector_load_idx %arg7[%shift_right_arithmetic3A_178, %and3A_181] : memref<80x128xi32, #tpu.memory_space<vmem>>[vector<16xi32>, vector<16xi32>], vector<16xi32>,
      %and3A_183 = arith.constant -65536 : i32
      %and3A_184 = vector.broadcast %and3A_183 : i32 to vector<16xi32>
      %and3A_185 = arith.andi %gather3A_175, %and3A_184 : vector<16xi32>
      %bitcast3A_186 = vector.bitcast %and3A_185 : vector<16xi32> to vector<16xf32>
      %shift_left3A_187 = arith.constant 16 : i32
      %shift_left3A_188 = vector.broadcast %shift_left3A_187 : i32 to vector<16xi32>
      %shift_left3A_189 = arith.shli %gather3A_182, %shift_left3A_188 : vector<16xi32>
      %bitcast3A_190 = vector.bitcast %shift_left3A_189 : vector<16xi32> to vector<16xf32>
      %add3A_191 = arith.addf %bitcast3A_186, %bitcast3A_190 : vector<16xf32>
      %add3A_192 = arith.addf %add3A_191, %gather3A : vector<16xf32>
      %neg3A_193 = arith.constant 0.000000e+00 : f32
      %neg3A_194 = vector.broadcast %neg3A_193 : f32 to vector<16xf32>
      %neg3A_195 = arith.subf %neg3A_194, %add3A_192 : vector<16xf32>
      %exp3A_196 = math.exp %neg3A_195 : vector<16xf32>
      %add3A_197 = arith.constant 1.000000e+00 : f32
      %add3A_198 = vector.broadcast %add3A_197 : f32 to vector<16xf32>
      %add3A_199 = arith.addf %add3A_198, %exp3A_196 : vector<16xf32>
      %div3A_200 = arith.constant 1.000000e+00 : f32
      %div3A_201 = vector.broadcast %div3A_200 : f32 to vector<16xf32>
      %div3A_202 = arith.divf %div3A_201, %add3A_199 : vector<16xf32>
      %swap3A_203 = arith.constant 16 : index
      %swap3A_204 = tpu.vector_load %arg10[%swap3A_203] {strides = array<i32>} : memref<144xf32, #tpu.memory_space<vmem>>, vector<16xf32>,
      tpu.vector_store %arg10[%swap3A_203], %div3A_202 {strides = array<i32>} : memref<144xf32, #tpu.memory_space<vmem>>, vector<16xf32>,
      %swap3A_205 = arith.index_cast %and3A_113 : i32 to index
      %swap3A_206 = arith.constant 16 : index
      %swap3A_207 = tpu.vector_load %arg11[%swap3A_205, %swap3A_206] {strides = array<i32>} : memref<2x128xi32, #tpu.memory_space<vmem>>, vector<16xi32>,
      tpu.vector_store %arg11[%swap3A_205, %swap3A_206], %get3A_162 {strides = array<i32>} : memref<2x128xi32, #tpu.memory_space<vmem>>, vector<16xi32>,
      %get3A_208 = arith.constant 1 : i32
      %get3A_209 = arith.index_cast %and3A_113 : i32 to index
      %get3A_210 = arith.index_cast %get3A_208 : i32 to index
      %get3A_211 = arith.constant 32 : index
      %get3A_212 = tpu.vector_load %arg9[%get3A_209, %get3A_210, %get3A_211] {strides = array<i32>} : memref<2x2x128xi32, #tpu.memory_space<vmem>>, vector<16xi32>,
      %get3A_213 = arith.constant 0 : i32
      %get3A_214 = arith.index_cast %and3A_113 : i32 to index
      %get3A_215 = arith.index_cast %get3A_213 : i32 to index
      %get3A_216 = arith.constant 32 : index
      %get3A_217 = tpu.vector_load %arg9[%get3A_214, %get3A_215, %get3A_216] {strides = array<i32>} : memref<2x2x128xi32, #tpu.memory_space<vmem>>, vector<16xi32>,
      %sub3A_218 = arith.subi %get3A_217, %broadcast_in_dim3A_10 : vector<16xi32>
      %shift_right_arithmetic3A_219 = arith.constant 7 : i32
      %shift_right_arithmetic3A_220 = vector.broadcast %shift_right_arithmetic3A_219 : i32 to vector<16xi32>
      %shift_right_arithmetic3A_221 = arith.shrsi %get3A_212, %shift_right_arithmetic3A_220 : vector<16xi32>
      %and3A_222 = arith.constant 127 : i32
      %and3A_223 = vector.broadcast %and3A_222 : i32 to vector<16xi32>
      %and3A_224 = arith.andi %get3A_212, %and3A_223 : vector<16xi32>
      %gather3A_225 = tpu.vector_load_idx %arg7[%shift_right_arithmetic3A_221, %and3A_224] : memref<80x128xi32, #tpu.memory_space<vmem>>[vector<16xi32>, vector<16xi32>], vector<16xi32>,
      %shift_right_arithmetic3A_226 = arith.constant 7 : i32
      %shift_right_arithmetic3A_227 = vector.broadcast %shift_right_arithmetic3A_226 : i32 to vector<16xi32>
      %shift_right_arithmetic3A_228 = arith.shrsi %sub3A_218, %shift_right_arithmetic3A_227 : vector<16xi32>
      %and3A_229 = arith.constant 127 : i32
      %and3A_230 = vector.broadcast %and3A_229 : i32 to vector<16xi32>
      %and3A_231 = arith.andi %sub3A_218, %and3A_230 : vector<16xi32>
      %gather3A_232 = tpu.vector_load_idx %arg7[%shift_right_arithmetic3A_228, %and3A_231] : memref<80x128xi32, #tpu.memory_space<vmem>>[vector<16xi32>, vector<16xi32>], vector<16xi32>,
      %and3A_233 = arith.constant -65536 : i32
      %and3A_234 = vector.broadcast %and3A_233 : i32 to vector<16xi32>
      %and3A_235 = arith.andi %gather3A_225, %and3A_234 : vector<16xi32>
      %bitcast3A_236 = vector.bitcast %and3A_235 : vector<16xi32> to vector<16xf32>
      %shift_left3A_237 = arith.constant 16 : i32
      %shift_left3A_238 = vector.broadcast %shift_left3A_237 : i32 to vector<16xi32>
      %shift_left3A_239 = arith.shli %gather3A_232, %shift_left3A_238 : vector<16xi32>
      %bitcast3A_240 = vector.bitcast %shift_left3A_239 : vector<16xi32> to vector<16xf32>
      %add3A_241 = arith.addf %bitcast3A_236, %bitcast3A_240 : vector<16xf32>
      %add3A_242 = arith.addf %add3A_241, %gather3A : vector<16xf32>
      %neg3A_243 = arith.constant 0.000000e+00 : f32
      %neg3A_244 = vector.broadcast %neg3A_243 : f32 to vector<16xf32>
      %neg3A_245 = arith.subf %neg3A_244, %add3A_242 : vector<16xf32>
      %exp3A_246 = math.exp %neg3A_245 : vector<16xf32>
      %add3A_247 = arith.constant 1.000000e+00 : f32
      %add3A_248 = vector.broadcast %add3A_247 : f32 to vector<16xf32>
      %add3A_249 = arith.addf %add3A_248, %exp3A_246 : vector<16xf32>
      %div3A_250 = arith.constant 1.000000e+00 : f32
      %div3A_251 = vector.broadcast %div3A_250 : f32 to vector<16xf32>
      %div3A_252 = arith.divf %div3A_251, %add3A_249 : vector<16xf32>
      %swap3A_253 = arith.constant 32 : index
      %swap3A_254 = tpu.vector_load %arg10[%swap3A_253] {strides = array<i32>} : memref<144xf32, #tpu.memory_space<vmem>>, vector<16xf32>,
      tpu.vector_store %arg10[%swap3A_253], %div3A_252 {strides = array<i32>} : memref<144xf32, #tpu.memory_space<vmem>>, vector<16xf32>,
      %swap3A_255 = arith.index_cast %and3A_113 : i32 to index
      %swap3A_256 = arith.constant 32 : index
      %swap3A_257 = tpu.vector_load %arg11[%swap3A_255, %swap3A_256] {strides = array<i32>} : memref<2x128xi32, #tpu.memory_space<vmem>>, vector<16xi32>,
      tpu.vector_store %arg11[%swap3A_255, %swap3A_256], %get3A_212 {strides = array<i32>} : memref<2x128xi32, #tpu.memory_space<vmem>>, vector<16xi32>,
      %get3A_258 = arith.constant 1 : i32
      %get3A_259 = arith.index_cast %and3A_113 : i32 to index
      %get3A_260 = arith.index_cast %get3A_258 : i32 to index
      %get3A_261 = arith.constant 48 : index
      %get3A_262 = tpu.vector_load %arg9[%get3A_259, %get3A_260, %get3A_261] {strides = array<i32>} : memref<2x2x128xi32, #tpu.memory_space<vmem>>, vector<16xi32>,
      %get3A_263 = arith.constant 0 : i32
      %get3A_264 = arith.index_cast %and3A_113 : i32 to index
      %get3A_265 = arith.index_cast %get3A_263 : i32 to index
      %get3A_266 = arith.constant 48 : index
      %get3A_267 = tpu.vector_load %arg9[%get3A_264, %get3A_265, %get3A_266] {strides = array<i32>} : memref<2x2x128xi32, #tpu.memory_space<vmem>>, vector<16xi32>,
      %sub3A_268 = arith.subi %get3A_267, %broadcast_in_dim3A_10 : vector<16xi32>
      %shift_right_arithmetic3A_269 = arith.constant 7 : i32
      %shift_right_arithmetic3A_270 = vector.broadcast %shift_right_arithmetic3A_269 : i32 to vector<16xi32>
      %shift_right_arithmetic3A_271 = arith.shrsi %get3A_262, %shift_right_arithmetic3A_270 : vector<16xi32>
      %and3A_272 = arith.constant 127 : i32
      %and3A_273 = vector.broadcast %and3A_272 : i32 to vector<16xi32>
      %and3A_274 = arith.andi %get3A_262, %and3A_273 : vector<16xi32>
      %gather3A_275 = tpu.vector_load_idx %arg7[%shift_right_arithmetic3A_271, %and3A_274] : memref<80x128xi32, #tpu.memory_space<vmem>>[vector<16xi32>, vector<16xi32>], vector<16xi32>,
      %shift_right_arithmetic3A_276 = arith.constant 7 : i32
      %shift_right_arithmetic3A_277 = vector.broadcast %shift_right_arithmetic3A_276 : i32 to vector<16xi32>
      %shift_right_arithmetic3A_278 = arith.shrsi %sub3A_268, %shift_right_arithmetic3A_277 : vector<16xi32>
      %and3A_279 = arith.constant 127 : i32
      %and3A_280 = vector.broadcast %and3A_279 : i32 to vector<16xi32>
      %and3A_281 = arith.andi %sub3A_268, %and3A_280 : vector<16xi32>
      %gather3A_282 = tpu.vector_load_idx %arg7[%shift_right_arithmetic3A_278, %and3A_281] : memref<80x128xi32, #tpu.memory_space<vmem>>[vector<16xi32>, vector<16xi32>], vector<16xi32>,
      %and3A_283 = arith.constant -65536 : i32
      %and3A_284 = vector.broadcast %and3A_283 : i32 to vector<16xi32>
      %and3A_285 = arith.andi %gather3A_275, %and3A_284 : vector<16xi32>
      %bitcast3A_286 = vector.bitcast %and3A_285 : vector<16xi32> to vector<16xf32>
      %shift_left3A_287 = arith.constant 16 : i32
      %shift_left3A_288 = vector.broadcast %shift_left3A_287 : i32 to vector<16xi32>
      %shift_left3A_289 = arith.shli %gather3A_282, %shift_left3A_288 : vector<16xi32>
      %bitcast3A_290 = vector.bitcast %shift_left3A_289 : vector<16xi32> to vector<16xf32>
      %add3A_291 = arith.addf %bitcast3A_286, %bitcast3A_290 : vector<16xf32>
      %add3A_292 = arith.addf %add3A_291, %gather3A : vector<16xf32>
      %neg3A_293 = arith.constant 0.000000e+00 : f32
      %neg3A_294 = vector.broadcast %neg3A_293 : f32 to vector<16xf32>
      %neg3A_295 = arith.subf %neg3A_294, %add3A_292 : vector<16xf32>
      %exp3A_296 = math.exp %neg3A_295 : vector<16xf32>
      %add3A_297 = arith.constant 1.000000e+00 : f32
      %add3A_298 = vector.broadcast %add3A_297 : f32 to vector<16xf32>
      %add3A_299 = arith.addf %add3A_298, %exp3A_296 : vector<16xf32>
      %div3A_300 = arith.constant 1.000000e+00 : f32
      %div3A_301 = vector.broadcast %div3A_300 : f32 to vector<16xf32>
      %div3A_302 = arith.divf %div3A_301, %add3A_299 : vector<16xf32>
      %swap3A_303 = arith.constant 48 : index
      %swap3A_304 = tpu.vector_load %arg10[%swap3A_303] {strides = array<i32>} : memref<144xf32, #tpu.memory_space<vmem>>, vector<16xf32>,
      tpu.vector_store %arg10[%swap3A_303], %div3A_302 {strides = array<i32>} : memref<144xf32, #tpu.memory_space<vmem>>, vector<16xf32>,
      %swap3A_305 = arith.index_cast %and3A_113 : i32 to index
      %swap3A_306 = arith.constant 48 : index
      %swap3A_307 = tpu.vector_load %arg11[%swap3A_305, %swap3A_306] {strides = array<i32>} : memref<2x128xi32, #tpu.memory_space<vmem>>, vector<16xi32>,
      tpu.vector_store %arg11[%swap3A_305, %swap3A_306], %get3A_262 {strides = array<i32>} : memref<2x128xi32, #tpu.memory_space<vmem>>, vector<16xi32>,
      %get3A_308 = arith.constant 1 : i32
      %get3A_309 = arith.index_cast %and3A_113 : i32 to index
      %get3A_310 = arith.index_cast %get3A_308 : i32 to index
      %get3A_311 = arith.constant 64 : index
      %get3A_312 = tpu.vector_load %arg9[%get3A_309, %get3A_310, %get3A_311] {strides = array<i32>} : memref<2x2x128xi32, #tpu.memory_space<vmem>>, vector<16xi32>,
      %get3A_313 = arith.constant 0 : i32
      %get3A_314 = arith.index_cast %and3A_113 : i32 to index
      %get3A_315 = arith.index_cast %get3A_313 : i32 to index
      %get3A_316 = arith.constant 64 : index
      %get3A_317 = tpu.vector_load %arg9[%get3A_314, %get3A_315, %get3A_316] {strides = array<i32>} : memref<2x2x128xi32, #tpu.memory_space<vmem>>, vector<16xi32>,
      %sub3A_318 = arith.subi %get3A_317, %broadcast_in_dim3A_10 : vector<16xi32>
      %shift_right_arithmetic3A_319 = arith.constant 7 : i32
      %shift_right_arithmetic3A_320 = vector.broadcast %shift_right_arithmetic3A_319 : i32 to vector<16xi32>
      %shift_right_arithmetic3A_321 = arith.shrsi %get3A_312, %shift_right_arithmetic3A_320 : vector<16xi32>
      %and3A_322 = arith.constant 127 : i32
      %and3A_323 = vector.broadcast %and3A_322 : i32 to vector<16xi32>
      %and3A_324 = arith.andi %get3A_312, %and3A_323 : vector<16xi32>
      %gather3A_325 = tpu.vector_load_idx %arg7[%shift_right_arithmetic3A_321, %and3A_324] : memref<80x128xi32, #tpu.memory_space<vmem>>[vector<16xi32>, vector<16xi32>], vector<16xi32>,
      %shift_right_arithmetic3A_326 = arith.constant 7 : i32
      %shift_right_arithmetic3A_327 = vector.broadcast %shift_right_arithmetic3A_326 : i32 to vector<16xi32>
      %shift_right_arithmetic3A_328 = arith.shrsi %sub3A_318, %shift_right_arithmetic3A_327 : vector<16xi32>
      %and3A_329 = arith.constant 127 : i32
      %and3A_330 = vector.broadcast %and3A_329 : i32 to vector<16xi32>
      %and3A_331 = arith.andi %sub3A_318, %and3A_330 : vector<16xi32>
      %gather3A_332 = tpu.vector_load_idx %arg7[%shift_right_arithmetic3A_328, %and3A_331] : memref<80x128xi32, #tpu.memory_space<vmem>>[vector<16xi32>, vector<16xi32>], vector<16xi32>,
      %and3A_333 = arith.constant -65536 : i32
      %and3A_334 = vector.broadcast %and3A_333 : i32 to vector<16xi32>
      %and3A_335 = arith.andi %gather3A_325, %and3A_334 : vector<16xi32>
      %bitcast3A_336 = vector.bitcast %and3A_335 : vector<16xi32> to vector<16xf32>
      %shift_left3A_337 = arith.constant 16 : i32
      %shift_left3A_338 = vector.broadcast %shift_left3A_337 : i32 to vector<16xi32>
      %shift_left3A_339 = arith.shli %gather3A_332, %shift_left3A_338 : vector<16xi32>
      %bitcast3A_340 = vector.bitcast %shift_left3A_339 : vector<16xi32> to vector<16xf32>
      %add3A_341 = arith.addf %bitcast3A_336, %bitcast3A_340 : vector<16xf32>
      %add3A_342 = arith.addf %add3A_341, %gather3A : vector<16xf32>
      %neg3A_343 = arith.constant 0.000000e+00 : f32
      %neg3A_344 = vector.broadcast %neg3A_343 : f32 to vector<16xf32>
      %neg3A_345 = arith.subf %neg3A_344, %add3A_342 : vector<16xf32>
      %exp3A_346 = math.exp %neg3A_345 : vector<16xf32>
      %add3A_347 = arith.constant 1.000000e+00 : f32
      %add3A_348 = vector.broadcast %add3A_347 : f32 to vector<16xf32>
      %add3A_349 = arith.addf %add3A_348, %exp3A_346 : vector<16xf32>
      %div3A_350 = arith.constant 1.000000e+00 : f32
      %div3A_351 = vector.broadcast %div3A_350 : f32 to vector<16xf32>
      %div3A_352 = arith.divf %div3A_351, %add3A_349 : vector<16xf32>
      %swap3A_353 = arith.constant 64 : index
      %swap3A_354 = tpu.vector_load %arg10[%swap3A_353] {strides = array<i32>} : memref<144xf32, #tpu.memory_space<vmem>>, vector<16xf32>,
      tpu.vector_store %arg10[%swap3A_353], %div3A_352 {strides = array<i32>} : memref<144xf32, #tpu.memory_space<vmem>>, vector<16xf32>,
      %swap3A_355 = arith.index_cast %and3A_113 : i32 to index
      %swap3A_356 = arith.constant 64 : index
      %swap3A_357 = tpu.vector_load %arg11[%swap3A_355, %swap3A_356] {strides = array<i32>} : memref<2x128xi32, #tpu.memory_space<vmem>>, vector<16xi32>,
      tpu.vector_store %arg11[%swap3A_355, %swap3A_356], %get3A_312 {strides = array<i32>} : memref<2x128xi32, #tpu.memory_space<vmem>>, vector<16xi32>,
      %get3A_358 = arith.constant 1 : i32
      %get3A_359 = arith.index_cast %and3A_113 : i32 to index
      %get3A_360 = arith.index_cast %get3A_358 : i32 to index
      %get3A_361 = arith.constant 80 : index
      %get3A_362 = tpu.vector_load %arg9[%get3A_359, %get3A_360, %get3A_361] {strides = array<i32>} : memref<2x2x128xi32, #tpu.memory_space<vmem>>, vector<16xi32>,
      %get3A_363 = arith.constant 0 : i32
      %get3A_364 = arith.index_cast %and3A_113 : i32 to index
      %get3A_365 = arith.index_cast %get3A_363 : i32 to index
      %get3A_366 = arith.constant 80 : index
      %get3A_367 = tpu.vector_load %arg9[%get3A_364, %get3A_365, %get3A_366] {strides = array<i32>} : memref<2x2x128xi32, #tpu.memory_space<vmem>>, vector<16xi32>,
      %sub3A_368 = arith.subi %get3A_367, %broadcast_in_dim3A_10 : vector<16xi32>
      %shift_right_arithmetic3A_369 = arith.constant 7 : i32
      %shift_right_arithmetic3A_370 = vector.broadcast %shift_right_arithmetic3A_369 : i32 to vector<16xi32>
      %shift_right_arithmetic3A_371 = arith.shrsi %get3A_362, %shift_right_arithmetic3A_370 : vector<16xi32>
      %and3A_372 = arith.constant 127 : i32
      %and3A_373 = vector.broadcast %and3A_372 : i32 to vector<16xi32>
      %and3A_374 = arith.andi %get3A_362, %and3A_373 : vector<16xi32>
      %gather3A_375 = tpu.vector_load_idx %arg7[%shift_right_arithmetic3A_371, %and3A_374] : memref<80x128xi32, #tpu.memory_space<vmem>>[vector<16xi32>, vector<16xi32>], vector<16xi32>,
      %shift_right_arithmetic3A_376 = arith.constant 7 : i32
      %shift_right_arithmetic3A_377 = vector.broadcast %shift_right_arithmetic3A_376 : i32 to vector<16xi32>
      %shift_right_arithmetic3A_378 = arith.shrsi %sub3A_368, %shift_right_arithmetic3A_377 : vector<16xi32>
      %and3A_379 = arith.constant 127 : i32
      %and3A_380 = vector.broadcast %and3A_379 : i32 to vector<16xi32>
      %and3A_381 = arith.andi %sub3A_368, %and3A_380 : vector<16xi32>
      %gather3A_382 = tpu.vector_load_idx %arg7[%shift_right_arithmetic3A_378, %and3A_381] : memref<80x128xi32, #tpu.memory_space<vmem>>[vector<16xi32>, vector<16xi32>], vector<16xi32>,
      %and3A_383 = arith.constant -65536 : i32
      %and3A_384 = vector.broadcast %and3A_383 : i32 to vector<16xi32>
      %and3A_385 = arith.andi %gather3A_375, %and3A_384 : vector<16xi32>
      %bitcast3A_386 = vector.bitcast %and3A_385 : vector<16xi32> to vector<16xf32>
      %shift_left3A_387 = arith.constant 16 : i32
      %shift_left3A_388 = vector.broadcast %shift_left3A_387 : i32 to vector<16xi32>
      %shift_left3A_389 = arith.shli %gather3A_382, %shift_left3A_388 : vector<16xi32>
      %bitcast3A_390 = vector.bitcast %shift_left3A_389 : vector<16xi32> to vector<16xf32>
      %add3A_391 = arith.addf %bitcast3A_386, %bitcast3A_390 : vector<16xf32>
      %add3A_392 = arith.addf %add3A_391, %gather3A : vector<16xf32>
      %neg3A_393 = arith.constant 0.000000e+00 : f32
      %neg3A_394 = vector.broadcast %neg3A_393 : f32 to vector<16xf32>
      %neg3A_395 = arith.subf %neg3A_394, %add3A_392 : vector<16xf32>
      %exp3A_396 = math.exp %neg3A_395 : vector<16xf32>
      %add3A_397 = arith.constant 1.000000e+00 : f32
      %add3A_398 = vector.broadcast %add3A_397 : f32 to vector<16xf32>
      %add3A_399 = arith.addf %add3A_398, %exp3A_396 : vector<16xf32>
      %div3A_400 = arith.constant 1.000000e+00 : f32
      %div3A_401 = vector.broadcast %div3A_400 : f32 to vector<16xf32>
      %div3A_402 = arith.divf %div3A_401, %add3A_399 : vector<16xf32>
      %swap3A_403 = arith.constant 80 : index
      %swap3A_404 = tpu.vector_load %arg10[%swap3A_403] {strides = array<i32>} : memref<144xf32, #tpu.memory_space<vmem>>, vector<16xf32>,
      tpu.vector_store %arg10[%swap3A_403], %div3A_402 {strides = array<i32>} : memref<144xf32, #tpu.memory_space<vmem>>, vector<16xf32>,
      %swap3A_405 = arith.index_cast %and3A_113 : i32 to index
      %swap3A_406 = arith.constant 80 : index
      %swap3A_407 = tpu.vector_load %arg11[%swap3A_405, %swap3A_406] {strides = array<i32>} : memref<2x128xi32, #tpu.memory_space<vmem>>, vector<16xi32>,
      tpu.vector_store %arg11[%swap3A_405, %swap3A_406], %get3A_362 {strides = array<i32>} : memref<2x128xi32, #tpu.memory_space<vmem>>, vector<16xi32>,
      %get3A_408 = arith.constant 1 : i32
      %get3A_409 = arith.index_cast %and3A_113 : i32 to index
      %get3A_410 = arith.index_cast %get3A_408 : i32 to index
      %get3A_411 = arith.constant 96 : index
      %get3A_412 = tpu.vector_load %arg9[%get3A_409, %get3A_410, %get3A_411] {strides = array<i32>} : memref<2x2x128xi32, #tpu.memory_space<vmem>>, vector<16xi32>,
      %get3A_413 = arith.constant 0 : i32
      %get3A_414 = arith.index_cast %and3A_113 : i32 to index
      %get3A_415 = arith.index_cast %get3A_413 : i32 to index
      %get3A_416 = arith.constant 96 : index
      %get3A_417 = tpu.vector_load %arg9[%get3A_414, %get3A_415, %get3A_416] {strides = array<i32>} : memref<2x2x128xi32, #tpu.memory_space<vmem>>, vector<16xi32>,
      %sub3A_418 = arith.subi %get3A_417, %broadcast_in_dim3A_10 : vector<16xi32>
      %shift_right_arithmetic3A_419 = arith.constant 7 : i32
      %shift_right_arithmetic3A_420 = vector.broadcast %shift_right_arithmetic3A_419 : i32 to vector<16xi32>
      %shift_right_arithmetic3A_421 = arith.shrsi %get3A_412, %shift_right_arithmetic3A_420 : vector<16xi32>
      %and3A_422 = arith.constant 127 : i32
      %and3A_423 = vector.broadcast %and3A_422 : i32 to vector<16xi32>
      %and3A_424 = arith.andi %get3A_412, %and3A_423 : vector<16xi32>
      %gather3A_425 = tpu.vector_load_idx %arg7[%shift_right_arithmetic3A_421, %and3A_424] : memref<80x128xi32, #tpu.memory_space<vmem>>[vector<16xi32>, vector<16xi32>], vector<16xi32>,
      %shift_right_arithmetic3A_426 = arith.constant 7 : i32
      %shift_right_arithmetic3A_427 = vector.broadcast %shift_right_arithmetic3A_426 : i32 to vector<16xi32>
      %shift_right_arithmetic3A_428 = arith.shrsi %sub3A_418, %shift_right_arithmetic3A_427 : vector<16xi32>
      %and3A_429 = arith.constant 127 : i32
      %and3A_430 = vector.broadcast %and3A_429 : i32 to vector<16xi32>
      %and3A_431 = arith.andi %sub3A_418, %and3A_430 : vector<16xi32>
      %gather3A_432 = tpu.vector_load_idx %arg7[%shift_right_arithmetic3A_428, %and3A_431] : memref<80x128xi32, #tpu.memory_space<vmem>>[vector<16xi32>, vector<16xi32>], vector<16xi32>,
      %and3A_433 = arith.constant -65536 : i32
      %and3A_434 = vector.broadcast %and3A_433 : i32 to vector<16xi32>
      %and3A_435 = arith.andi %gather3A_425, %and3A_434 : vector<16xi32>
      %bitcast3A_436 = vector.bitcast %and3A_435 : vector<16xi32> to vector<16xf32>
      %shift_left3A_437 = arith.constant 16 : i32
      %shift_left3A_438 = vector.broadcast %shift_left3A_437 : i32 to vector<16xi32>
      %shift_left3A_439 = arith.shli %gather3A_432, %shift_left3A_438 : vector<16xi32>
      %bitcast3A_440 = vector.bitcast %shift_left3A_439 : vector<16xi32> to vector<16xf32>
      %add3A_441 = arith.addf %bitcast3A_436, %bitcast3A_440 : vector<16xf32>
      %add3A_442 = arith.addf %add3A_441, %gather3A : vector<16xf32>
      %neg3A_443 = arith.constant 0.000000e+00 : f32
      %neg3A_444 = vector.broadcast %neg3A_443 : f32 to vector<16xf32>
      %neg3A_445 = arith.subf %neg3A_444, %add3A_442 : vector<16xf32>
      %exp3A_446 = math.exp %neg3A_445 : vector<16xf32>
      %add3A_447 = arith.constant 1.000000e+00 : f32
      %add3A_448 = vector.broadcast %add3A_447 : f32 to vector<16xf32>
      %add3A_449 = arith.addf %add3A_448, %exp3A_446 : vector<16xf32>
      %div3A_450 = arith.constant 1.000000e+00 : f32
      %div3A_451 = vector.broadcast %div3A_450 : f32 to vector<16xf32>
      %div3A_452 = arith.divf %div3A_451, %add3A_449 : vector<16xf32>
      %swap3A_453 = arith.constant 96 : index
      %swap3A_454 = tpu.vector_load %arg10[%swap3A_453] {strides = array<i32>} : memref<144xf32, #tpu.memory_space<vmem>>, vector<16xf32>,
      tpu.vector_store %arg10[%swap3A_453], %div3A_452 {strides = array<i32>} : memref<144xf32, #tpu.memory_space<vmem>>, vector<16xf32>,
      %swap3A_455 = arith.index_cast %and3A_113 : i32 to index
      %swap3A_456 = arith.constant 96 : index
      %swap3A_457 = tpu.vector_load %arg11[%swap3A_455, %swap3A_456] {strides = array<i32>} : memref<2x128xi32, #tpu.memory_space<vmem>>, vector<16xi32>,
      tpu.vector_store %arg11[%swap3A_455, %swap3A_456], %get3A_412 {strides = array<i32>} : memref<2x128xi32, #tpu.memory_space<vmem>>, vector<16xi32>,
      %get3A_458 = arith.constant 1 : i32
      %get3A_459 = arith.index_cast %and3A_113 : i32 to index
      %get3A_460 = arith.index_cast %get3A_458 : i32 to index
      %get3A_461 = arith.constant 112 : index
      %get3A_462 = tpu.vector_load %arg9[%get3A_459, %get3A_460, %get3A_461] {strides = array<i32>} : memref<2x2x128xi32, #tpu.memory_space<vmem>>, vector<16xi32>,
      %get3A_463 = arith.constant 0 : i32
      %get3A_464 = arith.index_cast %and3A_113 : i32 to index
      %get3A_465 = arith.index_cast %get3A_463 : i32 to index
      %get3A_466 = arith.constant 112 : index
      %get3A_467 = tpu.vector_load %arg9[%get3A_464, %get3A_465, %get3A_466] {strides = array<i32>} : memref<2x2x128xi32, #tpu.memory_space<vmem>>, vector<16xi32>,
      %sub3A_468 = arith.subi %get3A_467, %broadcast_in_dim3A_10 : vector<16xi32>
      %shift_right_arithmetic3A_469 = arith.constant 7 : i32
      %shift_right_arithmetic3A_470 = vector.broadcast %shift_right_arithmetic3A_469 : i32 to vector<16xi32>
      %shift_right_arithmetic3A_471 = arith.shrsi %get3A_462, %shift_right_arithmetic3A_470 : vector<16xi32>
      %and3A_472 = arith.constant 127 : i32
      %and3A_473 = vector.broadcast %and3A_472 : i32 to vector<16xi32>
      %and3A_474 = arith.andi %get3A_462, %and3A_473 : vector<16xi32>
      %gather3A_475 = tpu.vector_load_idx %arg7[%shift_right_arithmetic3A_471, %and3A_474] : memref<80x128xi32, #tpu.memory_space<vmem>>[vector<16xi32>, vector<16xi32>], vector<16xi32>,
      %shift_right_arithmetic3A_476 = arith.constant 7 : i32
      %shift_right_arithmetic3A_477 = vector.broadcast %shift_right_arithmetic3A_476 : i32 to vector<16xi32>
      %shift_right_arithmetic3A_478 = arith.shrsi %sub3A_468, %shift_right_arithmetic3A_477 : vector<16xi32>
      %and3A_479 = arith.constant 127 : i32
      %and3A_480 = vector.broadcast %and3A_479 : i32 to vector<16xi32>
      %and3A_481 = arith.andi %sub3A_468, %and3A_480 : vector<16xi32>
      %gather3A_482 = tpu.vector_load_idx %arg7[%shift_right_arithmetic3A_478, %and3A_481] : memref<80x128xi32, #tpu.memory_space<vmem>>[vector<16xi32>, vector<16xi32>], vector<16xi32>,
      %and3A_483 = arith.constant -65536 : i32
      %and3A_484 = vector.broadcast %and3A_483 : i32 to vector<16xi32>
      %and3A_485 = arith.andi %gather3A_475, %and3A_484 : vector<16xi32>
      %bitcast3A_486 = vector.bitcast %and3A_485 : vector<16xi32> to vector<16xf32>
      %shift_left3A_487 = arith.constant 16 : i32
      %shift_left3A_488 = vector.broadcast %shift_left3A_487 : i32 to vector<16xi32>
      %shift_left3A_489 = arith.shli %gather3A_482, %shift_left3A_488 : vector<16xi32>
      %bitcast3A_490 = vector.bitcast %shift_left3A_489 : vector<16xi32> to vector<16xf32>
      %add3A_491 = arith.addf %bitcast3A_486, %bitcast3A_490 : vector<16xf32>
      %add3A_492 = arith.addf %add3A_491, %gather3A : vector<16xf32>
      %neg3A_493 = arith.constant 0.000000e+00 : f32
      %neg3A_494 = vector.broadcast %neg3A_493 : f32 to vector<16xf32>
      %neg3A_495 = arith.subf %neg3A_494, %add3A_492 : vector<16xf32>
      %exp3A_496 = math.exp %neg3A_495 : vector<16xf32>
      %add3A_497 = arith.constant 1.000000e+00 : f32
      %add3A_498 = vector.broadcast %add3A_497 : f32 to vector<16xf32>
      %add3A_499 = arith.addf %add3A_498, %exp3A_496 : vector<16xf32>
      %div3A_500 = arith.constant 1.000000e+00 : f32
      %div3A_501 = vector.broadcast %div3A_500 : f32 to vector<16xf32>
      %div3A_502 = arith.divf %div3A_501, %add3A_499 : vector<16xf32>
      %swap3A_503 = arith.constant 112 : index
      %swap3A_504 = tpu.vector_load %arg10[%swap3A_503] {strides = array<i32>} : memref<144xf32, #tpu.memory_space<vmem>>, vector<16xf32>,
      tpu.vector_store %arg10[%swap3A_503], %div3A_502 {strides = array<i32>} : memref<144xf32, #tpu.memory_space<vmem>>, vector<16xf32>,
      %swap3A_505 = arith.index_cast %and3A_113 : i32 to index
      %swap3A_506 = arith.constant 112 : index
      %swap3A_507 = tpu.vector_load %arg11[%swap3A_505, %swap3A_506] {strides = array<i32>} : memref<2x128xi32, #tpu.memory_space<vmem>>, vector<16xi32>,
      tpu.vector_store %arg11[%swap3A_505, %swap3A_506], %get3A_462 {strides = array<i32>} : memref<2x128xi32, #tpu.memory_space<vmem>>, vector<16xi32>,
      %ge3A = arith.constant 1 : i32
      %ge3A_508 = arith.cmpi sge, %while3A_111, %ge3A : i32
      %convert_element_type3A = arith.extui %ge3A_508 : i1 to i32
      %cond3A = arith.constant 0 : i32
      %cond3A_509 = arith.cmpi ne, %convert_element_type3A, %cond3A : i32
      scf.if %cond3A_509 {
        %dma_wait3A_552 = arith.constant 0 : i32
        %dma_wait3A_553 = arith.constant 0 : i32
        %dma_wait3A_554 = tpu.memref_slice %arg8[%sub3A_115, %dma_wait3A_552, %dma_wait3A_553] : memref<2x128x128xf32, #tpu.memory_space<vmem>> -> memref<1x128x128xf32, #tpu.memory_space<vmem>>
        %dma_wait3A_555 = tpu.memref_squeeze %dma_wait3A_554 : memref<1x128x128xf32, #tpu.memory_space<vmem>> -> memref<128x128xf32, #tpu.memory_space<vmem>>
        %dma_wait3A_556 = arith.constant 0 : i32
        %dma_wait3A_557 = arith.constant 0 : i32
        %dma_wait3A_558 = tpu.memref_slice %arg2[%dma_wait3A_556, %dma_wait3A_557] : memref<20480x128xf32, #tpu.memory_space<hbm>> -> memref<128x128xf32, #tpu.memory_space<hbm>>
        %dma_wait3A_559 = arith.constant 0 : i32
        %dma_wait3A_560 = arith.constant 0 : i32
        %dma_wait3A_561 = tpu.memref_slice %arg8[%sub3A_115, %dma_wait3A_559, %dma_wait3A_560] : memref<2x128x128xf32, #tpu.memory_space<vmem>> -> memref<1x128x128xf32, #tpu.memory_space<vmem>>
        %dma_wait3A_562 = tpu.memref_squeeze %dma_wait3A_561 : memref<1x128x128xf32, #tpu.memory_space<vmem>> -> memref<128x128xf32, #tpu.memory_space<vmem>>
        %dma_wait3A_563 = arith.constant 0 : i32
        %dma_wait3A_564 = arith.constant 0 : i32
        %dma_wait3A_565 = tpu.memref_slice %arg2[%dma_wait3A_563, %dma_wait3A_564] : memref<20480x128xf32, #tpu.memory_space<hbm>> -> memref<128x128xf32, #tpu.memory_space<hbm>>
        tpu.wait_dma2 semaphore(%arg14 : memref<!tpu.dma_semaphore, #tpu.memory_space<semaphore_mem>>) src(%dma_wait3A_565 : memref<128x128xf32, #tpu.memory_space<hbm>>) dst(%dma_wait3A_562 : memref<128x128xf32, #tpu.memory_space<vmem>>)
      } else {
      }
      %sub3A_510 = arith.constant 1 : i32
      %sub3A_511 = arith.subi %select_n3A, %sub3A_510 : i32
      %lt3A_512 = arith.cmpi slt, %while3A_111, %sub3A_511 : i32
      %convert_element_type3A_513 = arith.extui %lt3A_512 : i1 to i32
      %cond3A_514 = arith.constant 0 : i32
      %cond3A_515 = arith.cmpi ne, %convert_element_type3A_513, %cond3A_514 : i32
      scf.if %cond3A_515 {
        %dma_wait3A_552 = arith.constant 0 : i32
        %dma_wait3A_553 = arith.constant 0 : i32
        %dma_wait3A_554 = arith.constant 0 : i32
        %dma_wait3A_555 = tpu.memref_slice %arg9[%sub3A_115, %dma_wait3A_553, %dma_wait3A_554] : memref<2x2x128xi32, #tpu.memory_space<vmem>> -> memref<1x1x128xi32, #tpu.memory_space<vmem>>
        %dma_wait3A_556 = tpu.memref_squeeze %dma_wait3A_555 : memref<1x1x128xi32, #tpu.memory_space<vmem>> -> memref<128xi32, #tpu.memory_space<vmem>>
        %dma_wait3A_557 = arith.constant 0 : i32
        %dma_wait3A_558 = tpu.memref_slice %arg5[%arg0, %dma_wait3A_552, %dma_wait3A_557] : memref<2x2x320000xi32, #tpu.memory_space<hbm>> -> memref<1x1x128xi32, #tpu.memory_space<hbm>>
        %dma_wait3A_559 = tpu.memref_squeeze %dma_wait3A_558 : memref<1x1x128xi32, #tpu.memory_space<hbm>> -> memref<128xi32, #tpu.memory_space<hbm>>
        %dma_wait3A_560 = arith.constant 0 : i32
        %dma_wait3A_561 = tpu.memref_slice %arg9[%sub3A_115, %dma_wait3A_553, %dma_wait3A_560] : memref<2x2x128xi32, #tpu.memory_space<vmem>> -> memref<1x1x128xi32, #tpu.memory_space<vmem>>
        %dma_wait3A_562 = tpu.memref_squeeze %dma_wait3A_561 : memref<1x1x128xi32, #tpu.memory_space<vmem>> -> memref<128xi32, #tpu.memory_space<vmem>>
        %dma_wait3A_563 = arith.constant 0 : i32
        %dma_wait3A_564 = tpu.memref_slice %arg5[%arg0, %dma_wait3A_552, %dma_wait3A_563] : memref<2x2x320000xi32, #tpu.memory_space<hbm>> -> memref<1x1x128xi32, #tpu.memory_space<hbm>>
        %dma_wait3A_565 = tpu.memref_squeeze %dma_wait3A_564 : memref<1x1x128xi32, #tpu.memory_space<hbm>> -> memref<128xi32, #tpu.memory_space<hbm>>
        tpu.wait_dma2 semaphore(%arg15 : memref<!tpu.dma_semaphore, #tpu.memory_space<semaphore_mem>>) src(%dma_wait3A_565 : memref<128xi32, #tpu.memory_space<hbm>>) dst(%dma_wait3A_562 : memref<128xi32, #tpu.memory_space<vmem>>)
        %dma_wait3A_566 = arith.constant 1 : i32
        %dma_wait3A_567 = arith.constant 1 : i32
        %dma_wait3A_568 = arith.constant 0 : i32
        %dma_wait3A_569 = tpu.memref_slice %arg9[%sub3A_115, %dma_wait3A_567, %dma_wait3A_568] : memref<2x2x128xi32, #tpu.memory_space<vmem>> -> memref<1x1x128xi32, #tpu.memory_space<vmem>>
        %dma_wait3A_570 = tpu.memref_squeeze %dma_wait3A_569 : memref<1x1x128xi32, #tpu.memory_space<vmem>> -> memref<128xi32, #tpu.memory_space<vmem>>
        %dma_wait3A_571 = arith.constant 0 : i32
        %dma_wait3A_572 = tpu.memref_slice %arg5[%arg0, %dma_wait3A_566, %dma_wait3A_571] : memref<2x2x320000xi32, #tpu.memory_space<hbm>> -> memref<1x1x128xi32, #tpu.memory_space<hbm>>
        %dma_wait3A_573 = tpu.memref_squeeze %dma_wait3A_572 : memref<1x1x128xi32, #tpu.memory_space<hbm>> -> memref<128xi32, #tpu.memory_space<hbm>>
        %dma_wait3A_574 = arith.constant 0 : i32
        %dma_wait3A_575 = tpu.memref_slice %arg9[%sub3A_115, %dma_wait3A_567, %dma_wait3A_574] : memref<2x2x128xi32, #tpu.memory_space<vmem>> -> memref<1x1x128xi32, #tpu.memory_space<vmem>>
        %dma_wait3A_576 = tpu.memref_squeeze %dma_wait3A_575 : memref<1x1x128xi32, #tpu.memory_space<vmem>> -> memref<128xi32, #tpu.memory_space<vmem>>
        %dma_wait3A_577 = arith.constant 0 : i32
        %dma_wait3A_578 = tpu.memref_slice %arg5[%arg0, %dma_wait3A_566, %dma_wait3A_577] : memref<2x2x320000xi32, #tpu.memory_space<hbm>> -> memref<1x1x128xi32, #tpu.memory_space<hbm>>
        %dma_wait3A_579 = tpu.memref_squeeze %dma_wait3A_578 : memref<1x1x128xi32, #tpu.memory_space<hbm>> -> memref<128xi32, #tpu.memory_space<hbm>>
        tpu.wait_dma2 semaphore(%arg15 : memref<!tpu.dma_semaphore, #tpu.memory_space<semaphore_mem>>) src(%dma_wait3A_579 : memref<128xi32, #tpu.memory_space<hbm>>) dst(%dma_wait3A_576 : memref<128xi32, #tpu.memory_space<vmem>>)
        %dma_start3A_580 = arith.constant 0 : i32
        %dma_start3A_581 = arith.constant 0 : i32
        %dma_start3A_582 = arith.constant 0 : i32
        %dma_start3A_583 = tpu.memref_slice %arg8[%sub3A_115, %dma_start3A_581, %dma_start3A_582] : memref<2x128x128xf32, #tpu.memory_space<vmem>> -> memref<1x128x128xf32, #tpu.memory_space<vmem>>
        %dma_start3A_584 = tpu.memref_squeeze %dma_start3A_583 : memref<1x128x128xf32, #tpu.memory_space<vmem>> -> memref<128x128xf32, #tpu.memory_space<vmem>>
        %dma_start3A_585 = arith.constant 0 : i32
        %dma_start3A_586 = tpu.memref_slice %arg9[%sub3A_115, %dma_start3A_580, %dma_start3A_585] : memref<2x2x128xi32, #tpu.memory_space<vmem>> -> memref<1x1x128xi32, #tpu.memory_space<vmem>>
        %dma_start3A_587 = tpu.memref_squeeze %dma_start3A_586 : memref<1x1x128xi32, #tpu.memory_space<vmem>> -> memref<128xi32, #tpu.memory_space<vmem>>
        %dma_start3A_588 = arith.constant 0 : i32
        %dma_start3A_589 = arith.constant 0 : i32
        %dma_start3A_590 = tpu.memref_slice %arg2[%dma_start3A_588, %dma_start3A_589] : memref<20480x128xf32, #tpu.memory_space<hbm>> -> memref<20480x128xf32, #tpu.memory_space<hbm>>
        tpu.enqueue_indirect_dma source(%dma_start3A_590 : memref<20480x128xf32, #tpu.memory_space<hbm>>) target(%dma_start3A_584 : memref<128x128xf32, #tpu.memory_space<vmem>>) offsets(%dma_start3A_587 : memref<128xi32, #tpu.memory_space<vmem>>) semaphore(%arg16 : memref<!tpu.dma_semaphore, #tpu.memory_space<semaphore_mem>>)
      } else {
      }
      %dma_wait3A_516 = arith.constant 0 : i32
      %dma_wait3A_517 = arith.constant 0 : i32
      %dma_wait3A_518 = tpu.memref_slice %arg8[%and3A_113, %dma_wait3A_516, %dma_wait3A_517] : memref<2x128x128xf32, #tpu.memory_space<vmem>> -> memref<1x128x128xf32, #tpu.memory_space<vmem>>
      %dma_wait3A_519 = tpu.memref_squeeze %dma_wait3A_518 : memref<1x128x128xf32, #tpu.memory_space<vmem>> -> memref<128x128xf32, #tpu.memory_space<vmem>>
      %dma_wait3A_520 = arith.constant 0 : i32
      %dma_wait3A_521 = arith.constant 0 : i32
      %dma_wait3A_522 = tpu.memref_slice %arg2[%dma_wait3A_520, %dma_wait3A_521] : memref<20480x128xf32, #tpu.memory_space<hbm>> -> memref<128x128xf32, #tpu.memory_space<hbm>>
      %dma_wait3A_523 = arith.constant 0 : i32
      %dma_wait3A_524 = arith.constant 0 : i32
      %dma_wait3A_525 = tpu.memref_slice %arg8[%and3A_113, %dma_wait3A_523, %dma_wait3A_524] : memref<2x128x128xf32, #tpu.memory_space<vmem>> -> memref<1x128x128xf32, #tpu.memory_space<vmem>>
      %dma_wait3A_526 = tpu.memref_squeeze %dma_wait3A_525 : memref<1x128x128xf32, #tpu.memory_space<vmem>> -> memref<128x128xf32, #tpu.memory_space<vmem>>
      %dma_wait3A_527 = arith.constant 0 : i32
      %dma_wait3A_528 = arith.constant 0 : i32
      %dma_wait3A_529 = tpu.memref_slice %arg2[%dma_wait3A_527, %dma_wait3A_528] : memref<20480x128xf32, #tpu.memory_space<hbm>> -> memref<128x128xf32, #tpu.memory_space<hbm>>
      tpu.wait_dma2 semaphore(%arg16 : memref<!tpu.dma_semaphore, #tpu.memory_space<semaphore_mem>>) src(%dma_wait3A_529 : memref<128x128xf32, #tpu.memory_space<hbm>>) dst(%dma_wait3A_526 : memref<128x128xf32, #tpu.memory_space<vmem>>)
      %sub3A_530 = arith.constant 2 : i32
      %sub3A_531 = arith.subi %select_n3A, %sub3A_530 : i32
      %lt3A_532 = arith.cmpi slt, %while3A_111, %sub3A_531 : i32
      %convert_element_type3A_533 = arith.extui %lt3A_532 : i1 to i32
      %cond3A_534 = arith.constant 0 : i32
      %cond3A_535 = arith.cmpi ne, %convert_element_type3A_533, %cond3A_534 : i32
      scf.if %cond3A_535 {
        %add3A_552 = arith.addi %add3A, %while3A_111 : i32
        %add3A_553 = arith.constant 2 : i32
        %add3A_554 = arith.addi %add3A_552, %add3A_553 : i32
        %mul3A_555 = arith.constant 128 : i32
        %mul3A_556 = arith.muli %add3A_554, %mul3A_555 : i32
        %dma_start3A_557 = arith.constant 0 : i32
        %dma_start3A_558 = arith.constant 0 : i32
        %dma_start3A_559 = arith.constant 0 : i32
        %dma_start3A_560 = tpu.memref_slice %arg9[%and3A_113, %dma_start3A_558, %dma_start3A_559] : memref<2x2x128xi32, #tpu.memory_space<vmem>> -> memref<1x1x128xi32, #tpu.memory_space<vmem>>
        %dma_start3A_561 = tpu.memref_squeeze %dma_start3A_560 : memref<1x1x128xi32, #tpu.memory_space<vmem>> -> memref<128xi32, #tpu.memory_space<vmem>>
        %dma_start3A_562 = tpu.memref_slice %arg5[%arg0, %dma_start3A_557, %mul3A_556] : memref<2x2x320000xi32, #tpu.memory_space<hbm>> -> memref<1x1x128xi32, #tpu.memory_space<hbm>>
        %dma_start3A_563 = tpu.memref_squeeze %dma_start3A_562 : memref<1x1x128xi32, #tpu.memory_space<hbm>> -> memref<128xi32, #tpu.memory_space<hbm>>
        %dma_start3A_564 = arith.constant 0 : i32
        %dma_start3A_565 = tpu.memref_slice %arg9[%and3A_113, %dma_start3A_558, %dma_start3A_564] : memref<2x2x128xi32, #tpu.memory_space<vmem>> -> memref<1x1x128xi32, #tpu.memory_space<vmem>>
        %dma_start3A_566 = tpu.memref_squeeze %dma_start3A_565 : memref<1x1x128xi32, #tpu.memory_space<vmem>> -> memref<128xi32, #tpu.memory_space<vmem>>
        %dma_start3A_567 = tpu.memref_slice %arg5[%arg0, %dma_start3A_557, %mul3A_556] : memref<2x2x320000xi32, #tpu.memory_space<hbm>> -> memref<1x1x128xi32, #tpu.memory_space<hbm>>
        %dma_start3A_568 = tpu.memref_squeeze %dma_start3A_567 : memref<1x1x128xi32, #tpu.memory_space<hbm>> -> memref<128xi32, #tpu.memory_space<hbm>>
        tpu.enqueue_dma source(%dma_start3A_568 : memref<128xi32, #tpu.memory_space<hbm>>) target(%dma_start3A_566 : memref<128xi32, #tpu.memory_space<vmem>>) target_semaphore(%arg15 : memref<!tpu.dma_semaphore, #tpu.memory_space<semaphore_mem>>)
        %dma_start3A_569 = arith.constant 1 : i32
        %dma_start3A_570 = arith.constant 1 : i32
        %dma_start3A_571 = arith.constant 0 : i32
        %dma_start3A_572 = tpu.memref_slice %arg9[%and3A_113, %dma_start3A_570, %dma_start3A_571] : memref<2x2x128xi32, #tpu.memory_space<vmem>> -> memref<1x1x128xi32, #tpu.memory_space<vmem>>
        %dma_start3A_573 = tpu.memref_squeeze %dma_start3A_572 : memref<1x1x128xi32, #tpu.memory_space<vmem>> -> memref<128xi32, #tpu.memory_space<vmem>>
        %dma_start3A_574 = tpu.memref_slice %arg5[%arg0, %dma_start3A_569, %mul3A_556] : memref<2x2x320000xi32, #tpu.memory_space<hbm>> -> memref<1x1x128xi32, #tpu.memory_space<hbm>>
        %dma_start3A_575 = tpu.memref_squeeze %dma_start3A_574 : memref<1x1x128xi32, #tpu.memory_space<hbm>> -> memref<128xi32, #tpu.memory_space<hbm>>
        %dma_start3A_576 = arith.constant 0 : i32
        %dma_start3A_577 = tpu.memref_slice %arg9[%and3A_113, %dma_start3A_570, %dma_start3A_576] : memref<2x2x128xi32, #tpu.memory_space<vmem>> -> memref<1x1x128xi32, #tpu.memory_space<vmem>>
        %dma_start3A_578 = tpu.memref_squeeze %dma_start3A_577 : memref<1x1x128xi32, #tpu.memory_space<vmem>> -> memref<128xi32, #tpu.memory_space<vmem>>
        %dma_start3A_579 = tpu.memref_slice %arg5[%arg0, %dma_start3A_569, %mul3A_556] : memref<2x2x320000xi32, #tpu.memory_space<hbm>> -> memref<1x1x128xi32, #tpu.memory_space<hbm>>
        %dma_start3A_580 = tpu.memref_squeeze %dma_start3A_579 : memref<1x1x128xi32, #tpu.memory_space<hbm>> -> memref<128xi32, #tpu.memory_space<hbm>>
        tpu.enqueue_dma source(%dma_start3A_580 : memref<128xi32, #tpu.memory_space<hbm>>) target(%dma_start3A_578 : memref<128xi32, #tpu.memory_space<vmem>>) target_semaphore(%arg15 : memref<!tpu.dma_semaphore, #tpu.memory_space<semaphore_mem>>)
      } else {
      }
      %scan3A_536 = arith.constant 0 : i32
      %scan3A_537 = arith.constant 0 : i32
      %scan3A_538 = arith.constant 16 : i32
      %scan3A_539 = arith.addi %scan3A_537, %scan3A_538 : i32
      %scan3A_540 = arith.constant 1 : i32
      scf.for %scan3A_552 = %scan3A_537 to %scan3A_539 step %scan3A_540  : i32 {
        %mul3A_553 = arith.constant 8 : i32
        %mul3A_554 = arith.muli %scan3A_552, %mul3A_553 : i32
        %add3A_555 = arith.constant 0 : i32
        %add3A_556 = arith.addi %mul3A_554, %add3A_555 : i32
        %get3A_557 = arith.index_cast %add3A_556 : i32 to index
        %get3A_558 = tpu.vector_load %arg10[%get3A_557] {strides = array<i32>} : memref<144xf32, #tpu.memory_space<vmem>>, vector<16xf32>,
        %slice3A = vector.extract_strided_slice %get3A_558 {offsets = [0], sizes = [1], strides = [1]} : vector<16xf32> to vector<1xf32>
        %squeeze3A = vector.extract %slice3A[0] : f32 from vector<1xf32>
        %add3A_559 = arith.constant 1 : i32
        %add3A_560 = arith.addi %mul3A_554, %add3A_559 : i32
        %get3A_561 = arith.index_cast %add3A_560 : i32 to index
        %get3A_562 = tpu.vector_load %arg10[%get3A_561] {strides = array<i32>} : memref<144xf32, #tpu.memory_space<vmem>>, vector<16xf32>,
        %slice3A_563 = vector.extract_strided_slice %get3A_562 {offsets = [0], sizes = [1], strides = [1]} : vector<16xf32> to vector<1xf32>
        %squeeze3A_564 = vector.extract %slice3A_563[0] : f32 from vector<1xf32>
        %add3A_565 = arith.constant 2 : i32
        %add3A_566 = arith.addi %mul3A_554, %add3A_565 : i32
        %get3A_567 = arith.index_cast %add3A_566 : i32 to index
        %get3A_568 = tpu.vector_load %arg10[%get3A_567] {strides = array<i32>} : memref<144xf32, #tpu.memory_space<vmem>>, vector<16xf32>,
        %slice3A_569 = vector.extract_strided_slice %get3A_568 {offsets = [0], sizes = [1], strides = [1]} : vector<16xf32> to vector<1xf32>
        %squeeze3A_570 = vector.extract %slice3A_569[0] : f32 from vector<1xf32>
        %add3A_571 = arith.constant 3 : i32
        %add3A_572 = arith.addi %mul3A_554, %add3A_571 : i32
        %get3A_573 = arith.index_cast %add3A_572 : i32 to index
        %get3A_574 = tpu.vector_load %arg10[%get3A_573] {strides = array<i32>} : memref<144xf32, #tpu.memory_space<vmem>>, vector<16xf32>,
        %slice3A_575 = vector.extract_strided_slice %get3A_574 {offsets = [0], sizes = [1], strides = [1]} : vector<16xf32> to vector<1xf32>
        %squeeze3A_576 = vector.extract %slice3A_575[0] : f32 from vector<1xf32>
        %add3A_577 = arith.constant 4 : i32
        %add3A_578 = arith.addi %mul3A_554, %add3A_577 : i32
        %get3A_579 = arith.index_cast %add3A_578 : i32 to index
        %get3A_580 = tpu.vector_load %arg10[%get3A_579] {strides = array<i32>} : memref<144xf32, #tpu.memory_space<vmem>>, vector<16xf32>,
        %slice3A_581 = vector.extract_strided_slice %get3A_580 {offsets = [0], sizes = [1], strides = [1]} : vector<16xf32> to vector<1xf32>
        %squeeze3A_582 = vector.extract %slice3A_581[0] : f32 from vector<1xf32>
        %add3A_583 = arith.constant 5 : i32
        %add3A_584 = arith.addi %mul3A_554, %add3A_583 : i32
        %get3A_585 = arith.index_cast %add3A_584 : i32 to index
        %get3A_586 = tpu.vector_load %arg10[%get3A_585] {strides = array<i32>} : memref<144xf32, #tpu.memory_space<vmem>>, vector<16xf32>,
        %slice3A_587 = vector.extract_strided_slice %get3A_586 {offsets = [0], sizes = [1], strides = [1]} : vector<16xf32> to vector<1xf32>
        %squeeze3A_588 = vector.extract %slice3A_587[0] : f32 from vector<1xf32>
        %add3A_589 = arith.constant 6 : i32
        %add3A_590 = arith.addi %mul3A_554, %add3A_589 : i32
        %get3A_591 = arith.index_cast %add3A_590 : i32 to index
        %get3A_592 = tpu.vector_load %arg10[%get3A_591] {strides = array<i32>} : memref<144xf32, #tpu.memory_space<vmem>>, vector<16xf32>,
        %slice3A_593 = vector.extract_strided_slice %get3A_592 {offsets = [0], sizes = [1], strides = [1]} : vector<16xf32> to vector<1xf32>
        %squeeze3A_594 = vector.extract %slice3A_593[0] : f32 from vector<1xf32>
        %add3A_595 = arith.constant 7 : i32
        %add3A_596 = arith.addi %mul3A_554, %add3A_595 : i32
        %get3A_597 = arith.index_cast %add3A_596 : i32 to index
        %get3A_598 = tpu.vector_load %arg10[%get3A_597] {strides = array<i32>} : memref<144xf32, #tpu.memory_space<vmem>>, vector<16xf32>,
        %slice3A_599 = vector.extract_strided_slice %get3A_598 {offsets = [0], sizes = [1], strides = [1]} : vector<16xf32> to vector<1xf32>
        %squeeze3A_600 = vector.extract %slice3A_599[0] : f32 from vector<1xf32>
        %add3A_601 = arith.constant 0 : i32
        %add3A_602 = arith.addi %mul3A_554, %add3A_601 : i32
        %get3A_603 = arith.index_cast %and3A_113 : i32 to index
        %get3A_604 = arith.index_cast %add3A_602 : i32 to index
        %get3A_605 = arith.constant 0 : index
        %get3A_606 = tpu.vector_load %arg8[%get3A_603, %get3A_604, %get3A_605] {strides = array<i32>} : memref<2x128x128xf32, #tpu.memory_space<vmem>>, vector<16xf32>,
        %mul3A_607 = vector.broadcast %squeeze3A : f32 to vector<16xf32>
        %mul3A_608 = arith.mulf %get3A_606, %mul3A_607 : vector<16xf32>
        %add3A_609 = arith.constant 0 : i32
        %add3A_610 = arith.addi %mul3A_554, %add3A_609 : i32
        %swap3A_611 = arith.index_cast %and3A_113 : i32 to index
        %swap3A_612 = arith.index_cast %add3A_610 : i32 to index
        %swap3A_613 = arith.constant 0 : index
        %swap3A_614 = tpu.vector_load %arg8[%swap3A_611, %swap3A_612, %swap3A_613] {strides = array<i32>} : memref<2x128x128xf32, #tpu.memory_space<vmem>>, vector<16xf32>,
        tpu.vector_store %arg8[%swap3A_611, %swap3A_612, %swap3A_613], %mul3A_608 {strides = array<i32>} : memref<2x128x128xf32, #tpu.memory_space<vmem>>, vector<16xf32>,
        %add3A_615 = arith.constant 0 : i32
        %add3A_616 = arith.addi %mul3A_554, %add3A_615 : i32
        %get3A_617 = arith.index_cast %and3A_113 : i32 to index
        %get3A_618 = arith.index_cast %add3A_616 : i32 to index
        %get3A_619 = arith.constant 16 : index
        %get3A_620 = tpu.vector_load %arg8[%get3A_617, %get3A_618, %get3A_619] {strides = array<i32>} : memref<2x128x128xf32, #tpu.memory_space<vmem>>, vector<16xf32>,
        %mul3A_621 = vector.broadcast %squeeze3A : f32 to vector<16xf32>
        %mul3A_622 = arith.mulf %get3A_620, %mul3A_621 : vector<16xf32>
        %add3A_623 = arith.constant 0 : i32
        %add3A_624 = arith.addi %mul3A_554, %add3A_623 : i32
        %swap3A_625 = arith.index_cast %and3A_113 : i32 to index
        %swap3A_626 = arith.index_cast %add3A_624 : i32 to index
        %swap3A_627 = arith.constant 16 : index
        %swap3A_628 = tpu.vector_load %arg8[%swap3A_625, %swap3A_626, %swap3A_627] {strides = array<i32>} : memref<2x128x128xf32, #tpu.memory_space<vmem>>, vector<16xf32>,
        tpu.vector_store %arg8[%swap3A_625, %swap3A_626, %swap3A_627], %mul3A_622 {strides = array<i32>} : memref<2x128x128xf32, #tpu.memory_space<vmem>>, vector<16xf32>,
        %add3A_629 = arith.constant 0 : i32
        %add3A_630 = arith.addi %mul3A_554, %add3A_629 : i32
        %get3A_631 = arith.index_cast %and3A_113 : i32 to index
        %get3A_632 = arith.index_cast %add3A_630 : i32 to index
        %get3A_633 = arith.constant 32 : index
        %get3A_634 = tpu.vector_load %arg8[%get3A_631, %get3A_632, %get3A_633] {strides = array<i32>} : memref<2x128x128xf32, #tpu.memory_space<vmem>>, vector<16xf32>,
        %mul3A_635 = vector.broadcast %squeeze3A : f32 to vector<16xf32>
        %mul3A_636 = arith.mulf %get3A_634, %mul3A_635 : vector<16xf32>
        %add3A_637 = arith.constant 0 : i32
        %add3A_638 = arith.addi %mul3A_554, %add3A_637 : i32
        %swap3A_639 = arith.index_cast %and3A_113 : i32 to index
        %swap3A_640 = arith.index_cast %add3A_638 : i32 to index
        %swap3A_641 = arith.constant 32 : index
        %swap3A_642 = tpu.vector_load %arg8[%swap3A_639, %swap3A_640, %swap3A_641] {strides = array<i32>} : memref<2x128x128xf32, #tpu.memory_space<vmem>>, vector<16xf32>,
        tpu.vector_store %arg8[%swap3A_639, %swap3A_640, %swap3A_641], %mul3A_636 {strides = array<i32>} : memref<2x128x128xf32, #tpu.memory_space<vmem>>, vector<16xf32>,
        %add3A_643 = arith.constant 0 : i32
        %add3A_644 = arith.addi %mul3A_554, %add3A_643 : i32
        %get3A_645 = arith.index_cast %and3A_113 : i32 to index
        %get3A_646 = arith.index_cast %add3A_644 : i32 to index
        %get3A_647 = arith.constant 48 : index
        %get3A_648 = tpu.vector_load %arg8[%get3A_645, %get3A_646, %get3A_647] {strides = array<i32>} : memref<2x128x128xf32, #tpu.memory_space<vmem>>, vector<16xf32>,
        %mul3A_649 = vector.broadcast %squeeze3A : f32 to vector<16xf32>
        %mul3A_650 = arith.mulf %get3A_648, %mul3A_649 : vector<16xf32>
        %add3A_651 = arith.constant 0 : i32
        %add3A_652 = arith.addi %mul3A_554, %add3A_651 : i32
        %swap3A_653 = arith.index_cast %and3A_113 : i32 to index
        %swap3A_654 = arith.index_cast %add3A_652 : i32 to index
        %swap3A_655 = arith.constant 48 : index
        %swap3A_656 = tpu.vector_load %arg8[%swap3A_653, %swap3A_654, %swap3A_655] {strides = array<i32>} : memref<2x128x128xf32, #tpu.memory_space<vmem>>, vector<16xf32>,
        tpu.vector_store %arg8[%swap3A_653, %swap3A_654, %swap3A_655], %mul3A_650 {strides = array<i32>} : memref<2x128x128xf32, #tpu.memory_space<vmem>>, vector<16xf32>,
        %add3A_657 = arith.constant 0 : i32
        %add3A_658 = arith.addi %mul3A_554, %add3A_657 : i32
        %get3A_659 = arith.index_cast %and3A_113 : i32 to index
        %get3A_660 = arith.index_cast %add3A_658 : i32 to index
        %get3A_661 = arith.constant 64 : index
        %get3A_662 = tpu.vector_load %arg8[%get3A_659, %get3A_660, %get3A_661] {strides = array<i32>} : memref<2x128x128xf32, #tpu.memory_space<vmem>>, vector<16xf32>,
        %mul3A_663 = vector.broadcast %squeeze3A : f32 to vector<16xf32>
        %mul3A_664 = arith.mulf %get3A_662, %mul3A_663 : vector<16xf32>
        %add3A_665 = arith.constant 0 : i32
        %add3A_666 = arith.addi %mul3A_554, %add3A_665 : i32
        %swap3A_667 = arith.index_cast %and3A_113 : i32 to index
        %swap3A_668 = arith.index_cast %add3A_666 : i32 to index
        %swap3A_669 = arith.constant 64 : index
        %swap3A_670 = tpu.vector_load %arg8[%swap3A_667, %swap3A_668, %swap3A_669] {strides = array<i32>} : memref<2x128x128xf32, #tpu.memory_space<vmem>>, vector<16xf32>,
        tpu.vector_store %arg8[%swap3A_667, %swap3A_668, %swap3A_669], %mul3A_664 {strides = array<i32>} : memref<2x128x128xf32, #tpu.memory_space<vmem>>, vector<16xf32>,
        %add3A_671 = arith.constant 0 : i32
        %add3A_672 = arith.addi %mul3A_554, %add3A_671 : i32
        %get3A_673 = arith.index_cast %and3A_113 : i32 to index
        %get3A_674 = arith.index_cast %add3A_672 : i32 to index
        %get3A_675 = arith.constant 80 : index
        %get3A_676 = tpu.vector_load %arg8[%get3A_673, %get3A_674, %get3A_675] {strides = array<i32>} : memref<2x128x128xf32, #tpu.memory_space<vmem>>, vector<16xf32>,
        %mul3A_677 = vector.broadcast %squeeze3A : f32 to vector<16xf32>
        %mul3A_678 = arith.mulf %get3A_676, %mul3A_677 : vector<16xf32>
        %add3A_679 = arith.constant 0 : i32
        %add3A_680 = arith.addi %mul3A_554, %add3A_679 : i32
        %swap3A_681 = arith.index_cast %and3A_113 : i32 to index
        %swap3A_682 = arith.index_cast %add3A_680 : i32 to index
        %swap3A_683 = arith.constant 80 : index
        %swap3A_684 = tpu.vector_load %arg8[%swap3A_681, %swap3A_682, %swap3A_683] {strides = array<i32>} : memref<2x128x128xf32, #tpu.memory_space<vmem>>, vector<16xf32>,
        tpu.vector_store %arg8[%swap3A_681, %swap3A_682, %swap3A_683], %mul3A_678 {strides = array<i32>} : memref<2x128x128xf32, #tpu.memory_space<vmem>>, vector<16xf32>,
        %add3A_685 = arith.constant 0 : i32
        %add3A_686 = arith.addi %mul3A_554, %add3A_685 : i32
        %get3A_687 = arith.index_cast %and3A_113 : i32 to index
        %get3A_688 = arith.index_cast %add3A_686 : i32 to index
        %get3A_689 = arith.constant 96 : index
        %get3A_690 = tpu.vector_load %arg8[%get3A_687, %get3A_688, %get3A_689] {strides = array<i32>} : memref<2x128x128xf32, #tpu.memory_space<vmem>>, vector<16xf32>,
        %mul3A_691 = vector.broadcast %squeeze3A : f32 to vector<16xf32>
        %mul3A_692 = arith.mulf %get3A_690, %mul3A_691 : vector<16xf32>
        %add3A_693 = arith.constant 0 : i32
        %add3A_694 = arith.addi %mul3A_554, %add3A_693 : i32
        %swap3A_695 = arith.index_cast %and3A_113 : i32 to index
        %swap3A_696 = arith.index_cast %add3A_694 : i32 to index
        %swap3A_697 = arith.constant 96 : index
        %swap3A_698 = tpu.vector_load %arg8[%swap3A_695, %swap3A_696, %swap3A_697] {strides = array<i32>} : memref<2x128x128xf32, #tpu.memory_space<vmem>>, vector<16xf32>,
        tpu.vector_store %arg8[%swap3A_695, %swap3A_696, %swap3A_697], %mul3A_692 {strides = array<i32>} : memref<2x128x128xf32, #tpu.memory_space<vmem>>, vector<16xf32>,
        %add3A_699 = arith.constant 0 : i32
        %add3A_700 = arith.addi %mul3A_554, %add3A_699 : i32
        %get3A_701 = arith.index_cast %and3A_113 : i32 to index
        %get3A_702 = arith.index_cast %add3A_700 : i32 to index
        %get3A_703 = arith.constant 112 : index
        %get3A_704 = tpu.vector_load %arg8[%get3A_701, %get3A_702, %get3A_703] {strides = array<i32>} : memref<2x128x128xf32, #tpu.memory_space<vmem>>, vector<16xf32>,
        %mul3A_705 = vector.broadcast %squeeze3A : f32 to vector<16xf32>
        %mul3A_706 = arith.mulf %get3A_704, %mul3A_705 : vector<16xf32>
        %add3A_707 = arith.constant 0 : i32
        %add3A_708 = arith.addi %mul3A_554, %add3A_707 : i32
        %swap3A_709 = arith.index_cast %and3A_113 : i32 to index
        %swap3A_710 = arith.index_cast %add3A_708 : i32 to index
        %swap3A_711 = arith.constant 112 : index
        %swap3A_712 = tpu.vector_load %arg8[%swap3A_709, %swap3A_710, %swap3A_711] {strides = array<i32>} : memref<2x128x128xf32, #tpu.memory_space<vmem>>, vector<16xf32>,
        tpu.vector_store %arg8[%swap3A_709, %swap3A_710, %swap3A_711], %mul3A_706 {strides = array<i32>} : memref<2x128x128xf32, #tpu.memory_space<vmem>>, vector<16xf32>,
        %add3A_713 = arith.constant 1 : i32
        %add3A_714 = arith.addi %mul3A_554, %add3A_713 : i32
        %get3A_715 = arith.index_cast %and3A_113 : i32 to index
        %get3A_716 = arith.index_cast %add3A_714 : i32 to index
        %get3A_717 = arith.constant 0 : index
        %get3A_718 = tpu.vector_load %arg8[%get3A_715, %get3A_716, %get3A_717] {strides = array<i32>} : memref<2x128x128xf32, #tpu.memory_space<vmem>>, vector<16xf32>,
        %mul3A_719 = vector.broadcast %squeeze3A_564 : f32 to vector<16xf32>
        %mul3A_720 = arith.mulf %get3A_718, %mul3A_719 : vector<16xf32>
        %add3A_721 = arith.constant 1 : i32
        %add3A_722 = arith.addi %mul3A_554, %add3A_721 : i32
        %swap3A_723 = arith.index_cast %and3A_113 : i32 to index
        %swap3A_724 = arith.index_cast %add3A_722 : i32 to index
        %swap3A_725 = arith.constant 0 : index
        %swap3A_726 = tpu.vector_load %arg8[%swap3A_723, %swap3A_724, %swap3A_725] {strides = array<i32>} : memref<2x128x128xf32, #tpu.memory_space<vmem>>, vector<16xf32>,
        tpu.vector_store %arg8[%swap3A_723, %swap3A_724, %swap3A_725], %mul3A_720 {strides = array<i32>} : memref<2x128x128xf32, #tpu.memory_space<vmem>>, vector<16xf32>,
        %add3A_727 = arith.constant 1 : i32
        %add3A_728 = arith.addi %mul3A_554, %add3A_727 : i32
        %get3A_729 = arith.index_cast %and3A_113 : i32 to index
        %get3A_730 = arith.index_cast %add3A_728 : i32 to index
        %get3A_731 = arith.constant 16 : index
        %get3A_732 = tpu.vector_load %arg8[%get3A_729, %get3A_730, %get3A_731] {strides = array<i32>} : memref<2x128x128xf32, #tpu.memory_space<vmem>>, vector<16xf32>,
        %mul3A_733 = vector.broadcast %squeeze3A_564 : f32 to vector<16xf32>
        %mul3A_734 = arith.mulf %get3A_732, %mul3A_733 : vector<16xf32>
        %add3A_735 = arith.constant 1 : i32
        %add3A_736 = arith.addi %mul3A_554, %add3A_735 : i32
        %swap3A_737 = arith.index_cast %and3A_113 : i32 to index
        %swap3A_738 = arith.index_cast %add3A_736 : i32 to index
        %swap3A_739 = arith.constant 16 : index
        %swap3A_740 = tpu.vector_load %arg8[%swap3A_737, %swap3A_738, %swap3A_739] {strides = array<i32>} : memref<2x128x128xf32, #tpu.memory_space<vmem>>, vector<16xf32>,
        tpu.vector_store %arg8[%swap3A_737, %swap3A_738, %swap3A_739], %mul3A_734 {strides = array<i32>} : memref<2x128x128xf32, #tpu.memory_space<vmem>>, vector<16xf32>,
        %add3A_741 = arith.constant 1 : i32
        %add3A_742 = arith.addi %mul3A_554, %add3A_741 : i32
        %get3A_743 = arith.index_cast %and3A_113 : i32 to index
        %get3A_744 = arith.index_cast %add3A_742 : i32 to index
        %get3A_745 = arith.constant 32 : index
        %get3A_746 = tpu.vector_load %arg8[%get3A_743, %get3A_744, %get3A_745] {strides = array<i32>} : memref<2x128x128xf32, #tpu.memory_space<vmem>>, vector<16xf32>,
        %mul3A_747 = vector.broadcast %squeeze3A_564 : f32 to vector<16xf32>
        %mul3A_748 = arith.mulf %get3A_746, %mul3A_747 : vector<16xf32>
        %add3A_749 = arith.constant 1 : i32
        %add3A_750 = arith.addi %mul3A_554, %add3A_749 : i32
        %swap3A_751 = arith.index_cast %and3A_113 : i32 to index
        %swap3A_752 = arith.index_cast %add3A_750 : i32 to index
        %swap3A_753 = arith.constant 32 : index
        %swap3A_754 = tpu.vector_load %arg8[%swap3A_751, %swap3A_752, %swap3A_753] {strides = array<i32>} : memref<2x128x128xf32, #tpu.memory_space<vmem>>, vector<16xf32>,
        tpu.vector_store %arg8[%swap3A_751, %swap3A_752, %swap3A_753], %mul3A_748 {strides = array<i32>} : memref<2x128x128xf32, #tpu.memory_space<vmem>>, vector<16xf32>,
        %add3A_755 = arith.constant 1 : i32
        %add3A_756 = arith.addi %mul3A_554, %add3A_755 : i32
        %get3A_757 = arith.index_cast %and3A_113 : i32 to index
        %get3A_758 = arith.index_cast %add3A_756 : i32 to index
        %get3A_759 = arith.constant 48 : index
        %get3A_760 = tpu.vector_load %arg8[%get3A_757, %get3A_758, %get3A_759] {strides = array<i32>} : memref<2x128x128xf32, #tpu.memory_space<vmem>>, vector<16xf32>,
        %mul3A_761 = vector.broadcast %squeeze3A_564 : f32 to vector<16xf32>
        %mul3A_762 = arith.mulf %get3A_760, %mul3A_761 : vector<16xf32>
        %add3A_763 = arith.constant 1 : i32
        %add3A_764 = arith.addi %mul3A_554, %add3A_763 : i32
        %swap3A_765 = arith.index_cast %and3A_113 : i32 to index
        %swap3A_766 = arith.index_cast %add3A_764 : i32 to index
        %swap3A_767 = arith.constant 48 : index
        %swap3A_768 = tpu.vector_load %arg8[%swap3A_765, %swap3A_766, %swap3A_767] {strides = array<i32>} : memref<2x128x128xf32, #tpu.memory_space<vmem>>, vector<16xf32>,
        tpu.vector_store %arg8[%swap3A_765, %swap3A_766, %swap3A_767], %mul3A_762 {strides = array<i32>} : memref<2x128x128xf32, #tpu.memory_space<vmem>>, vector<16xf32>,
        %add3A_769 = arith.constant 1 : i32
        %add3A_770 = arith.addi %mul3A_554, %add3A_769 : i32
        %get3A_771 = arith.index_cast %and3A_113 : i32 to index
        %get3A_772 = arith.index_cast %add3A_770 : i32 to index
        %get3A_773 = arith.constant 64 : index
        %get3A_774 = tpu.vector_load %arg8[%get3A_771, %get3A_772, %get3A_773] {strides = array<i32>} : memref<2x128x128xf32, #tpu.memory_space<vmem>>, vector<16xf32>,
        %mul3A_775 = vector.broadcast %squeeze3A_564 : f32 to vector<16xf32>
        %mul3A_776 = arith.mulf %get3A_774, %mul3A_775 : vector<16xf32>
        %add3A_777 = arith.constant 1 : i32
        %add3A_778 = arith.addi %mul3A_554, %add3A_777 : i32
        %swap3A_779 = arith.index_cast %and3A_113 : i32 to index
        %swap3A_780 = arith.index_cast %add3A_778 : i32 to index
        %swap3A_781 = arith.constant 64 : index
        %swap3A_782 = tpu.vector_load %arg8[%swap3A_779, %swap3A_780, %swap3A_781] {strides = array<i32>} : memref<2x128x128xf32, #tpu.memory_space<vmem>>, vector<16xf32>,
        tpu.vector_store %arg8[%swap3A_779, %swap3A_780, %swap3A_781], %mul3A_776 {strides = array<i32>} : memref<2x128x128xf32, #tpu.memory_space<vmem>>, vector<16xf32>,
        %add3A_783 = arith.constant 1 : i32
        %add3A_784 = arith.addi %mul3A_554, %add3A_783 : i32
        %get3A_785 = arith.index_cast %and3A_113 : i32 to index
        %get3A_786 = arith.index_cast %add3A_784 : i32 to index
        %get3A_787 = arith.constant 80 : index
        %get3A_788 = tpu.vector_load %arg8[%get3A_785, %get3A_786, %get3A_787] {strides = array<i32>} : memref<2x128x128xf32, #tpu.memory_space<vmem>>, vector<16xf32>,
        %mul3A_789 = vector.broadcast %squeeze3A_564 : f32 to vector<16xf32>
        %mul3A_790 = arith.mulf %get3A_788, %mul3A_789 : vector<16xf32>
        %add3A_791 = arith.constant 1 : i32
        %add3A_792 = arith.addi %mul3A_554, %add3A_791 : i32
        %swap3A_793 = arith.index_cast %and3A_113 : i32 to index
        %swap3A_794 = arith.index_cast %add3A_792 : i32 to index
        %swap3A_795 = arith.constant 80 : index
        %swap3A_796 = tpu.vector_load %arg8[%swap3A_793, %swap3A_794, %swap3A_795] {strides = array<i32>} : memref<2x128x128xf32, #tpu.memory_space<vmem>>, vector<16xf32>,
        tpu.vector_store %arg8[%swap3A_793, %swap3A_794, %swap3A_795], %mul3A_790 {strides = array<i32>} : memref<2x128x128xf32, #tpu.memory_space<vmem>>, vector<16xf32>,
        %add3A_797 = arith.constant 1 : i32
        %add3A_798 = arith.addi %mul3A_554, %add3A_797 : i32
        %get3A_799 = arith.index_cast %and3A_113 : i32 to index
        %get3A_800 = arith.index_cast %add3A_798 : i32 to index
        %get3A_801 = arith.constant 96 : index
        %get3A_802 = tpu.vector_load %arg8[%get3A_799, %get3A_800, %get3A_801] {strides = array<i32>} : memref<2x128x128xf32, #tpu.memory_space<vmem>>, vector<16xf32>,
        %mul3A_803 = vector.broadcast %squeeze3A_564 : f32 to vector<16xf32>
        %mul3A_804 = arith.mulf %get3A_802, %mul3A_803 : vector<16xf32>
        %add3A_805 = arith.constant 1 : i32
        %add3A_806 = arith.addi %mul3A_554, %add3A_805 : i32
        %swap3A_807 = arith.index_cast %and3A_113 : i32 to index
        %swap3A_808 = arith.index_cast %add3A_806 : i32 to index
        %swap3A_809 = arith.constant 96 : index
        %swap3A_810 = tpu.vector_load %arg8[%swap3A_807, %swap3A_808, %swap3A_809] {strides = array<i32>} : memref<2x128x128xf32, #tpu.memory_space<vmem>>, vector<16xf32>,
        tpu.vector_store %arg8[%swap3A_807, %swap3A_808, %swap3A_809], %mul3A_804 {strides = array<i32>} : memref<2x128x128xf32, #tpu.memory_space<vmem>>, vector<16xf32>,
        %add3A_811 = arith.constant 1 : i32
        %add3A_812 = arith.addi %mul3A_554, %add3A_811 : i32
        %get3A_813 = arith.index_cast %and3A_113 : i32 to index
        %get3A_814 = arith.index_cast %add3A_812 : i32 to index
        %get3A_815 = arith.constant 112 : index
        %get3A_816 = tpu.vector_load %arg8[%get3A_813, %get3A_814, %get3A_815] {strides = array<i32>} : memref<2x128x128xf32, #tpu.memory_space<vmem>>, vector<16xf32>,
        %mul3A_817 = vector.broadcast %squeeze3A_564 : f32 to vector<16xf32>
        %mul3A_818 = arith.mulf %get3A_816, %mul3A_817 : vector<16xf32>
        %add3A_819 = arith.constant 1 : i32
        %add3A_820 = arith.addi %mul3A_554, %add3A_819 : i32
        %swap3A_821 = arith.index_cast %and3A_113 : i32 to index
        %swap3A_822 = arith.index_cast %add3A_820 : i32 to index
        %swap3A_823 = arith.constant 112 : index
        %swap3A_824 = tpu.vector_load %arg8[%swap3A_821, %swap3A_822, %swap3A_823] {strides = array<i32>} : memref<2x128x128xf32, #tpu.memory_space<vmem>>, vector<16xf32>,
        tpu.vector_store %arg8[%swap3A_821, %swap3A_822, %swap3A_823], %mul3A_818 {strides = array<i32>} : memref<2x128x128xf32, #tpu.memory_space<vmem>>, vector<16xf32>,
        %add3A_825 = arith.constant 2 : i32
        %add3A_826 = arith.addi %mul3A_554, %add3A_825 : i32
        %get3A_827 = arith.index_cast %and3A_113 : i32 to index
        %get3A_828 = arith.index_cast %add3A_826 : i32 to index
        %get3A_829 = arith.constant 0 : index
        %get3A_830 = tpu.vector_load %arg8[%get3A_827, %get3A_828, %get3A_829] {strides = array<i32>} : memref<2x128x128xf32, #tpu.memory_space<vmem>>, vector<16xf32>,
        %mul3A_831 = vector.broadcast %squeeze3A_570 : f32 to vector<16xf32>
        %mul3A_832 = arith.mulf %get3A_830, %mul3A_831 : vector<16xf32>
        %add3A_833 = arith.constant 2 : i32
        %add3A_834 = arith.addi %mul3A_554, %add3A_833 : i32
        %swap3A_835 = arith.index_cast %and3A_113 : i32 to index
        %swap3A_836 = arith.index_cast %add3A_834 : i32 to index
        %swap3A_837 = arith.constant 0 : index
        %swap3A_838 = tpu.vector_load %arg8[%swap3A_835, %swap3A_836, %swap3A_837] {strides = array<i32>} : memref<2x128x128xf32, #tpu.memory_space<vmem>>, vector<16xf32>,
        tpu.vector_store %arg8[%swap3A_835, %swap3A_836, %swap3A_837], %mul3A_832 {strides = array<i32>} : memref<2x128x128xf32, #tpu.memory_space<vmem>>, vector<16xf32>,
        %add3A_839 = arith.constant 2 : i32
        %add3A_840 = arith.addi %mul3A_554, %add3A_839 : i32
        %get3A_841 = arith.index_cast %and3A_113 : i32 to index
        %get3A_842 = arith.index_cast %add3A_840 : i32 to index
        %get3A_843 = arith.constant 16 : index
        %get3A_844 = tpu.vector_load %arg8[%get3A_841, %get3A_842, %get3A_843] {strides = array<i32>} : memref<2x128x128xf32, #tpu.memory_space<vmem>>, vector<16xf32>,
        %mul3A_845 = vector.broadcast %squeeze3A_570 : f32 to vector<16xf32>
        %mul3A_846 = arith.mulf %get3A_844, %mul3A_845 : vector<16xf32>
        %add3A_847 = arith.constant 2 : i32
        %add3A_848 = arith.addi %mul3A_554, %add3A_847 : i32
        %swap3A_849 = arith.index_cast %and3A_113 : i32 to index
        %swap3A_850 = arith.index_cast %add3A_848 : i32 to index
        %swap3A_851 = arith.constant 16 : index
        %swap3A_852 = tpu.vector_load %arg8[%swap3A_849, %swap3A_850, %swap3A_851] {strides = array<i32>} : memref<2x128x128xf32, #tpu.memory_space<vmem>>, vector<16xf32>,
        tpu.vector_store %arg8[%swap3A_849, %swap3A_850, %swap3A_851], %mul3A_846 {strides = array<i32>} : memref<2x128x128xf32, #tpu.memory_space<vmem>>, vector<16xf32>,
        %add3A_853 = arith.constant 2 : i32
        %add3A_854 = arith.addi %mul3A_554, %add3A_853 : i32
        %get3A_855 = arith.index_cast %and3A_113 : i32 to index
        %get3A_856 = arith.index_cast %add3A_854 : i32 to index
        %get3A_857 = arith.constant 32 : index
        %get3A_858 = tpu.vector_load %arg8[%get3A_855, %get3A_856, %get3A_857] {strides = array<i32>} : memref<2x128x128xf32, #tpu.memory_space<vmem>>, vector<16xf32>,
        %mul3A_859 = vector.broadcast %squeeze3A_570 : f32 to vector<16xf32>
        %mul3A_860 = arith.mulf %get3A_858, %mul3A_859 : vector<16xf32>
        %add3A_861 = arith.constant 2 : i32
        %add3A_862 = arith.addi %mul3A_554, %add3A_861 : i32
        %swap3A_863 = arith.index_cast %and3A_113 : i32 to index
        %swap3A_864 = arith.index_cast %add3A_862 : i32 to index
        %swap3A_865 = arith.constant 32 : index
        %swap3A_866 = tpu.vector_load %arg8[%swap3A_863, %swap3A_864, %swap3A_865] {strides = array<i32>} : memref<2x128x128xf32, #tpu.memory_space<vmem>>, vector<16xf32>,
        tpu.vector_store %arg8[%swap3A_863, %swap3A_864, %swap3A_865], %mul3A_860 {strides = array<i32>} : memref<2x128x128xf32, #tpu.memory_space<vmem>>, vector<16xf32>,
        %add3A_867 = arith.constant 2 : i32
        %add3A_868 = arith.addi %mul3A_554, %add3A_867 : i32
        %get3A_869 = arith.index_cast %and3A_113 : i32 to index
        %get3A_870 = arith.index_cast %add3A_868 : i32 to index
        %get3A_871 = arith.constant 48 : index
        %get3A_872 = tpu.vector_load %arg8[%get3A_869, %get3A_870, %get3A_871] {strides = array<i32>} : memref<2x128x128xf32, #tpu.memory_space<vmem>>, vector<16xf32>,
        %mul3A_873 = vector.broadcast %squeeze3A_570 : f32 to vector<16xf32>
        %mul3A_874 = arith.mulf %get3A_872, %mul3A_873 : vector<16xf32>
        %add3A_875 = arith.constant 2 : i32
        %add3A_876 = arith.addi %mul3A_554, %add3A_875 : i32
        %swap3A_877 = arith.index_cast %and3A_113 : i32 to index
        %swap3A_878 = arith.index_cast %add3A_876 : i32 to index
        %swap3A_879 = arith.constant 48 : index
        %swap3A_880 = tpu.vector_load %arg8[%swap3A_877, %swap3A_878, %swap3A_879] {strides = array<i32>} : memref<2x128x128xf32, #tpu.memory_space<vmem>>, vector<16xf32>,
        tpu.vector_store %arg8[%swap3A_877, %swap3A_878, %swap3A_879], %mul3A_874 {strides = array<i32>} : memref<2x128x128xf32, #tpu.memory_space<vmem>>, vector<16xf32>,
        %add3A_881 = arith.constant 2 : i32
        %add3A_882 = arith.addi %mul3A_554, %add3A_881 : i32
        %get3A_883 = arith.index_cast %and3A_113 : i32 to index
        %get3A_884 = arith.index_cast %add3A_882 : i32 to index
        %get3A_885 = arith.constant 64 : index
        %get3A_886 = tpu.vector_load %arg8[%get3A_883, %get3A_884, %get3A_885] {strides = array<i32>} : memref<2x128x128xf32, #tpu.memory_space<vmem>>, vector<16xf32>,
        %mul3A_887 = vector.broadcast %squeeze3A_570 : f32 to vector<16xf32>
        %mul3A_888 = arith.mulf %get3A_886, %mul3A_887 : vector<16xf32>
        %add3A_889 = arith.constant 2 : i32
        %add3A_890 = arith.addi %mul3A_554, %add3A_889 : i32
        %swap3A_891 = arith.index_cast %and3A_113 : i32 to index
        %swap3A_892 = arith.index_cast %add3A_890 : i32 to index
        %swap3A_893 = arith.constant 64 : index
        %swap3A_894 = tpu.vector_load %arg8[%swap3A_891, %swap3A_892, %swap3A_893] {strides = array<i32>} : memref<2x128x128xf32, #tpu.memory_space<vmem>>, vector<16xf32>,
        tpu.vector_store %arg8[%swap3A_891, %swap3A_892, %swap3A_893], %mul3A_888 {strides = array<i32>} : memref<2x128x128xf32, #tpu.memory_space<vmem>>, vector<16xf32>,
        %add3A_895 = arith.constant 2 : i32
        %add3A_896 = arith.addi %mul3A_554, %add3A_895 : i32
        %get3A_897 = arith.index_cast %and3A_113 : i32 to index
        %get3A_898 = arith.index_cast %add3A_896 : i32 to index
        %get3A_899 = arith.constant 80 : index
        %get3A_900 = tpu.vector_load %arg8[%get3A_897, %get3A_898, %get3A_899] {strides = array<i32>} : memref<2x128x128xf32, #tpu.memory_space<vmem>>, vector<16xf32>,
        %mul3A_901 = vector.broadcast %squeeze3A_570 : f32 to vector<16xf32>
        %mul3A_902 = arith.mulf %get3A_900, %mul3A_901 : vector<16xf32>
        %add3A_903 = arith.constant 2 : i32
        %add3A_904 = arith.addi %mul3A_554, %add3A_903 : i32
        %swap3A_905 = arith.index_cast %and3A_113 : i32 to index
        %swap3A_906 = arith.index_cast %add3A_904 : i32 to index
        %swap3A_907 = arith.constant 80 : index
        %swap3A_908 = tpu.vector_load %arg8[%swap3A_905, %swap3A_906, %swap3A_907] {strides = array<i32>} : memref<2x128x128xf32, #tpu.memory_space<vmem>>, vector<16xf32>,
        tpu.vector_store %arg8[%swap3A_905, %swap3A_906, %swap3A_907], %mul3A_902 {strides = array<i32>} : memref<2x128x128xf32, #tpu.memory_space<vmem>>, vector<16xf32>,
        %add3A_909 = arith.constant 2 : i32
        %add3A_910 = arith.addi %mul3A_554, %add3A_909 : i32
        %get3A_911 = arith.index_cast %and3A_113 : i32 to index
        %get3A_912 = arith.index_cast %add3A_910 : i32 to index
        %get3A_913 = arith.constant 96 : index
        %get3A_914 = tpu.vector_load %arg8[%get3A_911, %get3A_912, %get3A_913] {strides = array<i32>} : memref<2x128x128xf32, #tpu.memory_space<vmem>>, vector<16xf32>,
        %mul3A_915 = vector.broadcast %squeeze3A_570 : f32 to vector<16xf32>
        %mul3A_916 = arith.mulf %get3A_914, %mul3A_915 : vector<16xf32>
        %add3A_917 = arith.constant 2 : i32
        %add3A_918 = arith.addi %mul3A_554, %add3A_917 : i32
        %swap3A_919 = arith.index_cast %and3A_113 : i32 to index
        %swap3A_920 = arith.index_cast %add3A_918 : i32 to index
        %swap3A_921 = arith.constant 96 : index
        %swap3A_922 = tpu.vector_load %arg8[%swap3A_919, %swap3A_920, %swap3A_921] {strides = array<i32>} : memref<2x128x128xf32, #tpu.memory_space<vmem>>, vector<16xf32>,
        tpu.vector_store %arg8[%swap3A_919, %swap3A_920, %swap3A_921], %mul3A_916 {strides = array<i32>} : memref<2x128x128xf32, #tpu.memory_space<vmem>>, vector<16xf32>,
        %add3A_923 = arith.constant 2 : i32
        %add3A_924 = arith.addi %mul3A_554, %add3A_923 : i32
        %get3A_925 = arith.index_cast %and3A_113 : i32 to index
        %get3A_926 = arith.index_cast %add3A_924 : i32 to index
        %get3A_927 = arith.constant 112 : index
        %get3A_928 = tpu.vector_load %arg8[%get3A_925, %get3A_926, %get3A_927] {strides = array<i32>} : memref<2x128x128xf32, #tpu.memory_space<vmem>>, vector<16xf32>,
        %mul3A_929 = vector.broadcast %squeeze3A_570 : f32 to vector<16xf32>
        %mul3A_930 = arith.mulf %get3A_928, %mul3A_929 : vector<16xf32>
        %add3A_931 = arith.constant 2 : i32
        %add3A_932 = arith.addi %mul3A_554, %add3A_931 : i32
        %swap3A_933 = arith.index_cast %and3A_113 : i32 to index
        %swap3A_934 = arith.index_cast %add3A_932 : i32 to index
        %swap3A_935 = arith.constant 112 : index
        %swap3A_936 = tpu.vector_load %arg8[%swap3A_933, %swap3A_934, %swap3A_935] {strides = array<i32>} : memref<2x128x128xf32, #tpu.memory_space<vmem>>, vector<16xf32>,
        tpu.vector_store %arg8[%swap3A_933, %swap3A_934, %swap3A_935], %mul3A_930 {strides = array<i32>} : memref<2x128x128xf32, #tpu.memory_space<vmem>>, vector<16xf32>,
        %add3A_937 = arith.constant 3 : i32
        %add3A_938 = arith.addi %mul3A_554, %add3A_937 : i32
        %get3A_939 = arith.index_cast %and3A_113 : i32 to index
        %get3A_940 = arith.index_cast %add3A_938 : i32 to index
        %get3A_941 = arith.constant 0 : index
        %get3A_942 = tpu.vector_load %arg8[%get3A_939, %get3A_940, %get3A_941] {strides = array<i32>} : memref<2x128x128xf32, #tpu.memory_space<vmem>>, vector<16xf32>,
        %mul3A_943 = vector.broadcast %squeeze3A_576 : f32 to vector<16xf32>
        %mul3A_944 = arith.mulf %get3A_942, %mul3A_943 : vector<16xf32>
        %add3A_945 = arith.constant 3 : i32
        %add3A_946 = arith.addi %mul3A_554, %add3A_945 : i32
        %swap3A_947 = arith.index_cast %and3A_113 : i32 to index
        %swap3A_948 = arith.index_cast %add3A_946 : i32 to index
        %swap3A_949 = arith.constant 0 : index
        %swap3A_950 = tpu.vector_load %arg8[%swap3A_947, %swap3A_948, %swap3A_949] {strides = array<i32>} : memref<2x128x128xf32, #tpu.memory_space<vmem>>, vector<16xf32>,
        tpu.vector_store %arg8[%swap3A_947, %swap3A_948, %swap3A_949], %mul3A_944 {strides = array<i32>} : memref<2x128x128xf32, #tpu.memory_space<vmem>>, vector<16xf32>,
        %add3A_951 = arith.constant 3 : i32
        %add3A_952 = arith.addi %mul3A_554, %add3A_951 : i32
        %get3A_953 = arith.index_cast %and3A_113 : i32 to index
        %get3A_954 = arith.index_cast %add3A_952 : i32 to index
        %get3A_955 = arith.constant 16 : index
        %get3A_956 = tpu.vector_load %arg8[%get3A_953, %get3A_954, %get3A_955] {strides = array<i32>} : memref<2x128x128xf32, #tpu.memory_space<vmem>>, vector<16xf32>,
        %mul3A_957 = vector.broadcast %squeeze3A_576 : f32 to vector<16xf32>
        %mul3A_958 = arith.mulf %get3A_956, %mul3A_957 : vector<16xf32>
        %add3A_959 = arith.constant 3 : i32
        %add3A_960 = arith.addi %mul3A_554, %add3A_959 : i32
        %swap3A_961 = arith.index_cast %and3A_113 : i32 to index
        %swap3A_962 = arith.index_cast %add3A_960 : i32 to index
        %swap3A_963 = arith.constant 16 : index
        %swap3A_964 = tpu.vector_load %arg8[%swap3A_961, %swap3A_962, %swap3A_963] {strides = array<i32>} : memref<2x128x128xf32, #tpu.memory_space<vmem>>, vector<16xf32>,
        tpu.vector_store %arg8[%swap3A_961, %swap3A_962, %swap3A_963], %mul3A_958 {strides = array<i32>} : memref<2x128x128xf32, #tpu.memory_space<vmem>>, vector<16xf32>,
        %add3A_965 = arith.constant 3 : i32
        %add3A_966 = arith.addi %mul3A_554, %add3A_965 : i32
        %get3A_967 = arith.index_cast %and3A_113 : i32 to index
        %get3A_968 = arith.index_cast %add3A_966 : i32 to index
        %get3A_969 = arith.constant 32 : index
        %get3A_970 = tpu.vector_load %arg8[%get3A_967, %get3A_968, %get3A_969] {strides = array<i32>} : memref<2x128x128xf32, #tpu.memory_space<vmem>>, vector<16xf32>,
        %mul3A_971 = vector.broadcast %squeeze3A_576 : f32 to vector<16xf32>
        %mul3A_972 = arith.mulf %get3A_970, %mul3A_971 : vector<16xf32>
        %add3A_973 = arith.constant 3 : i32
        %add3A_974 = arith.addi %mul3A_554, %add3A_973 : i32
        %swap3A_975 = arith.index_cast %and3A_113 : i32 to index
        %swap3A_976 = arith.index_cast %add3A_974 : i32 to index
        %swap3A_977 = arith.constant 32 : index
        %swap3A_978 = tpu.vector_load %arg8[%swap3A_975, %swap3A_976, %swap3A_977] {strides = array<i32>} : memref<2x128x128xf32, #tpu.memory_space<vmem>>, vector<16xf32>,
        tpu.vector_store %arg8[%swap3A_975, %swap3A_976, %swap3A_977], %mul3A_972 {strides = array<i32>} : memref<2x128x128xf32, #tpu.memory_space<vmem>>, vector<16xf32>,
        %add3A_979 = arith.constant 3 : i32
        %add3A_980 = arith.addi %mul3A_554, %add3A_979 : i32
        %get3A_981 = arith.index_cast %and3A_113 : i32 to index
        %get3A_982 = arith.index_cast %add3A_980 : i32 to index
        %get3A_983 = arith.constant 48 : index
        %get3A_984 = tpu.vector_load %arg8[%get3A_981, %get3A_982, %get3A_983] {strides = array<i32>} : memref<2x128x128xf32, #tpu.memory_space<vmem>>, vector<16xf32>,
        %mul3A_985 = vector.broadcast %squeeze3A_576 : f32 to vector<16xf32>
        %mul3A_986 = arith.mulf %get3A_984, %mul3A_985 : vector<16xf32>
        %add3A_987 = arith.constant 3 : i32
        %add3A_988 = arith.addi %mul3A_554, %add3A_987 : i32
        %swap3A_989 = arith.index_cast %and3A_113 : i32 to index
        %swap3A_990 = arith.index_cast %add3A_988 : i32 to index
        %swap3A_991 = arith.constant 48 : index
        %swap3A_992 = tpu.vector_load %arg8[%swap3A_989, %swap3A_990, %swap3A_991] {strides = array<i32>} : memref<2x128x128xf32, #tpu.memory_space<vmem>>, vector<16xf32>,
        tpu.vector_store %arg8[%swap3A_989, %swap3A_990, %swap3A_991], %mul3A_986 {strides = array<i32>} : memref<2x128x128xf32, #tpu.memory_space<vmem>>, vector<16xf32>,
        %add3A_993 = arith.constant 3 : i32
        %add3A_994 = arith.addi %mul3A_554, %add3A_993 : i32
        %get3A_995 = arith.index_cast %and3A_113 : i32 to index
        %get3A_996 = arith.index_cast %add3A_994 : i32 to index
        %get3A_997 = arith.constant 64 : index
        %get3A_998 = tpu.vector_load %arg8[%get3A_995, %get3A_996, %get3A_997] {strides = array<i32>} : memref<2x128x128xf32, #tpu.memory_space<vmem>>, vector<16xf32>,
        %mul3A_999 = vector.broadcast %squeeze3A_576 : f32 to vector<16xf32>
        %mul3A_1000 = arith.mulf %get3A_998, %mul3A_999 : vector<16xf32>
        %add3A_1001 = arith.constant 3 : i32
        %add3A_1002 = arith.addi %mul3A_554, %add3A_1001 : i32
        %swap3A_1003 = arith.index_cast %and3A_113 : i32 to index
        %swap3A_1004 = arith.index_cast %add3A_1002 : i32 to index
        %swap3A_1005 = arith.constant 64 : index
        %swap3A_1006 = tpu.vector_load %arg8[%swap3A_1003, %swap3A_1004, %swap3A_1005] {strides = array<i32>} : memref<2x128x128xf32, #tpu.memory_space<vmem>>, vector<16xf32>,
        tpu.vector_store %arg8[%swap3A_1003, %swap3A_1004, %swap3A_1005], %mul3A_1000 {strides = array<i32>} : memref<2x128x128xf32, #tpu.memory_space<vmem>>, vector<16xf32>,
        %add3A_1007 = arith.constant 3 : i32
        %add3A_1008 = arith.addi %mul3A_554, %add3A_1007 : i32
        %get3A_1009 = arith.index_cast %and3A_113 : i32 to index
        %get3A_1010 = arith.index_cast %add3A_1008 : i32 to index
        %get3A_1011 = arith.constant 80 : index
        %get3A_1012 = tpu.vector_load %arg8[%get3A_1009, %get3A_1010, %get3A_1011] {strides = array<i32>} : memref<2x128x128xf32, #tpu.memory_space<vmem>>, vector<16xf32>,
        %mul3A_1013 = vector.broadcast %squeeze3A_576 : f32 to vector<16xf32>
        %mul3A_1014 = arith.mulf %get3A_1012, %mul3A_1013 : vector<16xf32>
        %add3A_1015 = arith.constant 3 : i32
        %add3A_1016 = arith.addi %mul3A_554, %add3A_1015 : i32
        %swap3A_1017 = arith.index_cast %and3A_113 : i32 to index
        %swap3A_1018 = arith.index_cast %add3A_1016 : i32 to index
        %swap3A_1019 = arith.constant 80 : index
        %swap3A_1020 = tpu.vector_load %arg8[%swap3A_1017, %swap3A_1018, %swap3A_1019] {strides = array<i32>} : memref<2x128x128xf32, #tpu.memory_space<vmem>>, vector<16xf32>,
        tpu.vector_store %arg8[%swap3A_1017, %swap3A_1018, %swap3A_1019], %mul3A_1014 {strides = array<i32>} : memref<2x128x128xf32, #tpu.memory_space<vmem>>, vector<16xf32>,
        %add3A_1021 = arith.constant 3 : i32
        %add3A_1022 = arith.addi %mul3A_554, %add3A_1021 : i32
        %get3A_1023 = arith.index_cast %and3A_113 : i32 to index
        %get3A_1024 = arith.index_cast %add3A_1022 : i32 to index
        %get3A_1025 = arith.constant 96 : index
        %get3A_1026 = tpu.vector_load %arg8[%get3A_1023, %get3A_1024, %get3A_1025] {strides = array<i32>} : memref<2x128x128xf32, #tpu.memory_space<vmem>>, vector<16xf32>,
        %mul3A_1027 = vector.broadcast %squeeze3A_576 : f32 to vector<16xf32>
        %mul3A_1028 = arith.mulf %get3A_1026, %mul3A_1027 : vector<16xf32>
        %add3A_1029 = arith.constant 3 : i32
        %add3A_1030 = arith.addi %mul3A_554, %add3A_1029 : i32
        %swap3A_1031 = arith.index_cast %and3A_113 : i32 to index
        %swap3A_1032 = arith.index_cast %add3A_1030 : i32 to index
        %swap3A_1033 = arith.constant 96 : index
        %swap3A_1034 = tpu.vector_load %arg8[%swap3A_1031, %swap3A_1032, %swap3A_1033] {strides = array<i32>} : memref<2x128x128xf32, #tpu.memory_space<vmem>>, vector<16xf32>,
        tpu.vector_store %arg8[%swap3A_1031, %swap3A_1032, %swap3A_1033], %mul3A_1028 {strides = array<i32>} : memref<2x128x128xf32, #tpu.memory_space<vmem>>, vector<16xf32>,
        %add3A_1035 = arith.constant 3 : i32
        %add3A_1036 = arith.addi %mul3A_554, %add3A_1035 : i32
        %get3A_1037 = arith.index_cast %and3A_113 : i32 to index
        %get3A_1038 = arith.index_cast %add3A_1036 : i32 to index
        %get3A_1039 = arith.constant 112 : index
        %get3A_1040 = tpu.vector_load %arg8[%get3A_1037, %get3A_1038, %get3A_1039] {strides = array<i32>} : memref<2x128x128xf32, #tpu.memory_space<vmem>>, vector<16xf32>,
        %mul3A_1041 = vector.broadcast %squeeze3A_576 : f32 to vector<16xf32>
        %mul3A_1042 = arith.mulf %get3A_1040, %mul3A_1041 : vector<16xf32>
        %add3A_1043 = arith.constant 3 : i32
        %add3A_1044 = arith.addi %mul3A_554, %add3A_1043 : i32
        %swap3A_1045 = arith.index_cast %and3A_113 : i32 to index
        %swap3A_1046 = arith.index_cast %add3A_1044 : i32 to index
        %swap3A_1047 = arith.constant 112 : index
        %swap3A_1048 = tpu.vector_load %arg8[%swap3A_1045, %swap3A_1046, %swap3A_1047] {strides = array<i32>} : memref<2x128x128xf32, #tpu.memory_space<vmem>>, vector<16xf32>,
        tpu.vector_store %arg8[%swap3A_1045, %swap3A_1046, %swap3A_1047], %mul3A_1042 {strides = array<i32>} : memref<2x128x128xf32, #tpu.memory_space<vmem>>, vector<16xf32>,
        %add3A_1049 = arith.constant 4 : i32
        %add3A_1050 = arith.addi %mul3A_554, %add3A_1049 : i32
        %get3A_1051 = arith.index_cast %and3A_113 : i32 to index
        %get3A_1052 = arith.index_cast %add3A_1050 : i32 to index
        %get3A_1053 = arith.constant 0 : index
        %get3A_1054 = tpu.vector_load %arg8[%get3A_1051, %get3A_1052, %get3A_1053] {strides = array<i32>} : memref<2x128x128xf32, #tpu.memory_space<vmem>>, vector<16xf32>,
        %mul3A_1055 = vector.broadcast %squeeze3A_582 : f32 to vector<16xf32>
        %mul3A_1056 = arith.mulf %get3A_1054, %mul3A_1055 : vector<16xf32>
        %add3A_1057 = arith.constant 4 : i32
        %add3A_1058 = arith.addi %mul3A_554, %add3A_1057 : i32
        %swap3A_1059 = arith.index_cast %and3A_113 : i32 to index
        %swap3A_1060 = arith.index_cast %add3A_1058 : i32 to index
        %swap3A_1061 = arith.constant 0 : index
        %swap3A_1062 = tpu.vector_load %arg8[%swap3A_1059, %swap3A_1060, %swap3A_1061] {strides = array<i32>} : memref<2x128x128xf32, #tpu.memory_space<vmem>>, vector<16xf32>,
        tpu.vector_store %arg8[%swap3A_1059, %swap3A_1060, %swap3A_1061], %mul3A_1056 {strides = array<i32>} : memref<2x128x128xf32, #tpu.memory_space<vmem>>, vector<16xf32>,
        %add3A_1063 = arith.constant 4 : i32
        %add3A_1064 = arith.addi %mul3A_554, %add3A_1063 : i32
        %get3A_1065 = arith.index_cast %and3A_113 : i32 to index
        %get3A_1066 = arith.index_cast %add3A_1064 : i32 to index
        %get3A_1067 = arith.constant 16 : index
        %get3A_1068 = tpu.vector_load %arg8[%get3A_1065, %get3A_1066, %get3A_1067] {strides = array<i32>} : memref<2x128x128xf32, #tpu.memory_space<vmem>>, vector<16xf32>,
        %mul3A_1069 = vector.broadcast %squeeze3A_582 : f32 to vector<16xf32>
        %mul3A_1070 = arith.mulf %get3A_1068, %mul3A_1069 : vector<16xf32>
        %add3A_1071 = arith.constant 4 : i32
        %add3A_1072 = arith.addi %mul3A_554, %add3A_1071 : i32
        %swap3A_1073 = arith.index_cast %and3A_113 : i32 to index
        %swap3A_1074 = arith.index_cast %add3A_1072 : i32 to index
        %swap3A_1075 = arith.constant 16 : index
        %swap3A_1076 = tpu.vector_load %arg8[%swap3A_1073, %swap3A_1074, %swap3A_1075] {strides = array<i32>} : memref<2x128x128xf32, #tpu.memory_space<vmem>>, vector<16xf32>,
        tpu.vector_store %arg8[%swap3A_1073, %swap3A_1074, %swap3A_1075], %mul3A_1070 {strides = array<i32>} : memref<2x128x128xf32, #tpu.memory_space<vmem>>, vector<16xf32>,
        %add3A_1077 = arith.constant 4 : i32
        %add3A_1078 = arith.addi %mul3A_554, %add3A_1077 : i32
        %get3A_1079 = arith.index_cast %and3A_113 : i32 to index
        %get3A_1080 = arith.index_cast %add3A_1078 : i32 to index
        %get3A_1081 = arith.constant 32 : index
        %get3A_1082 = tpu.vector_load %arg8[%get3A_1079, %get3A_1080, %get3A_1081] {strides = array<i32>} : memref<2x128x128xf32, #tpu.memory_space<vmem>>, vector<16xf32>,
        %mul3A_1083 = vector.broadcast %squeeze3A_582 : f32 to vector<16xf32>
        %mul3A_1084 = arith.mulf %get3A_1082, %mul3A_1083 : vector<16xf32>
        %add3A_1085 = arith.constant 4 : i32
        %add3A_1086 = arith.addi %mul3A_554, %add3A_1085 : i32
        %swap3A_1087 = arith.index_cast %and3A_113 : i32 to index
        %swap3A_1088 = arith.index_cast %add3A_1086 : i32 to index
        %swap3A_1089 = arith.constant 32 : index
        %swap3A_1090 = tpu.vector_load %arg8[%swap3A_1087, %swap3A_1088, %swap3A_1089] {strides = array<i32>} : memref<2x128x128xf32, #tpu.memory_space<vmem>>, vector<16xf32>,
        tpu.vector_store %arg8[%swap3A_1087, %swap3A_1088, %swap3A_1089], %mul3A_1084 {strides = array<i32>} : memref<2x128x128xf32, #tpu.memory_space<vmem>>, vector<16xf32>,
        %add3A_1091 = arith.constant 4 : i32
        %add3A_1092 = arith.addi %mul3A_554, %add3A_1091 : i32
        %get3A_1093 = arith.index_cast %and3A_113 : i32 to index
        %get3A_1094 = arith.index_cast %add3A_1092 : i32 to index
        %get3A_1095 = arith.constant 48 : index
        %get3A_1096 = tpu.vector_load %arg8[%get3A_1093, %get3A_1094, %get3A_1095] {strides = array<i32>} : memref<2x128x128xf32, #tpu.memory_space<vmem>>, vector<16xf32>,
        %mul3A_1097 = vector.broadcast %squeeze3A_582 : f32 to vector<16xf32>
        %mul3A_1098 = arith.mulf %get3A_1096, %mul3A_1097 : vector<16xf32>
        %add3A_1099 = arith.constant 4 : i32
        %add3A_1100 = arith.addi %mul3A_554, %add3A_1099 : i32
        %swap3A_1101 = arith.index_cast %and3A_113 : i32 to index
        %swap3A_1102 = arith.index_cast %add3A_1100 : i32 to index
        %swap3A_1103 = arith.constant 48 : index
        %swap3A_1104 = tpu.vector_load %arg8[%swap3A_1101, %swap3A_1102, %swap3A_1103] {strides = array<i32>} : memref<2x128x128xf32, #tpu.memory_space<vmem>>, vector<16xf32>,
        tpu.vector_store %arg8[%swap3A_1101, %swap3A_1102, %swap3A_1103], %mul3A_1098 {strides = array<i32>} : memref<2x128x128xf32, #tpu.memory_space<vmem>>, vector<16xf32>,
        %add3A_1105 = arith.constant 4 : i32
        %add3A_1106 = arith.addi %mul3A_554, %add3A_1105 : i32
        %get3A_1107 = arith.index_cast %and3A_113 : i32 to index
        %get3A_1108 = arith.index_cast %add3A_1106 : i32 to index
        %get3A_1109 = arith.constant 64 : index
        %get3A_1110 = tpu.vector_load %arg8[%get3A_1107, %get3A_1108, %get3A_1109] {strides = array<i32>} : memref<2x128x128xf32, #tpu.memory_space<vmem>>, vector<16xf32>,
        %mul3A_1111 = vector.broadcast %squeeze3A_582 : f32 to vector<16xf32>
        %mul3A_1112 = arith.mulf %get3A_1110, %mul3A_1111 : vector<16xf32>
        %add3A_1113 = arith.constant 4 : i32
        %add3A_1114 = arith.addi %mul3A_554, %add3A_1113 : i32
        %swap3A_1115 = arith.index_cast %and3A_113 : i32 to index
        %swap3A_1116 = arith.index_cast %add3A_1114 : i32 to index
        %swap3A_1117 = arith.constant 64 : index
        %swap3A_1118 = tpu.vector_load %arg8[%swap3A_1115, %swap3A_1116, %swap3A_1117] {strides = array<i32>} : memref<2x128x128xf32, #tpu.memory_space<vmem>>, vector<16xf32>,
        tpu.vector_store %arg8[%swap3A_1115, %swap3A_1116, %swap3A_1117], %mul3A_1112 {strides = array<i32>} : memref<2x128x128xf32, #tpu.memory_space<vmem>>, vector<16xf32>,
        %add3A_1119 = arith.constant 4 : i32
        %add3A_1120 = arith.addi %mul3A_554, %add3A_1119 : i32
        %get3A_1121 = arith.index_cast %and3A_113 : i32 to index
        %get3A_1122 = arith.index_cast %add3A_1120 : i32 to index
        %get3A_1123 = arith.constant 80 : index
        %get3A_1124 = tpu.vector_load %arg8[%get3A_1121, %get3A_1122, %get3A_1123] {strides = array<i32>} : memref<2x128x128xf32, #tpu.memory_space<vmem>>, vector<16xf32>,
        %mul3A_1125 = vector.broadcast %squeeze3A_582 : f32 to vector<16xf32>
        %mul3A_1126 = arith.mulf %get3A_1124, %mul3A_1125 : vector<16xf32>
        %add3A_1127 = arith.constant 4 : i32
        %add3A_1128 = arith.addi %mul3A_554, %add3A_1127 : i32
        %swap3A_1129 = arith.index_cast %and3A_113 : i32 to index
        %swap3A_1130 = arith.index_cast %add3A_1128 : i32 to index
        %swap3A_1131 = arith.constant 80 : index
        %swap3A_1132 = tpu.vector_load %arg8[%swap3A_1129, %swap3A_1130, %swap3A_1131] {strides = array<i32>} : memref<2x128x128xf32, #tpu.memory_space<vmem>>, vector<16xf32>,
        tpu.vector_store %arg8[%swap3A_1129, %swap3A_1130, %swap3A_1131], %mul3A_1126 {strides = array<i32>} : memref<2x128x128xf32, #tpu.memory_space<vmem>>, vector<16xf32>,
        %add3A_1133 = arith.constant 4 : i32
        %add3A_1134 = arith.addi %mul3A_554, %add3A_1133 : i32
        %get3A_1135 = arith.index_cast %and3A_113 : i32 to index
        %get3A_1136 = arith.index_cast %add3A_1134 : i32 to index
        %get3A_1137 = arith.constant 96 : index
        %get3A_1138 = tpu.vector_load %arg8[%get3A_1135, %get3A_1136, %get3A_1137] {strides = array<i32>} : memref<2x128x128xf32, #tpu.memory_space<vmem>>, vector<16xf32>,
        %mul3A_1139 = vector.broadcast %squeeze3A_582 : f32 to vector<16xf32>
        %mul3A_1140 = arith.mulf %get3A_1138, %mul3A_1139 : vector<16xf32>
        %add3A_1141 = arith.constant 4 : i32
        %add3A_1142 = arith.addi %mul3A_554, %add3A_1141 : i32
        %swap3A_1143 = arith.index_cast %and3A_113 : i32 to index
        %swap3A_1144 = arith.index_cast %add3A_1142 : i32 to index
        %swap3A_1145 = arith.constant 96 : index
        %swap3A_1146 = tpu.vector_load %arg8[%swap3A_1143, %swap3A_1144, %swap3A_1145] {strides = array<i32>} : memref<2x128x128xf32, #tpu.memory_space<vmem>>, vector<16xf32>,
        tpu.vector_store %arg8[%swap3A_1143, %swap3A_1144, %swap3A_1145], %mul3A_1140 {strides = array<i32>} : memref<2x128x128xf32, #tpu.memory_space<vmem>>, vector<16xf32>,
        %add3A_1147 = arith.constant 4 : i32
        %add3A_1148 = arith.addi %mul3A_554, %add3A_1147 : i32
        %get3A_1149 = arith.index_cast %and3A_113 : i32 to index
        %get3A_1150 = arith.index_cast %add3A_1148 : i32 to index
        %get3A_1151 = arith.constant 112 : index
        %get3A_1152 = tpu.vector_load %arg8[%get3A_1149, %get3A_1150, %get3A_1151] {strides = array<i32>} : memref<2x128x128xf32, #tpu.memory_space<vmem>>, vector<16xf32>,
        %mul3A_1153 = vector.broadcast %squeeze3A_582 : f32 to vector<16xf32>
        %mul3A_1154 = arith.mulf %get3A_1152, %mul3A_1153 : vector<16xf32>
        %add3A_1155 = arith.constant 4 : i32
        %add3A_1156 = arith.addi %mul3A_554, %add3A_1155 : i32
        %swap3A_1157 = arith.index_cast %and3A_113 : i32 to index
        %swap3A_1158 = arith.index_cast %add3A_1156 : i32 to index
        %swap3A_1159 = arith.constant 112 : index
        %swap3A_1160 = tpu.vector_load %arg8[%swap3A_1157, %swap3A_1158, %swap3A_1159] {strides = array<i32>} : memref<2x128x128xf32, #tpu.memory_space<vmem>>, vector<16xf32>,
        tpu.vector_store %arg8[%swap3A_1157, %swap3A_1158, %swap3A_1159], %mul3A_1154 {strides = array<i32>} : memref<2x128x128xf32, #tpu.memory_space<vmem>>, vector<16xf32>,
        %add3A_1161 = arith.constant 5 : i32
        %add3A_1162 = arith.addi %mul3A_554, %add3A_1161 : i32
        %get3A_1163 = arith.index_cast %and3A_113 : i32 to index
        %get3A_1164 = arith.index_cast %add3A_1162 : i32 to index
        %get3A_1165 = arith.constant 0 : index
        %get3A_1166 = tpu.vector_load %arg8[%get3A_1163, %get3A_1164, %get3A_1165] {strides = array<i32>} : memref<2x128x128xf32, #tpu.memory_space<vmem>>, vector<16xf32>,
        %mul3A_1167 = vector.broadcast %squeeze3A_588 : f32 to vector<16xf32>
        %mul3A_1168 = arith.mulf %get3A_1166, %mul3A_1167 : vector<16xf32>
        %add3A_1169 = arith.constant 5 : i32
        %add3A_1170 = arith.addi %mul3A_554, %add3A_1169 : i32
        %swap3A_1171 = arith.index_cast %and3A_113 : i32 to index
        %swap3A_1172 = arith.index_cast %add3A_1170 : i32 to index
        %swap3A_1173 = arith.constant 0 : index
        %swap3A_1174 = tpu.vector_load %arg8[%swap3A_1171, %swap3A_1172, %swap3A_1173] {strides = array<i32>} : memref<2x128x128xf32, #tpu.memory_space<vmem>>, vector<16xf32>,
        tpu.vector_store %arg8[%swap3A_1171, %swap3A_1172, %swap3A_1173], %mul3A_1168 {strides = array<i32>} : memref<2x128x128xf32, #tpu.memory_space<vmem>>, vector<16xf32>,
        %add3A_1175 = arith.constant 5 : i32
        %add3A_1176 = arith.addi %mul3A_554, %add3A_1175 : i32
        %get3A_1177 = arith.index_cast %and3A_113 : i32 to index
        %get3A_1178 = arith.index_cast %add3A_1176 : i32 to index
        %get3A_1179 = arith.constant 16 : index
        %get3A_1180 = tpu.vector_load %arg8[%get3A_1177, %get3A_1178, %get3A_1179] {strides = array<i32>} : memref<2x128x128xf32, #tpu.memory_space<vmem>>, vector<16xf32>,
        %mul3A_1181 = vector.broadcast %squeeze3A_588 : f32 to vector<16xf32>
        %mul3A_1182 = arith.mulf %get3A_1180, %mul3A_1181 : vector<16xf32>
        %add3A_1183 = arith.constant 5 : i32
        %add3A_1184 = arith.addi %mul3A_554, %add3A_1183 : i32
        %swap3A_1185 = arith.index_cast %and3A_113 : i32 to index
        %swap3A_1186 = arith.index_cast %add3A_1184 : i32 to index
        %swap3A_1187 = arith.constant 16 : index
        %swap3A_1188 = tpu.vector_load %arg8[%swap3A_1185, %swap3A_1186, %swap3A_1187] {strides = array<i32>} : memref<2x128x128xf32, #tpu.memory_space<vmem>>, vector<16xf32>,
        tpu.vector_store %arg8[%swap3A_1185, %swap3A_1186, %swap3A_1187], %mul3A_1182 {strides = array<i32>} : memref<2x128x128xf32, #tpu.memory_space<vmem>>, vector<16xf32>,
        %add3A_1189 = arith.constant 5 : i32
        %add3A_1190 = arith.addi %mul3A_554, %add3A_1189 : i32
        %get3A_1191 = arith.index_cast %and3A_113 : i32 to index
        %get3A_1192 = arith.index_cast %add3A_1190 : i32 to index
        %get3A_1193 = arith.constant 32 : index
        %get3A_1194 = tpu.vector_load %arg8[%get3A_1191, %get3A_1192, %get3A_1193] {strides = array<i32>} : memref<2x128x128xf32, #tpu.memory_space<vmem>>, vector<16xf32>,
        %mul3A_1195 = vector.broadcast %squeeze3A_588 : f32 to vector<16xf32>
        %mul3A_1196 = arith.mulf %get3A_1194, %mul3A_1195 : vector<16xf32>
        %add3A_1197 = arith.constant 5 : i32
        %add3A_1198 = arith.addi %mul3A_554, %add3A_1197 : i32
        %swap3A_1199 = arith.index_cast %and3A_113 : i32 to index
        %swap3A_1200 = arith.index_cast %add3A_1198 : i32 to index
        %swap3A_1201 = arith.constant 32 : index
        %swap3A_1202 = tpu.vector_load %arg8[%swap3A_1199, %swap3A_1200, %swap3A_1201] {strides = array<i32>} : memref<2x128x128xf32, #tpu.memory_space<vmem>>, vector<16xf32>,
        tpu.vector_store %arg8[%swap3A_1199, %swap3A_1200, %swap3A_1201], %mul3A_1196 {strides = array<i32>} : memref<2x128x128xf32, #tpu.memory_space<vmem>>, vector<16xf32>,
        %add3A_1203 = arith.constant 5 : i32
        %add3A_1204 = arith.addi %mul3A_554, %add3A_1203 : i32
        %get3A_1205 = arith.index_cast %and3A_113 : i32 to index
        %get3A_1206 = arith.index_cast %add3A_1204 : i32 to index
        %get3A_1207 = arith.constant 48 : index
        %get3A_1208 = tpu.vector_load %arg8[%get3A_1205, %get3A_1206, %get3A_1207] {strides = array<i32>} : memref<2x128x128xf32, #tpu.memory_space<vmem>>, vector<16xf32>,
        %mul3A_1209 = vector.broadcast %squeeze3A_588 : f32 to vector<16xf32>
        %mul3A_1210 = arith.mulf %get3A_1208, %mul3A_1209 : vector<16xf32>
        %add3A_1211 = arith.constant 5 : i32
        %add3A_1212 = arith.addi %mul3A_554, %add3A_1211 : i32
        %swap3A_1213 = arith.index_cast %and3A_113 : i32 to index
        %swap3A_1214 = arith.index_cast %add3A_1212 : i32 to index
        %swap3A_1215 = arith.constant 48 : index
        %swap3A_1216 = tpu.vector_load %arg8[%swap3A_1213, %swap3A_1214, %swap3A_1215] {strides = array<i32>} : memref<2x128x128xf32, #tpu.memory_space<vmem>>, vector<16xf32>,
        tpu.vector_store %arg8[%swap3A_1213, %swap3A_1214, %swap3A_1215], %mul3A_1210 {strides = array<i32>} : memref<2x128x128xf32, #tpu.memory_space<vmem>>, vector<16xf32>,
        %add3A_1217 = arith.constant 5 : i32
        %add3A_1218 = arith.addi %mul3A_554, %add3A_1217 : i32
        %get3A_1219 = arith.index_cast %and3A_113 : i32 to index
        %get3A_1220 = arith.index_cast %add3A_1218 : i32 to index
        %get3A_1221 = arith.constant 64 : index
        %get3A_1222 = tpu.vector_load %arg8[%get3A_1219, %get3A_1220, %get3A_1221] {strides = array<i32>} : memref<2x128x128xf32, #tpu.memory_space<vmem>>, vector<16xf32>,
        %mul3A_1223 = vector.broadcast %squeeze3A_588 : f32 to vector<16xf32>
        %mul3A_1224 = arith.mulf %get3A_1222, %mul3A_1223 : vector<16xf32>
        %add3A_1225 = arith.constant 5 : i32
        %add3A_1226 = arith.addi %mul3A_554, %add3A_1225 : i32
        %swap3A_1227 = arith.index_cast %and3A_113 : i32 to index
        %swap3A_1228 = arith.index_cast %add3A_1226 : i32 to index
        %swap3A_1229 = arith.constant 64 : index
        %swap3A_1230 = tpu.vector_load %arg8[%swap3A_1227, %swap3A_1228, %swap3A_1229] {strides = array<i32>} : memref<2x128x128xf32, #tpu.memory_space<vmem>>, vector<16xf32>,
        tpu.vector_store %arg8[%swap3A_1227, %swap3A_1228, %swap3A_1229], %mul3A_1224 {strides = array<i32>} : memref<2x128x128xf32, #tpu.memory_space<vmem>>, vector<16xf32>,
        %add3A_1231 = arith.constant 5 : i32
        %add3A_1232 = arith.addi %mul3A_554, %add3A_1231 : i32
        %get3A_1233 = arith.index_cast %and3A_113 : i32 to index
        %get3A_1234 = arith.index_cast %add3A_1232 : i32 to index
        %get3A_1235 = arith.constant 80 : index
        %get3A_1236 = tpu.vector_load %arg8[%get3A_1233, %get3A_1234, %get3A_1235] {strides = array<i32>} : memref<2x128x128xf32, #tpu.memory_space<vmem>>, vector<16xf32>,
        %mul3A_1237 = vector.broadcast %squeeze3A_588 : f32 to vector<16xf32>
        %mul3A_1238 = arith.mulf %get3A_1236, %mul3A_1237 : vector<16xf32>
        %add3A_1239 = arith.constant 5 : i32
        %add3A_1240 = arith.addi %mul3A_554, %add3A_1239 : i32
        %swap3A_1241 = arith.index_cast %and3A_113 : i32 to index
        %swap3A_1242 = arith.index_cast %add3A_1240 : i32 to index
        %swap3A_1243 = arith.constant 80 : index
        %swap3A_1244 = tpu.vector_load %arg8[%swap3A_1241, %swap3A_1242, %swap3A_1243] {strides = array<i32>} : memref<2x128x128xf32, #tpu.memory_space<vmem>>, vector<16xf32>,
        tpu.vector_store %arg8[%swap3A_1241, %swap3A_1242, %swap3A_1243], %mul3A_1238 {strides = array<i32>} : memref<2x128x128xf32, #tpu.memory_space<vmem>>, vector<16xf32>,
        %add3A_1245 = arith.constant 5 : i32
        %add3A_1246 = arith.addi %mul3A_554, %add3A_1245 : i32
        %get3A_1247 = arith.index_cast %and3A_113 : i32 to index
        %get3A_1248 = arith.index_cast %add3A_1246 : i32 to index
        %get3A_1249 = arith.constant 96 : index
        %get3A_1250 = tpu.vector_load %arg8[%get3A_1247, %get3A_1248, %get3A_1249] {strides = array<i32>} : memref<2x128x128xf32, #tpu.memory_space<vmem>>, vector<16xf32>,
        %mul3A_1251 = vector.broadcast %squeeze3A_588 : f32 to vector<16xf32>
        %mul3A_1252 = arith.mulf %get3A_1250, %mul3A_1251 : vector<16xf32>
        %add3A_1253 = arith.constant 5 : i32
        %add3A_1254 = arith.addi %mul3A_554, %add3A_1253 : i32
        %swap3A_1255 = arith.index_cast %and3A_113 : i32 to index
        %swap3A_1256 = arith.index_cast %add3A_1254 : i32 to index
        %swap3A_1257 = arith.constant 96 : index
        %swap3A_1258 = tpu.vector_load %arg8[%swap3A_1255, %swap3A_1256, %swap3A_1257] {strides = array<i32>} : memref<2x128x128xf32, #tpu.memory_space<vmem>>, vector<16xf32>,
        tpu.vector_store %arg8[%swap3A_1255, %swap3A_1256, %swap3A_1257], %mul3A_1252 {strides = array<i32>} : memref<2x128x128xf32, #tpu.memory_space<vmem>>, vector<16xf32>,
        %add3A_1259 = arith.constant 5 : i32
        %add3A_1260 = arith.addi %mul3A_554, %add3A_1259 : i32
        %get3A_1261 = arith.index_cast %and3A_113 : i32 to index
        %get3A_1262 = arith.index_cast %add3A_1260 : i32 to index
        %get3A_1263 = arith.constant 112 : index
        %get3A_1264 = tpu.vector_load %arg8[%get3A_1261, %get3A_1262, %get3A_1263] {strides = array<i32>} : memref<2x128x128xf32, #tpu.memory_space<vmem>>, vector<16xf32>,
        %mul3A_1265 = vector.broadcast %squeeze3A_588 : f32 to vector<16xf32>
        %mul3A_1266 = arith.mulf %get3A_1264, %mul3A_1265 : vector<16xf32>
        %add3A_1267 = arith.constant 5 : i32
        %add3A_1268 = arith.addi %mul3A_554, %add3A_1267 : i32
        %swap3A_1269 = arith.index_cast %and3A_113 : i32 to index
        %swap3A_1270 = arith.index_cast %add3A_1268 : i32 to index
        %swap3A_1271 = arith.constant 112 : index
        %swap3A_1272 = tpu.vector_load %arg8[%swap3A_1269, %swap3A_1270, %swap3A_1271] {strides = array<i32>} : memref<2x128x128xf32, #tpu.memory_space<vmem>>, vector<16xf32>,
        tpu.vector_store %arg8[%swap3A_1269, %swap3A_1270, %swap3A_1271], %mul3A_1266 {strides = array<i32>} : memref<2x128x128xf32, #tpu.memory_space<vmem>>, vector<16xf32>,
        %add3A_1273 = arith.constant 6 : i32
        %add3A_1274 = arith.addi %mul3A_554, %add3A_1273 : i32
        %get3A_1275 = arith.index_cast %and3A_113 : i32 to index
        %get3A_1276 = arith.index_cast %add3A_1274 : i32 to index
        %get3A_1277 = arith.constant 0 : index
        %get3A_1278 = tpu.vector_load %arg8[%get3A_1275, %get3A_1276, %get3A_1277] {strides = array<i32>} : memref<2x128x128xf32, #tpu.memory_space<vmem>>, vector<16xf32>,
        %mul3A_1279 = vector.broadcast %squeeze3A_594 : f32 to vector<16xf32>
        %mul3A_1280 = arith.mulf %get3A_1278, %mul3A_1279 : vector<16xf32>
        %add3A_1281 = arith.constant 6 : i32
        %add3A_1282 = arith.addi %mul3A_554, %add3A_1281 : i32
        %swap3A_1283 = arith.index_cast %and3A_113 : i32 to index
        %swap3A_1284 = arith.index_cast %add3A_1282 : i32 to index
        %swap3A_1285 = arith.constant 0 : index
        %swap3A_1286 = tpu.vector_load %arg8[%swap3A_1283, %swap3A_1284, %swap3A_1285] {strides = array<i32>} : memref<2x128x128xf32, #tpu.memory_space<vmem>>, vector<16xf32>,
        tpu.vector_store %arg8[%swap3A_1283, %swap3A_1284, %swap3A_1285], %mul3A_1280 {strides = array<i32>} : memref<2x128x128xf32, #tpu.memory_space<vmem>>, vector<16xf32>,
        %add3A_1287 = arith.constant 6 : i32
        %add3A_1288 = arith.addi %mul3A_554, %add3A_1287 : i32
        %get3A_1289 = arith.index_cast %and3A_113 : i32 to index
        %get3A_1290 = arith.index_cast %add3A_1288 : i32 to index
        %get3A_1291 = arith.constant 16 : index
        %get3A_1292 = tpu.vector_load %arg8[%get3A_1289, %get3A_1290, %get3A_1291] {strides = array<i32>} : memref<2x128x128xf32, #tpu.memory_space<vmem>>, vector<16xf32>,
        %mul3A_1293 = vector.broadcast %squeeze3A_594 : f32 to vector<16xf32>
        %mul3A_1294 = arith.mulf %get3A_1292, %mul3A_1293 : vector<16xf32>
        %add3A_1295 = arith.constant 6 : i32
        %add3A_1296 = arith.addi %mul3A_554, %add3A_1295 : i32
        %swap3A_1297 = arith.index_cast %and3A_113 : i32 to index
        %swap3A_1298 = arith.index_cast %add3A_1296 : i32 to index
        %swap3A_1299 = arith.constant 16 : index
        %swap3A_1300 = tpu.vector_load %arg8[%swap3A_1297, %swap3A_1298, %swap3A_1299] {strides = array<i32>} : memref<2x128x128xf32, #tpu.memory_space<vmem>>, vector<16xf32>,
        tpu.vector_store %arg8[%swap3A_1297, %swap3A_1298, %swap3A_1299], %mul3A_1294 {strides = array<i32>} : memref<2x128x128xf32, #tpu.memory_space<vmem>>, vector<16xf32>,
        %add3A_1301 = arith.constant 6 : i32
        %add3A_1302 = arith.addi %mul3A_554, %add3A_1301 : i32
        %get3A_1303 = arith.index_cast %and3A_113 : i32 to index
        %get3A_1304 = arith.index_cast %add3A_1302 : i32 to index
        %get3A_1305 = arith.constant 32 : index
        %get3A_1306 = tpu.vector_load %arg8[%get3A_1303, %get3A_1304, %get3A_1305] {strides = array<i32>} : memref<2x128x128xf32, #tpu.memory_space<vmem>>, vector<16xf32>,
        %mul3A_1307 = vector.broadcast %squeeze3A_594 : f32 to vector<16xf32>
        %mul3A_1308 = arith.mulf %get3A_1306, %mul3A_1307 : vector<16xf32>
        %add3A_1309 = arith.constant 6 : i32
        %add3A_1310 = arith.addi %mul3A_554, %add3A_1309 : i32
        %swap3A_1311 = arith.index_cast %and3A_113 : i32 to index
        %swap3A_1312 = arith.index_cast %add3A_1310 : i32 to index
        %swap3A_1313 = arith.constant 32 : index
        %swap3A_1314 = tpu.vector_load %arg8[%swap3A_1311, %swap3A_1312, %swap3A_1313] {strides = array<i32>} : memref<2x128x128xf32, #tpu.memory_space<vmem>>, vector<16xf32>,
        tpu.vector_store %arg8[%swap3A_1311, %swap3A_1312, %swap3A_1313], %mul3A_1308 {strides = array<i32>} : memref<2x128x128xf32, #tpu.memory_space<vmem>>, vector<16xf32>,
        %add3A_1315 = arith.constant 6 : i32
        %add3A_1316 = arith.addi %mul3A_554, %add3A_1315 : i32
        %get3A_1317 = arith.index_cast %and3A_113 : i32 to index
        %get3A_1318 = arith.index_cast %add3A_1316 : i32 to index
        %get3A_1319 = arith.constant 48 : index
        %get3A_1320 = tpu.vector_load %arg8[%get3A_1317, %get3A_1318, %get3A_1319] {strides = array<i32>} : memref<2x128x128xf32, #tpu.memory_space<vmem>>, vector<16xf32>,
        %mul3A_1321 = vector.broadcast %squeeze3A_594 : f32 to vector<16xf32>
        %mul3A_1322 = arith.mulf %get3A_1320, %mul3A_1321 : vector<16xf32>
        %add3A_1323 = arith.constant 6 : i32
        %add3A_1324 = arith.addi %mul3A_554, %add3A_1323 : i32
        %swap3A_1325 = arith.index_cast %and3A_113 : i32 to index
        %swap3A_1326 = arith.index_cast %add3A_1324 : i32 to index
        %swap3A_1327 = arith.constant 48 : index
        %swap3A_1328 = tpu.vector_load %arg8[%swap3A_1325, %swap3A_1326, %swap3A_1327] {strides = array<i32>} : memref<2x128x128xf32, #tpu.memory_space<vmem>>, vector<16xf32>,
        tpu.vector_store %arg8[%swap3A_1325, %swap3A_1326, %swap3A_1327], %mul3A_1322 {strides = array<i32>} : memref<2x128x128xf32, #tpu.memory_space<vmem>>, vector<16xf32>,
        %add3A_1329 = arith.constant 6 : i32
        %add3A_1330 = arith.addi %mul3A_554, %add3A_1329 : i32
        %get3A_1331 = arith.index_cast %and3A_113 : i32 to index
        %get3A_1332 = arith.index_cast %add3A_1330 : i32 to index
        %get3A_1333 = arith.constant 64 : index
        %get3A_1334 = tpu.vector_load %arg8[%get3A_1331, %get3A_1332, %get3A_1333] {strides = array<i32>} : memref<2x128x128xf32, #tpu.memory_space<vmem>>, vector<16xf32>,
        %mul3A_1335 = vector.broadcast %squeeze3A_594 : f32 to vector<16xf32>
        %mul3A_1336 = arith.mulf %get3A_1334, %mul3A_1335 : vector<16xf32>
        %add3A_1337 = arith.constant 6 : i32
        %add3A_1338 = arith.addi %mul3A_554, %add3A_1337 : i32
        %swap3A_1339 = arith.index_cast %and3A_113 : i32 to index
        %swap3A_1340 = arith.index_cast %add3A_1338 : i32 to index
        %swap3A_1341 = arith.constant 64 : index
        %swap3A_1342 = tpu.vector_load %arg8[%swap3A_1339, %swap3A_1340, %swap3A_1341] {strides = array<i32>} : memref<2x128x128xf32, #tpu.memory_space<vmem>>, vector<16xf32>,
        tpu.vector_store %arg8[%swap3A_1339, %swap3A_1340, %swap3A_1341], %mul3A_1336 {strides = array<i32>} : memref<2x128x128xf32, #tpu.memory_space<vmem>>, vector<16xf32>,
        %add3A_1343 = arith.constant 6 : i32
        %add3A_1344 = arith.addi %mul3A_554, %add3A_1343 : i32
        %get3A_1345 = arith.index_cast %and3A_113 : i32 to index
        %get3A_1346 = arith.index_cast %add3A_1344 : i32 to index
        %get3A_1347 = arith.constant 80 : index
        %get3A_1348 = tpu.vector_load %arg8[%get3A_1345, %get3A_1346, %get3A_1347] {strides = array<i32>} : memref<2x128x128xf32, #tpu.memory_space<vmem>>, vector<16xf32>,
        %mul3A_1349 = vector.broadcast %squeeze3A_594 : f32 to vector<16xf32>
        %mul3A_1350 = arith.mulf %get3A_1348, %mul3A_1349 : vector<16xf32>
        %add3A_1351 = arith.constant 6 : i32
        %add3A_1352 = arith.addi %mul3A_554, %add3A_1351 : i32
        %swap3A_1353 = arith.index_cast %and3A_113 : i32 to index
        %swap3A_1354 = arith.index_cast %add3A_1352 : i32 to index
        %swap3A_1355 = arith.constant 80 : index
        %swap3A_1356 = tpu.vector_load %arg8[%swap3A_1353, %swap3A_1354, %swap3A_1355] {strides = array<i32>} : memref<2x128x128xf32, #tpu.memory_space<vmem>>, vector<16xf32>,
        tpu.vector_store %arg8[%swap3A_1353, %swap3A_1354, %swap3A_1355], %mul3A_1350 {strides = array<i32>} : memref<2x128x128xf32, #tpu.memory_space<vmem>>, vector<16xf32>,
        %add3A_1357 = arith.constant 6 : i32
        %add3A_1358 = arith.addi %mul3A_554, %add3A_1357 : i32
        %get3A_1359 = arith.index_cast %and3A_113 : i32 to index
        %get3A_1360 = arith.index_cast %add3A_1358 : i32 to index
        %get3A_1361 = arith.constant 96 : index
        %get3A_1362 = tpu.vector_load %arg8[%get3A_1359, %get3A_1360, %get3A_1361] {strides = array<i32>} : memref<2x128x128xf32, #tpu.memory_space<vmem>>, vector<16xf32>,
        %mul3A_1363 = vector.broadcast %squeeze3A_594 : f32 to vector<16xf32>
        %mul3A_1364 = arith.mulf %get3A_1362, %mul3A_1363 : vector<16xf32>
        %add3A_1365 = arith.constant 6 : i32
        %add3A_1366 = arith.addi %mul3A_554, %add3A_1365 : i32
        %swap3A_1367 = arith.index_cast %and3A_113 : i32 to index
        %swap3A_1368 = arith.index_cast %add3A_1366 : i32 to index
        %swap3A_1369 = arith.constant 96 : index
        %swap3A_1370 = tpu.vector_load %arg8[%swap3A_1367, %swap3A_1368, %swap3A_1369] {strides = array<i32>} : memref<2x128x128xf32, #tpu.memory_space<vmem>>, vector<16xf32>,
        tpu.vector_store %arg8[%swap3A_1367, %swap3A_1368, %swap3A_1369], %mul3A_1364 {strides = array<i32>} : memref<2x128x128xf32, #tpu.memory_space<vmem>>, vector<16xf32>,
        %add3A_1371 = arith.constant 6 : i32
        %add3A_1372 = arith.addi %mul3A_554, %add3A_1371 : i32
        %get3A_1373 = arith.index_cast %and3A_113 : i32 to index
        %get3A_1374 = arith.index_cast %add3A_1372 : i32 to index
        %get3A_1375 = arith.constant 112 : index
        %get3A_1376 = tpu.vector_load %arg8[%get3A_1373, %get3A_1374, %get3A_1375] {strides = array<i32>} : memref<2x128x128xf32, #tpu.memory_space<vmem>>, vector<16xf32>,
        %mul3A_1377 = vector.broadcast %squeeze3A_594 : f32 to vector<16xf32>
        %mul3A_1378 = arith.mulf %get3A_1376, %mul3A_1377 : vector<16xf32>
        %add3A_1379 = arith.constant 6 : i32
        %add3A_1380 = arith.addi %mul3A_554, %add3A_1379 : i32
        %swap3A_1381 = arith.index_cast %and3A_113 : i32 to index
        %swap3A_1382 = arith.index_cast %add3A_1380 : i32 to index
        %swap3A_1383 = arith.constant 112 : index
        %swap3A_1384 = tpu.vector_load %arg8[%swap3A_1381, %swap3A_1382, %swap3A_1383] {strides = array<i32>} : memref<2x128x128xf32, #tpu.memory_space<vmem>>, vector<16xf32>,
        tpu.vector_store %arg8[%swap3A_1381, %swap3A_1382, %swap3A_1383], %mul3A_1378 {strides = array<i32>} : memref<2x128x128xf32, #tpu.memory_space<vmem>>, vector<16xf32>,
        %add3A_1385 = arith.constant 7 : i32
        %add3A_1386 = arith.addi %mul3A_554, %add3A_1385 : i32
        %get3A_1387 = arith.index_cast %and3A_113 : i32 to index
        %get3A_1388 = arith.index_cast %add3A_1386 : i32 to index
        %get3A_1389 = arith.constant 0 : index
        %get3A_1390 = tpu.vector_load %arg8[%get3A_1387, %get3A_1388, %get3A_1389] {strides = array<i32>} : memref<2x128x128xf32, #tpu.memory_space<vmem>>, vector<16xf32>,
        %mul3A_1391 = vector.broadcast %squeeze3A_600 : f32 to vector<16xf32>
        %mul3A_1392 = arith.mulf %get3A_1390, %mul3A_1391 : vector<16xf32>
        %add3A_1393 = arith.constant 7 : i32
        %add3A_1394 = arith.addi %mul3A_554, %add3A_1393 : i32
        %swap3A_1395 = arith.index_cast %and3A_113 : i32 to index
        %swap3A_1396 = arith.index_cast %add3A_1394 : i32 to index
        %swap3A_1397 = arith.constant 0 : index
        %swap3A_1398 = tpu.vector_load %arg8[%swap3A_1395, %swap3A_1396, %swap3A_1397] {strides = array<i32>} : memref<2x128x128xf32, #tpu.memory_space<vmem>>, vector<16xf32>,
        tpu.vector_store %arg8[%swap3A_1395, %swap3A_1396, %swap3A_1397], %mul3A_1392 {strides = array<i32>} : memref<2x128x128xf32, #tpu.memory_space<vmem>>, vector<16xf32>,
        %add3A_1399 = arith.constant 7 : i32
        %add3A_1400 = arith.addi %mul3A_554, %add3A_1399 : i32
        %get3A_1401 = arith.index_cast %and3A_113 : i32 to index
        %get3A_1402 = arith.index_cast %add3A_1400 : i32 to index
        %get3A_1403 = arith.constant 16 : index
        %get3A_1404 = tpu.vector_load %arg8[%get3A_1401, %get3A_1402, %get3A_1403] {strides = array<i32>} : memref<2x128x128xf32, #tpu.memory_space<vmem>>, vector<16xf32>,
        %mul3A_1405 = vector.broadcast %squeeze3A_600 : f32 to vector<16xf32>
        %mul3A_1406 = arith.mulf %get3A_1404, %mul3A_1405 : vector<16xf32>
        %add3A_1407 = arith.constant 7 : i32
        %add3A_1408 = arith.addi %mul3A_554, %add3A_1407 : i32
        %swap3A_1409 = arith.index_cast %and3A_113 : i32 to index
        %swap3A_1410 = arith.index_cast %add3A_1408 : i32 to index
        %swap3A_1411 = arith.constant 16 : index
        %swap3A_1412 = tpu.vector_load %arg8[%swap3A_1409, %swap3A_1410, %swap3A_1411] {strides = array<i32>} : memref<2x128x128xf32, #tpu.memory_space<vmem>>, vector<16xf32>,
        tpu.vector_store %arg8[%swap3A_1409, %swap3A_1410, %swap3A_1411], %mul3A_1406 {strides = array<i32>} : memref<2x128x128xf32, #tpu.memory_space<vmem>>, vector<16xf32>,
        %add3A_1413 = arith.constant 7 : i32
        %add3A_1414 = arith.addi %mul3A_554, %add3A_1413 : i32
        %get3A_1415 = arith.index_cast %and3A_113 : i32 to index
        %get3A_1416 = arith.index_cast %add3A_1414 : i32 to index
        %get3A_1417 = arith.constant 32 : index
        %get3A_1418 = tpu.vector_load %arg8[%get3A_1415, %get3A_1416, %get3A_1417] {strides = array<i32>} : memref<2x128x128xf32, #tpu.memory_space<vmem>>, vector<16xf32>,
        %mul3A_1419 = vector.broadcast %squeeze3A_600 : f32 to vector<16xf32>
        %mul3A_1420 = arith.mulf %get3A_1418, %mul3A_1419 : vector<16xf32>
        %add3A_1421 = arith.constant 7 : i32
        %add3A_1422 = arith.addi %mul3A_554, %add3A_1421 : i32
        %swap3A_1423 = arith.index_cast %and3A_113 : i32 to index
        %swap3A_1424 = arith.index_cast %add3A_1422 : i32 to index
        %swap3A_1425 = arith.constant 32 : index
        %swap3A_1426 = tpu.vector_load %arg8[%swap3A_1423, %swap3A_1424, %swap3A_1425] {strides = array<i32>} : memref<2x128x128xf32, #tpu.memory_space<vmem>>, vector<16xf32>,
        tpu.vector_store %arg8[%swap3A_1423, %swap3A_1424, %swap3A_1425], %mul3A_1420 {strides = array<i32>} : memref<2x128x128xf32, #tpu.memory_space<vmem>>, vector<16xf32>,
        %add3A_1427 = arith.constant 7 : i32
        %add3A_1428 = arith.addi %mul3A_554, %add3A_1427 : i32
        %get3A_1429 = arith.index_cast %and3A_113 : i32 to index
        %get3A_1430 = arith.index_cast %add3A_1428 : i32 to index
        %get3A_1431 = arith.constant 48 : index
        %get3A_1432 = tpu.vector_load %arg8[%get3A_1429, %get3A_1430, %get3A_1431] {strides = array<i32>} : memref<2x128x128xf32, #tpu.memory_space<vmem>>, vector<16xf32>,
        %mul3A_1433 = vector.broadcast %squeeze3A_600 : f32 to vector<16xf32>
        %mul3A_1434 = arith.mulf %get3A_1432, %mul3A_1433 : vector<16xf32>
        %add3A_1435 = arith.constant 7 : i32
        %add3A_1436 = arith.addi %mul3A_554, %add3A_1435 : i32
        %swap3A_1437 = arith.index_cast %and3A_113 : i32 to index
        %swap3A_1438 = arith.index_cast %add3A_1436 : i32 to index
        %swap3A_1439 = arith.constant 48 : index
        %swap3A_1440 = tpu.vector_load %arg8[%swap3A_1437, %swap3A_1438, %swap3A_1439] {strides = array<i32>} : memref<2x128x128xf32, #tpu.memory_space<vmem>>, vector<16xf32>,
        tpu.vector_store %arg8[%swap3A_1437, %swap3A_1438, %swap3A_1439], %mul3A_1434 {strides = array<i32>} : memref<2x128x128xf32, #tpu.memory_space<vmem>>, vector<16xf32>,
        %add3A_1441 = arith.constant 7 : i32
        %add3A_1442 = arith.addi %mul3A_554, %add3A_1441 : i32
        %get3A_1443 = arith.index_cast %and3A_113 : i32 to index
        %get3A_1444 = arith.index_cast %add3A_1442 : i32 to index
        %get3A_1445 = arith.constant 64 : index
        %get3A_1446 = tpu.vector_load %arg8[%get3A_1443, %get3A_1444, %get3A_1445] {strides = array<i32>} : memref<2x128x128xf32, #tpu.memory_space<vmem>>, vector<16xf32>,
        %mul3A_1447 = vector.broadcast %squeeze3A_600 : f32 to vector<16xf32>
        %mul3A_1448 = arith.mulf %get3A_1446, %mul3A_1447 : vector<16xf32>
        %add3A_1449 = arith.constant 7 : i32
        %add3A_1450 = arith.addi %mul3A_554, %add3A_1449 : i32
        %swap3A_1451 = arith.index_cast %and3A_113 : i32 to index
        %swap3A_1452 = arith.index_cast %add3A_1450 : i32 to index
        %swap3A_1453 = arith.constant 64 : index
        %swap3A_1454 = tpu.vector_load %arg8[%swap3A_1451, %swap3A_1452, %swap3A_1453] {strides = array<i32>} : memref<2x128x128xf32, #tpu.memory_space<vmem>>, vector<16xf32>,
        tpu.vector_store %arg8[%swap3A_1451, %swap3A_1452, %swap3A_1453], %mul3A_1448 {strides = array<i32>} : memref<2x128x128xf32, #tpu.memory_space<vmem>>, vector<16xf32>,
        %add3A_1455 = arith.constant 7 : i32
        %add3A_1456 = arith.addi %mul3A_554, %add3A_1455 : i32
        %get3A_1457 = arith.index_cast %and3A_113 : i32 to index
        %get3A_1458 = arith.index_cast %add3A_1456 : i32 to index
        %get3A_1459 = arith.constant 80 : index
        %get3A_1460 = tpu.vector_load %arg8[%get3A_1457, %get3A_1458, %get3A_1459] {strides = array<i32>} : memref<2x128x128xf32, #tpu.memory_space<vmem>>, vector<16xf32>,
        %mul3A_1461 = vector.broadcast %squeeze3A_600 : f32 to vector<16xf32>
        %mul3A_1462 = arith.mulf %get3A_1460, %mul3A_1461 : vector<16xf32>
        %add3A_1463 = arith.constant 7 : i32
        %add3A_1464 = arith.addi %mul3A_554, %add3A_1463 : i32
        %swap3A_1465 = arith.index_cast %and3A_113 : i32 to index
        %swap3A_1466 = arith.index_cast %add3A_1464 : i32 to index
        %swap3A_1467 = arith.constant 80 : index
        %swap3A_1468 = tpu.vector_load %arg8[%swap3A_1465, %swap3A_1466, %swap3A_1467] {strides = array<i32>} : memref<2x128x128xf32, #tpu.memory_space<vmem>>, vector<16xf32>,
        tpu.vector_store %arg8[%swap3A_1465, %swap3A_1466, %swap3A_1467], %mul3A_1462 {strides = array<i32>} : memref<2x128x128xf32, #tpu.memory_space<vmem>>, vector<16xf32>,
        %add3A_1469 = arith.constant 7 : i32
        %add3A_1470 = arith.addi %mul3A_554, %add3A_1469 : i32
        %get3A_1471 = arith.index_cast %and3A_113 : i32 to index
        %get3A_1472 = arith.index_cast %add3A_1470 : i32 to index
        %get3A_1473 = arith.constant 96 : index
        %get3A_1474 = tpu.vector_load %arg8[%get3A_1471, %get3A_1472, %get3A_1473] {strides = array<i32>} : memref<2x128x128xf32, #tpu.memory_space<vmem>>, vector<16xf32>,
        %mul3A_1475 = vector.broadcast %squeeze3A_600 : f32 to vector<16xf32>
        %mul3A_1476 = arith.mulf %get3A_1474, %mul3A_1475 : vector<16xf32>
        %add3A_1477 = arith.constant 7 : i32
        %add3A_1478 = arith.addi %mul3A_554, %add3A_1477 : i32
        %swap3A_1479 = arith.index_cast %and3A_113 : i32 to index
        %swap3A_1480 = arith.index_cast %add3A_1478 : i32 to index
        %swap3A_1481 = arith.constant 96 : index
        %swap3A_1482 = tpu.vector_load %arg8[%swap3A_1479, %swap3A_1480, %swap3A_1481] {strides = array<i32>} : memref<2x128x128xf32, #tpu.memory_space<vmem>>, vector<16xf32>,
        tpu.vector_store %arg8[%swap3A_1479, %swap3A_1480, %swap3A_1481], %mul3A_1476 {strides = array<i32>} : memref<2x128x128xf32, #tpu.memory_space<vmem>>, vector<16xf32>,
        %add3A_1483 = arith.constant 7 : i32
        %add3A_1484 = arith.addi %mul3A_554, %add3A_1483 : i32
        %get3A_1485 = arith.index_cast %and3A_113 : i32 to index
        %get3A_1486 = arith.index_cast %add3A_1484 : i32 to index
        %get3A_1487 = arith.constant 112 : index
        %get3A_1488 = tpu.vector_load %arg8[%get3A_1485, %get3A_1486, %get3A_1487] {strides = array<i32>} : memref<2x128x128xf32, #tpu.memory_space<vmem>>, vector<16xf32>,
        %mul3A_1489 = vector.broadcast %squeeze3A_600 : f32 to vector<16xf32>
        %mul3A_1490 = arith.mulf %get3A_1488, %mul3A_1489 : vector<16xf32>
        %add3A_1491 = arith.constant 7 : i32
        %add3A_1492 = arith.addi %mul3A_554, %add3A_1491 : i32
        %swap3A_1493 = arith.index_cast %and3A_113 : i32 to index
        %swap3A_1494 = arith.index_cast %add3A_1492 : i32 to index
        %swap3A_1495 = arith.constant 112 : index
        %swap3A_1496 = tpu.vector_load %arg8[%swap3A_1493, %swap3A_1494, %swap3A_1495] {strides = array<i32>} : memref<2x128x128xf32, #tpu.memory_space<vmem>>, vector<16xf32>,
        tpu.vector_store %arg8[%swap3A_1493, %swap3A_1494, %swap3A_1495], %mul3A_1490 {strides = array<i32>} : memref<2x128x128xf32, #tpu.memory_space<vmem>>, vector<16xf32>,
      }
      %scan3A_541 = arith.constant 16 : i32
      %dma_start3A_542 = arith.constant 0 : i32
      %dma_start3A_543 = arith.constant 0 : i32
      %dma_start3A_544 = tpu.memref_slice %arg8[%and3A_113, %dma_start3A_542, %dma_start3A_543] : memref<2x128x128xf32, #tpu.memory_space<vmem>> -> memref<1x128x128xf32, #tpu.memory_space<vmem>>
      %dma_start3A_545 = tpu.memref_squeeze %dma_start3A_544 : memref<1x128x128xf32, #tpu.memory_space<vmem>> -> memref<128x128xf32, #tpu.memory_space<vmem>>
      %dma_start3A_546 = arith.constant 0 : i32
      %dma_start3A_547 = tpu.memref_slice %arg11[%and3A_113, %dma_start3A_546] : memref<2x128xi32, #tpu.memory_space<vmem>> -> memref<1x128xi32, #tpu.memory_space<vmem>>
      %dma_start3A_548 = tpu.memref_squeeze %dma_start3A_547 : memref<1x128xi32, #tpu.memory_space<vmem>> -> memref<128xi32, #tpu.memory_space<vmem>>
      %dma_start3A_549 = arith.constant 0 : i32
      %dma_start3A_550 = arith.constant 0 : i32
      %dma_start3A_551 = tpu.memref_slice %arg13[%dma_start3A_549, %dma_start3A_550] : memref<10112x128xf32, #tpu.memory_space<vmem_shared>> -> memref<10112x128xf32, #tpu.memory_space<vmem_shared>>
      tpu.enqueue_indirect_dma source(%dma_start3A_545 : memref<128x128xf32, #tpu.memory_space<vmem>>) target(%dma_start3A_551 : memref<10112x128xf32, #tpu.memory_space<vmem_shared>>) offsets(%dma_start3A_548 : memref<128xi32, #tpu.memory_space<vmem>>) semaphore(%arg14 : memref<!tpu.dma_semaphore, #tpu.memory_space<semaphore_mem>>) {add = true}
    }
    %while3A_94 = arith.constant 1 : i32
    scf.for %while3A_111 = %while3A_92 to %while3A_88 step %while3A_94  : i32 {
      %and3A_112 = arith.constant 1 : i32
      %and3A_113 = arith.andi %while3A_111, %and3A_112 : i32
      %sub3A_114 = arith.constant 1 : i32
      %sub3A_115 = arith.subi %sub3A_114, %and3A_113 : i32
      %get3A = arith.constant 1 : i32
      %get3A_116 = arith.index_cast %and3A_113 : i32 to index
      %get3A_117 = arith.index_cast %get3A : i32 to index
      %get3A_118 = arith.constant 0 : index
      %get3A_119 = tpu.vector_load %arg9[%get3A_116, %get3A_117, %get3A_118] {strides = array<i32>} : memref<2x2x128xi32, #tpu.memory_space<vmem>>, vector<16xi32>,
      %get3A_120 = arith.constant 0 : i32
      %get3A_121 = arith.index_cast %and3A_113 : i32 to index
      %get3A_122 = arith.index_cast %get3A_120 : i32 to index
      %get3A_123 = arith.constant 0 : index
      %get3A_124 = tpu.vector_load %arg9[%get3A_121, %get3A_122, %get3A_123] {strides = array<i32>} : memref<2x2x128xi32, #tpu.memory_space<vmem>>, vector<16xi32>,
      %sub3A_125 = arith.subi %get3A_124, %broadcast_in_dim3A_10 : vector<16xi32>
      %shift_right_arithmetic3A = arith.constant 7 : i32
      %shift_right_arithmetic3A_126 = vector.broadcast %shift_right_arithmetic3A : i32 to vector<16xi32>
      %shift_right_arithmetic3A_127 = arith.shrsi %get3A_119, %shift_right_arithmetic3A_126 : vector<16xi32>
      %and3A_128 = arith.constant 127 : i32
      %and3A_129 = vector.broadcast %and3A_128 : i32 to vector<16xi32>
      %and3A_130 = arith.andi %get3A_119, %and3A_129 : vector<16xi32>
      %gather3A_131 = tpu.vector_load_idx %arg7[%shift_right_arithmetic3A_127, %and3A_130] : memref<80x128xi32, #tpu.memory_space<vmem>>[vector<16xi32>, vector<16xi32>], vector<16xi32>,
      %shift_right_arithmetic3A_132 = arith.constant 7 : i32
      %shift_right_arithmetic3A_133 = vector.broadcast %shift_right_arithmetic3A_132 : i32 to vector<16xi32>
      %shift_right_arithmetic3A_134 = arith.shrsi %sub3A_125, %shift_right_arithmetic3A_133 : vector<16xi32>
      %and3A_135 = arith.constant 127 : i32
      %and3A_136 = vector.broadcast %and3A_135 : i32 to vector<16xi32>
      %and3A_137 = arith.andi %sub3A_125, %and3A_136 : vector<16xi32>
      %gather3A_138 = tpu.vector_load_idx %arg7[%shift_right_arithmetic3A_134, %and3A_137] : memref<80x128xi32, #tpu.memory_space<vmem>>[vector<16xi32>, vector<16xi32>], vector<16xi32>,
      %and3A_139 = arith.constant -65536 : i32
      %and3A_140 = vector.broadcast %and3A_139 : i32 to vector<16xi32>
      %and3A_141 = arith.andi %gather3A_131, %and3A_140 : vector<16xi32>
      %bitcast3A = vector.bitcast %and3A_141 : vector<16xi32> to vector<16xf32>
      %shift_left3A = arith.constant 16 : i32
      %shift_left3A_142 = vector.broadcast %shift_left3A : i32 to vector<16xi32>
      %shift_left3A_143 = arith.shli %gather3A_138, %shift_left3A_142 : vector<16xi32>
      %bitcast3A_144 = vector.bitcast %shift_left3A_143 : vector<16xi32> to vector<16xf32>
      %add3A_145 = arith.addf %bitcast3A, %bitcast3A_144 : vector<16xf32>
      %add3A_146 = arith.addf %add3A_145, %gather3A : vector<16xf32>
      %neg3A = arith.constant 0.000000e+00 : f32
      %neg3A_147 = vector.broadcast %neg3A : f32 to vector<16xf32>
      %neg3A_148 = arith.subf %neg3A_147, %add3A_146 : vector<16xf32>
      %exp3A = math.exp %neg3A_148 : vector<16xf32>
      %add3A_149 = arith.constant 1.000000e+00 : f32
      %add3A_150 = vector.broadcast %add3A_149 : f32 to vector<16xf32>
      %add3A_151 = arith.addf %add3A_150, %exp3A : vector<16xf32>
      %div3A = arith.constant 1.000000e+00 : f32
      %div3A_152 = vector.broadcast %div3A : f32 to vector<16xf32>
      %div3A_153 = arith.divf %div3A_152, %add3A_151 : vector<16xf32>
      %swap3A = arith.constant 0 : index
      %swap3A_154 = tpu.vector_load %arg10[%swap3A] {strides = array<i32>} : memref<144xf32, #tpu.memory_space<vmem>>, vector<16xf32>,
      tpu.vector_store %arg10[%swap3A], %div3A_153 {strides = array<i32>} : memref<144xf32, #tpu.memory_space<vmem>>, vector<16xf32>,
      %swap3A_155 = arith.index_cast %and3A_113 : i32 to index
      %swap3A_156 = arith.constant 0 : index
      %swap3A_157 = tpu.vector_load %arg11[%swap3A_155, %swap3A_156] {strides = array<i32>} : memref<2x128xi32, #tpu.memory_space<vmem>>, vector<16xi32>,
      tpu.vector_store %arg11[%swap3A_155, %swap3A_156], %get3A_119 {strides = array<i32>} : memref<2x128xi32, #tpu.memory_space<vmem>>, vector<16xi32>,
      %get3A_158 = arith.constant 1 : i32
      %get3A_159 = arith.index_cast %and3A_113 : i32 to index
      %get3A_160 = arith.index_cast %get3A_158 : i32 to index
      %get3A_161 = arith.constant 16 : index
      %get3A_162 = tpu.vector_load %arg9[%get3A_159, %get3A_160, %get3A_161] {strides = array<i32>} : memref<2x2x128xi32, #tpu.memory_space<vmem>>, vector<16xi32>,
      %get3A_163 = arith.constant 0 : i32
      %get3A_164 = arith.index_cast %and3A_113 : i32 to index
      %get3A_165 = arith.index_cast %get3A_163 : i32 to index
      %get3A_166 = arith.constant 16 : index
      %get3A_167 = tpu.vector_load %arg9[%get3A_164, %get3A_165, %get3A_166] {strides = array<i32>} : memref<2x2x128xi32, #tpu.memory_space<vmem>>, vector<16xi32>,
      %sub3A_168 = arith.subi %get3A_167, %broadcast_in_dim3A_10 : vector<16xi32>
      %shift_right_arithmetic3A_169 = arith.constant 7 : i32
      %shift_right_arithmetic3A_170 = vector.broadcast %shift_right_arithmetic3A_169 : i32 to vector<16xi32>
      %shift_right_arithmetic3A_171 = arith.shrsi %get3A_162, %shift_right_arithmetic3A_170 : vector<16xi32>
      %and3A_172 = arith.constant 127 : i32
      %and3A_173 = vector.broadcast %and3A_172 : i32 to vector<16xi32>
      %and3A_174 = arith.andi %get3A_162, %and3A_173 : vector<16xi32>
      %gather3A_175 = tpu.vector_load_idx %arg7[%shift_right_arithmetic3A_171, %and3A_174] : memref<80x128xi32, #tpu.memory_space<vmem>>[vector<16xi32>, vector<16xi32>], vector<16xi32>,
      %shift_right_arithmetic3A_176 = arith.constant 7 : i32
      %shift_right_arithmetic3A_177 = vector.broadcast %shift_right_arithmetic3A_176 : i32 to vector<16xi32>
      %shift_right_arithmetic3A_178 = arith.shrsi %sub3A_168, %shift_right_arithmetic3A_177 : vector<16xi32>
      %and3A_179 = arith.constant 127 : i32
      %and3A_180 = vector.broadcast %and3A_179 : i32 to vector<16xi32>
      %and3A_181 = arith.andi %sub3A_168, %and3A_180 : vector<16xi32>
      %gather3A_182 = tpu.vector_load_idx %arg7[%shift_right_arithmetic3A_178, %and3A_181] : memref<80x128xi32, #tpu.memory_space<vmem>>[vector<16xi32>, vector<16xi32>], vector<16xi32>,
      %and3A_183 = arith.constant -65536 : i32
      %and3A_184 = vector.broadcast %and3A_183 : i32 to vector<16xi32>
      %and3A_185 = arith.andi %gather3A_175, %and3A_184 : vector<16xi32>
      %bitcast3A_186 = vector.bitcast %and3A_185 : vector<16xi32> to vector<16xf32>
      %shift_left3A_187 = arith.constant 16 : i32
      %shift_left3A_188 = vector.broadcast %shift_left3A_187 : i32 to vector<16xi32>
      %shift_left3A_189 = arith.shli %gather3A_182, %shift_left3A_188 : vector<16xi32>
      %bitcast3A_190 = vector.bitcast %shift_left3A_189 : vector<16xi32> to vector<16xf32>
      %add3A_191 = arith.addf %bitcast3A_186, %bitcast3A_190 : vector<16xf32>
      %add3A_192 = arith.addf %add3A_191, %gather3A : vector<16xf32>
      %neg3A_193 = arith.constant 0.000000e+00 : f32
      %neg3A_194 = vector.broadcast %neg3A_193 : f32 to vector<16xf32>
      %neg3A_195 = arith.subf %neg3A_194, %add3A_192 : vector<16xf32>
      %exp3A_196 = math.exp %neg3A_195 : vector<16xf32>
      %add3A_197 = arith.constant 1.000000e+00 : f32
      %add3A_198 = vector.broadcast %add3A_197 : f32 to vector<16xf32>
      %add3A_199 = arith.addf %add3A_198, %exp3A_196 : vector<16xf32>
      %div3A_200 = arith.constant 1.000000e+00 : f32
      %div3A_201 = vector.broadcast %div3A_200 : f32 to vector<16xf32>
      %div3A_202 = arith.divf %div3A_201, %add3A_199 : vector<16xf32>
      %swap3A_203 = arith.constant 16 : index
      %swap3A_204 = tpu.vector_load %arg10[%swap3A_203] {strides = array<i32>} : memref<144xf32, #tpu.memory_space<vmem>>, vector<16xf32>,
      tpu.vector_store %arg10[%swap3A_203], %div3A_202 {strides = array<i32>} : memref<144xf32, #tpu.memory_space<vmem>>, vector<16xf32>,
      %swap3A_205 = arith.index_cast %and3A_113 : i32 to index
      %swap3A_206 = arith.constant 16 : index
      %swap3A_207 = tpu.vector_load %arg11[%swap3A_205, %swap3A_206] {strides = array<i32>} : memref<2x128xi32, #tpu.memory_space<vmem>>, vector<16xi32>,
      tpu.vector_store %arg11[%swap3A_205, %swap3A_206], %get3A_162 {strides = array<i32>} : memref<2x128xi32, #tpu.memory_space<vmem>>, vector<16xi32>,
      %get3A_208 = arith.constant 1 : i32
      %get3A_209 = arith.index_cast %and3A_113 : i32 to index
      %get3A_210 = arith.index_cast %get3A_208 : i32 to index
      %get3A_211 = arith.constant 32 : index
      %get3A_212 = tpu.vector_load %arg9[%get3A_209, %get3A_210, %get3A_211] {strides = array<i32>} : memref<2x2x128xi32, #tpu.memory_space<vmem>>, vector<16xi32>,
      %get3A_213 = arith.constant 0 : i32
      %get3A_214 = arith.index_cast %and3A_113 : i32 to index
      %get3A_215 = arith.index_cast %get3A_213 : i32 to index
      %get3A_216 = arith.constant 32 : index
      %get3A_217 = tpu.vector_load %arg9[%get3A_214, %get3A_215, %get3A_216] {strides = array<i32>} : memref<2x2x128xi32, #tpu.memory_space<vmem>>, vector<16xi32>,
      %sub3A_218 = arith.subi %get3A_217, %broadcast_in_dim3A_10 : vector<16xi32>
      %shift_right_arithmetic3A_219 = arith.constant 7 : i32
      %shift_right_arithmetic3A_220 = vector.broadcast %shift_right_arithmetic3A_219 : i32 to vector<16xi32>
      %shift_right_arithmetic3A_221 = arith.shrsi %get3A_212, %shift_right_arithmetic3A_220 : vector<16xi32>
      %and3A_222 = arith.constant 127 : i32
      %and3A_223 = vector.broadcast %and3A_222 : i32 to vector<16xi32>
      %and3A_224 = arith.andi %get3A_212, %and3A_223 : vector<16xi32>
      %gather3A_225 = tpu.vector_load_idx %arg7[%shift_right_arithmetic3A_221, %and3A_224] : memref<80x128xi32, #tpu.memory_space<vmem>>[vector<16xi32>, vector<16xi32>], vector<16xi32>,
      %shift_right_arithmetic3A_226 = arith.constant 7 : i32
      %shift_right_arithmetic3A_227 = vector.broadcast %shift_right_arithmetic3A_226 : i32 to vector<16xi32>
      %shift_right_arithmetic3A_228 = arith.shrsi %sub3A_218, %shift_right_arithmetic3A_227 : vector<16xi32>
      %and3A_229 = arith.constant 127 : i32
      %and3A_230 = vector.broadcast %and3A_229 : i32 to vector<16xi32>
      %and3A_231 = arith.andi %sub3A_218, %and3A_230 : vector<16xi32>
      %gather3A_232 = tpu.vector_load_idx %arg7[%shift_right_arithmetic3A_228, %and3A_231] : memref<80x128xi32, #tpu.memory_space<vmem>>[vector<16xi32>, vector<16xi32>], vector<16xi32>,
      %and3A_233 = arith.constant -65536 : i32
      %and3A_234 = vector.broadcast %and3A_233 : i32 to vector<16xi32>
      %and3A_235 = arith.andi %gather3A_225, %and3A_234 : vector<16xi32>
      %bitcast3A_236 = vector.bitcast %and3A_235 : vector<16xi32> to vector<16xf32>
      %shift_left3A_237 = arith.constant 16 : i32
      %shift_left3A_238 = vector.broadcast %shift_left3A_237 : i32 to vector<16xi32>
      %shift_left3A_239 = arith.shli %gather3A_232, %shift_left3A_238 : vector<16xi32>
      %bitcast3A_240 = vector.bitcast %shift_left3A_239 : vector<16xi32> to vector<16xf32>
      %add3A_241 = arith.addf %bitcast3A_236, %bitcast3A_240 : vector<16xf32>
      %add3A_242 = arith.addf %add3A_241, %gather3A : vector<16xf32>
      %neg3A_243 = arith.constant 0.000000e+00 : f32
      %neg3A_244 = vector.broadcast %neg3A_243 : f32 to vector<16xf32>
      %neg3A_245 = arith.subf %neg3A_244, %add3A_242 : vector<16xf32>
      %exp3A_246 = math.exp %neg3A_245 : vector<16xf32>
      %add3A_247 = arith.constant 1.000000e+00 : f32
      %add3A_248 = vector.broadcast %add3A_247 : f32 to vector<16xf32>
      %add3A_249 = arith.addf %add3A_248, %exp3A_246 : vector<16xf32>
      %div3A_250 = arith.constant 1.000000e+00 : f32
      %div3A_251 = vector.broadcast %div3A_250 : f32 to vector<16xf32>
      %div3A_252 = arith.divf %div3A_251, %add3A_249 : vector<16xf32>
      %swap3A_253 = arith.constant 32 : index
      %swap3A_254 = tpu.vector_load %arg10[%swap3A_253] {strides = array<i32>} : memref<144xf32, #tpu.memory_space<vmem>>, vector<16xf32>,
      tpu.vector_store %arg10[%swap3A_253], %div3A_252 {strides = array<i32>} : memref<144xf32, #tpu.memory_space<vmem>>, vector<16xf32>,
      %swap3A_255 = arith.index_cast %and3A_113 : i32 to index
      %swap3A_256 = arith.constant 32 : index
      %swap3A_257 = tpu.vector_load %arg11[%swap3A_255, %swap3A_256] {strides = array<i32>} : memref<2x128xi32, #tpu.memory_space<vmem>>, vector<16xi32>,
      tpu.vector_store %arg11[%swap3A_255, %swap3A_256], %get3A_212 {strides = array<i32>} : memref<2x128xi32, #tpu.memory_space<vmem>>, vector<16xi32>,
      %get3A_258 = arith.constant 1 : i32
      %get3A_259 = arith.index_cast %and3A_113 : i32 to index
      %get3A_260 = arith.index_cast %get3A_258 : i32 to index
      %get3A_261 = arith.constant 48 : index
      %get3A_262 = tpu.vector_load %arg9[%get3A_259, %get3A_260, %get3A_261] {strides = array<i32>} : memref<2x2x128xi32, #tpu.memory_space<vmem>>, vector<16xi32>,
      %get3A_263 = arith.constant 0 : i32
      %get3A_264 = arith.index_cast %and3A_113 : i32 to index
      %get3A_265 = arith.index_cast %get3A_263 : i32 to index
      %get3A_266 = arith.constant 48 : index
      %get3A_267 = tpu.vector_load %arg9[%get3A_264, %get3A_265, %get3A_266] {strides = array<i32>} : memref<2x2x128xi32, #tpu.memory_space<vmem>>, vector<16xi32>,
      %sub3A_268 = arith.subi %get3A_267, %broadcast_in_dim3A_10 : vector<16xi32>
      %shift_right_arithmetic3A_269 = arith.constant 7 : i32
      %shift_right_arithmetic3A_270 = vector.broadcast %shift_right_arithmetic3A_269 : i32 to vector<16xi32>
      %shift_right_arithmetic3A_271 = arith.shrsi %get3A_262, %shift_right_arithmetic3A_270 : vector<16xi32>
      %and3A_272 = arith.constant 127 : i32
      %and3A_273 = vector.broadcast %and3A_272 : i32 to vector<16xi32>
      %and3A_274 = arith.andi %get3A_262, %and3A_273 : vector<16xi32>
      %gather3A_275 = tpu.vector_load_idx %arg7[%shift_right_arithmetic3A_271, %and3A_274] : memref<80x128xi32, #tpu.memory_space<vmem>>[vector<16xi32>, vector<16xi32>], vector<16xi32>,
      %shift_right_arithmetic3A_276 = arith.constant 7 : i32
      %shift_right_arithmetic3A_277 = vector.broadcast %shift_right_arithmetic3A_276 : i32 to vector<16xi32>
      %shift_right_arithmetic3A_278 = arith.shrsi %sub3A_268, %shift_right_arithmetic3A_277 : vector<16xi32>
      %and3A_279 = arith.constant 127 : i32
      %and3A_280 = vector.broadcast %and3A_279 : i32 to vector<16xi32>
      %and3A_281 = arith.andi %sub3A_268, %and3A_280 : vector<16xi32>
      %gather3A_282 = tpu.vector_load_idx %arg7[%shift_right_arithmetic3A_278, %and3A_281] : memref<80x128xi32, #tpu.memory_space<vmem>>[vector<16xi32>, vector<16xi32>], vector<16xi32>,
      %and3A_283 = arith.constant -65536 : i32
      %and3A_284 = vector.broadcast %and3A_283 : i32 to vector<16xi32>
      %and3A_285 = arith.andi %gather3A_275, %and3A_284 : vector<16xi32>
      %bitcast3A_286 = vector.bitcast %and3A_285 : vector<16xi32> to vector<16xf32>
      %shift_left3A_287 = arith.constant 16 : i32
      %shift_left3A_288 = vector.broadcast %shift_left3A_287 : i32 to vector<16xi32>
      %shift_left3A_289 = arith.shli %gather3A_282, %shift_left3A_288 : vector<16xi32>
      %bitcast3A_290 = vector.bitcast %shift_left3A_289 : vector<16xi32> to vector<16xf32>
      %add3A_291 = arith.addf %bitcast3A_286, %bitcast3A_290 : vector<16xf32>
      %add3A_292 = arith.addf %add3A_291, %gather3A : vector<16xf32>
      %neg3A_293 = arith.constant 0.000000e+00 : f32
      %neg3A_294 = vector.broadcast %neg3A_293 : f32 to vector<16xf32>
      %neg3A_295 = arith.subf %neg3A_294, %add3A_292 : vector<16xf32>
      %exp3A_296 = math.exp %neg3A_295 : vector<16xf32>
      %add3A_297 = arith.constant 1.000000e+00 : f32
      %add3A_298 = vector.broadcast %add3A_297 : f32 to vector<16xf32>
      %add3A_299 = arith.addf %add3A_298, %exp3A_296 : vector<16xf32>
      %div3A_300 = arith.constant 1.000000e+00 : f32
      %div3A_301 = vector.broadcast %div3A_300 : f32 to vector<16xf32>
      %div3A_302 = arith.divf %div3A_301, %add3A_299 : vector<16xf32>
      %swap3A_303 = arith.constant 48 : index
      %swap3A_304 = tpu.vector_load %arg10[%swap3A_303] {strides = array<i32>} : memref<144xf32, #tpu.memory_space<vmem>>, vector<16xf32>,
      tpu.vector_store %arg10[%swap3A_303], %div3A_302 {strides = array<i32>} : memref<144xf32, #tpu.memory_space<vmem>>, vector<16xf32>,
      %swap3A_305 = arith.index_cast %and3A_113 : i32 to index
      %swap3A_306 = arith.constant 48 : index
      %swap3A_307 = tpu.vector_load %arg11[%swap3A_305, %swap3A_306] {strides = array<i32>} : memref<2x128xi32, #tpu.memory_space<vmem>>, vector<16xi32>,
      tpu.vector_store %arg11[%swap3A_305, %swap3A_306], %get3A_262 {strides = array<i32>} : memref<2x128xi32, #tpu.memory_space<vmem>>, vector<16xi32>,
      %get3A_308 = arith.constant 1 : i32
      %get3A_309 = arith.index_cast %and3A_113 : i32 to index
      %get3A_310 = arith.index_cast %get3A_308 : i32 to index
      %get3A_311 = arith.constant 64 : index
      %get3A_312 = tpu.vector_load %arg9[%get3A_309, %get3A_310, %get3A_311] {strides = array<i32>} : memref<2x2x128xi32, #tpu.memory_space<vmem>>, vector<16xi32>,
      %get3A_313 = arith.constant 0 : i32
      %get3A_314 = arith.index_cast %and3A_113 : i32 to index
      %get3A_315 = arith.index_cast %get3A_313 : i32 to index
      %get3A_316 = arith.constant 64 : index
      %get3A_317 = tpu.vector_load %arg9[%get3A_314, %get3A_315, %get3A_316] {strides = array<i32>} : memref<2x2x128xi32, #tpu.memory_space<vmem>>, vector<16xi32>,
      %sub3A_318 = arith.subi %get3A_317, %broadcast_in_dim3A_10 : vector<16xi32>
      %shift_right_arithmetic3A_319 = arith.constant 7 : i32
      %shift_right_arithmetic3A_320 = vector.broadcast %shift_right_arithmetic3A_319 : i32 to vector<16xi32>
      %shift_right_arithmetic3A_321 = arith.shrsi %get3A_312, %shift_right_arithmetic3A_320 : vector<16xi32>
      %and3A_322 = arith.constant 127 : i32
      %and3A_323 = vector.broadcast %and3A_322 : i32 to vector<16xi32>
      %and3A_324 = arith.andi %get3A_312, %and3A_323 : vector<16xi32>
      %gather3A_325 = tpu.vector_load_idx %arg7[%shift_right_arithmetic3A_321, %and3A_324] : memref<80x128xi32, #tpu.memory_space<vmem>>[vector<16xi32>, vector<16xi32>], vector<16xi32>,
      %shift_right_arithmetic3A_326 = arith.constant 7 : i32
      %shift_right_arithmetic3A_327 = vector.broadcast %shift_right_arithmetic3A_326 : i32 to vector<16xi32>
      %shift_right_arithmetic3A_328 = arith.shrsi %sub3A_318, %shift_right_arithmetic3A_327 : vector<16xi32>
      %and3A_329 = arith.constant 127 : i32
      %and3A_330 = vector.broadcast %and3A_329 : i32 to vector<16xi32>
      %and3A_331 = arith.andi %sub3A_318, %and3A_330 : vector<16xi32>
      %gather3A_332 = tpu.vector_load_idx %arg7[%shift_right_arithmetic3A_328, %and3A_331] : memref<80x128xi32, #tpu.memory_space<vmem>>[vector<16xi32>, vector<16xi32>], vector<16xi32>,
      %and3A_333 = arith.constant -65536 : i32
      %and3A_334 = vector.broadcast %and3A_333 : i32 to vector<16xi32>
      %and3A_335 = arith.andi %gather3A_325, %and3A_334 : vector<16xi32>
      %bitcast3A_336 = vector.bitcast %and3A_335 : vector<16xi32> to vector<16xf32>
      %shift_left3A_337 = arith.constant 16 : i32
      %shift_left3A_338 = vector.broadcast %shift_left3A_337 : i32 to vector<16xi32>
      %shift_left3A_339 = arith.shli %gather3A_332, %shift_left3A_338 : vector<16xi32>
      %bitcast3A_340 = vector.bitcast %shift_left3A_339 : vector<16xi32> to vector<16xf32>
      %add3A_341 = arith.addf %bitcast3A_336, %bitcast3A_340 : vector<16xf32>
      %add3A_342 = arith.addf %add3A_341, %gather3A : vector<16xf32>
      %neg3A_343 = arith.constant 0.000000e+00 : f32
      %neg3A_344 = vector.broadcast %neg3A_343 : f32 to vector<16xf32>
      %neg3A_345 = arith.subf %neg3A_344, %add3A_342 : vector<16xf32>
      %exp3A_346 = math.exp %neg3A_345 : vector<16xf32>
      %add3A_347 = arith.constant 1.000000e+00 : f32
      %add3A_348 = vector.broadcast %add3A_347 : f32 to vector<16xf32>
      %add3A_349 = arith.addf %add3A_348, %exp3A_346 : vector<16xf32>
      %div3A_350 = arith.constant 1.000000e+00 : f32
      %div3A_351 = vector.broadcast %div3A_350 : f32 to vector<16xf32>
      %div3A_352 = arith.divf %div3A_351, %add3A_349 : vector<16xf32>
      %swap3A_353 = arith.constant 64 : index
      %swap3A_354 = tpu.vector_load %arg10[%swap3A_353] {strides = array<i32>} : memref<144xf32, #tpu.memory_space<vmem>>, vector<16xf32>,
      tpu.vector_store %arg10[%swap3A_353], %div3A_352 {strides = array<i32>} : memref<144xf32, #tpu.memory_space<vmem>>, vector<16xf32>,
      %swap3A_355 = arith.index_cast %and3A_113 : i32 to index
      %swap3A_356 = arith.constant 64 : index
      %swap3A_357 = tpu.vector_load %arg11[%swap3A_355, %swap3A_356] {strides = array<i32>} : memref<2x128xi32, #tpu.memory_space<vmem>>, vector<16xi32>,
      tpu.vector_store %arg11[%swap3A_355, %swap3A_356], %get3A_312 {strides = array<i32>} : memref<2x128xi32, #tpu.memory_space<vmem>>, vector<16xi32>,
      %get3A_358 = arith.constant 1 : i32
      %get3A_359 = arith.index_cast %and3A_113 : i32 to index
      %get3A_360 = arith.index_cast %get3A_358 : i32 to index
      %get3A_361 = arith.constant 80 : index
      %get3A_362 = tpu.vector_load %arg9[%get3A_359, %get3A_360, %get3A_361] {strides = array<i32>} : memref<2x2x128xi32, #tpu.memory_space<vmem>>, vector<16xi32>,
      %get3A_363 = arith.constant 0 : i32
      %get3A_364 = arith.index_cast %and3A_113 : i32 to index
      %get3A_365 = arith.index_cast %get3A_363 : i32 to index
      %get3A_366 = arith.constant 80 : index
      %get3A_367 = tpu.vector_load %arg9[%get3A_364, %get3A_365, %get3A_366] {strides = array<i32>} : memref<2x2x128xi32, #tpu.memory_space<vmem>>, vector<16xi32>,
      %sub3A_368 = arith.subi %get3A_367, %broadcast_in_dim3A_10 : vector<16xi32>
      %shift_right_arithmetic3A_369 = arith.constant 7 : i32
      %shift_right_arithmetic3A_370 = vector.broadcast %shift_right_arithmetic3A_369 : i32 to vector<16xi32>
      %shift_right_arithmetic3A_371 = arith.shrsi %get3A_362, %shift_right_arithmetic3A_370 : vector<16xi32>
      %and3A_372 = arith.constant 127 : i32
      %and3A_373 = vector.broadcast %and3A_372 : i32 to vector<16xi32>
      %and3A_374 = arith.andi %get3A_362, %and3A_373 : vector<16xi32>
      %gather3A_375 = tpu.vector_load_idx %arg7[%shift_right_arithmetic3A_371, %and3A_374] : memref<80x128xi32, #tpu.memory_space<vmem>>[vector<16xi32>, vector<16xi32>], vector<16xi32>,
      %shift_right_arithmetic3A_376 = arith.constant 7 : i32
      %shift_right_arithmetic3A_377 = vector.broadcast %shift_right_arithmetic3A_376 : i32 to vector<16xi32>
      %shift_right_arithmetic3A_378 = arith.shrsi %sub3A_368, %shift_right_arithmetic3A_377 : vector<16xi32>
      %and3A_379 = arith.constant 127 : i32
      %and3A_380 = vector.broadcast %and3A_379 : i32 to vector<16xi32>
      %and3A_381 = arith.andi %sub3A_368, %and3A_380 : vector<16xi32>
      %gather3A_382 = tpu.vector_load_idx %arg7[%shift_right_arithmetic3A_378, %and3A_381] : memref<80x128xi32, #tpu.memory_space<vmem>>[vector<16xi32>, vector<16xi32>], vector<16xi32>,
      %and3A_383 = arith.constant -65536 : i32
      %and3A_384 = vector.broadcast %and3A_383 : i32 to vector<16xi32>
      %and3A_385 = arith.andi %gather3A_375, %and3A_384 : vector<16xi32>
      %bitcast3A_386 = vector.bitcast %and3A_385 : vector<16xi32> to vector<16xf32>
      %shift_left3A_387 = arith.constant 16 : i32
      %shift_left3A_388 = vector.broadcast %shift_left3A_387 : i32 to vector<16xi32>
      %shift_left3A_389 = arith.shli %gather3A_382, %shift_left3A_388 : vector<16xi32>
      %bitcast3A_390 = vector.bitcast %shift_left3A_389 : vector<16xi32> to vector<16xf32>
      %add3A_391 = arith.addf %bitcast3A_386, %bitcast3A_390 : vector<16xf32>
      %add3A_392 = arith.addf %add3A_391, %gather3A : vector<16xf32>
      %neg3A_393 = arith.constant 0.000000e+00 : f32
      %neg3A_394 = vector.broadcast %neg3A_393 : f32 to vector<16xf32>
      %neg3A_395 = arith.subf %neg3A_394, %add3A_392 : vector<16xf32>
      %exp3A_396 = math.exp %neg3A_395 : vector<16xf32>
      %add3A_397 = arith.constant 1.000000e+00 : f32
      %add3A_398 = vector.broadcast %add3A_397 : f32 to vector<16xf32>
      %add3A_399 = arith.addf %add3A_398, %exp3A_396 : vector<16xf32>
      %div3A_400 = arith.constant 1.000000e+00 : f32
      %div3A_401 = vector.broadcast %div3A_400 : f32 to vector<16xf32>
      %div3A_402 = arith.divf %div3A_401, %add3A_399 : vector<16xf32>
      %swap3A_403 = arith.constant 80 : index
      %swap3A_404 = tpu.vector_load %arg10[%swap3A_403] {strides = array<i32>} : memref<144xf32, #tpu.memory_space<vmem>>, vector<16xf32>,
      tpu.vector_store %arg10[%swap3A_403], %div3A_402 {strides = array<i32>} : memref<144xf32, #tpu.memory_space<vmem>>, vector<16xf32>,
      %swap3A_405 = arith.index_cast %and3A_113 : i32 to index
      %swap3A_406 = arith.constant 80 : index
      %swap3A_407 = tpu.vector_load %arg11[%swap3A_405, %swap3A_406] {strides = array<i32>} : memref<2x128xi32, #tpu.memory_space<vmem>>, vector<16xi32>,
      tpu.vector_store %arg11[%swap3A_405, %swap3A_406], %get3A_362 {strides = array<i32>} : memref<2x128xi32, #tpu.memory_space<vmem>>, vector<16xi32>,
      %get3A_408 = arith.constant 1 : i32
      %get3A_409 = arith.index_cast %and3A_113 : i32 to index
      %get3A_410 = arith.index_cast %get3A_408 : i32 to index
      %get3A_411 = arith.constant 96 : index
      %get3A_412 = tpu.vector_load %arg9[%get3A_409, %get3A_410, %get3A_411] {strides = array<i32>} : memref<2x2x128xi32, #tpu.memory_space<vmem>>, vector<16xi32>,
      %get3A_413 = arith.constant 0 : i32
      %get3A_414 = arith.index_cast %and3A_113 : i32 to index
      %get3A_415 = arith.index_cast %get3A_413 : i32 to index
      %get3A_416 = arith.constant 96 : index
      %get3A_417 = tpu.vector_load %arg9[%get3A_414, %get3A_415, %get3A_416] {strides = array<i32>} : memref<2x2x128xi32, #tpu.memory_space<vmem>>, vector<16xi32>,
      %sub3A_418 = arith.subi %get3A_417, %broadcast_in_dim3A_10 : vector<16xi32>
      %shift_right_arithmetic3A_419 = arith.constant 7 : i32
      %shift_right_arithmetic3A_420 = vector.broadcast %shift_right_arithmetic3A_419 : i32 to vector<16xi32>
      %shift_right_arithmetic3A_421 = arith.shrsi %get3A_412, %shift_right_arithmetic3A_420 : vector<16xi32>
      %and3A_422 = arith.constant 127 : i32
      %and3A_423 = vector.broadcast %and3A_422 : i32 to vector<16xi32>
      %and3A_424 = arith.andi %get3A_412, %and3A_423 : vector<16xi32>
      %gather3A_425 = tpu.vector_load_idx %arg7[%shift_right_arithmetic3A_421, %and3A_424] : memref<80x128xi32, #tpu.memory_space<vmem>>[vector<16xi32>, vector<16xi32>], vector<16xi32>,
      %shift_right_arithmetic3A_426 = arith.constant 7 : i32
      %shift_right_arithmetic3A_427 = vector.broadcast %shift_right_arithmetic3A_426 : i32 to vector<16xi32>
      %shift_right_arithmetic3A_428 = arith.shrsi %sub3A_418, %shift_right_arithmetic3A_427 : vector<16xi32>
      %and3A_429 = arith.constant 127 : i32
      %and3A_430 = vector.broadcast %and3A_429 : i32 to vector<16xi32>
      %and3A_431 = arith.andi %sub3A_418, %and3A_430 : vector<16xi32>
      %gather3A_432 = tpu.vector_load_idx %arg7[%shift_right_arithmetic3A_428, %and3A_431] : memref<80x128xi32, #tpu.memory_space<vmem>>[vector<16xi32>, vector<16xi32>], vector<16xi32>,
      %and3A_433 = arith.constant -65536 : i32
      %and3A_434 = vector.broadcast %and3A_433 : i32 to vector<16xi32>
      %and3A_435 = arith.andi %gather3A_425, %and3A_434 : vector<16xi32>
      %bitcast3A_436 = vector.bitcast %and3A_435 : vector<16xi32> to vector<16xf32>
      %shift_left3A_437 = arith.constant 16 : i32
      %shift_left3A_438 = vector.broadcast %shift_left3A_437 : i32 to vector<16xi32>
      %shift_left3A_439 = arith.shli %gather3A_432, %shift_left3A_438 : vector<16xi32>
      %bitcast3A_440 = vector.bitcast %shift_left3A_439 : vector<16xi32> to vector<16xf32>
      %add3A_441 = arith.addf %bitcast3A_436, %bitcast3A_440 : vector<16xf32>
      %add3A_442 = arith.addf %add3A_441, %gather3A : vector<16xf32>
      %neg3A_443 = arith.constant 0.000000e+00 : f32
      %neg3A_444 = vector.broadcast %neg3A_443 : f32 to vector<16xf32>
      %neg3A_445 = arith.subf %neg3A_444, %add3A_442 : vector<16xf32>
      %exp3A_446 = math.exp %neg3A_445 : vector<16xf32>
      %add3A_447 = arith.constant 1.000000e+00 : f32
      %add3A_448 = vector.broadcast %add3A_447 : f32 to vector<16xf32>
      %add3A_449 = arith.addf %add3A_448, %exp3A_446 : vector<16xf32>
      %div3A_450 = arith.constant 1.000000e+00 : f32
      %div3A_451 = vector.broadcast %div3A_450 : f32 to vector<16xf32>
      %div3A_452 = arith.divf %div3A_451, %add3A_449 : vector<16xf32>
      %swap3A_453 = arith.constant 96 : index
      %swap3A_454 = tpu.vector_load %arg10[%swap3A_453] {strides = array<i32>} : memref<144xf32, #tpu.memory_space<vmem>>, vector<16xf32>,
      tpu.vector_store %arg10[%swap3A_453], %div3A_452 {strides = array<i32>} : memref<144xf32, #tpu.memory_space<vmem>>, vector<16xf32>,
      %swap3A_455 = arith.index_cast %and3A_113 : i32 to index
      %swap3A_456 = arith.constant 96 : index
      %swap3A_457 = tpu.vector_load %arg11[%swap3A_455, %swap3A_456] {strides = array<i32>} : memref<2x128xi32, #tpu.memory_space<vmem>>, vector<16xi32>,
      tpu.vector_store %arg11[%swap3A_455, %swap3A_456], %get3A_412 {strides = array<i32>} : memref<2x128xi32, #tpu.memory_space<vmem>>, vector<16xi32>,
      %get3A_458 = arith.constant 1 : i32
      %get3A_459 = arith.index_cast %and3A_113 : i32 to index
      %get3A_460 = arith.index_cast %get3A_458 : i32 to index
      %get3A_461 = arith.constant 112 : index
      %get3A_462 = tpu.vector_load %arg9[%get3A_459, %get3A_460, %get3A_461] {strides = array<i32>} : memref<2x2x128xi32, #tpu.memory_space<vmem>>, vector<16xi32>,
      %get3A_463 = arith.constant 0 : i32
      %get3A_464 = arith.index_cast %and3A_113 : i32 to index
      %get3A_465 = arith.index_cast %get3A_463 : i32 to index
      %get3A_466 = arith.constant 112 : index
      %get3A_467 = tpu.vector_load %arg9[%get3A_464, %get3A_465, %get3A_466] {strides = array<i32>} : memref<2x2x128xi32, #tpu.memory_space<vmem>>, vector<16xi32>,
      %sub3A_468 = arith.subi %get3A_467, %broadcast_in_dim3A_10 : vector<16xi32>
      %shift_right_arithmetic3A_469 = arith.constant 7 : i32
      %shift_right_arithmetic3A_470 = vector.broadcast %shift_right_arithmetic3A_469 : i32 to vector<16xi32>
      %shift_right_arithmetic3A_471 = arith.shrsi %get3A_462, %shift_right_arithmetic3A_470 : vector<16xi32>
      %and3A_472 = arith.constant 127 : i32
      %and3A_473 = vector.broadcast %and3A_472 : i32 to vector<16xi32>
      %and3A_474 = arith.andi %get3A_462, %and3A_473 : vector<16xi32>
      %gather3A_475 = tpu.vector_load_idx %arg7[%shift_right_arithmetic3A_471, %and3A_474] : memref<80x128xi32, #tpu.memory_space<vmem>>[vector<16xi32>, vector<16xi32>], vector<16xi32>,
      %shift_right_arithmetic3A_476 = arith.constant 7 : i32
      %shift_right_arithmetic3A_477 = vector.broadcast %shift_right_arithmetic3A_476 : i32 to vector<16xi32>
      %shift_right_arithmetic3A_478 = arith.shrsi %sub3A_468, %shift_right_arithmetic3A_477 : vector<16xi32>
      %and3A_479 = arith.constant 127 : i32
      %and3A_480 = vector.broadcast %and3A_479 : i32 to vector<16xi32>
      %and3A_481 = arith.andi %sub3A_468, %and3A_480 : vector<16xi32>
      %gather3A_482 = tpu.vector_load_idx %arg7[%shift_right_arithmetic3A_478, %and3A_481] : memref<80x128xi32, #tpu.memory_space<vmem>>[vector<16xi32>, vector<16xi32>], vector<16xi32>,
      %and3A_483 = arith.constant -65536 : i32
      %and3A_484 = vector.broadcast %and3A_483 : i32 to vector<16xi32>
      %and3A_485 = arith.andi %gather3A_475, %and3A_484 : vector<16xi32>
      %bitcast3A_486 = vector.bitcast %and3A_485 : vector<16xi32> to vector<16xf32>
      %shift_left3A_487 = arith.constant 16 : i32
      %shift_left3A_488 = vector.broadcast %shift_left3A_487 : i32 to vector<16xi32>
      %shift_left3A_489 = arith.shli %gather3A_482, %shift_left3A_488 : vector<16xi32>
      %bitcast3A_490 = vector.bitcast %shift_left3A_489 : vector<16xi32> to vector<16xf32>
      %add3A_491 = arith.addf %bitcast3A_486, %bitcast3A_490 : vector<16xf32>
      %add3A_492 = arith.addf %add3A_491, %gather3A : vector<16xf32>
      %neg3A_493 = arith.constant 0.000000e+00 : f32
      %neg3A_494 = vector.broadcast %neg3A_493 : f32 to vector<16xf32>
      %neg3A_495 = arith.subf %neg3A_494, %add3A_492 : vector<16xf32>
      %exp3A_496 = math.exp %neg3A_495 : vector<16xf32>
      %add3A_497 = arith.constant 1.000000e+00 : f32
      %add3A_498 = vector.broadcast %add3A_497 : f32 to vector<16xf32>
      %add3A_499 = arith.addf %add3A_498, %exp3A_496 : vector<16xf32>
      %div3A_500 = arith.constant 1.000000e+00 : f32
      %div3A_501 = vector.broadcast %div3A_500 : f32 to vector<16xf32>
      %div3A_502 = arith.divf %div3A_501, %add3A_499 : vector<16xf32>
      %swap3A_503 = arith.constant 112 : index
      %swap3A_504 = tpu.vector_load %arg10[%swap3A_503] {strides = array<i32>} : memref<144xf32, #tpu.memory_space<vmem>>, vector<16xf32>,
      tpu.vector_store %arg10[%swap3A_503], %div3A_502 {strides = array<i32>} : memref<144xf32, #tpu.memory_space<vmem>>, vector<16xf32>,
      %swap3A_505 = arith.index_cast %and3A_113 : i32 to index
      %swap3A_506 = arith.constant 112 : index
      %swap3A_507 = tpu.vector_load %arg11[%swap3A_505, %swap3A_506] {strides = array<i32>} : memref<2x128xi32, #tpu.memory_space<vmem>>, vector<16xi32>,
      tpu.vector_store %arg11[%swap3A_505, %swap3A_506], %get3A_462 {strides = array<i32>} : memref<2x128xi32, #tpu.memory_space<vmem>>, vector<16xi32>,
      %ge3A = arith.constant 1 : i32
      %ge3A_508 = arith.cmpi sge, %while3A_111, %ge3A : i32
      %convert_element_type3A = arith.extui %ge3A_508 : i1 to i32
      %cond3A = arith.constant 0 : i32
      %cond3A_509 = arith.cmpi ne, %convert_element_type3A, %cond3A : i32
      scf.if %cond3A_509 {
        %dma_wait3A_552 = arith.constant 0 : i32
        %dma_wait3A_553 = arith.constant 0 : i32
        %dma_wait3A_554 = tpu.memref_slice %arg8[%sub3A_115, %dma_wait3A_552, %dma_wait3A_553] : memref<2x128x128xf32, #tpu.memory_space<vmem>> -> memref<1x128x128xf32, #tpu.memory_space<vmem>>
        %dma_wait3A_555 = tpu.memref_squeeze %dma_wait3A_554 : memref<1x128x128xf32, #tpu.memory_space<vmem>> -> memref<128x128xf32, #tpu.memory_space<vmem>>
        %dma_wait3A_556 = arith.constant 0 : i32
        %dma_wait3A_557 = arith.constant 0 : i32
        %dma_wait3A_558 = tpu.memref_slice %arg2[%dma_wait3A_556, %dma_wait3A_557] : memref<20480x128xf32, #tpu.memory_space<hbm>> -> memref<128x128xf32, #tpu.memory_space<hbm>>
        %dma_wait3A_559 = arith.constant 0 : i32
        %dma_wait3A_560 = arith.constant 0 : i32
        %dma_wait3A_561 = tpu.memref_slice %arg8[%sub3A_115, %dma_wait3A_559, %dma_wait3A_560] : memref<2x128x128xf32, #tpu.memory_space<vmem>> -> memref<1x128x128xf32, #tpu.memory_space<vmem>>
        %dma_wait3A_562 = tpu.memref_squeeze %dma_wait3A_561 : memref<1x128x128xf32, #tpu.memory_space<vmem>> -> memref<128x128xf32, #tpu.memory_space<vmem>>
        %dma_wait3A_563 = arith.constant 0 : i32
        %dma_wait3A_564 = arith.constant 0 : i32
        %dma_wait3A_565 = tpu.memref_slice %arg2[%dma_wait3A_563, %dma_wait3A_564] : memref<20480x128xf32, #tpu.memory_space<hbm>> -> memref<128x128xf32, #tpu.memory_space<hbm>>
        tpu.wait_dma2 semaphore(%arg14 : memref<!tpu.dma_semaphore, #tpu.memory_space<semaphore_mem>>) src(%dma_wait3A_565 : memref<128x128xf32, #tpu.memory_space<hbm>>) dst(%dma_wait3A_562 : memref<128x128xf32, #tpu.memory_space<vmem>>)
      } else {
      }
      %sub3A_510 = arith.constant 1 : i32
      %sub3A_511 = arith.subi %select_n3A, %sub3A_510 : i32
      %lt3A_512 = arith.cmpi slt, %while3A_111, %sub3A_511 : i32
      %convert_element_type3A_513 = arith.extui %lt3A_512 : i1 to i32
      %cond3A_514 = arith.constant 0 : i32
      %cond3A_515 = arith.cmpi ne, %convert_element_type3A_513, %cond3A_514 : i32
      scf.if %cond3A_515 {
        %dma_wait3A_552 = arith.constant 0 : i32
        %dma_wait3A_553 = arith.constant 0 : i32
        %dma_wait3A_554 = arith.constant 0 : i32
        %dma_wait3A_555 = tpu.memref_slice %arg9[%sub3A_115, %dma_wait3A_553, %dma_wait3A_554] : memref<2x2x128xi32, #tpu.memory_space<vmem>> -> memref<1x1x128xi32, #tpu.memory_space<vmem>>
        %dma_wait3A_556 = tpu.memref_squeeze %dma_wait3A_555 : memref<1x1x128xi32, #tpu.memory_space<vmem>> -> memref<128xi32, #tpu.memory_space<vmem>>
        %dma_wait3A_557 = arith.constant 0 : i32
        %dma_wait3A_558 = tpu.memref_slice %arg5[%arg0, %dma_wait3A_552, %dma_wait3A_557] : memref<2x2x320000xi32, #tpu.memory_space<hbm>> -> memref<1x1x128xi32, #tpu.memory_space<hbm>>
        %dma_wait3A_559 = tpu.memref_squeeze %dma_wait3A_558 : memref<1x1x128xi32, #tpu.memory_space<hbm>> -> memref<128xi32, #tpu.memory_space<hbm>>
        %dma_wait3A_560 = arith.constant 0 : i32
        %dma_wait3A_561 = tpu.memref_slice %arg9[%sub3A_115, %dma_wait3A_553, %dma_wait3A_560] : memref<2x2x128xi32, #tpu.memory_space<vmem>> -> memref<1x1x128xi32, #tpu.memory_space<vmem>>
        %dma_wait3A_562 = tpu.memref_squeeze %dma_wait3A_561 : memref<1x1x128xi32, #tpu.memory_space<vmem>> -> memref<128xi32, #tpu.memory_space<vmem>>
        %dma_wait3A_563 = arith.constant 0 : i32
        %dma_wait3A_564 = tpu.memref_slice %arg5[%arg0, %dma_wait3A_552, %dma_wait3A_563] : memref<2x2x320000xi32, #tpu.memory_space<hbm>> -> memref<1x1x128xi32, #tpu.memory_space<hbm>>
        %dma_wait3A_565 = tpu.memref_squeeze %dma_wait3A_564 : memref<1x1x128xi32, #tpu.memory_space<hbm>> -> memref<128xi32, #tpu.memory_space<hbm>>
        tpu.wait_dma2 semaphore(%arg15 : memref<!tpu.dma_semaphore, #tpu.memory_space<semaphore_mem>>) src(%dma_wait3A_565 : memref<128xi32, #tpu.memory_space<hbm>>) dst(%dma_wait3A_562 : memref<128xi32, #tpu.memory_space<vmem>>)
        %dma_wait3A_566 = arith.constant 1 : i32
        %dma_wait3A_567 = arith.constant 1 : i32
        %dma_wait3A_568 = arith.constant 0 : i32
        %dma_wait3A_569 = tpu.memref_slice %arg9[%sub3A_115, %dma_wait3A_567, %dma_wait3A_568] : memref<2x2x128xi32, #tpu.memory_space<vmem>> -> memref<1x1x128xi32, #tpu.memory_space<vmem>>
        %dma_wait3A_570 = tpu.memref_squeeze %dma_wait3A_569 : memref<1x1x128xi32, #tpu.memory_space<vmem>> -> memref<128xi32, #tpu.memory_space<vmem>>
        %dma_wait3A_571 = arith.constant 0 : i32
        %dma_wait3A_572 = tpu.memref_slice %arg5[%arg0, %dma_wait3A_566, %dma_wait3A_571] : memref<2x2x320000xi32, #tpu.memory_space<hbm>> -> memref<1x1x128xi32, #tpu.memory_space<hbm>>
        %dma_wait3A_573 = tpu.memref_squeeze %dma_wait3A_572 : memref<1x1x128xi32, #tpu.memory_space<hbm>> -> memref<128xi32, #tpu.memory_space<hbm>>
        %dma_wait3A_574 = arith.constant 0 : i32
        %dma_wait3A_575 = tpu.memref_slice %arg9[%sub3A_115, %dma_wait3A_567, %dma_wait3A_574] : memref<2x2x128xi32, #tpu.memory_space<vmem>> -> memref<1x1x128xi32, #tpu.memory_space<vmem>>
        %dma_wait3A_576 = tpu.memref_squeeze %dma_wait3A_575 : memref<1x1x128xi32, #tpu.memory_space<vmem>> -> memref<128xi32, #tpu.memory_space<vmem>>
        %dma_wait3A_577 = arith.constant 0 : i32
        %dma_wait3A_578 = tpu.memref_slice %arg5[%arg0, %dma_wait3A_566, %dma_wait3A_577] : memref<2x2x320000xi32, #tpu.memory_space<hbm>> -> memref<1x1x128xi32, #tpu.memory_space<hbm>>
        %dma_wait3A_579 = tpu.memref_squeeze %dma_wait3A_578 : memref<1x1x128xi32, #tpu.memory_space<hbm>> -> memref<128xi32, #tpu.memory_space<hbm>>
        tpu.wait_dma2 semaphore(%arg15 : memref<!tpu.dma_semaphore, #tpu.memory_space<semaphore_mem>>) src(%dma_wait3A_579 : memref<128xi32, #tpu.memory_space<hbm>>) dst(%dma_wait3A_576 : memref<128xi32, #tpu.memory_space<vmem>>)
        %dma_start3A_580 = arith.constant 0 : i32
        %dma_start3A_581 = arith.constant 0 : i32
        %dma_start3A_582 = arith.constant 0 : i32
        %dma_start3A_583 = tpu.memref_slice %arg8[%sub3A_115, %dma_start3A_581, %dma_start3A_582] : memref<2x128x128xf32, #tpu.memory_space<vmem>> -> memref<1x128x128xf32, #tpu.memory_space<vmem>>
        %dma_start3A_584 = tpu.memref_squeeze %dma_start3A_583 : memref<1x128x128xf32, #tpu.memory_space<vmem>> -> memref<128x128xf32, #tpu.memory_space<vmem>>
        %dma_start3A_585 = arith.constant 0 : i32
        %dma_start3A_586 = tpu.memref_slice %arg9[%sub3A_115, %dma_start3A_580, %dma_start3A_585] : memref<2x2x128xi32, #tpu.memory_space<vmem>> -> memref<1x1x128xi32, #tpu.memory_space<vmem>>
        %dma_start3A_587 = tpu.memref_squeeze %dma_start3A_586 : memref<1x1x128xi32, #tpu.memory_space<vmem>> -> memref<128xi32, #tpu.memory_space<vmem>>
        %dma_start3A_588 = arith.constant 0 : i32
        %dma_start3A_589 = arith.constant 0 : i32
        %dma_start3A_590 = tpu.memref_slice %arg2[%dma_start3A_588, %dma_start3A_589] : memref<20480x128xf32, #tpu.memory_space<hbm>> -> memref<20480x128xf32, #tpu.memory_space<hbm>>
        tpu.enqueue_indirect_dma source(%dma_start3A_590 : memref<20480x128xf32, #tpu.memory_space<hbm>>) target(%dma_start3A_584 : memref<128x128xf32, #tpu.memory_space<vmem>>) offsets(%dma_start3A_587 : memref<128xi32, #tpu.memory_space<vmem>>) semaphore(%arg16 : memref<!tpu.dma_semaphore, #tpu.memory_space<semaphore_mem>>)
      } else {
      }
      %dma_wait3A_516 = arith.constant 0 : i32
      %dma_wait3A_517 = arith.constant 0 : i32
      %dma_wait3A_518 = tpu.memref_slice %arg8[%and3A_113, %dma_wait3A_516, %dma_wait3A_517] : memref<2x128x128xf32, #tpu.memory_space<vmem>> -> memref<1x128x128xf32, #tpu.memory_space<vmem>>
      %dma_wait3A_519 = tpu.memref_squeeze %dma_wait3A_518 : memref<1x128x128xf32, #tpu.memory_space<vmem>> -> memref<128x128xf32, #tpu.memory_space<vmem>>
      %dma_wait3A_520 = arith.constant 0 : i32
      %dma_wait3A_521 = arith.constant 0 : i32
      %dma_wait3A_522 = tpu.memref_slice %arg2[%dma_wait3A_520, %dma_wait3A_521] : memref<20480x128xf32, #tpu.memory_space<hbm>> -> memref<128x128xf32, #tpu.memory_space<hbm>>
      %dma_wait3A_523 = arith.constant 0 : i32
      %dma_wait3A_524 = arith.constant 0 : i32
      %dma_wait3A_525 = tpu.memref_slice %arg8[%and3A_113, %dma_wait3A_523, %dma_wait3A_524] : memref<2x128x128xf32, #tpu.memory_space<vmem>> -> memref<1x128x128xf32, #tpu.memory_space<vmem>>
      %dma_wait3A_526 = tpu.memref_squeeze %dma_wait3A_525 : memref<1x128x128xf32, #tpu.memory_space<vmem>> -> memref<128x128xf32, #tpu.memory_space<vmem>>
      %dma_wait3A_527 = arith.constant 0 : i32
      %dma_wait3A_528 = arith.constant 0 : i32
      %dma_wait3A_529 = tpu.memref_slice %arg2[%dma_wait3A_527, %dma_wait3A_528] : memref<20480x128xf32, #tpu.memory_space<hbm>> -> memref<128x128xf32, #tpu.memory_space<hbm>>
      tpu.wait_dma2 semaphore(%arg16 : memref<!tpu.dma_semaphore, #tpu.memory_space<semaphore_mem>>) src(%dma_wait3A_529 : memref<128x128xf32, #tpu.memory_space<hbm>>) dst(%dma_wait3A_526 : memref<128x128xf32, #tpu.memory_space<vmem>>)
      %sub3A_530 = arith.constant 2 : i32
      %sub3A_531 = arith.subi %select_n3A, %sub3A_530 : i32
      %lt3A_532 = arith.cmpi slt, %while3A_111, %sub3A_531 : i32
      %convert_element_type3A_533 = arith.extui %lt3A_532 : i1 to i32
      %cond3A_534 = arith.constant 0 : i32
      %cond3A_535 = arith.cmpi ne, %convert_element_type3A_533, %cond3A_534 : i32
      scf.if %cond3A_535 {
        %add3A_552 = arith.addi %add3A, %while3A_111 : i32
        %add3A_553 = arith.constant 2 : i32
        %add3A_554 = arith.addi %add3A_552, %add3A_553 : i32
        %mul3A_555 = arith.constant 128 : i32
        %mul3A_556 = arith.muli %add3A_554, %mul3A_555 : i32
        %dma_start3A_557 = arith.constant 0 : i32
        %dma_start3A_558 = arith.constant 0 : i32
        %dma_start3A_559 = arith.constant 0 : i32
        %dma_start3A_560 = tpu.memref_slice %arg9[%and3A_113, %dma_start3A_558, %dma_start3A_559] : memref<2x2x128xi32, #tpu.memory_space<vmem>> -> memref<1x1x128xi32, #tpu.memory_space<vmem>>
        %dma_start3A_561 = tpu.memref_squeeze %dma_start3A_560 : memref<1x1x128xi32, #tpu.memory_space<vmem>> -> memref<128xi32, #tpu.memory_space<vmem>>
        %dma_start3A_562 = tpu.memref_slice %arg5[%arg0, %dma_start3A_557, %mul3A_556] : memref<2x2x320000xi32, #tpu.memory_space<hbm>> -> memref<1x1x128xi32, #tpu.memory_space<hbm>>
        %dma_start3A_563 = tpu.memref_squeeze %dma_start3A_562 : memref<1x1x128xi32, #tpu.memory_space<hbm>> -> memref<128xi32, #tpu.memory_space<hbm>>
        %dma_start3A_564 = arith.constant 0 : i32
        %dma_start3A_565 = tpu.memref_slice %arg9[%and3A_113, %dma_start3A_558, %dma_start3A_564] : memref<2x2x128xi32, #tpu.memory_space<vmem>> -> memref<1x1x128xi32, #tpu.memory_space<vmem>>
        %dma_start3A_566 = tpu.memref_squeeze %dma_start3A_565 : memref<1x1x128xi32, #tpu.memory_space<vmem>> -> memref<128xi32, #tpu.memory_space<vmem>>
        %dma_start3A_567 = tpu.memref_slice %arg5[%arg0, %dma_start3A_557, %mul3A_556] : memref<2x2x320000xi32, #tpu.memory_space<hbm>> -> memref<1x1x128xi32, #tpu.memory_space<hbm>>
        %dma_start3A_568 = tpu.memref_squeeze %dma_start3A_567 : memref<1x1x128xi32, #tpu.memory_space<hbm>> -> memref<128xi32, #tpu.memory_space<hbm>>
        tpu.enqueue_dma source(%dma_start3A_568 : memref<128xi32, #tpu.memory_space<hbm>>) target(%dma_start3A_566 : memref<128xi32, #tpu.memory_space<vmem>>) target_semaphore(%arg15 : memref<!tpu.dma_semaphore, #tpu.memory_space<semaphore_mem>>)
        %dma_start3A_569 = arith.constant 1 : i32
        %dma_start3A_570 = arith.constant 1 : i32
        %dma_start3A_571 = arith.constant 0 : i32
        %dma_start3A_572 = tpu.memref_slice %arg9[%and3A_113, %dma_start3A_570, %dma_start3A_571] : memref<2x2x128xi32, #tpu.memory_space<vmem>> -> memref<1x1x128xi32, #tpu.memory_space<vmem>>
        %dma_start3A_573 = tpu.memref_squeeze %dma_start3A_572 : memref<1x1x128xi32, #tpu.memory_space<vmem>> -> memref<128xi32, #tpu.memory_space<vmem>>
        %dma_start3A_574 = tpu.memref_slice %arg5[%arg0, %dma_start3A_569, %mul3A_556] : memref<2x2x320000xi32, #tpu.memory_space<hbm>> -> memref<1x1x128xi32, #tpu.memory_space<hbm>>
        %dma_start3A_575 = tpu.memref_squeeze %dma_start3A_574 : memref<1x1x128xi32, #tpu.memory_space<hbm>> -> memref<128xi32, #tpu.memory_space<hbm>>
        %dma_start3A_576 = arith.constant 0 : i32
        %dma_start3A_577 = tpu.memref_slice %arg9[%and3A_113, %dma_start3A_570, %dma_start3A_576] : memref<2x2x128xi32, #tpu.memory_space<vmem>> -> memref<1x1x128xi32, #tpu.memory_space<vmem>>
        %dma_start3A_578 = tpu.memref_squeeze %dma_start3A_577 : memref<1x1x128xi32, #tpu.memory_space<vmem>> -> memref<128xi32, #tpu.memory_space<vmem>>
        %dma_start3A_579 = tpu.memref_slice %arg5[%arg0, %dma_start3A_569, %mul3A_556] : memref<2x2x320000xi32, #tpu.memory_space<hbm>> -> memref<1x1x128xi32, #tpu.memory_space<hbm>>
        %dma_start3A_580 = tpu.memref_squeeze %dma_start3A_579 : memref<1x1x128xi32, #tpu.memory_space<hbm>> -> memref<128xi32, #tpu.memory_space<hbm>>
        tpu.enqueue_dma source(%dma_start3A_580 : memref<128xi32, #tpu.memory_space<hbm>>) target(%dma_start3A_578 : memref<128xi32, #tpu.memory_space<vmem>>) target_semaphore(%arg15 : memref<!tpu.dma_semaphore, #tpu.memory_space<semaphore_mem>>)
      } else {
      }
      %scan3A_536 = arith.constant 0 : i32
      %scan3A_537 = arith.constant 0 : i32
      %scan3A_538 = arith.constant 16 : i32
      %scan3A_539 = arith.addi %scan3A_537, %scan3A_538 : i32
      %scan3A_540 = arith.constant 1 : i32
      scf.for %scan3A_552 = %scan3A_537 to %scan3A_539 step %scan3A_540  : i32 {
        %mul3A_553 = arith.constant 8 : i32
        %mul3A_554 = arith.muli %scan3A_552, %mul3A_553 : i32
        %add3A_555 = arith.constant 0 : i32
        %add3A_556 = arith.addi %mul3A_554, %add3A_555 : i32
        %get3A_557 = arith.index_cast %add3A_556 : i32 to index
        %get3A_558 = tpu.vector_load %arg10[%get3A_557] {strides = array<i32>} : memref<144xf32, #tpu.memory_space<vmem>>, vector<16xf32>,
        %slice3A = vector.extract_strided_slice %get3A_558 {offsets = [0], sizes = [1], strides = [1]} : vector<16xf32> to vector<1xf32>
        %squeeze3A = vector.extract %slice3A[0] : f32 from vector<1xf32>
        %add3A_559 = arith.constant 1 : i32
        %add3A_560 = arith.addi %mul3A_554, %add3A_559 : i32
        %get3A_561 = arith.index_cast %add3A_560 : i32 to index
        %get3A_562 = tpu.vector_load %arg10[%get3A_561] {strides = array<i32>} : memref<144xf32, #tpu.memory_space<vmem>>, vector<16xf32>,
        %slice3A_563 = vector.extract_strided_slice %get3A_562 {offsets = [0], sizes = [1], strides = [1]} : vector<16xf32> to vector<1xf32>
        %squeeze3A_564 = vector.extract %slice3A_563[0] : f32 from vector<1xf32>
        %add3A_565 = arith.constant 2 : i32
        %add3A_566 = arith.addi %mul3A_554, %add3A_565 : i32
        %get3A_567 = arith.index_cast %add3A_566 : i32 to index
        %get3A_568 = tpu.vector_load %arg10[%get3A_567] {strides = array<i32>} : memref<144xf32, #tpu.memory_space<vmem>>, vector<16xf32>,
        %slice3A_569 = vector.extract_strided_slice %get3A_568 {offsets = [0], sizes = [1], strides = [1]} : vector<16xf32> to vector<1xf32>
        %squeeze3A_570 = vector.extract %slice3A_569[0] : f32 from vector<1xf32>
        %add3A_571 = arith.constant 3 : i32
        %add3A_572 = arith.addi %mul3A_554, %add3A_571 : i32
        %get3A_573 = arith.index_cast %add3A_572 : i32 to index
        %get3A_574 = tpu.vector_load %arg10[%get3A_573] {strides = array<i32>} : memref<144xf32, #tpu.memory_space<vmem>>, vector<16xf32>,
        %slice3A_575 = vector.extract_strided_slice %get3A_574 {offsets = [0], sizes = [1], strides = [1]} : vector<16xf32> to vector<1xf32>
        %squeeze3A_576 = vector.extract %slice3A_575[0] : f32 from vector<1xf32>
        %add3A_577 = arith.constant 4 : i32
        %add3A_578 = arith.addi %mul3A_554, %add3A_577 : i32
        %get3A_579 = arith.index_cast %add3A_578 : i32 to index
        %get3A_580 = tpu.vector_load %arg10[%get3A_579] {strides = array<i32>} : memref<144xf32, #tpu.memory_space<vmem>>, vector<16xf32>,
        %slice3A_581 = vector.extract_strided_slice %get3A_580 {offsets = [0], sizes = [1], strides = [1]} : vector<16xf32> to vector<1xf32>
        %squeeze3A_582 = vector.extract %slice3A_581[0] : f32 from vector<1xf32>
        %add3A_583 = arith.constant 5 : i32
        %add3A_584 = arith.addi %mul3A_554, %add3A_583 : i32
        %get3A_585 = arith.index_cast %add3A_584 : i32 to index
        %get3A_586 = tpu.vector_load %arg10[%get3A_585] {strides = array<i32>} : memref<144xf32, #tpu.memory_space<vmem>>, vector<16xf32>,
        %slice3A_587 = vector.extract_strided_slice %get3A_586 {offsets = [0], sizes = [1], strides = [1]} : vector<16xf32> to vector<1xf32>
        %squeeze3A_588 = vector.extract %slice3A_587[0] : f32 from vector<1xf32>
        %add3A_589 = arith.constant 6 : i32
        %add3A_590 = arith.addi %mul3A_554, %add3A_589 : i32
        %get3A_591 = arith.index_cast %add3A_590 : i32 to index
        %get3A_592 = tpu.vector_load %arg10[%get3A_591] {strides = array<i32>} : memref<144xf32, #tpu.memory_space<vmem>>, vector<16xf32>,
        %slice3A_593 = vector.extract_strided_slice %get3A_592 {offsets = [0], sizes = [1], strides = [1]} : vector<16xf32> to vector<1xf32>
        %squeeze3A_594 = vector.extract %slice3A_593[0] : f32 from vector<1xf32>
        %add3A_595 = arith.constant 7 : i32
        %add3A_596 = arith.addi %mul3A_554, %add3A_595 : i32
        %get3A_597 = arith.index_cast %add3A_596 : i32 to index
        %get3A_598 = tpu.vector_load %arg10[%get3A_597] {strides = array<i32>} : memref<144xf32, #tpu.memory_space<vmem>>, vector<16xf32>,
        %slice3A_599 = vector.extract_strided_slice %get3A_598 {offsets = [0], sizes = [1], strides = [1]} : vector<16xf32> to vector<1xf32>
        %squeeze3A_600 = vector.extract %slice3A_599[0] : f32 from vector<1xf32>
        %add3A_601 = arith.constant 0 : i32
        %add3A_602 = arith.addi %mul3A_554, %add3A_601 : i32
        %get3A_603 = arith.index_cast %and3A_113 : i32 to index
        %get3A_604 = arith.index_cast %add3A_602 : i32 to index
        %get3A_605 = arith.constant 0 : index
        %get3A_606 = tpu.vector_load %arg8[%get3A_603, %get3A_604, %get3A_605] {strides = array<i32>} : memref<2x128x128xf32, #tpu.memory_space<vmem>>, vector<16xf32>,
        %mul3A_607 = vector.broadcast %squeeze3A : f32 to vector<16xf32>
        %mul3A_608 = arith.mulf %get3A_606, %mul3A_607 : vector<16xf32>
        %add3A_609 = arith.constant 0 : i32
        %add3A_610 = arith.addi %mul3A_554, %add3A_609 : i32
        %swap3A_611 = arith.index_cast %and3A_113 : i32 to index
        %swap3A_612 = arith.index_cast %add3A_610 : i32 to index
        %swap3A_613 = arith.constant 0 : index
        %swap3A_614 = tpu.vector_load %arg8[%swap3A_611, %swap3A_612, %swap3A_613] {strides = array<i32>} : memref<2x128x128xf32, #tpu.memory_space<vmem>>, vector<16xf32>,
        tpu.vector_store %arg8[%swap3A_611, %swap3A_612, %swap3A_613], %mul3A_608 {strides = array<i32>} : memref<2x128x128xf32, #tpu.memory_space<vmem>>, vector<16xf32>,
        %add3A_615 = arith.constant 0 : i32
        %add3A_616 = arith.addi %mul3A_554, %add3A_615 : i32
        %get3A_617 = arith.index_cast %and3A_113 : i32 to index
        %get3A_618 = arith.index_cast %add3A_616 : i32 to index
        %get3A_619 = arith.constant 16 : index
        %get3A_620 = tpu.vector_load %arg8[%get3A_617, %get3A_618, %get3A_619] {strides = array<i32>} : memref<2x128x128xf32, #tpu.memory_space<vmem>>, vector<16xf32>,
        %mul3A_621 = vector.broadcast %squeeze3A : f32 to vector<16xf32>
        %mul3A_622 = arith.mulf %get3A_620, %mul3A_621 : vector<16xf32>
        %add3A_623 = arith.constant 0 : i32
        %add3A_624 = arith.addi %mul3A_554, %add3A_623 : i32
        %swap3A_625 = arith.index_cast %and3A_113 : i32 to index
        %swap3A_626 = arith.index_cast %add3A_624 : i32 to index
        %swap3A_627 = arith.constant 16 : index
        %swap3A_628 = tpu.vector_load %arg8[%swap3A_625, %swap3A_626, %swap3A_627] {strides = array<i32>} : memref<2x128x128xf32, #tpu.memory_space<vmem>>, vector<16xf32>,
        tpu.vector_store %arg8[%swap3A_625, %swap3A_626, %swap3A_627], %mul3A_622 {strides = array<i32>} : memref<2x128x128xf32, #tpu.memory_space<vmem>>, vector<16xf32>,
        %add3A_629 = arith.constant 0 : i32
        %add3A_630 = arith.addi %mul3A_554, %add3A_629 : i32
        %get3A_631 = arith.index_cast %and3A_113 : i32 to index
        %get3A_632 = arith.index_cast %add3A_630 : i32 to index
        %get3A_633 = arith.constant 32 : index
        %get3A_634 = tpu.vector_load %arg8[%get3A_631, %get3A_632, %get3A_633] {strides = array<i32>} : memref<2x128x128xf32, #tpu.memory_space<vmem>>, vector<16xf32>,
        %mul3A_635 = vector.broadcast %squeeze3A : f32 to vector<16xf32>
        %mul3A_636 = arith.mulf %get3A_634, %mul3A_635 : vector<16xf32>
        %add3A_637 = arith.constant 0 : i32
        %add3A_638 = arith.addi %mul3A_554, %add3A_637 : i32
        %swap3A_639 = arith.index_cast %and3A_113 : i32 to index
        %swap3A_640 = arith.index_cast %add3A_638 : i32 to index
        %swap3A_641 = arith.constant 32 : index
        %swap3A_642 = tpu.vector_load %arg8[%swap3A_639, %swap3A_640, %swap3A_641] {strides = array<i32>} : memref<2x128x128xf32, #tpu.memory_space<vmem>>, vector<16xf32>,
        tpu.vector_store %arg8[%swap3A_639, %swap3A_640, %swap3A_641], %mul3A_636 {strides = array<i32>} : memref<2x128x128xf32, #tpu.memory_space<vmem>>, vector<16xf32>,
        %add3A_643 = arith.constant 0 : i32
        %add3A_644 = arith.addi %mul3A_554, %add3A_643 : i32
        %get3A_645 = arith.index_cast %and3A_113 : i32 to index
        %get3A_646 = arith.index_cast %add3A_644 : i32 to index
        %get3A_647 = arith.constant 48 : index
        %get3A_648 = tpu.vector_load %arg8[%get3A_645, %get3A_646, %get3A_647] {strides = array<i32>} : memref<2x128x128xf32, #tpu.memory_space<vmem>>, vector<16xf32>,
        %mul3A_649 = vector.broadcast %squeeze3A : f32 to vector<16xf32>
        %mul3A_650 = arith.mulf %get3A_648, %mul3A_649 : vector<16xf32>
        %add3A_651 = arith.constant 0 : i32
        %add3A_652 = arith.addi %mul3A_554, %add3A_651 : i32
        %swap3A_653 = arith.index_cast %and3A_113 : i32 to index
        %swap3A_654 = arith.index_cast %add3A_652 : i32 to index
        %swap3A_655 = arith.constant 48 : index
        %swap3A_656 = tpu.vector_load %arg8[%swap3A_653, %swap3A_654, %swap3A_655] {strides = array<i32>} : memref<2x128x128xf32, #tpu.memory_space<vmem>>, vector<16xf32>,
        tpu.vector_store %arg8[%swap3A_653, %swap3A_654, %swap3A_655], %mul3A_650 {strides = array<i32>} : memref<2x128x128xf32, #tpu.memory_space<vmem>>, vector<16xf32>,
        %add3A_657 = arith.constant 0 : i32
        %add3A_658 = arith.addi %mul3A_554, %add3A_657 : i32
        %get3A_659 = arith.index_cast %and3A_113 : i32 to index
        %get3A_660 = arith.index_cast %add3A_658 : i32 to index
        %get3A_661 = arith.constant 64 : index
        %get3A_662 = tpu.vector_load %arg8[%get3A_659, %get3A_660, %get3A_661] {strides = array<i32>} : memref<2x128x128xf32, #tpu.memory_space<vmem>>, vector<16xf32>,
        %mul3A_663 = vector.broadcast %squeeze3A : f32 to vector<16xf32>
        %mul3A_664 = arith.mulf %get3A_662, %mul3A_663 : vector<16xf32>
        %add3A_665 = arith.constant 0 : i32
        %add3A_666 = arith.addi %mul3A_554, %add3A_665 : i32
        %swap3A_667 = arith.index_cast %and3A_113 : i32 to index
        %swap3A_668 = arith.index_cast %add3A_666 : i32 to index
        %swap3A_669 = arith.constant 64 : index
        %swap3A_670 = tpu.vector_load %arg8[%swap3A_667, %swap3A_668, %swap3A_669] {strides = array<i32>} : memref<2x128x128xf32, #tpu.memory_space<vmem>>, vector<16xf32>,
        tpu.vector_store %arg8[%swap3A_667, %swap3A_668, %swap3A_669], %mul3A_664 {strides = array<i32>} : memref<2x128x128xf32, #tpu.memory_space<vmem>>, vector<16xf32>,
        %add3A_671 = arith.constant 0 : i32
        %add3A_672 = arith.addi %mul3A_554, %add3A_671 : i32
        %get3A_673 = arith.index_cast %and3A_113 : i32 to index
        %get3A_674 = arith.index_cast %add3A_672 : i32 to index
        %get3A_675 = arith.constant 80 : index
        %get3A_676 = tpu.vector_load %arg8[%get3A_673, %get3A_674, %get3A_675] {strides = array<i32>} : memref<2x128x128xf32, #tpu.memory_space<vmem>>, vector<16xf32>,
        %mul3A_677 = vector.broadcast %squeeze3A : f32 to vector<16xf32>
        %mul3A_678 = arith.mulf %get3A_676, %mul3A_677 : vector<16xf32>
        %add3A_679 = arith.constant 0 : i32
        %add3A_680 = arith.addi %mul3A_554, %add3A_679 : i32
        %swap3A_681 = arith.index_cast %and3A_113 : i32 to index
        %swap3A_682 = arith.index_cast %add3A_680 : i32 to index
        %swap3A_683 = arith.constant 80 : index
        %swap3A_684 = tpu.vector_load %arg8[%swap3A_681, %swap3A_682, %swap3A_683] {strides = array<i32>} : memref<2x128x128xf32, #tpu.memory_space<vmem>>, vector<16xf32>,
        tpu.vector_store %arg8[%swap3A_681, %swap3A_682, %swap3A_683], %mul3A_678 {strides = array<i32>} : memref<2x128x128xf32, #tpu.memory_space<vmem>>, vector<16xf32>,
        %add3A_685 = arith.constant 0 : i32
        %add3A_686 = arith.addi %mul3A_554, %add3A_685 : i32
        %get3A_687 = arith.index_cast %and3A_113 : i32 to index
        %get3A_688 = arith.index_cast %add3A_686 : i32 to index
        %get3A_689 = arith.constant 96 : index
        %get3A_690 = tpu.vector_load %arg8[%get3A_687, %get3A_688, %get3A_689] {strides = array<i32>} : memref<2x128x128xf32, #tpu.memory_space<vmem>>, vector<16xf32>,
        %mul3A_691 = vector.broadcast %squeeze3A : f32 to vector<16xf32>
        %mul3A_692 = arith.mulf %get3A_690, %mul3A_691 : vector<16xf32>
        %add3A_693 = arith.constant 0 : i32
        %add3A_694 = arith.addi %mul3A_554, %add3A_693 : i32
        %swap3A_695 = arith.index_cast %and3A_113 : i32 to index
        %swap3A_696 = arith.index_cast %add3A_694 : i32 to index
        %swap3A_697 = arith.constant 96 : index
        %swap3A_698 = tpu.vector_load %arg8[%swap3A_695, %swap3A_696, %swap3A_697] {strides = array<i32>} : memref<2x128x128xf32, #tpu.memory_space<vmem>>, vector<16xf32>,
        tpu.vector_store %arg8[%swap3A_695, %swap3A_696, %swap3A_697], %mul3A_692 {strides = array<i32>} : memref<2x128x128xf32, #tpu.memory_space<vmem>>, vector<16xf32>,
        %add3A_699 = arith.constant 0 : i32
        %add3A_700 = arith.addi %mul3A_554, %add3A_699 : i32
        %get3A_701 = arith.index_cast %and3A_113 : i32 to index
        %get3A_702 = arith.index_cast %add3A_700 : i32 to index
        %get3A_703 = arith.constant 112 : index
        %get3A_704 = tpu.vector_load %arg8[%get3A_701, %get3A_702, %get3A_703] {strides = array<i32>} : memref<2x128x128xf32, #tpu.memory_space<vmem>>, vector<16xf32>,
        %mul3A_705 = vector.broadcast %squeeze3A : f32 to vector<16xf32>
        %mul3A_706 = arith.mulf %get3A_704, %mul3A_705 : vector<16xf32>
        %add3A_707 = arith.constant 0 : i32
        %add3A_708 = arith.addi %mul3A_554, %add3A_707 : i32
        %swap3A_709 = arith.index_cast %and3A_113 : i32 to index
        %swap3A_710 = arith.index_cast %add3A_708 : i32 to index
        %swap3A_711 = arith.constant 112 : index
        %swap3A_712 = tpu.vector_load %arg8[%swap3A_709, %swap3A_710, %swap3A_711] {strides = array<i32>} : memref<2x128x128xf32, #tpu.memory_space<vmem>>, vector<16xf32>,
        tpu.vector_store %arg8[%swap3A_709, %swap3A_710, %swap3A_711], %mul3A_706 {strides = array<i32>} : memref<2x128x128xf32, #tpu.memory_space<vmem>>, vector<16xf32>,
        %add3A_713 = arith.constant 1 : i32
        %add3A_714 = arith.addi %mul3A_554, %add3A_713 : i32
        %get3A_715 = arith.index_cast %and3A_113 : i32 to index
        %get3A_716 = arith.index_cast %add3A_714 : i32 to index
        %get3A_717 = arith.constant 0 : index
        %get3A_718 = tpu.vector_load %arg8[%get3A_715, %get3A_716, %get3A_717] {strides = array<i32>} : memref<2x128x128xf32, #tpu.memory_space<vmem>>, vector<16xf32>,
        %mul3A_719 = vector.broadcast %squeeze3A_564 : f32 to vector<16xf32>
        %mul3A_720 = arith.mulf %get3A_718, %mul3A_719 : vector<16xf32>
        %add3A_721 = arith.constant 1 : i32
        %add3A_722 = arith.addi %mul3A_554, %add3A_721 : i32
        %swap3A_723 = arith.index_cast %and3A_113 : i32 to index
        %swap3A_724 = arith.index_cast %add3A_722 : i32 to index
        %swap3A_725 = arith.constant 0 : index
        %swap3A_726 = tpu.vector_load %arg8[%swap3A_723, %swap3A_724, %swap3A_725] {strides = array<i32>} : memref<2x128x128xf32, #tpu.memory_space<vmem>>, vector<16xf32>,
        tpu.vector_store %arg8[%swap3A_723, %swap3A_724, %swap3A_725], %mul3A_720 {strides = array<i32>} : memref<2x128x128xf32, #tpu.memory_space<vmem>>, vector<16xf32>,
        %add3A_727 = arith.constant 1 : i32
        %add3A_728 = arith.addi %mul3A_554, %add3A_727 : i32
        %get3A_729 = arith.index_cast %and3A_113 : i32 to index
        %get3A_730 = arith.index_cast %add3A_728 : i32 to index
        %get3A_731 = arith.constant 16 : index
        %get3A_732 = tpu.vector_load %arg8[%get3A_729, %get3A_730, %get3A_731] {strides = array<i32>} : memref<2x128x128xf32, #tpu.memory_space<vmem>>, vector<16xf32>,
        %mul3A_733 = vector.broadcast %squeeze3A_564 : f32 to vector<16xf32>
        %mul3A_734 = arith.mulf %get3A_732, %mul3A_733 : vector<16xf32>
        %add3A_735 = arith.constant 1 : i32
        %add3A_736 = arith.addi %mul3A_554, %add3A_735 : i32
        %swap3A_737 = arith.index_cast %and3A_113 : i32 to index
        %swap3A_738 = arith.index_cast %add3A_736 : i32 to index
        %swap3A_739 = arith.constant 16 : index
        %swap3A_740 = tpu.vector_load %arg8[%swap3A_737, %swap3A_738, %swap3A_739] {strides = array<i32>} : memref<2x128x128xf32, #tpu.memory_space<vmem>>, vector<16xf32>,
        tpu.vector_store %arg8[%swap3A_737, %swap3A_738, %swap3A_739], %mul3A_734 {strides = array<i32>} : memref<2x128x128xf32, #tpu.memory_space<vmem>>, vector<16xf32>,
        %add3A_741 = arith.constant 1 : i32
        %add3A_742 = arith.addi %mul3A_554, %add3A_741 : i32
        %get3A_743 = arith.index_cast %and3A_113 : i32 to index
        %get3A_744 = arith.index_cast %add3A_742 : i32 to index
        %get3A_745 = arith.constant 32 : index
        %get3A_746 = tpu.vector_load %arg8[%get3A_743, %get3A_744, %get3A_745] {strides = array<i32>} : memref<2x128x128xf32, #tpu.memory_space<vmem>>, vector<16xf32>,
        %mul3A_747 = vector.broadcast %squeeze3A_564 : f32 to vector<16xf32>
        %mul3A_748 = arith.mulf %get3A_746, %mul3A_747 : vector<16xf32>
        %add3A_749 = arith.constant 1 : i32
        %add3A_750 = arith.addi %mul3A_554, %add3A_749 : i32
        %swap3A_751 = arith.index_cast %and3A_113 : i32 to index
        %swap3A_752 = arith.index_cast %add3A_750 : i32 to index
        %swap3A_753 = arith.constant 32 : index
        %swap3A_754 = tpu.vector_load %arg8[%swap3A_751, %swap3A_752, %swap3A_753] {strides = array<i32>} : memref<2x128x128xf32, #tpu.memory_space<vmem>>, vector<16xf32>,
        tpu.vector_store %arg8[%swap3A_751, %swap3A_752, %swap3A_753], %mul3A_748 {strides = array<i32>} : memref<2x128x128xf32, #tpu.memory_space<vmem>>, vector<16xf32>,
        %add3A_755 = arith.constant 1 : i32
        %add3A_756 = arith.addi %mul3A_554, %add3A_755 : i32
        %get3A_757 = arith.index_cast %and3A_113 : i32 to index
        %get3A_758 = arith.index_cast %add3A_756 : i32 to index
        %get3A_759 = arith.constant 48 : index
        %get3A_760 = tpu.vector_load %arg8[%get3A_757, %get3A_758, %get3A_759] {strides = array<i32>} : memref<2x128x128xf32, #tpu.memory_space<vmem>>, vector<16xf32>,
        %mul3A_761 = vector.broadcast %squeeze3A_564 : f32 to vector<16xf32>
        %mul3A_762 = arith.mulf %get3A_760, %mul3A_761 : vector<16xf32>
        %add3A_763 = arith.constant 1 : i32
        %add3A_764 = arith.addi %mul3A_554, %add3A_763 : i32
        %swap3A_765 = arith.index_cast %and3A_113 : i32 to index
        %swap3A_766 = arith.index_cast %add3A_764 : i32 to index
        %swap3A_767 = arith.constant 48 : index
        %swap3A_768 = tpu.vector_load %arg8[%swap3A_765, %swap3A_766, %swap3A_767] {strides = array<i32>} : memref<2x128x128xf32, #tpu.memory_space<vmem>>, vector<16xf32>,
        tpu.vector_store %arg8[%swap3A_765, %swap3A_766, %swap3A_767], %mul3A_762 {strides = array<i32>} : memref<2x128x128xf32, #tpu.memory_space<vmem>>, vector<16xf32>,
        %add3A_769 = arith.constant 1 : i32
        %add3A_770 = arith.addi %mul3A_554, %add3A_769 : i32
        %get3A_771 = arith.index_cast %and3A_113 : i32 to index
        %get3A_772 = arith.index_cast %add3A_770 : i32 to index
        %get3A_773 = arith.constant 64 : index
        %get3A_774 = tpu.vector_load %arg8[%get3A_771, %get3A_772, %get3A_773] {strides = array<i32>} : memref<2x128x128xf32, #tpu.memory_space<vmem>>, vector<16xf32>,
        %mul3A_775 = vector.broadcast %squeeze3A_564 : f32 to vector<16xf32>
        %mul3A_776 = arith.mulf %get3A_774, %mul3A_775 : vector<16xf32>
        %add3A_777 = arith.constant 1 : i32
        %add3A_778 = arith.addi %mul3A_554, %add3A_777 : i32
        %swap3A_779 = arith.index_cast %and3A_113 : i32 to index
        %swap3A_780 = arith.index_cast %add3A_778 : i32 to index
        %swap3A_781 = arith.constant 64 : index
        %swap3A_782 = tpu.vector_load %arg8[%swap3A_779, %swap3A_780, %swap3A_781] {strides = array<i32>} : memref<2x128x128xf32, #tpu.memory_space<vmem>>, vector<16xf32>,
        tpu.vector_store %arg8[%swap3A_779, %swap3A_780, %swap3A_781], %mul3A_776 {strides = array<i32>} : memref<2x128x128xf32, #tpu.memory_space<vmem>>, vector<16xf32>,
        %add3A_783 = arith.constant 1 : i32
        %add3A_784 = arith.addi %mul3A_554, %add3A_783 : i32
        %get3A_785 = arith.index_cast %and3A_113 : i32 to index
        %get3A_786 = arith.index_cast %add3A_784 : i32 to index
        %get3A_787 = arith.constant 80 : index
        %get3A_788 = tpu.vector_load %arg8[%get3A_785, %get3A_786, %get3A_787] {strides = array<i32>} : memref<2x128x128xf32, #tpu.memory_space<vmem>>, vector<16xf32>,
        %mul3A_789 = vector.broadcast %squeeze3A_564 : f32 to vector<16xf32>
        %mul3A_790 = arith.mulf %get3A_788, %mul3A_789 : vector<16xf32>
        %add3A_791 = arith.constant 1 : i32
        %add3A_792 = arith.addi %mul3A_554, %add3A_791 : i32
        %swap3A_793 = arith.index_cast %and3A_113 : i32 to index
        %swap3A_794 = arith.index_cast %add3A_792 : i32 to index
        %swap3A_795 = arith.constant 80 : index
        %swap3A_796 = tpu.vector_load %arg8[%swap3A_793, %swap3A_794, %swap3A_795] {strides = array<i32>} : memref<2x128x128xf32, #tpu.memory_space<vmem>>, vector<16xf32>,
        tpu.vector_store %arg8[%swap3A_793, %swap3A_794, %swap3A_795], %mul3A_790 {strides = array<i32>} : memref<2x128x128xf32, #tpu.memory_space<vmem>>, vector<16xf32>,
        %add3A_797 = arith.constant 1 : i32
        %add3A_798 = arith.addi %mul3A_554, %add3A_797 : i32
        %get3A_799 = arith.index_cast %and3A_113 : i32 to index
        %get3A_800 = arith.index_cast %add3A_798 : i32 to index
        %get3A_801 = arith.constant 96 : index
        %get3A_802 = tpu.vector_load %arg8[%get3A_799, %get3A_800, %get3A_801] {strides = array<i32>} : memref<2x128x128xf32, #tpu.memory_space<vmem>>, vector<16xf32>,
        %mul3A_803 = vector.broadcast %squeeze3A_564 : f32 to vector<16xf32>
        %mul3A_804 = arith.mulf %get3A_802, %mul3A_803 : vector<16xf32>
        %add3A_805 = arith.constant 1 : i32
        %add3A_806 = arith.addi %mul3A_554, %add3A_805 : i32
        %swap3A_807 = arith.index_cast %and3A_113 : i32 to index
        %swap3A_808 = arith.index_cast %add3A_806 : i32 to index
        %swap3A_809 = arith.constant 96 : index
        %swap3A_810 = tpu.vector_load %arg8[%swap3A_807, %swap3A_808, %swap3A_809] {strides = array<i32>} : memref<2x128x128xf32, #tpu.memory_space<vmem>>, vector<16xf32>,
        tpu.vector_store %arg8[%swap3A_807, %swap3A_808, %swap3A_809], %mul3A_804 {strides = array<i32>} : memref<2x128x128xf32, #tpu.memory_space<vmem>>, vector<16xf32>,
        %add3A_811 = arith.constant 1 : i32
        %add3A_812 = arith.addi %mul3A_554, %add3A_811 : i32
        %get3A_813 = arith.index_cast %and3A_113 : i32 to index
        %get3A_814 = arith.index_cast %add3A_812 : i32 to index
        %get3A_815 = arith.constant 112 : index
        %get3A_816 = tpu.vector_load %arg8[%get3A_813, %get3A_814, %get3A_815] {strides = array<i32>} : memref<2x128x128xf32, #tpu.memory_space<vmem>>, vector<16xf32>,
        %mul3A_817 = vector.broadcast %squeeze3A_564 : f32 to vector<16xf32>
        %mul3A_818 = arith.mulf %get3A_816, %mul3A_817 : vector<16xf32>
        %add3A_819 = arith.constant 1 : i32
        %add3A_820 = arith.addi %mul3A_554, %add3A_819 : i32
        %swap3A_821 = arith.index_cast %and3A_113 : i32 to index
        %swap3A_822 = arith.index_cast %add3A_820 : i32 to index
        %swap3A_823 = arith.constant 112 : index
        %swap3A_824 = tpu.vector_load %arg8[%swap3A_821, %swap3A_822, %swap3A_823] {strides = array<i32>} : memref<2x128x128xf32, #tpu.memory_space<vmem>>, vector<16xf32>,
        tpu.vector_store %arg8[%swap3A_821, %swap3A_822, %swap3A_823], %mul3A_818 {strides = array<i32>} : memref<2x128x128xf32, #tpu.memory_space<vmem>>, vector<16xf32>,
        %add3A_825 = arith.constant 2 : i32
        %add3A_826 = arith.addi %mul3A_554, %add3A_825 : i32
        %get3A_827 = arith.index_cast %and3A_113 : i32 to index
        %get3A_828 = arith.index_cast %add3A_826 : i32 to index
        %get3A_829 = arith.constant 0 : index
        %get3A_830 = tpu.vector_load %arg8[%get3A_827, %get3A_828, %get3A_829] {strides = array<i32>} : memref<2x128x128xf32, #tpu.memory_space<vmem>>, vector<16xf32>,
        %mul3A_831 = vector.broadcast %squeeze3A_570 : f32 to vector<16xf32>
        %mul3A_832 = arith.mulf %get3A_830, %mul3A_831 : vector<16xf32>
        %add3A_833 = arith.constant 2 : i32
        %add3A_834 = arith.addi %mul3A_554, %add3A_833 : i32
        %swap3A_835 = arith.index_cast %and3A_113 : i32 to index
        %swap3A_836 = arith.index_cast %add3A_834 : i32 to index
        %swap3A_837 = arith.constant 0 : index
        %swap3A_838 = tpu.vector_load %arg8[%swap3A_835, %swap3A_836, %swap3A_837] {strides = array<i32>} : memref<2x128x128xf32, #tpu.memory_space<vmem>>, vector<16xf32>,
        tpu.vector_store %arg8[%swap3A_835, %swap3A_836, %swap3A_837], %mul3A_832 {strides = array<i32>} : memref<2x128x128xf32, #tpu.memory_space<vmem>>, vector<16xf32>,
        %add3A_839 = arith.constant 2 : i32
        %add3A_840 = arith.addi %mul3A_554, %add3A_839 : i32
        %get3A_841 = arith.index_cast %and3A_113 : i32 to index
        %get3A_842 = arith.index_cast %add3A_840 : i32 to index
        %get3A_843 = arith.constant 16 : index
        %get3A_844 = tpu.vector_load %arg8[%get3A_841, %get3A_842, %get3A_843] {strides = array<i32>} : memref<2x128x128xf32, #tpu.memory_space<vmem>>, vector<16xf32>,
        %mul3A_845 = vector.broadcast %squeeze3A_570 : f32 to vector<16xf32>
        %mul3A_846 = arith.mulf %get3A_844, %mul3A_845 : vector<16xf32>
        %add3A_847 = arith.constant 2 : i32
        %add3A_848 = arith.addi %mul3A_554, %add3A_847 : i32
        %swap3A_849 = arith.index_cast %and3A_113 : i32 to index
        %swap3A_850 = arith.index_cast %add3A_848 : i32 to index
        %swap3A_851 = arith.constant 16 : index
        %swap3A_852 = tpu.vector_load %arg8[%swap3A_849, %swap3A_850, %swap3A_851] {strides = array<i32>} : memref<2x128x128xf32, #tpu.memory_space<vmem>>, vector<16xf32>,
        tpu.vector_store %arg8[%swap3A_849, %swap3A_850, %swap3A_851], %mul3A_846 {strides = array<i32>} : memref<2x128x128xf32, #tpu.memory_space<vmem>>, vector<16xf32>,
        %add3A_853 = arith.constant 2 : i32
        %add3A_854 = arith.addi %mul3A_554, %add3A_853 : i32
        %get3A_855 = arith.index_cast %and3A_113 : i32 to index
        %get3A_856 = arith.index_cast %add3A_854 : i32 to index
        %get3A_857 = arith.constant 32 : index
        %get3A_858 = tpu.vector_load %arg8[%get3A_855, %get3A_856, %get3A_857] {strides = array<i32>} : memref<2x128x128xf32, #tpu.memory_space<vmem>>, vector<16xf32>,
        %mul3A_859 = vector.broadcast %squeeze3A_570 : f32 to vector<16xf32>
        %mul3A_860 = arith.mulf %get3A_858, %mul3A_859 : vector<16xf32>
        %add3A_861 = arith.constant 2 : i32
        %add3A_862 = arith.addi %mul3A_554, %add3A_861 : i32
        %swap3A_863 = arith.index_cast %and3A_113 : i32 to index
        %swap3A_864 = arith.index_cast %add3A_862 : i32 to index
        %swap3A_865 = arith.constant 32 : index
        %swap3A_866 = tpu.vector_load %arg8[%swap3A_863, %swap3A_864, %swap3A_865] {strides = array<i32>} : memref<2x128x128xf32, #tpu.memory_space<vmem>>, vector<16xf32>,
        tpu.vector_store %arg8[%swap3A_863, %swap3A_864, %swap3A_865], %mul3A_860 {strides = array<i32>} : memref<2x128x128xf32, #tpu.memory_space<vmem>>, vector<16xf32>,
        %add3A_867 = arith.constant 2 : i32
        %add3A_868 = arith.addi %mul3A_554, %add3A_867 : i32
        %get3A_869 = arith.index_cast %and3A_113 : i32 to index
        %get3A_870 = arith.index_cast %add3A_868 : i32 to index
        %get3A_871 = arith.constant 48 : index
        %get3A_872 = tpu.vector_load %arg8[%get3A_869, %get3A_870, %get3A_871] {strides = array<i32>} : memref<2x128x128xf32, #tpu.memory_space<vmem>>, vector<16xf32>,
        %mul3A_873 = vector.broadcast %squeeze3A_570 : f32 to vector<16xf32>
        %mul3A_874 = arith.mulf %get3A_872, %mul3A_873 : vector<16xf32>
        %add3A_875 = arith.constant 2 : i32
        %add3A_876 = arith.addi %mul3A_554, %add3A_875 : i32
        %swap3A_877 = arith.index_cast %and3A_113 : i32 to index
        %swap3A_878 = arith.index_cast %add3A_876 : i32 to index
        %swap3A_879 = arith.constant 48 : index
        %swap3A_880 = tpu.vector_load %arg8[%swap3A_877, %swap3A_878, %swap3A_879] {strides = array<i32>} : memref<2x128x128xf32, #tpu.memory_space<vmem>>, vector<16xf32>,
        tpu.vector_store %arg8[%swap3A_877, %swap3A_878, %swap3A_879], %mul3A_874 {strides = array<i32>} : memref<2x128x128xf32, #tpu.memory_space<vmem>>, vector<16xf32>,
        %add3A_881 = arith.constant 2 : i32
        %add3A_882 = arith.addi %mul3A_554, %add3A_881 : i32
        %get3A_883 = arith.index_cast %and3A_113 : i32 to index
        %get3A_884 = arith.index_cast %add3A_882 : i32 to index
        %get3A_885 = arith.constant 64 : index
        %get3A_886 = tpu.vector_load %arg8[%get3A_883, %get3A_884, %get3A_885] {strides = array<i32>} : memref<2x128x128xf32, #tpu.memory_space<vmem>>, vector<16xf32>,
        %mul3A_887 = vector.broadcast %squeeze3A_570 : f32 to vector<16xf32>
        %mul3A_888 = arith.mulf %get3A_886, %mul3A_887 : vector<16xf32>
        %add3A_889 = arith.constant 2 : i32
        %add3A_890 = arith.addi %mul3A_554, %add3A_889 : i32
        %swap3A_891 = arith.index_cast %and3A_113 : i32 to index
        %swap3A_892 = arith.index_cast %add3A_890 : i32 to index
        %swap3A_893 = arith.constant 64 : index
        %swap3A_894 = tpu.vector_load %arg8[%swap3A_891, %swap3A_892, %swap3A_893] {strides = array<i32>} : memref<2x128x128xf32, #tpu.memory_space<vmem>>, vector<16xf32>,
        tpu.vector_store %arg8[%swap3A_891, %swap3A_892, %swap3A_893], %mul3A_888 {strides = array<i32>} : memref<2x128x128xf32, #tpu.memory_space<vmem>>, vector<16xf32>,
        %add3A_895 = arith.constant 2 : i32
        %add3A_896 = arith.addi %mul3A_554, %add3A_895 : i32
        %get3A_897 = arith.index_cast %and3A_113 : i32 to index
        %get3A_898 = arith.index_cast %add3A_896 : i32 to index
        %get3A_899 = arith.constant 80 : index
        %get3A_900 = tpu.vector_load %arg8[%get3A_897, %get3A_898, %get3A_899] {strides = array<i32>} : memref<2x128x128xf32, #tpu.memory_space<vmem>>, vector<16xf32>,
        %mul3A_901 = vector.broadcast %squeeze3A_570 : f32 to vector<16xf32>
        %mul3A_902 = arith.mulf %get3A_900, %mul3A_901 : vector<16xf32>
        %add3A_903 = arith.constant 2 : i32
        %add3A_904 = arith.addi %mul3A_554, %add3A_903 : i32
        %swap3A_905 = arith.index_cast %and3A_113 : i32 to index
        %swap3A_906 = arith.index_cast %add3A_904 : i32 to index
        %swap3A_907 = arith.constant 80 : index
        %swap3A_908 = tpu.vector_load %arg8[%swap3A_905, %swap3A_906, %swap3A_907] {strides = array<i32>} : memref<2x128x128xf32, #tpu.memory_space<vmem>>, vector<16xf32>,
        tpu.vector_store %arg8[%swap3A_905, %swap3A_906, %swap3A_907], %mul3A_902 {strides = array<i32>} : memref<2x128x128xf32, #tpu.memory_space<vmem>>, vector<16xf32>,
        %add3A_909 = arith.constant 2 : i32
        %add3A_910 = arith.addi %mul3A_554, %add3A_909 : i32
        %get3A_911 = arith.index_cast %and3A_113 : i32 to index
        %get3A_912 = arith.index_cast %add3A_910 : i32 to index
        %get3A_913 = arith.constant 96 : index
        %get3A_914 = tpu.vector_load %arg8[%get3A_911, %get3A_912, %get3A_913] {strides = array<i32>} : memref<2x128x128xf32, #tpu.memory_space<vmem>>, vector<16xf32>,
        %mul3A_915 = vector.broadcast %squeeze3A_570 : f32 to vector<16xf32>
        %mul3A_916 = arith.mulf %get3A_914, %mul3A_915 : vector<16xf32>
        %add3A_917 = arith.constant 2 : i32
        %add3A_918 = arith.addi %mul3A_554, %add3A_917 : i32
        %swap3A_919 = arith.index_cast %and3A_113 : i32 to index
        %swap3A_920 = arith.index_cast %add3A_918 : i32 to index
        %swap3A_921 = arith.constant 96 : index
        %swap3A_922 = tpu.vector_load %arg8[%swap3A_919, %swap3A_920, %swap3A_921] {strides = array<i32>} : memref<2x128x128xf32, #tpu.memory_space<vmem>>, vector<16xf32>,
        tpu.vector_store %arg8[%swap3A_919, %swap3A_920, %swap3A_921], %mul3A_916 {strides = array<i32>} : memref<2x128x128xf32, #tpu.memory_space<vmem>>, vector<16xf32>,
        %add3A_923 = arith.constant 2 : i32
        %add3A_924 = arith.addi %mul3A_554, %add3A_923 : i32
        %get3A_925 = arith.index_cast %and3A_113 : i32 to index
        %get3A_926 = arith.index_cast %add3A_924 : i32 to index
        %get3A_927 = arith.constant 112 : index
        %get3A_928 = tpu.vector_load %arg8[%get3A_925, %get3A_926, %get3A_927] {strides = array<i32>} : memref<2x128x128xf32, #tpu.memory_space<vmem>>, vector<16xf32>,
        %mul3A_929 = vector.broadcast %squeeze3A_570 : f32 to vector<16xf32>
        %mul3A_930 = arith.mulf %get3A_928, %mul3A_929 : vector<16xf32>
        %add3A_931 = arith.constant 2 : i32
        %add3A_932 = arith.addi %mul3A_554, %add3A_931 : i32
        %swap3A_933 = arith.index_cast %and3A_113 : i32 to index
        %swap3A_934 = arith.index_cast %add3A_932 : i32 to index
        %swap3A_935 = arith.constant 112 : index
        %swap3A_936 = tpu.vector_load %arg8[%swap3A_933, %swap3A_934, %swap3A_935] {strides = array<i32>} : memref<2x128x128xf32, #tpu.memory_space<vmem>>, vector<16xf32>,
        tpu.vector_store %arg8[%swap3A_933, %swap3A_934, %swap3A_935], %mul3A_930 {strides = array<i32>} : memref<2x128x128xf32, #tpu.memory_space<vmem>>, vector<16xf32>,
        %add3A_937 = arith.constant 3 : i32
        %add3A_938 = arith.addi %mul3A_554, %add3A_937 : i32
        %get3A_939 = arith.index_cast %and3A_113 : i32 to index
        %get3A_940 = arith.index_cast %add3A_938 : i32 to index
        %get3A_941 = arith.constant 0 : index
        %get3A_942 = tpu.vector_load %arg8[%get3A_939, %get3A_940, %get3A_941] {strides = array<i32>} : memref<2x128x128xf32, #tpu.memory_space<vmem>>, vector<16xf32>,
        %mul3A_943 = vector.broadcast %squeeze3A_576 : f32 to vector<16xf32>
        %mul3A_944 = arith.mulf %get3A_942, %mul3A_943 : vector<16xf32>
        %add3A_945 = arith.constant 3 : i32
        %add3A_946 = arith.addi %mul3A_554, %add3A_945 : i32
        %swap3A_947 = arith.index_cast %and3A_113 : i32 to index
        %swap3A_948 = arith.index_cast %add3A_946 : i32 to index
        %swap3A_949 = arith.constant 0 : index
        %swap3A_950 = tpu.vector_load %arg8[%swap3A_947, %swap3A_948, %swap3A_949] {strides = array<i32>} : memref<2x128x128xf32, #tpu.memory_space<vmem>>, vector<16xf32>,
        tpu.vector_store %arg8[%swap3A_947, %swap3A_948, %swap3A_949], %mul3A_944 {strides = array<i32>} : memref<2x128x128xf32, #tpu.memory_space<vmem>>, vector<16xf32>,
        %add3A_951 = arith.constant 3 : i32
        %add3A_952 = arith.addi %mul3A_554, %add3A_951 : i32
        %get3A_953 = arith.index_cast %and3A_113 : i32 to index
        %get3A_954 = arith.index_cast %add3A_952 : i32 to index
        %get3A_955 = arith.constant 16 : index
        %get3A_956 = tpu.vector_load %arg8[%get3A_953, %get3A_954, %get3A_955] {strides = array<i32>} : memref<2x128x128xf32, #tpu.memory_space<vmem>>, vector<16xf32>,
        %mul3A_957 = vector.broadcast %squeeze3A_576 : f32 to vector<16xf32>
        %mul3A_958 = arith.mulf %get3A_956, %mul3A_957 : vector<16xf32>
        %add3A_959 = arith.constant 3 : i32
        %add3A_960 = arith.addi %mul3A_554, %add3A_959 : i32
        %swap3A_961 = arith.index_cast %and3A_113 : i32 to index
        %swap3A_962 = arith.index_cast %add3A_960 : i32 to index
        %swap3A_963 = arith.constant 16 : index
        %swap3A_964 = tpu.vector_load %arg8[%swap3A_961, %swap3A_962, %swap3A_963] {strides = array<i32>} : memref<2x128x128xf32, #tpu.memory_space<vmem>>, vector<16xf32>,
        tpu.vector_store %arg8[%swap3A_961, %swap3A_962, %swap3A_963], %mul3A_958 {strides = array<i32>} : memref<2x128x128xf32, #tpu.memory_space<vmem>>, vector<16xf32>,
        %add3A_965 = arith.constant 3 : i32
        %add3A_966 = arith.addi %mul3A_554, %add3A_965 : i32
        %get3A_967 = arith.index_cast %and3A_113 : i32 to index
        %get3A_968 = arith.index_cast %add3A_966 : i32 to index
        %get3A_969 = arith.constant 32 : index
        %get3A_970 = tpu.vector_load %arg8[%get3A_967, %get3A_968, %get3A_969] {strides = array<i32>} : memref<2x128x128xf32, #tpu.memory_space<vmem>>, vector<16xf32>,
        %mul3A_971 = vector.broadcast %squeeze3A_576 : f32 to vector<16xf32>
        %mul3A_972 = arith.mulf %get3A_970, %mul3A_971 : vector<16xf32>
        %add3A_973 = arith.constant 3 : i32
        %add3A_974 = arith.addi %mul3A_554, %add3A_973 : i32
        %swap3A_975 = arith.index_cast %and3A_113 : i32 to index
        %swap3A_976 = arith.index_cast %add3A_974 : i32 to index
        %swap3A_977 = arith.constant 32 : index
        %swap3A_978 = tpu.vector_load %arg8[%swap3A_975, %swap3A_976, %swap3A_977] {strides = array<i32>} : memref<2x128x128xf32, #tpu.memory_space<vmem>>, vector<16xf32>,
        tpu.vector_store %arg8[%swap3A_975, %swap3A_976, %swap3A_977], %mul3A_972 {strides = array<i32>} : memref<2x128x128xf32, #tpu.memory_space<vmem>>, vector<16xf32>,
        %add3A_979 = arith.constant 3 : i32
        %add3A_980 = arith.addi %mul3A_554, %add3A_979 : i32
        %get3A_981 = arith.index_cast %and3A_113 : i32 to index
        %get3A_982 = arith.index_cast %add3A_980 : i32 to index
        %get3A_983 = arith.constant 48 : index
        %get3A_984 = tpu.vector_load %arg8[%get3A_981, %get3A_982, %get3A_983] {strides = array<i32>} : memref<2x128x128xf32, #tpu.memory_space<vmem>>, vector<16xf32>,
        %mul3A_985 = vector.broadcast %squeeze3A_576 : f32 to vector<16xf32>
        %mul3A_986 = arith.mulf %get3A_984, %mul3A_985 : vector<16xf32>
        %add3A_987 = arith.constant 3 : i32
        %add3A_988 = arith.addi %mul3A_554, %add3A_987 : i32
        %swap3A_989 = arith.index_cast %and3A_113 : i32 to index
        %swap3A_990 = arith.index_cast %add3A_988 : i32 to index
        %swap3A_991 = arith.constant 48 : index
        %swap3A_992 = tpu.vector_load %arg8[%swap3A_989, %swap3A_990, %swap3A_991] {strides = array<i32>} : memref<2x128x128xf32, #tpu.memory_space<vmem>>, vector<16xf32>,
        tpu.vector_store %arg8[%swap3A_989, %swap3A_990, %swap3A_991], %mul3A_986 {strides = array<i32>} : memref<2x128x128xf32, #tpu.memory_space<vmem>>, vector<16xf32>,
        %add3A_993 = arith.constant 3 : i32
        %add3A_994 = arith.addi %mul3A_554, %add3A_993 : i32
        %get3A_995 = arith.index_cast %and3A_113 : i32 to index
        %get3A_996 = arith.index_cast %add3A_994 : i32 to index
        %get3A_997 = arith.constant 64 : index
        %get3A_998 = tpu.vector_load %arg8[%get3A_995, %get3A_996, %get3A_997] {strides = array<i32>} : memref<2x128x128xf32, #tpu.memory_space<vmem>>, vector<16xf32>,
        %mul3A_999 = vector.broadcast %squeeze3A_576 : f32 to vector<16xf32>
        %mul3A_1000 = arith.mulf %get3A_998, %mul3A_999 : vector<16xf32>
        %add3A_1001 = arith.constant 3 : i32
        %add3A_1002 = arith.addi %mul3A_554, %add3A_1001 : i32
        %swap3A_1003 = arith.index_cast %and3A_113 : i32 to index
        %swap3A_1004 = arith.index_cast %add3A_1002 : i32 to index
        %swap3A_1005 = arith.constant 64 : index
        %swap3A_1006 = tpu.vector_load %arg8[%swap3A_1003, %swap3A_1004, %swap3A_1005] {strides = array<i32>} : memref<2x128x128xf32, #tpu.memory_space<vmem>>, vector<16xf32>,
        tpu.vector_store %arg8[%swap3A_1003, %swap3A_1004, %swap3A_1005], %mul3A_1000 {strides = array<i32>} : memref<2x128x128xf32, #tpu.memory_space<vmem>>, vector<16xf32>,
        %add3A_1007 = arith.constant 3 : i32
        %add3A_1008 = arith.addi %mul3A_554, %add3A_1007 : i32
        %get3A_1009 = arith.index_cast %and3A_113 : i32 to index
        %get3A_1010 = arith.index_cast %add3A_1008 : i32 to index
        %get3A_1011 = arith.constant 80 : index
        %get3A_1012 = tpu.vector_load %arg8[%get3A_1009, %get3A_1010, %get3A_1011] {strides = array<i32>} : memref<2x128x128xf32, #tpu.memory_space<vmem>>, vector<16xf32>,
        %mul3A_1013 = vector.broadcast %squeeze3A_576 : f32 to vector<16xf32>
        %mul3A_1014 = arith.mulf %get3A_1012, %mul3A_1013 : vector<16xf32>
        %add3A_1015 = arith.constant 3 : i32
        %add3A_1016 = arith.addi %mul3A_554, %add3A_1015 : i32
        %swap3A_1017 = arith.index_cast %and3A_113 : i32 to index
        %swap3A_1018 = arith.index_cast %add3A_1016 : i32 to index
        %swap3A_1019 = arith.constant 80 : index
        %swap3A_1020 = tpu.vector_load %arg8[%swap3A_1017, %swap3A_1018, %swap3A_1019] {strides = array<i32>} : memref<2x128x128xf32, #tpu.memory_space<vmem>>, vector<16xf32>,
        tpu.vector_store %arg8[%swap3A_1017, %swap3A_1018, %swap3A_1019], %mul3A_1014 {strides = array<i32>} : memref<2x128x128xf32, #tpu.memory_space<vmem>>, vector<16xf32>,
        %add3A_1021 = arith.constant 3 : i32
        %add3A_1022 = arith.addi %mul3A_554, %add3A_1021 : i32
        %get3A_1023 = arith.index_cast %and3A_113 : i32 to index
        %get3A_1024 = arith.index_cast %add3A_1022 : i32 to index
        %get3A_1025 = arith.constant 96 : index
        %get3A_1026 = tpu.vector_load %arg8[%get3A_1023, %get3A_1024, %get3A_1025] {strides = array<i32>} : memref<2x128x128xf32, #tpu.memory_space<vmem>>, vector<16xf32>,
        %mul3A_1027 = vector.broadcast %squeeze3A_576 : f32 to vector<16xf32>
        %mul3A_1028 = arith.mulf %get3A_1026, %mul3A_1027 : vector<16xf32>
        %add3A_1029 = arith.constant 3 : i32
        %add3A_1030 = arith.addi %mul3A_554, %add3A_1029 : i32
        %swap3A_1031 = arith.index_cast %and3A_113 : i32 to index
        %swap3A_1032 = arith.index_cast %add3A_1030 : i32 to index
        %swap3A_1033 = arith.constant 96 : index
        %swap3A_1034 = tpu.vector_load %arg8[%swap3A_1031, %swap3A_1032, %swap3A_1033] {strides = array<i32>} : memref<2x128x128xf32, #tpu.memory_space<vmem>>, vector<16xf32>,
        tpu.vector_store %arg8[%swap3A_1031, %swap3A_1032, %swap3A_1033], %mul3A_1028 {strides = array<i32>} : memref<2x128x128xf32, #tpu.memory_space<vmem>>, vector<16xf32>,
        %add3A_1035 = arith.constant 3 : i32
        %add3A_1036 = arith.addi %mul3A_554, %add3A_1035 : i32
        %get3A_1037 = arith.index_cast %and3A_113 : i32 to index
        %get3A_1038 = arith.index_cast %add3A_1036 : i32 to index
        %get3A_1039 = arith.constant 112 : index
        %get3A_1040 = tpu.vector_load %arg8[%get3A_1037, %get3A_1038, %get3A_1039] {strides = array<i32>} : memref<2x128x128xf32, #tpu.memory_space<vmem>>, vector<16xf32>,
        %mul3A_1041 = vector.broadcast %squeeze3A_576 : f32 to vector<16xf32>
        %mul3A_1042 = arith.mulf %get3A_1040, %mul3A_1041 : vector<16xf32>
        %add3A_1043 = arith.constant 3 : i32
        %add3A_1044 = arith.addi %mul3A_554, %add3A_1043 : i32
        %swap3A_1045 = arith.index_cast %and3A_113 : i32 to index
        %swap3A_1046 = arith.index_cast %add3A_1044 : i32 to index
        %swap3A_1047 = arith.constant 112 : index
        %swap3A_1048 = tpu.vector_load %arg8[%swap3A_1045, %swap3A_1046, %swap3A_1047] {strides = array<i32>} : memref<2x128x128xf32, #tpu.memory_space<vmem>>, vector<16xf32>,
        tpu.vector_store %arg8[%swap3A_1045, %swap3A_1046, %swap3A_1047], %mul3A_1042 {strides = array<i32>} : memref<2x128x128xf32, #tpu.memory_space<vmem>>, vector<16xf32>,
        %add3A_1049 = arith.constant 4 : i32
        %add3A_1050 = arith.addi %mul3A_554, %add3A_1049 : i32
        %get3A_1051 = arith.index_cast %and3A_113 : i32 to index
        %get3A_1052 = arith.index_cast %add3A_1050 : i32 to index
        %get3A_1053 = arith.constant 0 : index
        %get3A_1054 = tpu.vector_load %arg8[%get3A_1051, %get3A_1052, %get3A_1053] {strides = array<i32>} : memref<2x128x128xf32, #tpu.memory_space<vmem>>, vector<16xf32>,
        %mul3A_1055 = vector.broadcast %squeeze3A_582 : f32 to vector<16xf32>
        %mul3A_1056 = arith.mulf %get3A_1054, %mul3A_1055 : vector<16xf32>
        %add3A_1057 = arith.constant 4 : i32
        %add3A_1058 = arith.addi %mul3A_554, %add3A_1057 : i32
        %swap3A_1059 = arith.index_cast %and3A_113 : i32 to index
        %swap3A_1060 = arith.index_cast %add3A_1058 : i32 to index
        %swap3A_1061 = arith.constant 0 : index
        %swap3A_1062 = tpu.vector_load %arg8[%swap3A_1059, %swap3A_1060, %swap3A_1061] {strides = array<i32>} : memref<2x128x128xf32, #tpu.memory_space<vmem>>, vector<16xf32>,
        tpu.vector_store %arg8[%swap3A_1059, %swap3A_1060, %swap3A_1061], %mul3A_1056 {strides = array<i32>} : memref<2x128x128xf32, #tpu.memory_space<vmem>>, vector<16xf32>,
        %add3A_1063 = arith.constant 4 : i32
        %add3A_1064 = arith.addi %mul3A_554, %add3A_1063 : i32
        %get3A_1065 = arith.index_cast %and3A_113 : i32 to index
        %get3A_1066 = arith.index_cast %add3A_1064 : i32 to index
        %get3A_1067 = arith.constant 16 : index
        %get3A_1068 = tpu.vector_load %arg8[%get3A_1065, %get3A_1066, %get3A_1067] {strides = array<i32>} : memref<2x128x128xf32, #tpu.memory_space<vmem>>, vector<16xf32>,
        %mul3A_1069 = vector.broadcast %squeeze3A_582 : f32 to vector<16xf32>
        %mul3A_1070 = arith.mulf %get3A_1068, %mul3A_1069 : vector<16xf32>
        %add3A_1071 = arith.constant 4 : i32
        %add3A_1072 = arith.addi %mul3A_554, %add3A_1071 : i32
        %swap3A_1073 = arith.index_cast %and3A_113 : i32 to index
        %swap3A_1074 = arith.index_cast %add3A_1072 : i32 to index
        %swap3A_1075 = arith.constant 16 : index
        %swap3A_1076 = tpu.vector_load %arg8[%swap3A_1073, %swap3A_1074, %swap3A_1075] {strides = array<i32>} : memref<2x128x128xf32, #tpu.memory_space<vmem>>, vector<16xf32>,
        tpu.vector_store %arg8[%swap3A_1073, %swap3A_1074, %swap3A_1075], %mul3A_1070 {strides = array<i32>} : memref<2x128x128xf32, #tpu.memory_space<vmem>>, vector<16xf32>,
        %add3A_1077 = arith.constant 4 : i32
        %add3A_1078 = arith.addi %mul3A_554, %add3A_1077 : i32
        %get3A_1079 = arith.index_cast %and3A_113 : i32 to index
        %get3A_1080 = arith.index_cast %add3A_1078 : i32 to index
        %get3A_1081 = arith.constant 32 : index
        %get3A_1082 = tpu.vector_load %arg8[%get3A_1079, %get3A_1080, %get3A_1081] {strides = array<i32>} : memref<2x128x128xf32, #tpu.memory_space<vmem>>, vector<16xf32>,
        %mul3A_1083 = vector.broadcast %squeeze3A_582 : f32 to vector<16xf32>
        %mul3A_1084 = arith.mulf %get3A_1082, %mul3A_1083 : vector<16xf32>
        %add3A_1085 = arith.constant 4 : i32
        %add3A_1086 = arith.addi %mul3A_554, %add3A_1085 : i32
        %swap3A_1087 = arith.index_cast %and3A_113 : i32 to index
        %swap3A_1088 = arith.index_cast %add3A_1086 : i32 to index
        %swap3A_1089 = arith.constant 32 : index
        %swap3A_1090 = tpu.vector_load %arg8[%swap3A_1087, %swap3A_1088, %swap3A_1089] {strides = array<i32>} : memref<2x128x128xf32, #tpu.memory_space<vmem>>, vector<16xf32>,
        tpu.vector_store %arg8[%swap3A_1087, %swap3A_1088, %swap3A_1089], %mul3A_1084 {strides = array<i32>} : memref<2x128x128xf32, #tpu.memory_space<vmem>>, vector<16xf32>,
        %add3A_1091 = arith.constant 4 : i32
        %add3A_1092 = arith.addi %mul3A_554, %add3A_1091 : i32
        %get3A_1093 = arith.index_cast %and3A_113 : i32 to index
        %get3A_1094 = arith.index_cast %add3A_1092 : i32 to index
        %get3A_1095 = arith.constant 48 : index
        %get3A_1096 = tpu.vector_load %arg8[%get3A_1093, %get3A_1094, %get3A_1095] {strides = array<i32>} : memref<2x128x128xf32, #tpu.memory_space<vmem>>, vector<16xf32>,
        %mul3A_1097 = vector.broadcast %squeeze3A_582 : f32 to vector<16xf32>
        %mul3A_1098 = arith.mulf %get3A_1096, %mul3A_1097 : vector<16xf32>
        %add3A_1099 = arith.constant 4 : i32
        %add3A_1100 = arith.addi %mul3A_554, %add3A_1099 : i32
        %swap3A_1101 = arith.index_cast %and3A_113 : i32 to index
        %swap3A_1102 = arith.index_cast %add3A_1100 : i32 to index
        %swap3A_1103 = arith.constant 48 : index
        %swap3A_1104 = tpu.vector_load %arg8[%swap3A_1101, %swap3A_1102, %swap3A_1103] {strides = array<i32>} : memref<2x128x128xf32, #tpu.memory_space<vmem>>, vector<16xf32>,
        tpu.vector_store %arg8[%swap3A_1101, %swap3A_1102, %swap3A_1103], %mul3A_1098 {strides = array<i32>} : memref<2x128x128xf32, #tpu.memory_space<vmem>>, vector<16xf32>,
        %add3A_1105 = arith.constant 4 : i32
        %add3A_1106 = arith.addi %mul3A_554, %add3A_1105 : i32
        %get3A_1107 = arith.index_cast %and3A_113 : i32 to index
        %get3A_1108 = arith.index_cast %add3A_1106 : i32 to index
        %get3A_1109 = arith.constant 64 : index
        %get3A_1110 = tpu.vector_load %arg8[%get3A_1107, %get3A_1108, %get3A_1109] {strides = array<i32>} : memref<2x128x128xf32, #tpu.memory_space<vmem>>, vector<16xf32>,
        %mul3A_1111 = vector.broadcast %squeeze3A_582 : f32 to vector<16xf32>
        %mul3A_1112 = arith.mulf %get3A_1110, %mul3A_1111 : vector<16xf32>
        %add3A_1113 = arith.constant 4 : i32
        %add3A_1114 = arith.addi %mul3A_554, %add3A_1113 : i32
        %swap3A_1115 = arith.index_cast %and3A_113 : i32 to index
        %swap3A_1116 = arith.index_cast %add3A_1114 : i32 to index
        %swap3A_1117 = arith.constant 64 : index
        %swap3A_1118 = tpu.vector_load %arg8[%swap3A_1115, %swap3A_1116, %swap3A_1117] {strides = array<i32>} : memref<2x128x128xf32, #tpu.memory_space<vmem>>, vector<16xf32>,
        tpu.vector_store %arg8[%swap3A_1115, %swap3A_1116, %swap3A_1117], %mul3A_1112 {strides = array<i32>} : memref<2x128x128xf32, #tpu.memory_space<vmem>>, vector<16xf32>,
        %add3A_1119 = arith.constant 4 : i32
        %add3A_1120 = arith.addi %mul3A_554, %add3A_1119 : i32
        %get3A_1121 = arith.index_cast %and3A_113 : i32 to index
        %get3A_1122 = arith.index_cast %add3A_1120 : i32 to index
        %get3A_1123 = arith.constant 80 : index
        %get3A_1124 = tpu.vector_load %arg8[%get3A_1121, %get3A_1122, %get3A_1123] {strides = array<i32>} : memref<2x128x128xf32, #tpu.memory_space<vmem>>, vector<16xf32>,
        %mul3A_1125 = vector.broadcast %squeeze3A_582 : f32 to vector<16xf32>
        %mul3A_1126 = arith.mulf %get3A_1124, %mul3A_1125 : vector<16xf32>
        %add3A_1127 = arith.constant 4 : i32
        %add3A_1128 = arith.addi %mul3A_554, %add3A_1127 : i32
        %swap3A_1129 = arith.index_cast %and3A_113 : i32 to index
        %swap3A_1130 = arith.index_cast %add3A_1128 : i32 to index
        %swap3A_1131 = arith.constant 80 : index
        %swap3A_1132 = tpu.vector_load %arg8[%swap3A_1129, %swap3A_1130, %swap3A_1131] {strides = array<i32>} : memref<2x128x128xf32, #tpu.memory_space<vmem>>, vector<16xf32>,
        tpu.vector_store %arg8[%swap3A_1129, %swap3A_1130, %swap3A_1131], %mul3A_1126 {strides = array<i32>} : memref<2x128x128xf32, #tpu.memory_space<vmem>>, vector<16xf32>,
        %add3A_1133 = arith.constant 4 : i32
        %add3A_1134 = arith.addi %mul3A_554, %add3A_1133 : i32
        %get3A_1135 = arith.index_cast %and3A_113 : i32 to index
        %get3A_1136 = arith.index_cast %add3A_1134 : i32 to index
        %get3A_1137 = arith.constant 96 : index
        %get3A_1138 = tpu.vector_load %arg8[%get3A_1135, %get3A_1136, %get3A_1137] {strides = array<i32>} : memref<2x128x128xf32, #tpu.memory_space<vmem>>, vector<16xf32>,
        %mul3A_1139 = vector.broadcast %squeeze3A_582 : f32 to vector<16xf32>
        %mul3A_1140 = arith.mulf %get3A_1138, %mul3A_1139 : vector<16xf32>
        %add3A_1141 = arith.constant 4 : i32
        %add3A_1142 = arith.addi %mul3A_554, %add3A_1141 : i32
        %swap3A_1143 = arith.index_cast %and3A_113 : i32 to index
        %swap3A_1144 = arith.index_cast %add3A_1142 : i32 to index
        %swap3A_1145 = arith.constant 96 : index
        %swap3A_1146 = tpu.vector_load %arg8[%swap3A_1143, %swap3A_1144, %swap3A_1145] {strides = array<i32>} : memref<2x128x128xf32, #tpu.memory_space<vmem>>, vector<16xf32>,
        tpu.vector_store %arg8[%swap3A_1143, %swap3A_1144, %swap3A_1145], %mul3A_1140 {strides = array<i32>} : memref<2x128x128xf32, #tpu.memory_space<vmem>>, vector<16xf32>,
        %add3A_1147 = arith.constant 4 : i32
        %add3A_1148 = arith.addi %mul3A_554, %add3A_1147 : i32
        %get3A_1149 = arith.index_cast %and3A_113 : i32 to index
        %get3A_1150 = arith.index_cast %add3A_1148 : i32 to index
        %get3A_1151 = arith.constant 112 : index
        %get3A_1152 = tpu.vector_load %arg8[%get3A_1149, %get3A_1150, %get3A_1151] {strides = array<i32>} : memref<2x128x128xf32, #tpu.memory_space<vmem>>, vector<16xf32>,
        %mul3A_1153 = vector.broadcast %squeeze3A_582 : f32 to vector<16xf32>
        %mul3A_1154 = arith.mulf %get3A_1152, %mul3A_1153 : vector<16xf32>
        %add3A_1155 = arith.constant 4 : i32
        %add3A_1156 = arith.addi %mul3A_554, %add3A_1155 : i32
        %swap3A_1157 = arith.index_cast %and3A_113 : i32 to index
        %swap3A_1158 = arith.index_cast %add3A_1156 : i32 to index
        %swap3A_1159 = arith.constant 112 : index
        %swap3A_1160 = tpu.vector_load %arg8[%swap3A_1157, %swap3A_1158, %swap3A_1159] {strides = array<i32>} : memref<2x128x128xf32, #tpu.memory_space<vmem>>, vector<16xf32>,
        tpu.vector_store %arg8[%swap3A_1157, %swap3A_1158, %swap3A_1159], %mul3A_1154 {strides = array<i32>} : memref<2x128x128xf32, #tpu.memory_space<vmem>>, vector<16xf32>,
        %add3A_1161 = arith.constant 5 : i32
        %add3A_1162 = arith.addi %mul3A_554, %add3A_1161 : i32
        %get3A_1163 = arith.index_cast %and3A_113 : i32 to index
        %get3A_1164 = arith.index_cast %add3A_1162 : i32 to index
        %get3A_1165 = arith.constant 0 : index
        %get3A_1166 = tpu.vector_load %arg8[%get3A_1163, %get3A_1164, %get3A_1165] {strides = array<i32>} : memref<2x128x128xf32, #tpu.memory_space<vmem>>, vector<16xf32>,
        %mul3A_1167 = vector.broadcast %squeeze3A_588 : f32 to vector<16xf32>
        %mul3A_1168 = arith.mulf %get3A_1166, %mul3A_1167 : vector<16xf32>
        %add3A_1169 = arith.constant 5 : i32
        %add3A_1170 = arith.addi %mul3A_554, %add3A_1169 : i32
        %swap3A_1171 = arith.index_cast %and3A_113 : i32 to index
        %swap3A_1172 = arith.index_cast %add3A_1170 : i32 to index
        %swap3A_1173 = arith.constant 0 : index
        %swap3A_1174 = tpu.vector_load %arg8[%swap3A_1171, %swap3A_1172, %swap3A_1173] {strides = array<i32>} : memref<2x128x128xf32, #tpu.memory_space<vmem>>, vector<16xf32>,
        tpu.vector_store %arg8[%swap3A_1171, %swap3A_1172, %swap3A_1173], %mul3A_1168 {strides = array<i32>} : memref<2x128x128xf32, #tpu.memory_space<vmem>>, vector<16xf32>,
        %add3A_1175 = arith.constant 5 : i32
        %add3A_1176 = arith.addi %mul3A_554, %add3A_1175 : i32
        %get3A_1177 = arith.index_cast %and3A_113 : i32 to index
        %get3A_1178 = arith.index_cast %add3A_1176 : i32 to index
        %get3A_1179 = arith.constant 16 : index
        %get3A_1180 = tpu.vector_load %arg8[%get3A_1177, %get3A_1178, %get3A_1179] {strides = array<i32>} : memref<2x128x128xf32, #tpu.memory_space<vmem>>, vector<16xf32>,
        %mul3A_1181 = vector.broadcast %squeeze3A_588 : f32 to vector<16xf32>
        %mul3A_1182 = arith.mulf %get3A_1180, %mul3A_1181 : vector<16xf32>
        %add3A_1183 = arith.constant 5 : i32
        %add3A_1184 = arith.addi %mul3A_554, %add3A_1183 : i32
        %swap3A_1185 = arith.index_cast %and3A_113 : i32 to index
        %swap3A_1186 = arith.index_cast %add3A_1184 : i32 to index
        %swap3A_1187 = arith.constant 16 : index
        %swap3A_1188 = tpu.vector_load %arg8[%swap3A_1185, %swap3A_1186, %swap3A_1187] {strides = array<i32>} : memref<2x128x128xf32, #tpu.memory_space<vmem>>, vector<16xf32>,
        tpu.vector_store %arg8[%swap3A_1185, %swap3A_1186, %swap3A_1187], %mul3A_1182 {strides = array<i32>} : memref<2x128x128xf32, #tpu.memory_space<vmem>>, vector<16xf32>,
        %add3A_1189 = arith.constant 5 : i32
        %add3A_1190 = arith.addi %mul3A_554, %add3A_1189 : i32
        %get3A_1191 = arith.index_cast %and3A_113 : i32 to index
        %get3A_1192 = arith.index_cast %add3A_1190 : i32 to index
        %get3A_1193 = arith.constant 32 : index
        %get3A_1194 = tpu.vector_load %arg8[%get3A_1191, %get3A_1192, %get3A_1193] {strides = array<i32>} : memref<2x128x128xf32, #tpu.memory_space<vmem>>, vector<16xf32>,
        %mul3A_1195 = vector.broadcast %squeeze3A_588 : f32 to vector<16xf32>
        %mul3A_1196 = arith.mulf %get3A_1194, %mul3A_1195 : vector<16xf32>
        %add3A_1197 = arith.constant 5 : i32
        %add3A_1198 = arith.addi %mul3A_554, %add3A_1197 : i32
        %swap3A_1199 = arith.index_cast %and3A_113 : i32 to index
        %swap3A_1200 = arith.index_cast %add3A_1198 : i32 to index
        %swap3A_1201 = arith.constant 32 : index
        %swap3A_1202 = tpu.vector_load %arg8[%swap3A_1199, %swap3A_1200, %swap3A_1201] {strides = array<i32>} : memref<2x128x128xf32, #tpu.memory_space<vmem>>, vector<16xf32>,
        tpu.vector_store %arg8[%swap3A_1199, %swap3A_1200, %swap3A_1201], %mul3A_1196 {strides = array<i32>} : memref<2x128x128xf32, #tpu.memory_space<vmem>>, vector<16xf32>,
        %add3A_1203 = arith.constant 5 : i32
        %add3A_1204 = arith.addi %mul3A_554, %add3A_1203 : i32
        %get3A_1205 = arith.index_cast %and3A_113 : i32 to index
        %get3A_1206 = arith.index_cast %add3A_1204 : i32 to index
        %get3A_1207 = arith.constant 48 : index
        %get3A_1208 = tpu.vector_load %arg8[%get3A_1205, %get3A_1206, %get3A_1207] {strides = array<i32>} : memref<2x128x128xf32, #tpu.memory_space<vmem>>, vector<16xf32>,
        %mul3A_1209 = vector.broadcast %squeeze3A_588 : f32 to vector<16xf32>
        %mul3A_1210 = arith.mulf %get3A_1208, %mul3A_1209 : vector<16xf32>
        %add3A_1211 = arith.constant 5 : i32
        %add3A_1212 = arith.addi %mul3A_554, %add3A_1211 : i32
        %swap3A_1213 = arith.index_cast %and3A_113 : i32 to index
        %swap3A_1214 = arith.index_cast %add3A_1212 : i32 to index
        %swap3A_1215 = arith.constant 48 : index
        %swap3A_1216 = tpu.vector_load %arg8[%swap3A_1213, %swap3A_1214, %swap3A_1215] {strides = array<i32>} : memref<2x128x128xf32, #tpu.memory_space<vmem>>, vector<16xf32>,
        tpu.vector_store %arg8[%swap3A_1213, %swap3A_1214, %swap3A_1215], %mul3A_1210 {strides = array<i32>} : memref<2x128x128xf32, #tpu.memory_space<vmem>>, vector<16xf32>,
        %add3A_1217 = arith.constant 5 : i32
        %add3A_1218 = arith.addi %mul3A_554, %add3A_1217 : i32
        %get3A_1219 = arith.index_cast %and3A_113 : i32 to index
        %get3A_1220 = arith.index_cast %add3A_1218 : i32 to index
        %get3A_1221 = arith.constant 64 : index
        %get3A_1222 = tpu.vector_load %arg8[%get3A_1219, %get3A_1220, %get3A_1221] {strides = array<i32>} : memref<2x128x128xf32, #tpu.memory_space<vmem>>, vector<16xf32>,
        %mul3A_1223 = vector.broadcast %squeeze3A_588 : f32 to vector<16xf32>
        %mul3A_1224 = arith.mulf %get3A_1222, %mul3A_1223 : vector<16xf32>
        %add3A_1225 = arith.constant 5 : i32
        %add3A_1226 = arith.addi %mul3A_554, %add3A_1225 : i32
        %swap3A_1227 = arith.index_cast %and3A_113 : i32 to index
        %swap3A_1228 = arith.index_cast %add3A_1226 : i32 to index
        %swap3A_1229 = arith.constant 64 : index
        %swap3A_1230 = tpu.vector_load %arg8[%swap3A_1227, %swap3A_1228, %swap3A_1229] {strides = array<i32>} : memref<2x128x128xf32, #tpu.memory_space<vmem>>, vector<16xf32>,
        tpu.vector_store %arg8[%swap3A_1227, %swap3A_1228, %swap3A_1229], %mul3A_1224 {strides = array<i32>} : memref<2x128x128xf32, #tpu.memory_space<vmem>>, vector<16xf32>,
        %add3A_1231 = arith.constant 5 : i32
        %add3A_1232 = arith.addi %mul3A_554, %add3A_1231 : i32
        %get3A_1233 = arith.index_cast %and3A_113 : i32 to index
        %get3A_1234 = arith.index_cast %add3A_1232 : i32 to index
        %get3A_1235 = arith.constant 80 : index
        %get3A_1236 = tpu.vector_load %arg8[%get3A_1233, %get3A_1234, %get3A_1235] {strides = array<i32>} : memref<2x128x128xf32, #tpu.memory_space<vmem>>, vector<16xf32>,
        %mul3A_1237 = vector.broadcast %squeeze3A_588 : f32 to vector<16xf32>
        %mul3A_1238 = arith.mulf %get3A_1236, %mul3A_1237 : vector<16xf32>
        %add3A_1239 = arith.constant 5 : i32
        %add3A_1240 = arith.addi %mul3A_554, %add3A_1239 : i32
        %swap3A_1241 = arith.index_cast %and3A_113 : i32 to index
        %swap3A_1242 = arith.index_cast %add3A_1240 : i32 to index
        %swap3A_1243 = arith.constant 80 : index
        %swap3A_1244 = tpu.vector_load %arg8[%swap3A_1241, %swap3A_1242, %swap3A_1243] {strides = array<i32>} : memref<2x128x128xf32, #tpu.memory_space<vmem>>, vector<16xf32>,
        tpu.vector_store %arg8[%swap3A_1241, %swap3A_1242, %swap3A_1243], %mul3A_1238 {strides = array<i32>} : memref<2x128x128xf32, #tpu.memory_space<vmem>>, vector<16xf32>,
        %add3A_1245 = arith.constant 5 : i32
        %add3A_1246 = arith.addi %mul3A_554, %add3A_1245 : i32
        %get3A_1247 = arith.index_cast %and3A_113 : i32 to index
        %get3A_1248 = arith.index_cast %add3A_1246 : i32 to index
        %get3A_1249 = arith.constant 96 : index
        %get3A_1250 = tpu.vector_load %arg8[%get3A_1247, %get3A_1248, %get3A_1249] {strides = array<i32>} : memref<2x128x128xf32, #tpu.memory_space<vmem>>, vector<16xf32>,
        %mul3A_1251 = vector.broadcast %squeeze3A_588 : f32 to vector<16xf32>
        %mul3A_1252 = arith.mulf %get3A_1250, %mul3A_1251 : vector<16xf32>
        %add3A_1253 = arith.constant 5 : i32
        %add3A_1254 = arith.addi %mul3A_554, %add3A_1253 : i32
        %swap3A_1255 = arith.index_cast %and3A_113 : i32 to index
        %swap3A_1256 = arith.index_cast %add3A_1254 : i32 to index
        %swap3A_1257 = arith.constant 96 : index
        %swap3A_1258 = tpu.vector_load %arg8[%swap3A_1255, %swap3A_1256, %swap3A_1257] {strides = array<i32>} : memref<2x128x128xf32, #tpu.memory_space<vmem>>, vector<16xf32>,
        tpu.vector_store %arg8[%swap3A_1255, %swap3A_1256, %swap3A_1257], %mul3A_1252 {strides = array<i32>} : memref<2x128x128xf32, #tpu.memory_space<vmem>>, vector<16xf32>,
        %add3A_1259 = arith.constant 5 : i32
        %add3A_1260 = arith.addi %mul3A_554, %add3A_1259 : i32
        %get3A_1261 = arith.index_cast %and3A_113 : i32 to index
        %get3A_1262 = arith.index_cast %add3A_1260 : i32 to index
        %get3A_1263 = arith.constant 112 : index
        %get3A_1264 = tpu.vector_load %arg8[%get3A_1261, %get3A_1262, %get3A_1263] {strides = array<i32>} : memref<2x128x128xf32, #tpu.memory_space<vmem>>, vector<16xf32>,
        %mul3A_1265 = vector.broadcast %squeeze3A_588 : f32 to vector<16xf32>
        %mul3A_1266 = arith.mulf %get3A_1264, %mul3A_1265 : vector<16xf32>
        %add3A_1267 = arith.constant 5 : i32
        %add3A_1268 = arith.addi %mul3A_554, %add3A_1267 : i32
        %swap3A_1269 = arith.index_cast %and3A_113 : i32 to index
        %swap3A_1270 = arith.index_cast %add3A_1268 : i32 to index
        %swap3A_1271 = arith.constant 112 : index
        %swap3A_1272 = tpu.vector_load %arg8[%swap3A_1269, %swap3A_1270, %swap3A_1271] {strides = array<i32>} : memref<2x128x128xf32, #tpu.memory_space<vmem>>, vector<16xf32>,
        tpu.vector_store %arg8[%swap3A_1269, %swap3A_1270, %swap3A_1271], %mul3A_1266 {strides = array<i32>} : memref<2x128x128xf32, #tpu.memory_space<vmem>>, vector<16xf32>,
        %add3A_1273 = arith.constant 6 : i32
        %add3A_1274 = arith.addi %mul3A_554, %add3A_1273 : i32
        %get3A_1275 = arith.index_cast %and3A_113 : i32 to index
        %get3A_1276 = arith.index_cast %add3A_1274 : i32 to index
        %get3A_1277 = arith.constant 0 : index
        %get3A_1278 = tpu.vector_load %arg8[%get3A_1275, %get3A_1276, %get3A_1277] {strides = array<i32>} : memref<2x128x128xf32, #tpu.memory_space<vmem>>, vector<16xf32>,
        %mul3A_1279 = vector.broadcast %squeeze3A_594 : f32 to vector<16xf32>
        %mul3A_1280 = arith.mulf %get3A_1278, %mul3A_1279 : vector<16xf32>
        %add3A_1281 = arith.constant 6 : i32
        %add3A_1282 = arith.addi %mul3A_554, %add3A_1281 : i32
        %swap3A_1283 = arith.index_cast %and3A_113 : i32 to index
        %swap3A_1284 = arith.index_cast %add3A_1282 : i32 to index
        %swap3A_1285 = arith.constant 0 : index
        %swap3A_1286 = tpu.vector_load %arg8[%swap3A_1283, %swap3A_1284, %swap3A_1285] {strides = array<i32>} : memref<2x128x128xf32, #tpu.memory_space<vmem>>, vector<16xf32>,
        tpu.vector_store %arg8[%swap3A_1283, %swap3A_1284, %swap3A_1285], %mul3A_1280 {strides = array<i32>} : memref<2x128x128xf32, #tpu.memory_space<vmem>>, vector<16xf32>,
        %add3A_1287 = arith.constant 6 : i32
        %add3A_1288 = arith.addi %mul3A_554, %add3A_1287 : i32
        %get3A_1289 = arith.index_cast %and3A_113 : i32 to index
        %get3A_1290 = arith.index_cast %add3A_1288 : i32 to index
        %get3A_1291 = arith.constant 16 : index
        %get3A_1292 = tpu.vector_load %arg8[%get3A_1289, %get3A_1290, %get3A_1291] {strides = array<i32>} : memref<2x128x128xf32, #tpu.memory_space<vmem>>, vector<16xf32>,
        %mul3A_1293 = vector.broadcast %squeeze3A_594 : f32 to vector<16xf32>
        %mul3A_1294 = arith.mulf %get3A_1292, %mul3A_1293 : vector<16xf32>
        %add3A_1295 = arith.constant 6 : i32
        %add3A_1296 = arith.addi %mul3A_554, %add3A_1295 : i32
        %swap3A_1297 = arith.index_cast %and3A_113 : i32 to index
        %swap3A_1298 = arith.index_cast %add3A_1296 : i32 to index
        %swap3A_1299 = arith.constant 16 : index
        %swap3A_1300 = tpu.vector_load %arg8[%swap3A_1297, %swap3A_1298, %swap3A_1299] {strides = array<i32>} : memref<2x128x128xf32, #tpu.memory_space<vmem>>, vector<16xf32>,
        tpu.vector_store %arg8[%swap3A_1297, %swap3A_1298, %swap3A_1299], %mul3A_1294 {strides = array<i32>} : memref<2x128x128xf32, #tpu.memory_space<vmem>>, vector<16xf32>,
        %add3A_1301 = arith.constant 6 : i32
        %add3A_1302 = arith.addi %mul3A_554, %add3A_1301 : i32
        %get3A_1303 = arith.index_cast %and3A_113 : i32 to index
        %get3A_1304 = arith.index_cast %add3A_1302 : i32 to index
        %get3A_1305 = arith.constant 32 : index
        %get3A_1306 = tpu.vector_load %arg8[%get3A_1303, %get3A_1304, %get3A_1305] {strides = array<i32>} : memref<2x128x128xf32, #tpu.memory_space<vmem>>, vector<16xf32>,
        %mul3A_1307 = vector.broadcast %squeeze3A_594 : f32 to vector<16xf32>
        %mul3A_1308 = arith.mulf %get3A_1306, %mul3A_1307 : vector<16xf32>
        %add3A_1309 = arith.constant 6 : i32
        %add3A_1310 = arith.addi %mul3A_554, %add3A_1309 : i32
        %swap3A_1311 = arith.index_cast %and3A_113 : i32 to index
        %swap3A_1312 = arith.index_cast %add3A_1310 : i32 to index
        %swap3A_1313 = arith.constant 32 : index
        %swap3A_1314 = tpu.vector_load %arg8[%swap3A_1311, %swap3A_1312, %swap3A_1313] {strides = array<i32>} : memref<2x128x128xf32, #tpu.memory_space<vmem>>, vector<16xf32>,
        tpu.vector_store %arg8[%swap3A_1311, %swap3A_1312, %swap3A_1313], %mul3A_1308 {strides = array<i32>} : memref<2x128x128xf32, #tpu.memory_space<vmem>>, vector<16xf32>,
        %add3A_1315 = arith.constant 6 : i32
        %add3A_1316 = arith.addi %mul3A_554, %add3A_1315 : i32
        %get3A_1317 = arith.index_cast %and3A_113 : i32 to index
        %get3A_1318 = arith.index_cast %add3A_1316 : i32 to index
        %get3A_1319 = arith.constant 48 : index
        %get3A_1320 = tpu.vector_load %arg8[%get3A_1317, %get3A_1318, %get3A_1319] {strides = array<i32>} : memref<2x128x128xf32, #tpu.memory_space<vmem>>, vector<16xf32>,
        %mul3A_1321 = vector.broadcast %squeeze3A_594 : f32 to vector<16xf32>
        %mul3A_1322 = arith.mulf %get3A_1320, %mul3A_1321 : vector<16xf32>
        %add3A_1323 = arith.constant 6 : i32
        %add3A_1324 = arith.addi %mul3A_554, %add3A_1323 : i32
        %swap3A_1325 = arith.index_cast %and3A_113 : i32 to index
        %swap3A_1326 = arith.index_cast %add3A_1324 : i32 to index
        %swap3A_1327 = arith.constant 48 : index
        %swap3A_1328 = tpu.vector_load %arg8[%swap3A_1325, %swap3A_1326, %swap3A_1327] {strides = array<i32>} : memref<2x128x128xf32, #tpu.memory_space<vmem>>, vector<16xf32>,
        tpu.vector_store %arg8[%swap3A_1325, %swap3A_1326, %swap3A_1327], %mul3A_1322 {strides = array<i32>} : memref<2x128x128xf32, #tpu.memory_space<vmem>>, vector<16xf32>,
        %add3A_1329 = arith.constant 6 : i32
        %add3A_1330 = arith.addi %mul3A_554, %add3A_1329 : i32
        %get3A_1331 = arith.index_cast %and3A_113 : i32 to index
        %get3A_1332 = arith.index_cast %add3A_1330 : i32 to index
        %get3A_1333 = arith.constant 64 : index
        %get3A_1334 = tpu.vector_load %arg8[%get3A_1331, %get3A_1332, %get3A_1333] {strides = array<i32>} : memref<2x128x128xf32, #tpu.memory_space<vmem>>, vector<16xf32>,
        %mul3A_1335 = vector.broadcast %squeeze3A_594 : f32 to vector<16xf32>
        %mul3A_1336 = arith.mulf %get3A_1334, %mul3A_1335 : vector<16xf32>
        %add3A_1337 = arith.constant 6 : i32
        %add3A_1338 = arith.addi %mul3A_554, %add3A_1337 : i32
        %swap3A_1339 = arith.index_cast %and3A_113 : i32 to index
        %swap3A_1340 = arith.index_cast %add3A_1338 : i32 to index
        %swap3A_1341 = arith.constant 64 : index
        %swap3A_1342 = tpu.vector_load %arg8[%swap3A_1339, %swap3A_1340, %swap3A_1341] {strides = array<i32>} : memref<2x128x128xf32, #tpu.memory_space<vmem>>, vector<16xf32>,
        tpu.vector_store %arg8[%swap3A_1339, %swap3A_1340, %swap3A_1341], %mul3A_1336 {strides = array<i32>} : memref<2x128x128xf32, #tpu.memory_space<vmem>>, vector<16xf32>,
        %add3A_1343 = arith.constant 6 : i32
        %add3A_1344 = arith.addi %mul3A_554, %add3A_1343 : i32
        %get3A_1345 = arith.index_cast %and3A_113 : i32 to index
        %get3A_1346 = arith.index_cast %add3A_1344 : i32 to index
        %get3A_1347 = arith.constant 80 : index
        %get3A_1348 = tpu.vector_load %arg8[%get3A_1345, %get3A_1346, %get3A_1347] {strides = array<i32>} : memref<2x128x128xf32, #tpu.memory_space<vmem>>, vector<16xf32>,
        %mul3A_1349 = vector.broadcast %squeeze3A_594 : f32 to vector<16xf32>
        %mul3A_1350 = arith.mulf %get3A_1348, %mul3A_1349 : vector<16xf32>
        %add3A_1351 = arith.constant 6 : i32
        %add3A_1352 = arith.addi %mul3A_554, %add3A_1351 : i32
        %swap3A_1353 = arith.index_cast %and3A_113 : i32 to index
        %swap3A_1354 = arith.index_cast %add3A_1352 : i32 to index
        %swap3A_1355 = arith.constant 80 : index
        %swap3A_1356 = tpu.vector_load %arg8[%swap3A_1353, %swap3A_1354, %swap3A_1355] {strides = array<i32>} : memref<2x128x128xf32, #tpu.memory_space<vmem>>, vector<16xf32>,
        tpu.vector_store %arg8[%swap3A_1353, %swap3A_1354, %swap3A_1355], %mul3A_1350 {strides = array<i32>} : memref<2x128x128xf32, #tpu.memory_space<vmem>>, vector<16xf32>,
        %add3A_1357 = arith.constant 6 : i32
        %add3A_1358 = arith.addi %mul3A_554, %add3A_1357 : i32
        %get3A_1359 = arith.index_cast %and3A_113 : i32 to index
        %get3A_1360 = arith.index_cast %add3A_1358 : i32 to index
        %get3A_1361 = arith.constant 96 : index
        %get3A_1362 = tpu.vector_load %arg8[%get3A_1359, %get3A_1360, %get3A_1361] {strides = array<i32>} : memref<2x128x128xf32, #tpu.memory_space<vmem>>, vector<16xf32>,
        %mul3A_1363 = vector.broadcast %squeeze3A_594 : f32 to vector<16xf32>
        %mul3A_1364 = arith.mulf %get3A_1362, %mul3A_1363 : vector<16xf32>
        %add3A_1365 = arith.constant 6 : i32
        %add3A_1366 = arith.addi %mul3A_554, %add3A_1365 : i32
        %swap3A_1367 = arith.index_cast %and3A_113 : i32 to index
        %swap3A_1368 = arith.index_cast %add3A_1366 : i32 to index
        %swap3A_1369 = arith.constant 96 : index
        %swap3A_1370 = tpu.vector_load %arg8[%swap3A_1367, %swap3A_1368, %swap3A_1369] {strides = array<i32>} : memref<2x128x128xf32, #tpu.memory_space<vmem>>, vector<16xf32>,
        tpu.vector_store %arg8[%swap3A_1367, %swap3A_1368, %swap3A_1369], %mul3A_1364 {strides = array<i32>} : memref<2x128x128xf32, #tpu.memory_space<vmem>>, vector<16xf32>,
        %add3A_1371 = arith.constant 6 : i32
        %add3A_1372 = arith.addi %mul3A_554, %add3A_1371 : i32
        %get3A_1373 = arith.index_cast %and3A_113 : i32 to index
        %get3A_1374 = arith.index_cast %add3A_1372 : i32 to index
        %get3A_1375 = arith.constant 112 : index
        %get3A_1376 = tpu.vector_load %arg8[%get3A_1373, %get3A_1374, %get3A_1375] {strides = array<i32>} : memref<2x128x128xf32, #tpu.memory_space<vmem>>, vector<16xf32>,
        %mul3A_1377 = vector.broadcast %squeeze3A_594 : f32 to vector<16xf32>
        %mul3A_1378 = arith.mulf %get3A_1376, %mul3A_1377 : vector<16xf32>
        %add3A_1379 = arith.constant 6 : i32
        %add3A_1380 = arith.addi %mul3A_554, %add3A_1379 : i32
        %swap3A_1381 = arith.index_cast %and3A_113 : i32 to index
        %swap3A_1382 = arith.index_cast %add3A_1380 : i32 to index
        %swap3A_1383 = arith.constant 112 : index
        %swap3A_1384 = tpu.vector_load %arg8[%swap3A_1381, %swap3A_1382, %swap3A_1383] {strides = array<i32>} : memref<2x128x128xf32, #tpu.memory_space<vmem>>, vector<16xf32>,
        tpu.vector_store %arg8[%swap3A_1381, %swap3A_1382, %swap3A_1383], %mul3A_1378 {strides = array<i32>} : memref<2x128x128xf32, #tpu.memory_space<vmem>>, vector<16xf32>,
        %add3A_1385 = arith.constant 7 : i32
        %add3A_1386 = arith.addi %mul3A_554, %add3A_1385 : i32
        %get3A_1387 = arith.index_cast %and3A_113 : i32 to index
        %get3A_1388 = arith.index_cast %add3A_1386 : i32 to index
        %get3A_1389 = arith.constant 0 : index
        %get3A_1390 = tpu.vector_load %arg8[%get3A_1387, %get3A_1388, %get3A_1389] {strides = array<i32>} : memref<2x128x128xf32, #tpu.memory_space<vmem>>, vector<16xf32>,
        %mul3A_1391 = vector.broadcast %squeeze3A_600 : f32 to vector<16xf32>
        %mul3A_1392 = arith.mulf %get3A_1390, %mul3A_1391 : vector<16xf32>
        %add3A_1393 = arith.constant 7 : i32
        %add3A_1394 = arith.addi %mul3A_554, %add3A_1393 : i32
        %swap3A_1395 = arith.index_cast %and3A_113 : i32 to index
        %swap3A_1396 = arith.index_cast %add3A_1394 : i32 to index
        %swap3A_1397 = arith.constant 0 : index
        %swap3A_1398 = tpu.vector_load %arg8[%swap3A_1395, %swap3A_1396, %swap3A_1397] {strides = array<i32>} : memref<2x128x128xf32, #tpu.memory_space<vmem>>, vector<16xf32>,
        tpu.vector_store %arg8[%swap3A_1395, %swap3A_1396, %swap3A_1397], %mul3A_1392 {strides = array<i32>} : memref<2x128x128xf32, #tpu.memory_space<vmem>>, vector<16xf32>,
        %add3A_1399 = arith.constant 7 : i32
        %add3A_1400 = arith.addi %mul3A_554, %add3A_1399 : i32
        %get3A_1401 = arith.index_cast %and3A_113 : i32 to index
        %get3A_1402 = arith.index_cast %add3A_1400 : i32 to index
        %get3A_1403 = arith.constant 16 : index
        %get3A_1404 = tpu.vector_load %arg8[%get3A_1401, %get3A_1402, %get3A_1403] {strides = array<i32>} : memref<2x128x128xf32, #tpu.memory_space<vmem>>, vector<16xf32>,
        %mul3A_1405 = vector.broadcast %squeeze3A_600 : f32 to vector<16xf32>
        %mul3A_1406 = arith.mulf %get3A_1404, %mul3A_1405 : vector<16xf32>
        %add3A_1407 = arith.constant 7 : i32
        %add3A_1408 = arith.addi %mul3A_554, %add3A_1407 : i32
        %swap3A_1409 = arith.index_cast %and3A_113 : i32 to index
        %swap3A_1410 = arith.index_cast %add3A_1408 : i32 to index
        %swap3A_1411 = arith.constant 16 : index
        %swap3A_1412 = tpu.vector_load %arg8[%swap3A_1409, %swap3A_1410, %swap3A_1411] {strides = array<i32>} : memref<2x128x128xf32, #tpu.memory_space<vmem>>, vector<16xf32>,
        tpu.vector_store %arg8[%swap3A_1409, %swap3A_1410, %swap3A_1411], %mul3A_1406 {strides = array<i32>} : memref<2x128x128xf32, #tpu.memory_space<vmem>>, vector<16xf32>,
        %add3A_1413 = arith.constant 7 : i32
        %add3A_1414 = arith.addi %mul3A_554, %add3A_1413 : i32
        %get3A_1415 = arith.index_cast %and3A_113 : i32 to index
        %get3A_1416 = arith.index_cast %add3A_1414 : i32 to index
        %get3A_1417 = arith.constant 32 : index
        %get3A_1418 = tpu.vector_load %arg8[%get3A_1415, %get3A_1416, %get3A_1417] {strides = array<i32>} : memref<2x128x128xf32, #tpu.memory_space<vmem>>, vector<16xf32>,
        %mul3A_1419 = vector.broadcast %squeeze3A_600 : f32 to vector<16xf32>
        %mul3A_1420 = arith.mulf %get3A_1418, %mul3A_1419 : vector<16xf32>
        %add3A_1421 = arith.constant 7 : i32
        %add3A_1422 = arith.addi %mul3A_554, %add3A_1421 : i32
        %swap3A_1423 = arith.index_cast %and3A_113 : i32 to index
        %swap3A_1424 = arith.index_cast %add3A_1422 : i32 to index
        %swap3A_1425 = arith.constant 32 : index
        %swap3A_1426 = tpu.vector_load %arg8[%swap3A_1423, %swap3A_1424, %swap3A_1425] {strides = array<i32>} : memref<2x128x128xf32, #tpu.memory_space<vmem>>, vector<16xf32>,
        tpu.vector_store %arg8[%swap3A_1423, %swap3A_1424, %swap3A_1425], %mul3A_1420 {strides = array<i32>} : memref<2x128x128xf32, #tpu.memory_space<vmem>>, vector<16xf32>,
        %add3A_1427 = arith.constant 7 : i32
        %add3A_1428 = arith.addi %mul3A_554, %add3A_1427 : i32
        %get3A_1429 = arith.index_cast %and3A_113 : i32 to index
        %get3A_1430 = arith.index_cast %add3A_1428 : i32 to index
        %get3A_1431 = arith.constant 48 : index
        %get3A_1432 = tpu.vector_load %arg8[%get3A_1429, %get3A_1430, %get3A_1431] {strides = array<i32>} : memref<2x128x128xf32, #tpu.memory_space<vmem>>, vector<16xf32>,
        %mul3A_1433 = vector.broadcast %squeeze3A_600 : f32 to vector<16xf32>
        %mul3A_1434 = arith.mulf %get3A_1432, %mul3A_1433 : vector<16xf32>
        %add3A_1435 = arith.constant 7 : i32
        %add3A_1436 = arith.addi %mul3A_554, %add3A_1435 : i32
        %swap3A_1437 = arith.index_cast %and3A_113 : i32 to index
        %swap3A_1438 = arith.index_cast %add3A_1436 : i32 to index
        %swap3A_1439 = arith.constant 48 : index
        %swap3A_1440 = tpu.vector_load %arg8[%swap3A_1437, %swap3A_1438, %swap3A_1439] {strides = array<i32>} : memref<2x128x128xf32, #tpu.memory_space<vmem>>, vector<16xf32>,
        tpu.vector_store %arg8[%swap3A_1437, %swap3A_1438, %swap3A_1439], %mul3A_1434 {strides = array<i32>} : memref<2x128x128xf32, #tpu.memory_space<vmem>>, vector<16xf32>,
        %add3A_1441 = arith.constant 7 : i32
        %add3A_1442 = arith.addi %mul3A_554, %add3A_1441 : i32
        %get3A_1443 = arith.index_cast %and3A_113 : i32 to index
        %get3A_1444 = arith.index_cast %add3A_1442 : i32 to index
        %get3A_1445 = arith.constant 64 : index
        %get3A_1446 = tpu.vector_load %arg8[%get3A_1443, %get3A_1444, %get3A_1445] {strides = array<i32>} : memref<2x128x128xf32, #tpu.memory_space<vmem>>, vector<16xf32>,
        %mul3A_1447 = vector.broadcast %squeeze3A_600 : f32 to vector<16xf32>
        %mul3A_1448 = arith.mulf %get3A_1446, %mul3A_1447 : vector<16xf32>
        %add3A_1449 = arith.constant 7 : i32
        %add3A_1450 = arith.addi %mul3A_554, %add3A_1449 : i32
        %swap3A_1451 = arith.index_cast %and3A_113 : i32 to index
        %swap3A_1452 = arith.index_cast %add3A_1450 : i32 to index
        %swap3A_1453 = arith.constant 64 : index
        %swap3A_1454 = tpu.vector_load %arg8[%swap3A_1451, %swap3A_1452, %swap3A_1453] {strides = array<i32>} : memref<2x128x128xf32, #tpu.memory_space<vmem>>, vector<16xf32>,
        tpu.vector_store %arg8[%swap3A_1451, %swap3A_1452, %swap3A_1453], %mul3A_1448 {strides = array<i32>} : memref<2x128x128xf32, #tpu.memory_space<vmem>>, vector<16xf32>,
        %add3A_1455 = arith.constant 7 : i32
        %add3A_1456 = arith.addi %mul3A_554, %add3A_1455 : i32
        %get3A_1457 = arith.index_cast %and3A_113 : i32 to index
        %get3A_1458 = arith.index_cast %add3A_1456 : i32 to index
        %get3A_1459 = arith.constant 80 : index
        %get3A_1460 = tpu.vector_load %arg8[%get3A_1457, %get3A_1458, %get3A_1459] {strides = array<i32>} : memref<2x128x128xf32, #tpu.memory_space<vmem>>, vector<16xf32>,
        %mul3A_1461 = vector.broadcast %squeeze3A_600 : f32 to vector<16xf32>
        %mul3A_1462 = arith.mulf %get3A_1460, %mul3A_1461 : vector<16xf32>
        %add3A_1463 = arith.constant 7 : i32
        %add3A_1464 = arith.addi %mul3A_554, %add3A_1463 : i32
        %swap3A_1465 = arith.index_cast %and3A_113 : i32 to index
        %swap3A_1466 = arith.index_cast %add3A_1464 : i32 to index
        %swap3A_1467 = arith.constant 80 : index
        %swap3A_1468 = tpu.vector_load %arg8[%swap3A_1465, %swap3A_1466, %swap3A_1467] {strides = array<i32>} : memref<2x128x128xf32, #tpu.memory_space<vmem>>, vector<16xf32>,
        tpu.vector_store %arg8[%swap3A_1465, %swap3A_1466, %swap3A_1467], %mul3A_1462 {strides = array<i32>} : memref<2x128x128xf32, #tpu.memory_space<vmem>>, vector<16xf32>,
        %add3A_1469 = arith.constant 7 : i32
        %add3A_1470 = arith.addi %mul3A_554, %add3A_1469 : i32
        %get3A_1471 = arith.index_cast %and3A_113 : i32 to index
        %get3A_1472 = arith.index_cast %add3A_1470 : i32 to index
        %get3A_1473 = arith.constant 96 : index
        %get3A_1474 = tpu.vector_load %arg8[%get3A_1471, %get3A_1472, %get3A_1473] {strides = array<i32>} : memref<2x128x128xf32, #tpu.memory_space<vmem>>, vector<16xf32>,
        %mul3A_1475 = vector.broadcast %squeeze3A_600 : f32 to vector<16xf32>
        %mul3A_1476 = arith.mulf %get3A_1474, %mul3A_1475 : vector<16xf32>
        %add3A_1477 = arith.constant 7 : i32
        %add3A_1478 = arith.addi %mul3A_554, %add3A_1477 : i32
        %swap3A_1479 = arith.index_cast %and3A_113 : i32 to index
        %swap3A_1480 = arith.index_cast %add3A_1478 : i32 to index
        %swap3A_1481 = arith.constant 96 : index
        %swap3A_1482 = tpu.vector_load %arg8[%swap3A_1479, %swap3A_1480, %swap3A_1481] {strides = array<i32>} : memref<2x128x128xf32, #tpu.memory_space<vmem>>, vector<16xf32>,
        tpu.vector_store %arg8[%swap3A_1479, %swap3A_1480, %swap3A_1481], %mul3A_1476 {strides = array<i32>} : memref<2x128x128xf32, #tpu.memory_space<vmem>>, vector<16xf32>,
        %add3A_1483 = arith.constant 7 : i32
        %add3A_1484 = arith.addi %mul3A_554, %add3A_1483 : i32
        %get3A_1485 = arith.index_cast %and3A_113 : i32 to index
        %get3A_1486 = arith.index_cast %add3A_1484 : i32 to index
        %get3A_1487 = arith.constant 112 : index
        %get3A_1488 = tpu.vector_load %arg8[%get3A_1485, %get3A_1486, %get3A_1487] {strides = array<i32>} : memref<2x128x128xf32, #tpu.memory_space<vmem>>, vector<16xf32>,
        %mul3A_1489 = vector.broadcast %squeeze3A_600 : f32 to vector<16xf32>
        %mul3A_1490 = arith.mulf %get3A_1488, %mul3A_1489 : vector<16xf32>
        %add3A_1491 = arith.constant 7 : i32
        %add3A_1492 = arith.addi %mul3A_554, %add3A_1491 : i32
        %swap3A_1493 = arith.index_cast %and3A_113 : i32 to index
        %swap3A_1494 = arith.index_cast %add3A_1492 : i32 to index
        %swap3A_1495 = arith.constant 112 : index
        %swap3A_1496 = tpu.vector_load %arg8[%swap3A_1493, %swap3A_1494, %swap3A_1495] {strides = array<i32>} : memref<2x128x128xf32, #tpu.memory_space<vmem>>, vector<16xf32>,
        tpu.vector_store %arg8[%swap3A_1493, %swap3A_1494, %swap3A_1495], %mul3A_1490 {strides = array<i32>} : memref<2x128x128xf32, #tpu.memory_space<vmem>>, vector<16xf32>,
      }
      %scan3A_541 = arith.constant 16 : i32
      %dma_start3A_542 = arith.constant 0 : i32
      %dma_start3A_543 = arith.constant 0 : i32
      %dma_start3A_544 = tpu.memref_slice %arg8[%and3A_113, %dma_start3A_542, %dma_start3A_543] : memref<2x128x128xf32, #tpu.memory_space<vmem>> -> memref<1x128x128xf32, #tpu.memory_space<vmem>>
      %dma_start3A_545 = tpu.memref_squeeze %dma_start3A_544 : memref<1x128x128xf32, #tpu.memory_space<vmem>> -> memref<128x128xf32, #tpu.memory_space<vmem>>
      %dma_start3A_546 = arith.constant 0 : i32
      %dma_start3A_547 = tpu.memref_slice %arg11[%and3A_113, %dma_start3A_546] : memref<2x128xi32, #tpu.memory_space<vmem>> -> memref<1x128xi32, #tpu.memory_space<vmem>>
      %dma_start3A_548 = tpu.memref_squeeze %dma_start3A_547 : memref<1x128xi32, #tpu.memory_space<vmem>> -> memref<128xi32, #tpu.memory_space<vmem>>
      %dma_start3A_549 = arith.constant 0 : i32
      %dma_start3A_550 = arith.constant 0 : i32
      %dma_start3A_551 = tpu.memref_slice %arg13[%dma_start3A_549, %dma_start3A_550] : memref<10112x128xf32, #tpu.memory_space<vmem_shared>> -> memref<10112x128xf32, #tpu.memory_space<vmem_shared>>
      tpu.enqueue_indirect_dma source(%dma_start3A_545 : memref<128x128xf32, #tpu.memory_space<vmem>>) target(%dma_start3A_551 : memref<10112x128xf32, #tpu.memory_space<vmem_shared>>) offsets(%dma_start3A_548 : memref<128xi32, #tpu.memory_space<vmem>>) semaphore(%arg14 : memref<!tpu.dma_semaphore, #tpu.memory_space<semaphore_mem>>) {add = true}
    }
    %sub3A = arith.constant 1 : i32
    %sub3A_95 = arith.subi %select_n3A, %sub3A : i32
    %and3A = arith.constant 1 : i32
    %and3A_96 = arith.andi %sub3A_95, %and3A : i32
    %dma_wait3A = arith.constant 0 : i32
    %dma_wait3A_97 = arith.constant 0 : i32
    %dma_wait3A_98 = tpu.memref_slice %arg8[%and3A_96, %dma_wait3A, %dma_wait3A_97] : memref<2x128x128xf32, #tpu.memory_space<vmem>> -> memref<1x128x128xf32, #tpu.memory_space<vmem>>
    %dma_wait3A_99 = tpu.memref_squeeze %dma_wait3A_98 : memref<1x128x128xf32, #tpu.memory_space<vmem>> -> memref<128x128xf32, #tpu.memory_space<vmem>>
    %dma_wait3A_100 = arith.constant 0 : i32
    %dma_wait3A_101 = arith.constant 0 : i32
    %dma_wait3A_102 = tpu.memref_slice %arg2[%dma_wait3A_100, %dma_wait3A_101] : memref<20480x128xf32, #tpu.memory_space<hbm>> -> memref<128x128xf32, #tpu.memory_space<hbm>>
    %dma_wait3A_103 = arith.constant 0 : i32
    %dma_wait3A_104 = arith.constant 0 : i32
    %dma_wait3A_105 = tpu.memref_slice %arg8[%and3A_96, %dma_wait3A_103, %dma_wait3A_104] : memref<2x128x128xf32, #tpu.memory_space<vmem>> -> memref<1x128x128xf32, #tpu.memory_space<vmem>>
    %dma_wait3A_106 = tpu.memref_squeeze %dma_wait3A_105 : memref<1x128x128xf32, #tpu.memory_space<vmem>> -> memref<128x128xf32, #tpu.memory_space<vmem>>
    %dma_wait3A_107 = arith.constant 0 : i32
    %dma_wait3A_108 = arith.constant 0 : i32
    %dma_wait3A_109 = tpu.memref_slice %arg2[%dma_wait3A_107, %dma_wait3A_108] : memref<20480x128xf32, #tpu.memory_space<hbm>> -> memref<128x128xf32, #tpu.memory_space<hbm>>
    tpu.wait_dma2 semaphore(%arg14 : memref<!tpu.dma_semaphore, #tpu.memory_space<semaphore_mem>>) src(%dma_wait3A_109 : memref<128x128xf32, #tpu.memory_space<hbm>>) dst(%dma_wait3A_106 : memref<128x128xf32, #tpu.memory_space<vmem>>)
    %barrier3A_110 = arith.constant 0 : index
    tpu.barrier barrier_id(%barrier3A_110)
    "tpu.region"() ({
      %run_scoped3A_111 = tpu.sem_alloc : memref<!tpu.dma_semaphore, #tpu.memory_space<semaphore_mem>>
      %dma_start3A_112 = arith.constant 0 : i32
      %dma_start3A_113 = tpu.memref_slice %arg6[%arg0, %mul3A_0, %dma_start3A_112] : memref<2x10240x128xf32, #tpu.memory_space<hbm>> -> memref<1x632x128xf32, #tpu.memory_space<hbm>>
      %dma_start3A_114 = tpu.memref_squeeze %dma_start3A_113 : memref<1x632x128xf32, #tpu.memory_space<hbm>> -> memref<632x128xf32, #tpu.memory_space<hbm>>
      %dma_start3A_115 = arith.constant 0 : i32
      %dma_start3A_116 = tpu.memref_slice %arg13[%mul3A_0, %dma_start3A_115] : memref<10112x128xf32, #tpu.memory_space<vmem_shared>> -> memref<632x128xf32, #tpu.memory_space<vmem_shared>>
      tpu.enqueue_dma source(%dma_start3A_116 : memref<632x128xf32, #tpu.memory_space<vmem_shared>>) target(%dma_start3A_114 : memref<632x128xf32, #tpu.memory_space<hbm>>) target_semaphore(%run_scoped3A_111 : memref<!tpu.dma_semaphore, #tpu.memory_space<semaphore_mem>>)
      %dma_wait3A_117 = arith.constant 0 : i32
      %dma_wait3A_118 = tpu.memref_slice %arg6[%arg0, %mul3A_0, %dma_wait3A_117] : memref<2x10240x128xf32, #tpu.memory_space<hbm>> -> memref<1x632x128xf32, #tpu.memory_space<hbm>>
      %dma_wait3A_119 = tpu.memref_squeeze %dma_wait3A_118 : memref<1x632x128xf32, #tpu.memory_space<hbm>> -> memref<632x128xf32, #tpu.memory_space<hbm>>
      %dma_wait3A_120 = arith.constant 0 : i32
      %dma_wait3A_121 = tpu.memref_slice %arg13[%mul3A_0, %dma_wait3A_120] : memref<10112x128xf32, #tpu.memory_space<vmem_shared>> -> memref<632x128xf32, #tpu.memory_space<vmem_shared>>
      tpu.wait_dma2 semaphore(%run_scoped3A_111 : memref<!tpu.dma_semaphore, #tpu.memory_space<semaphore_mem>>) src(%dma_wait3A_121 : memref<632x128xf32, #tpu.memory_space<vmem_shared>>) dst(%dma_wait3A_119 : memref<632x128xf32, #tpu.memory_space<hbm>>)
      tpu.yield
    }) : () -> ()
    return
  }
}

module attributes {stable_mosaic.version = 14 : i64} {
  func.func @_prep_body(%arg0: i32, %arg1: memref<512x128xf32, #tpu.memory_space<vmem>>, %arg2: memref<2x128x128xf32, #tpu.memory_space<vmem>>, %arg3: memref<2x1x128xf32, #tpu.memory_space<vmem>>, %arg4: memref<2x128x4xf32, #tpu.memory_space<vmem>>, %arg5: memref<2x512x128xf32, #tpu.memory_space<vmem>>, %arg6: memref<512x4xf32, #tpu.memory_space<vmem>>) attributes {dimension_semantics = [#tpu.dimension_semantics<arbitrary>], iteration_bounds = array<i64: 20>, scalar_prefetch = 0 : i64, scratch_operands = 0 : i64, tpu.core_type = #tpu.core_type<tc>, window_params = [{transform_indices = @transform_0, window_bounds = array<i64: 512, 128>}, {pipeline_mode = #tpu.pipeline_mode<synchronous>, transform_indices = @transform_1, window_bounds = array<i64: 2, 128, 128>}, {pipeline_mode = #tpu.pipeline_mode<synchronous>, transform_indices = @transform_2, window_bounds = array<i64: 2, 1, 128>}, {pipeline_mode = #tpu.pipeline_mode<synchronous>, transform_indices = @transform_3, window_bounds = array<i64: 2, 128, 4>}, {transform_indices = @transform_4, window_bounds = array<i64: 2, 512, 128>}, {transform_indices = @transform_5, window_bounds = array<i64: 512, 4>}]} {
    %get3A = arith.constant 0 : index
    %get3A_0 = arith.constant 0 : index
    %get3A_1 = vector.load %arg1[%get3A, %get3A_0] : memref<512x128xf32, #tpu.memory_space<vmem>>, vector<512x128xf32>
    %get3A_2 = arith.constant 0 : index
    %get3A_3 = arith.constant 0 : index
    %get3A_4 = arith.constant 0 : index
    %get3A_5 = vector.load %arg2[%get3A_2, %get3A_3, %get3A_4] : memref<2x128x128xf32, #tpu.memory_space<vmem>>, vector<1x128x128xf32>
    %get3A_6 = vector.shape_cast %get3A_5 : vector<1x128x128xf32> to vector<128x128xf32>
    %dot_general3A = arith.constant dense<0.000000e+00> : vector<512x128xf32>
    %dot_general3A_7 = tpu.matmul %get3A_1, %get3A_6, %dot_general3A {dimension_numbers = #tpu.dot_dimension_numbers<[1], [0], [0], [1], [0, 0, 1, 1], [], []>, transpose_lhs_hint = false} : vector<512x128xf32>, vector<128x128xf32>, vector<512x128xf32> -> vector<512x128xf32>
    %get3A_8 = arith.constant 0 : index
    %get3A_9 = arith.constant 0 : index
    %get3A_10 = arith.constant 0 : index
    %get3A_11 = vector.load %arg3[%get3A_8, %get3A_9, %get3A_10] : memref<2x1x128xf32, #tpu.memory_space<vmem>>, vector<1x1x128xf32>
    %get3A_12 = vector.shape_cast %get3A_11 : vector<1x1x128xf32> to vector<1x128xf32>
    %add3A = vector.broadcast %get3A_12 : vector<1x128xf32> to vector<512x128xf32>
    %add3A_13 = arith.addf %dot_general3A_7, %add3A : vector<512x128xf32>
    %get3A_14 = arith.constant 1 : index
    %get3A_15 = arith.constant 0 : index
    %get3A_16 = arith.constant 0 : index
    %get3A_17 = vector.load %arg2[%get3A_14, %get3A_15, %get3A_16] : memref<2x128x128xf32, #tpu.memory_space<vmem>>, vector<1x128x128xf32>
    %get3A_18 = vector.shape_cast %get3A_17 : vector<1x128x128xf32> to vector<128x128xf32>
    %dot_general3A_19 = arith.constant dense<0.000000e+00> : vector<512x128xf32>
    %dot_general3A_20 = tpu.matmul %get3A_1, %get3A_18, %dot_general3A_19 {dimension_numbers = #tpu.dot_dimension_numbers<[1], [0], [0], [1], [0, 0, 1, 1], [], []>, transpose_lhs_hint = false} : vector<512x128xf32>, vector<128x128xf32>, vector<512x128xf32> -> vector<512x128xf32>
    %get3A_21 = arith.constant 1 : index
    %get3A_22 = arith.constant 0 : index
    %get3A_23 = arith.constant 0 : index
    %get3A_24 = vector.load %arg3[%get3A_21, %get3A_22, %get3A_23] : memref<2x1x128xf32, #tpu.memory_space<vmem>>, vector<1x1x128xf32>
    %get3A_25 = vector.shape_cast %get3A_24 : vector<1x1x128xf32> to vector<1x128xf32>
    %add3A_26 = vector.broadcast %get3A_25 : vector<1x128xf32> to vector<512x128xf32>
    %add3A_27 = arith.addf %dot_general3A_20, %add3A_26 : vector<512x128xf32>
    %swap3A = arith.constant 0 : index
    %swap3A_28 = arith.constant 0 : index
    %swap3A_29 = arith.constant 0 : index
    %swap3A_30 = vector.load %arg5[%swap3A, %swap3A_28, %swap3A_29] : memref<2x512x128xf32, #tpu.memory_space<vmem>>, vector<1x512x128xf32>
    %swap3A_31 = vector.shape_cast %swap3A_30 : vector<1x512x128xf32> to vector<512x128xf32>
    %swap3A_32 = vector.shape_cast %add3A_13 : vector<512x128xf32> to vector<1x512x128xf32>
    tpu.vector_store %arg5[%swap3A, %swap3A_28, %swap3A_29], %swap3A_32 {strides = array<i32>} : memref<2x512x128xf32, #tpu.memory_space<vmem>>, vector<1x512x128xf32>,
    %swap3A_33 = arith.constant 1 : index
    %swap3A_34 = arith.constant 0 : index
    %swap3A_35 = arith.constant 0 : index
    %swap3A_36 = vector.load %arg5[%swap3A_33, %swap3A_34, %swap3A_35] : memref<2x512x128xf32, #tpu.memory_space<vmem>>, vector<1x512x128xf32>
    %swap3A_37 = vector.shape_cast %swap3A_36 : vector<1x512x128xf32> to vector<512x128xf32>
    %swap3A_38 = vector.shape_cast %add3A_27 : vector<512x128xf32> to vector<1x512x128xf32>
    tpu.vector_store %arg5[%swap3A_33, %swap3A_34, %swap3A_35], %swap3A_38 {strides = array<i32>} : memref<2x512x128xf32, #tpu.memory_space<vmem>>, vector<1x512x128xf32>,
    %get3A_39 = arith.constant 0 : index
    %get3A_40 = arith.constant 0 : index
    %get3A_41 = arith.constant 0 : index
    %get3A_42 = vector.load %arg4[%get3A_39, %get3A_40, %get3A_41] : memref<2x128x4xf32, #tpu.memory_space<vmem>>, vector<1x128x4xf32>
    %get3A_43 = vector.shape_cast %get3A_42 : vector<1x128x4xf32> to vector<128x4xf32>
    %dot_general3A_44 = arith.constant dense<0.000000e+00> : vector<512x4xf32>
    %dot_general3A_45 = tpu.matmul %add3A_13, %get3A_43, %dot_general3A_44 {dimension_numbers = #tpu.dot_dimension_numbers<[1], [0], [0], [1], [0, 0, 1, 1], [], []>, transpose_lhs_hint = false} : vector<512x128xf32>, vector<128x4xf32>, vector<512x4xf32> -> vector<512x4xf32>
    %get3A_46 = arith.constant 1 : index
    %get3A_47 = arith.constant 0 : index
    %get3A_48 = arith.constant 0 : index
    %get3A_49 = vector.load %arg4[%get3A_46, %get3A_47, %get3A_48] : memref<2x128x4xf32, #tpu.memory_space<vmem>>, vector<1x128x4xf32>
    %get3A_50 = vector.shape_cast %get3A_49 : vector<1x128x4xf32> to vector<128x4xf32>
    %dot_general3A_51 = arith.constant dense<0.000000e+00> : vector<512x4xf32>
    %dot_general3A_52 = tpu.matmul %add3A_27, %get3A_50, %dot_general3A_51 {dimension_numbers = #tpu.dot_dimension_numbers<[1], [0], [0], [1], [0, 0, 1, 1], [], []>, transpose_lhs_hint = false} : vector<512x128xf32>, vector<128x4xf32>, vector<512x4xf32> -> vector<512x4xf32>
    %add3A_53 = arith.addf %dot_general3A_45, %dot_general3A_52 : vector<512x4xf32>
    %swap3A_54 = arith.constant 0 : index
    %swap3A_55 = arith.constant 0 : index
    %swap3A_56 = vector.load %arg6[%swap3A_54, %swap3A_55] : memref<512x4xf32, #tpu.memory_space<vmem>>, vector<512x4xf32>
    tpu.vector_store %arg6[%swap3A_54, %swap3A_55], %add3A_53 {strides = array<i32>} : memref<512x4xf32, #tpu.memory_space<vmem>>, vector<512x4xf32>,
    return
  }
  func.func @transform_0(%arg0: i32) -> (i32, i32) {
    %c0_i32 = arith.constant 0 : i32
    %c0_i32_0 = arith.constant 0 : i32
    return %arg0, %c0_i32 : i32, i32
  }
  func.func @transform_1(%arg0: i32) -> (i32, i32, i32) {
    %c0_i32 = arith.constant 0 : i32
    %c0_i32_0 = arith.constant 0 : i32
    %c0_i32_1 = arith.constant 0 : i32
    %c0_i32_2 = arith.constant 0 : i32
    return %c0_i32, %c0_i32_0, %c0_i32_1 : i32, i32, i32
  }
  func.func @transform_2(%arg0: i32) -> (i32, i32, i32) {
    %c0_i32 = arith.constant 0 : i32
    %c0_i32_0 = arith.constant 0 : i32
    %c0_i32_1 = arith.constant 0 : i32
    %c0_i32_2 = arith.constant 0 : i32
    return %c0_i32, %c0_i32_0, %c0_i32_1 : i32, i32, i32
  }
  func.func @transform_3(%arg0: i32) -> (i32, i32, i32) {
    %c0_i32 = arith.constant 0 : i32
    %c0_i32_0 = arith.constant 0 : i32
    %c0_i32_1 = arith.constant 0 : i32
    %c0_i32_2 = arith.constant 0 : i32
    return %c0_i32, %c0_i32_0, %c0_i32_1 : i32, i32, i32
  }
  func.func @transform_4(%arg0: i32) -> (i32, i32, i32) {
    %c0_i32 = arith.constant 0 : i32
    %c0_i32_0 = arith.constant 0 : i32
    %c0_i32_1 = arith.constant 0 : i32
    return %c0_i32, %arg0, %c0_i32_0 : i32, i32, i32
  }
  func.func @transform_5(%arg0: i32) -> (i32, i32) {
    %c0_i32 = arith.constant 0 : i32
    %c0_i32_0 = arith.constant 0 : i32
    return %arg0, %c0_i32 : i32, i32
  }
}

module attributes {stable_mosaic.version = 14 : i64} {
  func.func @_gate_body(%arg0: i32, %arg1: memref<2x512x128xf32, #tpu.memory_space<vmem>>, %arg2: memref<2x128x2xf32, #tpu.memory_space<vmem>>, %arg3: memref<1x2xf32, #tpu.memory_space<vmem>>, %arg4: memref<512x128xf32, #tpu.memory_space<vmem>>) attributes {dimension_semantics = [#tpu.dimension_semantics<arbitrary>], iteration_bounds = array<i64: 20>, scalar_prefetch = 0 : i64, scratch_operands = 0 : i64, tpu.core_type = #tpu.core_type<tc>, window_params = [{transform_indices = @transform_0, window_bounds = array<i64: 2, 512, 128>}, {pipeline_mode = #tpu.pipeline_mode<synchronous>, transform_indices = @transform_1, window_bounds = array<i64: 2, 128, 2>}, {pipeline_mode = #tpu.pipeline_mode<synchronous>, transform_indices = @transform_2, window_bounds = array<i64: 1, 2>}, {transform_indices = @transform_3, window_bounds = array<i64: 512, 128>}]} {
    %get3A = arith.constant 0 : index
    %get3A_0 = arith.constant 0 : index
    %get3A_1 = arith.constant 0 : index
    %get3A_2 = vector.load %arg1[%get3A, %get3A_0, %get3A_1] : memref<2x512x128xf32, #tpu.memory_space<vmem>>, vector<1x512x128xf32>
    %get3A_3 = vector.shape_cast %get3A_2 : vector<1x512x128xf32> to vector<512x128xf32>
    %get3A_4 = arith.constant 1 : index
    %get3A_5 = arith.constant 0 : index
    %get3A_6 = arith.constant 0 : index
    %get3A_7 = vector.load %arg1[%get3A_4, %get3A_5, %get3A_6] : memref<2x512x128xf32, #tpu.memory_space<vmem>>, vector<1x512x128xf32>
    %get3A_8 = vector.shape_cast %get3A_7 : vector<1x512x128xf32> to vector<512x128xf32>
    %get3A_9 = arith.constant 0 : index
    %get3A_10 = arith.constant 0 : index
    %get3A_11 = arith.constant 0 : index
    %get3A_12 = vector.load %arg2[%get3A_9, %get3A_10, %get3A_11] : memref<2x128x2xf32, #tpu.memory_space<vmem>>, vector<1x128x2xf32>
    %get3A_13 = vector.shape_cast %get3A_12 : vector<1x128x2xf32> to vector<128x2xf32>
    %dot_general3A = arith.constant dense<0.000000e+00> : vector<512x2xf32>
    %dot_general3A_14 = tpu.matmul %get3A_3, %get3A_13, %dot_general3A {dimension_numbers = #tpu.dot_dimension_numbers<[1], [0], [0], [1], [0, 0, 1, 1], [], []>, transpose_lhs_hint = false} : vector<512x128xf32>, vector<128x2xf32>, vector<512x2xf32> -> vector<512x2xf32>
    %get3A_15 = arith.constant 1 : index
    %get3A_16 = arith.constant 0 : index
    %get3A_17 = arith.constant 0 : index
    %get3A_18 = vector.load %arg2[%get3A_15, %get3A_16, %get3A_17] : memref<2x128x2xf32, #tpu.memory_space<vmem>>, vector<1x128x2xf32>
    %get3A_19 = vector.shape_cast %get3A_18 : vector<1x128x2xf32> to vector<128x2xf32>
    %dot_general3A_20 = arith.constant dense<0.000000e+00> : vector<512x2xf32>
    %dot_general3A_21 = tpu.matmul %get3A_8, %get3A_19, %dot_general3A_20 {dimension_numbers = #tpu.dot_dimension_numbers<[1], [0], [0], [1], [0, 0, 1, 1], [], []>, transpose_lhs_hint = false} : vector<512x128xf32>, vector<128x2xf32>, vector<512x2xf32> -> vector<512x2xf32>
    %add3A = arith.addf %dot_general3A_14, %dot_general3A_21 : vector<512x2xf32>
    %get3A_22 = arith.constant 0 : index
    %get3A_23 = arith.constant 0 : index
    %get3A_24 = vector.load %arg3[%get3A_22, %get3A_23] : memref<1x2xf32, #tpu.memory_space<vmem>>, vector<1x2xf32>
    %add3A_25 = vector.broadcast %get3A_24 : vector<1x2xf32> to vector<512x2xf32>
    %add3A_26 = arith.addf %add3A, %add3A_25 : vector<512x2xf32>
    %neg3A = arith.constant 0.000000e+00 : f32
    %neg3A_27 = vector.broadcast %neg3A : f32 to vector<512x2xf32>
    %neg3A_28 = arith.subf %neg3A_27, %add3A_26 : vector<512x2xf32>
    %exp3A = math.exp %neg3A_28 : vector<512x2xf32>
    %add3A_29 = arith.constant 1.000000e+00 : f32
    %add3A_30 = vector.broadcast %add3A_29 : f32 to vector<512x2xf32>
    %add3A_31 = arith.addf %add3A_30, %exp3A : vector<512x2xf32>
    %div3A = arith.constant 1.000000e+00 : f32
    %div3A_32 = vector.broadcast %div3A : f32 to vector<512x2xf32>
    %div3A_33 = arith.divf %div3A_32, %add3A_31 : vector<512x2xf32>
    %slice3A = vector.extract_strided_slice %div3A_33 {offsets = [0, 0], sizes = [512, 1], strides = [1, 1]} : vector<512x2xf32> to vector<512x1xf32>
    %mul3A = vector.broadcast %slice3A : vector<512x1xf32> to vector<512x128xf32>
    %mul3A_34 = arith.mulf %mul3A, %get3A_3 : vector<512x128xf32>
    %slice3A_35 = vector.extract_strided_slice %div3A_33 {offsets = [0, 1], sizes = [512, 1], strides = [1, 1]} : vector<512x2xf32> to vector<512x1xf32>
    %mul3A_36 = vector.broadcast %slice3A_35 : vector<512x1xf32> to vector<512x128xf32>
    %mul3A_37 = arith.mulf %mul3A_36, %get3A_8 : vector<512x128xf32>
    %add3A_38 = arith.addf %mul3A_34, %mul3A_37 : vector<512x128xf32>
    %swap3A = arith.constant 0 : index
    %swap3A_39 = arith.constant 0 : index
    %swap3A_40 = vector.load %arg4[%swap3A, %swap3A_39] : memref<512x128xf32, #tpu.memory_space<vmem>>, vector<512x128xf32>
    tpu.vector_store %arg4[%swap3A, %swap3A_39], %add3A_38 {strides = array<i32>} : memref<512x128xf32, #tpu.memory_space<vmem>>, vector<512x128xf32>,
    return
  }
  func.func @transform_0(%arg0: i32) -> (i32, i32, i32) {
    %c0_i32 = arith.constant 0 : i32
    %c0_i32_0 = arith.constant 0 : i32
    %c0_i32_1 = arith.constant 0 : i32
    return %c0_i32, %arg0, %c0_i32_0 : i32, i32, i32
  }
  func.func @transform_1(%arg0: i32) -> (i32, i32, i32) {
    %c0_i32 = arith.constant 0 : i32
    %c0_i32_0 = arith.constant 0 : i32
    %c0_i32_1 = arith.constant 0 : i32
    %c0_i32_2 = arith.constant 0 : i32
    return %c0_i32, %c0_i32_0, %c0_i32_1 : i32, i32, i32
  }
  func.func @transform_2(%arg0: i32) -> (i32, i32) {
    %c0_i32 = arith.constant 0 : i32
    %c0_i32_0 = arith.constant 0 : i32
    %c0_i32_1 = arith.constant 0 : i32
    return %c0_i32, %c0_i32_0 : i32, i32
  }
  func.func @transform_3(%arg0: i32) -> (i32, i32) {
    %c0_i32 = arith.constant 0 : i32
    %c0_i32_0 = arith.constant 0 : i32
    return %arg0, %c0_i32 : i32, i32
  }
}

</mosaic_0001>

<sc_bundles>
// kernel: kernel.5.cloned.1.call-start
scs
__scs_entry_jumppad:
0x0: {  	(pc) =	sbr.rel $0x88, $3  }
0x1: {  	(tag) =	ssettag $0x0;
	lr =	simm.s32 $0x1  }
0x2: {  	[smem:$0x3F94] =	sst lr;
	_ =	strace $0xD0000000  }
0x3: {  	_ = 	snop  }
0x4: {  	_ = 	snop  }
0x5: {  	_ = 	snop  }
0x6: {  	_ = 	snop  }
0x7: {  	_ = 	snop  }
__scs_overlays_trampoline_lowered:
0x8: {  	[smem:$0x3FA3] =	sst s0  }
0x9: {  	[smem:$0x3FA4] =	sst s1  }
0xa: {  	[smem:$0x3FA5] =	sst s2  }
0xb: {  	[smem:$0x3FA6] =	sst s3  }
0xc: {  	[smem:$0x3FA7] =	sst s4  }
0xd: {  	[smem:$0x3FA8] =	sst s5  }
0xe: {  	[smem:$0x3FA9] =	sst s6  }
0xf: {  	[smem:$0x3FAA] =	sst s7  }
0x10: {  	[smem:$0x3FAB] =	sst s8  }
0x11: {  	[smem:$0x3FAC] =	sst s9;
	s0 =	simm.s32 @!p0 $0x0  }
0x12: {  	s1 =	sld [smem:$0x3F92];
	s0 =	simm.s32 @p0 $0x1  }
0x13: {  	[smem:$0x3FAD] =	sst s0;
	s0 =	simm.s32 @!p1 $0x0  }
0x14: {  	s2 =	sld [smem:$0x3F91];
	s0 =	simm.s32 @p1 $0x1  }
0x15: {  	[smem:$0x3FAE] =	sst s0;
	s0 =	simm.s32 @!p2 $0x0  }
0x16: {  	s3 =	sld [smem:$0x3FDB];
	s0 =	simm.s32 @p2 $0x1  }
0x17: {  	s4 =	simm.s32 $0x1BF5;
	[smem:$0x3FB0] =	sst s0  }
0x18: {  	s0 =	sld [smem:$0x3F93];
	_ =	swait.ge [sflag:s4], $0x0  }
0x19: {  	s7 =	sld [smem:$0x3F94]  }
0x1a: {  	s8 =	sadd.s32 $0xFFFFE003, lr  }
0x1b: {  	s9 =	sadd.s32 $0xFFFFFEF7, lr;
	s5 =	simm.s32 $0xFFFFFFFF;
	p2 =	slt.u32 s8, $0xFFFFF086  }
0x1c: {  	p1 =	slt.u32 s9, $0xF7A;
	s5 =	simm.s32 @!p2 $0x0  }
0x1d: {  	s5 =	simm.s32 @p1 $0x1;
	p0 =	seq.s32 s7, s2  }
0x1e: {  	s7 =	smul.u32 @!p0 $0xF7A, s2;
	p2 =	seq.s32 @!p0 s5, $0x0  }
0x1f: {  	s9 =	smul.u32 $0xF7A, s1;
	s8 =	simm.s32 @!p0 $0x1BF5;
	p2 =	por !p2, p0  }
0x20: {  	[sflag:s8] =	ssyncset.s32 @!p0 $0xFFFFF086;
	s6 =	sadd.s32 @!p0 s3, s7;
	s7 =	simm.s32 @!p0 $0x108  }
0x21: {  	s3 =	sadd.s32 s3, s9;
	s6 =	sadd.s32 @!p0 $0x88, s6;
	s7 =	simm.s32 @p2 $0x1082  }
0x22: {  	[simem:s7], [sflag:s8] =	dma.local @!p0 [hbm:s6], $0xF7A  }
0x23: {  	s9 =	sor.u32 $0xD0000000, s2;
	s6 =	simm.s32 $0x108;
	_ =	swait.ge @!p0 [sflag:s8], $0x0  }
0x24: {  	s3 =	sadd.s32 $0x88, s3;
	s6 =	simm.s32 @!p1 $0x1082;
	[sflag:s4] =	ssyncset.s32 $0xFFFFF086  }
0x25: {  	[simem:s6], [sflag:s4] =	dma.local [hbm:s3], $0xF7A  }
0x26: {  	[smem:$0x3F94] =	sst s1;
	(tag) =	ssettag s2;
	_ =	strace s9  }
0x27: {  	s1 =	sld [smem:$0x3FA4]  }
0x28: {  	s2 =	sld [smem:$0x3FA5]  }
0x29: {  	s4 =	sld [smem:$0x3FA7]  }
0x2a: {  	p0 =	seq.s32 s5, $0x0;
	s5 =	sld [smem:$0x3FA8]  }
0x2b: {  	s6 =	sld [smem:$0x3FA9]  }
0x2c: {  	s7 =	sld [smem:$0x3FAA]  }
0x2d: {  	s3 =	simm.s32 $0x108;
	s8 =	sld [smem:$0x3FAB]  }
0x2e: {  	s3 =	simm.s32 @!p0 $0x1082;
	s9 =	sld [smem:$0x3FAC]  }
0x2f: {  	lr =	sadd.s32 s0, s3;
	s0 =	sld [smem:$0x3FA3]  }
0x30: {  	s3 =	sld [smem:$0x3FA6]  }
0x31: {  	[smem:$0x3FAF] =	sst s10  }
0x32: {  	s10 =	sld [smem:$0x3FAD];
	_ =	sdelay $0x3  }
0x33: {  	p0 =	seq.s32 s10, $0x1;
	s10 =	sld [smem:$0x3FAF];
	_ =	sdelay $0x3  }
0x34: {  	[smem:$0x3FAF] =	sst s10  }
0x35: {  	s10 =	sld [smem:$0x3FAE];
	_ =	sdelay $0x3  }
0x36: {  	p1 =	seq.s32 s10, $0x1;
	s10 =	sld [smem:$0x3FAF];
	_ =	sdelay $0x3  }
0x37: {  	[smem:$0x3FAF] =	sst s10  }
0x38: {  	s10 =	sld [smem:$0x3FB0]  }
0x39: {  	_ = 	snop;
	(pc) =	sbr.ind lr, $3  }
0x3a: {  	_ = 	snop  }
0x3b: {  	_ = 	snop  }
0x3c: {  	p2 =	seq.s32 s10, $0x1;
	s10 =	sld [smem:$0x3FAF]  }
0x3d: {  	_ =	shalt  }
0x3e: {  	_ =	shalt  }
0x3f: {  	_ =	shalt  }
0x40: {  	_ =	shalt  }
0x41: {  	_ =	shalt  }
0x42: {  	_ =	shalt  }
0x43: {  	_ =	shalt  }
0x44: {  	_ =	shalt  }
0x45: {  	_ =	shalt  }
0x46: {  	_ =	shalt  }
0x47: {  	_ =	shalt  }
0x48: {  	_ =	shalt  }
0x49: {  	_ =	shalt  }
0x4a: {  	_ =	shalt  }
0x4b: {  	_ =	shalt  }
0x4c: {  	_ =	shalt  }
0x4d: {  	_ =	shalt  }
0x4e: {  	_ =	shalt  }
0x4f: {  	_ =	shalt  }
0x50: {  	_ =	shalt  }
0x51: {  	_ =	shalt  }
0x52: {  	_ =	shalt  }
0x53: {  	_ =	shalt  }
0x54: {  	_ =	shalt  }
0x55: {  	_ =	shalt  }
0x56: {  	_ =	shalt  }
0x57: {  	_ =	shalt  }
0x58: {  	_ =	shalt  }
0x59: {  	_ =	shalt  }
0x5a: {  	_ =	shalt  }
0x5b: {  	_ =	shalt  }
0x5c: {  	_ =	shalt  }
0x5d: {  	_ =	shalt  }
0x5e: {  	_ =	shalt  }
0x5f: {  	_ =	shalt  }
0x60: {  	_ =	shalt  }
0x61: {  	_ =	shalt  }
0x62: {  	_ =	shalt  }
0x63: {  	_ =	shalt  }
0x64: {  	_ =	shalt  }
0x65: {  	_ =	shalt  }
0x66: {  	_ =	shalt  }
0x67: {  	_ =	shalt  }
0x68: {  	_ =	shalt  }
0x69: {  	_ =	shalt  }
0x6a: {  	_ =	shalt  }
0x6b: {  	_ =	shalt  }
0x6c: {  	_ =	shalt  }
0x6d: {  	_ =	shalt  }
0x6e: {  	_ =	shalt  }
0x6f: {  	_ =	shalt  }
0x70: {  	_ =	shalt  }
0x71: {  	_ =	shalt  }
0x72: {  	_ =	shalt  }
0x73: {  	_ =	shalt  }
0x74: {  	_ =	shalt  }
0x75: {  	_ =	shalt  }
0x76: {  	_ =	shalt  }
0x77: {  	_ =	shalt  }
0x78: {  	_ =	shalt  }
0x79: {  	_ =	shalt  }
0x7a: {  	_ =	shalt  }
0x7b: {  	_ =	shalt  }
0x7c: {  	_ =	shalt  }
0x7d: {  	_ =	shalt  }
0x7e: {  	_ =	shalt  }
0x7f: {  	_ =	shalt  }
0x80: {  	_ =	shalt  }
0x81: {  	_ =	shalt  }
0x82: {  	_ =	shalt  }
0x83: {  	_ =	shalt  }
0x84: {  	_ =	shalt  }
0x85: {  	_ =	shalt  }
0x86: {  	_ =	shalt  }
0x87: {  	_ =	shalt  }
.Lfunc_end0:
.L_simem_size_0:
called_computation_lowered:
.L_overlay_start_0:
0x88: {  	s2 =	sld [smem:$0x3FD9]  }
0x89: {  	s3 =	sld [smem:$0x3FFE];
	_ =	sdelay $0x1  }
0x8a: {  	s1 =	srdreg.scid  }
0x8b: {  	s0 =	sand.u32 $0x1, s1  }
0x8c: {  	s17 =	sshll.u32 s0, $0xA;
	s2 =	sadd.s32 s3, s2  }
0x8d: {  	s2 =	sadd.s32 s2, s17  }
0x8e: {  	[smem:$0x3FBB] =	sst s2  }
0x8f: {  	_ = 	snop  }
0x90: {  	s2 =	sld [smem:$0x3FD0];
	(tm) =	ssettm $0x1  }
0x91: {  	s18 =	sld [smem:$0x3FFB];
	_ =	sdelay $0x3  }
0x92: {  	_ =	strace s18  }
0x93: {  	s3 =	sld [smem:$0x3FFC];
	_ =	sdelay $0x3  }
0x94: {  	_ =	strace s3  }
0x95: {  	s3 =	sld [smem:$0x3FFD];
	_ =	sdelay $0x3  }
0x96: {  	_ =	strace s3  }
0x97: {  	_ =	strace $0x8FFFFFFF  }
0x98: {  	s19 =	sld [smem:$0x3FDB];
	_ =	sdelay $0x1  }
0x99: {  	s4 =	simm.s32 $_scs_section_size  }
0x9a: {  	s5 =	simm.s32 $_size__tile_overlayer_lowered;
	s6 =	simm.s32 $_tile_overlayer_lowered  }
0x9b: {  	s22 =	simm.s32 $0x1BFF;
	s21 =	sshll.u32 s6, $0x1;
	s3 =	sadd.s32 s4, s19  }
0x9c: {  	s7 =	simm.s32 $0x0;
	s20 =	sshll.u32 s5, $0x1;
	s5 =	sadd.s32 s21, s3  }
0x9d: {  	[timem:s7], [sflag:s22] =	dma.local [hbm:s5], s20  }
0x9e: {  	_ =	swait.ge [sflag:s22], s20  }
0x9f: {  	s4 =	ssub.s32 $0x0, s20;
	[sflag:s22] =	ssyncset.done $0x0  }
0xa0: {  	[sflag:s22] =	ssyncadd.s32 s4;
	_ =	sdelay $0x1  }
0xa1: {  	s23 =	simm.s32 $0x1B8B  }
0xa2: {  	_ =	swait.ge [sflag:s23], $0x1  }
0xa3: {  	[sflag:s23] =	ssyncset.done $0x0  }
0xa4: {  	s25 =	simm.s32 $0x1B8E;
	s24 =	sld [smem:$0x3FFE];
	[sflag:s23] =	ssyncadd.s32 $0xFFFFFFFF  }
0xa5: {  	s26 =	simm.s32 $execute0_lowered;
	[smem:$0x3FD2] =	sst s25  }
0xa6: {  	s5 =	sshll.u32 s26, $0x1;
	_ =	strace $0x80000046;
	[dreg:$0x1] =	wrdreg $0xFFFFFFFF  }
0xa7: {  	s28 =	simm.s32 $_size_execute0_lowered;
	s3 =	sadd.s32 s3, s5;
	[dreg:$0x0] =	wrdreg $0x0  }
0xa8: {  	s5 =	sshll.u32 s28, $0x1;
	[dreg:$0x2] =	wrdreg s3  }
0xa9: {  	[dreg:$0x3] =	wrdreg s5  }
0xaa: {  	[dreg:$0x4] =	wrdreg $0xC0  }
0xab: {  	_ =	task [dreg:s7], $0x5FFFF  }
0xac: {  	[dreg:$0x1] =	wrdreg $0xFFFFFFFF  }
0xad: {  	[dreg:$0x0] =	wrdreg $0x60  }
0xae: {  	[dreg:$0x2] =	wrdreg s24  }
0xaf: {  	[dreg:$0x3] =	wrdreg s2  }
0xb0: {  	[dreg:$0x4] =	wrdreg $0xAC800  }
0xb1: {  	[dreg:$0x5] =	wrdreg $0x9  }
0xb2: {  	_ =	task.clear_ibuf [dreg:s7], $0x6FFFF;
	_ =	strace $0x90000046  }
0xb3: {  	s29 =	simm.s32 $0x9;
	_ =	strace $0x80000048  }
0xb4: {  	_ =	swait.ge [sflag:s29], $0x1  }
0xb5: {  	[sflag:s29] =	ssyncadd.s32 $0xFFFFFFFF  }
0xb6: {  	_ =	strace $0x90000048  }
0xb7: {  	_ =	sfence  }
0xb8: {  	s30 =	sld [smem:$0x0];
	_ =	sdelay $0x2  }
0xb9: {  	s31 =	sshll.u32 s1, $0xD;
	s1 =	sshrl.u32 s1, $0x2  }
0xba: {  	s3 =	sand.u32 $0x4000, s31;
	s1 =	sadd.s32 s1, s30  }
0xbb: {  	s0 =	sor.u32 s3, s0;
	s1 =	sshll.u32 s1, $0x11  }
0xbc: {  	s0 =	sor.u32 s1, s0  }
0xbd: {  	s0 =	sadd.s32 $0x8F2B, s0  }
0xbe: {  	[sflag:s0] =	ssyncadd.remote.s32 $0x1  }
0xbf: {  	_ =	sfence.sel $0xFFFF  }
0xc0: {  	[dreg:$0x0] =	wrdreg $0xFFFFFFFF;
	(pc) =	sbr.abs _section_cstart, $3  }
0xc1: {  	[dreg:$0x1] =	wrdreg $0xFFFFFFFF  }
0xc2: {  	_ =	task.clear_ibuf [dreg:s7], $0x2FFFF;
	_ =	strace $0x9FFFFFFF  }
0xc3: {  	(tm) =	ssettm $0x7FFFFFFF  }
tec
execute0_lowered:
.L_overlay_start_1:
0x0: {  	(tag) =	ssettag $0x1  }
0x1: {  	s0 =	rddreg [dreg:$0x0]  }
0x2: {  	s1 =	rddreg [dreg:$0x1]  }
0x3: {  	s3 =	srdreg.scid;
	s2 =	rddreg [dreg:$0x2];
	s4 =	simm.s32 $0x0  }
0x4: {  	s13 =	stileid.u32;
	s28 =	simm.s32 $0x2800;
	s30 =	simm.s32 $0x80  }
0x5: {  	s31 =	simm.s32 $0x1;
	s3 =	sand.u32 $0x1, s3;
	s9 =	smul.u32 $0x13C00, s13  }
0x6: {  	[smem:$0x7FF] =	sst s4;
	s5 =	sadd.s32 $0xE00, s0;
	s11 =	smul.u32 $0x9C, s13  }
0x7: {  	s16 =	sadd.s32 $0x50E00, s0;
	s12 =	smul.u32 $0x4F000, s13;
	s19 =	smin.u32 s13, $0x4  }
0x8: {  	p0 =	slt.u32 s13, $0x4;
	s15 =	sadd.s32 $0x10, s1;
	s6 =	smul.u32 $0x2800, s3  }
0x9: {  	s7 =	smul.u32 $0x140000, s3;
	_ =	strace $0x80000047;
	[dreg:$0x4] =	wrdreg s16  }
0xa: {  	s17 =	ssub.s32 $0x2, s3;
	s21 =	smul.u32 $0x9C400, s3;
	s3 =	sshll.u32 s3, $0x4  }
0xb: {  	s18 =	sshrl.u32 s17, $0x1;
	s20 =	sshrl.u32 s12, $0x2;
	v1 =	vmov s3;
	s3 =	simm.s32 $0x0  }
0xc: {  	s8 =	sshrl.u32 s6, $0x3;
	s7 =	sadd.s32 s9, s7;
	s9 =	ssub.s32 s17, s18  }
0xd: {  	s10 =	sadd.s32 s8, s0;
	s7 =	sshrl.u32 s7, $0x3;
	s8 =	sadd.s32 s19, s11  }
0xe: {  	s0 =	sadd.s32 s7, s0;
	s7 =	simm.s32 $0x9D;
	s10 =	sadd.s32 $0x51000, s10  }
0xf: {  	s23 =	sshll.u32 s8, $0x8;
	[dreg:$0x5] =	wrdreg s10;
	s10 =	sadd.s32 s20, s2  }
0x10: {  	s7 =	simm.s32 @!p0 $0x9C;
	s12 =	sadd.s32 s21, s23;
	s22 =	sadd.s32 $0x4000, s10  }
0x11: {  	s21 =	sor.u32 $0x200, s21;
	s24 =	sadd.s32 $0x8000, s10;
	[dreg:$0x6] =	wrdreg s22  }
0x12: {  	s23 =	smax.u32 s9, $0x1;
	s25 =	sadd.s32 $0xC000, s10;
	[dreg:$0x7] =	wrdreg s24  }
0x13: {  	s26 =	sadd.s32 $0x10000, s10;
	s12 =	sshrl.u32 s12, $0x3;
	[dreg:$0x8] =	wrdreg s25  }
0x14: {  	s20 =	sadd.s32 $0xFFFFFFFF, s7;
	[dreg:$0x9] =	wrdreg s26;
	s29 =	sadd.s32 s1, s12  }
0x15: {  	s17 =	sadd.s32 s12, s15;
	s12 =	sadd.s32 $0x20, s12;
	s22 =	sadd.s32 $0x51A00, s0  }
0x16: {  	s24 =	sadd.s32 $0xFFFFFFFE, s7;
	s25 =	simm.s32 $0x4;
	s0 =	simm.s32 $0x3  }
0x17: {  	v2 =	vimm.f32 $0.0e+00;
	v0 =	vmov s6;
	v1 =	vbroadcast v1, $0x0;
	[dreg:$0xa] =	wrdreg s29;
	s18 =	sadd.s32 s1, s12;
	s19 =	sadd.s32 s12, s15  }
.LBB2_1:
0x18: {  	s6 =	rddreg [dreg:$0x5]  }
0x19: {  	[tilespmem:s4], [sflag:$0x4] =	stream.linear.gather [hbm4b:s6+s4], $0x2800, $0x38;
	[tilespmem:$0x1E880] =	vst v63  }
0x1a: {  	_ =	swait.ge [sflag:s25], $0x2800  }
0x1b: {  	[sflag:s25] =	ssyncset.done $0x0  }
0x1c: {  	s9 =	simm.s32 $0xAC00;
	s29 =	rddreg [dreg:$0x4];
	[sflag:s25] =	ssyncadd.s32 $0xFFFFD800  }
0x1d: {  	[tilespmem:s9], [sflag:$0x4] =	stream.linear.gather [hbm4b:s29+s4], $0x80, $0x38;
	[tilespmem:$0x1E880] =	vst v63  }
0x1e: {  	_ =	swait.ge [sflag:s25], $0x80  }
0x1f: {  	[sflag:s25] =	ssyncset.done $0x0  }
0x20: {  	[sflag:s25] =	ssyncadd.s32 $0xFFFFFF80  }
0x21: {  	s6 =	simm.s32 $0x0;
	v3 =	vld.idx.msk [tilespmem:v1+s9+$0x0], $0xffff;
	s9 =	simm.s32 $0x200  }
.LBB2_2:
0x22: {  	p0 =	sne.s32 s9, $0xFE00;
	[tilespmem:s6+$0x2870] =	vst v2  }
0x23: {  	[tilespmem:s6+$0x2800] =	vst v2  }
0x24: {  	[tilespmem:s6+$0x2810] =	vst v2  }
.Ltmp0:
0x25: {  	[tilespmem:s6+$0x2820] =	vst v2;
	(pc) =	sbr.rel @p0 .LBB2_2-.Ltmp0, $4  }
0x26: {  	[tilespmem:s6+$0x2830] =	vst v2  }
0x27: {  	[tilespmem:s6+$0x2840] =	vst v2  }
0x28: {  	[tilespmem:s6+$0x2850] =	vst v2  }
0x29: {  	[tilespmem:s6+$0x2860] =	vst v2;
	s6 =	sshra.s32 s9, $0x2;
	s9 =	sadd.s32 $0x200, s9  }
0x2a: {  	[tilespmem:s6+$0x2870] =	vst v2  }
0x2b: {  	[tilespmem:s6+$0x2800] =	vst v2  }
0x2c: {  	[tilespmem:s6+$0x2810] =	vst v2  }
0x2d: {  	[tilespmem:s6+$0x2820] =	vst v2  }
0x2e: {  	[tilespmem:s6+$0x2830] =	vst v2  }
0x2f: {  	[tilespmem:s6+$0x2840] =	vst v2  }
0x30: {  	[tilespmem:s6+$0x2850] =	vst v2  }
0x31: {  	[tilespmem:s6+$0x2860] =	vst v2  }
0x32: {  	[spmem:s10] =	stream.linear.scatter [tilespmem:s28], [sflag:$0x4], $0x4000, $0x38;
	[tilespmem:$0x1E880] =	vst v63  }
0x33: {  	_ =	swait.ge [sflag:s25], $0x4000  }
0x34: {  	[sflag:s25] =	ssyncset.done $0x0  }
0x35: {  	s11 =	rddreg [dreg:$0x6];
	[sflag:s25] =	ssyncadd.s32 $0xFFFFC000  }
0x36: {  	[spmem:s11] =	stream.linear.scatter [tilespmem:s28], [sflag:$0x4], $0x4000, $0x38;
	[tilespmem:$0x1E880] =	vst v63  }
0x37: {  	_ =	swait.ge [sflag:s25], $0x4000  }
0x38: {  	[sflag:s25] =	ssyncset.done $0x0  }
0x39: {  	s12 =	rddreg [dreg:$0x7];
	[sflag:s25] =	ssyncadd.s32 $0xFFFFC000  }
0x3a: {  	[spmem:s12] =	stream.linear.scatter [tilespmem:s28], [sflag:$0x4], $0x4000, $0x38;
	[tilespmem:$0x1E880] =	vst v63  }
0x3b: {  	_ =	swait.ge [sflag:s25], $0x4000  }
0x3c: {  	[sflag:s25] =	ssyncset.done $0x0  }
0x3d: {  	s13 =	rddreg [dreg:$0x8];
	[sflag:s25] =	ssyncadd.s32 $0xFFFFC000  }
0x3e: {  	[spmem:s13] =	stream.linear.scatter [tilespmem:s28], [sflag:$0x4], $0x4000, $0x38;
	[tilespmem:$0x1E880] =	vst v63  }
0x3f: {  	_ =	swait.ge [sflag:s25], $0x4000  }
0x40: {  	[sflag:s25] =	ssyncset.done $0x0  }
0x41: {  	s14 =	rddreg [dreg:$0x9];
	[sflag:s25] =	ssyncadd.s32 $0xFFFFC000  }
0x42: {  	[spmem:s14] =	stream.linear.scatter [tilespmem:s28], [sflag:$0x4], $0x3C00, $0x38;
	[tilespmem:$0x1E880] =	vst v63  }
0x43: {  	_ =	swait.ge [sflag:s25], $0x3C00  }
0x44: {  	[sflag:s25] =	ssyncset.done $0x0  }
0x45: {  	[sflag:s25] =	ssyncadd.s32 $0xFFFFC400  }
0x46: {  	[bflag:$0x0] =	sbarrier.arrive $0xFFFF  }
0x47: {  	s6 =	simm.s32 $0x0;
	s11 =	simm.s32 $0xA800;
	s9 =	rddreg [dreg:$0xa]  }
0x48: {  	[tilespmem:s11], [sflag:$0x4] =	stream.linear.gather [hbm4b:s9+s6], $0x80, $0x38;
	[tilespmem:$0x1E880] =	vst v63  }
0x49: {  	_ =	swait.ge [sflag:s25], $0x80  }
0x4a: {  	[sflag:s25] =	ssyncset.done $0x0  }
0x4b: {  	s16 =	simm.s32 $0xA880;
	[sflag:s25] =	ssyncadd.s32 $0xFFFFFF80  }
0x4c: {  	[tilespmem:s16], [sflag:$0x4] =	stream.linear.gather [hbm4b:s17+s6], $0x80, $0x38;
	[tilespmem:$0x1E880] =	vst v63  }
0x4d: {  	_ =	swait.ge [sflag:s25], $0x80  }
0x4e: {  	[sflag:s25] =	ssyncset.done $0x0  }
0x4f: {  	s26 =	simm.s32 $0xA900;
	[sflag:s25] =	ssyncadd.s32 $0xFFFFFF80  }
0x50: {  	[tilespmem:s26], [sflag:$0x2] =	stream.linear.gather [hbm4b:s18+s6], $0x80, $0x38;
	[tilespmem:$0x1E880] =	vst v63  }
0x51: {  	s29 =	simm.s32 $0xA980  }
0x52: {  	[tilespmem:s29], [sflag:$0x2] =	stream.linear.gather [hbm4b:s19+s6], $0x80, $0x38;
	[tilespmem:$0x1E880] =	vst v63  }
0x53: {  	p0 =	por $0x0, $0x0  }
0x54: {  	[tilespmem:s28], [sflag:$0x3] =	stream.indirect.gather [hbm4b:s5+s30], $0x80, s11, s30, $0xb8;
	[tilespmem:$0x1E880] =	vst v63  }
.LBB2_4:
0x55: {  	s11 =	sand.u32 $0x1, s6  }
0x56: {  	s13 =	sshll.u32 s11, $0x8  }
0x57: {  	v4 =	vld [tilespmem:s13+$0xA800];
	_ =	sdelay $0x2  }
0x58: {  	v5 =	vld [tilespmem:s13+$0xA880];
	_ =	sdelay $0x1  }
0x59: {  	v6 =	vsub.s32 v4, v0  }
0x5a: {  	v4 =	vand.u32 $0x7F, v4;
	v6 =	vand.u32 $0xFFFFFF80, v6  }
0x5b: {  	v4 =	vor.u32 v4, v6;
	_ =	sdelay $0x3  }
0x5c: {  	v6 =	vld.idx.msk [tilespmem:v5+s4+$0x0], $0xffff  }
0x5d: {  	v4 =	vld.idx.msk [tilespmem:v4+s4+$0x0], $0xffff;
	_ =	sdelay $0x4  }
0x5e: {  	v6 =	vand.u32 $0xFFFF0000, v6;
	v4 =	vshll.u32 v4, $0x10  }
0x5f: {  	v4 =	vadd.f32 v4, v6;
	_ =	sdelay $0x1  }
0x60: {  	v4 =	vadd.f32 v4, v3;
	_ =	sdelay $0x1  }
0x61: {  	v4 =	vsub.f32 $0.0e+00, v4;
	_ =	sdelay $0x1  }
0x62: {  	v4 =	vmul.f32 $1.442695020e+00, v4;
	_ =	sdelay $0x1  }
0x63: {  	(erf) = vpow2.f32 v4;
	_ =	sdelay $0x8  }
0x64: {  	v4 =	vpop (erf)  }
0x65: {  	v4 =	vadd.f32 $1.000000000e+00, v4;
	_ =	sdelay $0x1  }
0x66: {  	(erf) = vrcp.f32 v4;
	_ =	sdelay $0x8  }
0x67: {  	v4 =	vpop (erf)  }
0x68: {  	s12 =	sshll.u32 s11, $0x7;
	[tilespmem:$0xAA00] =	vst v4  }
0x69: {  	[tilespmem:s12+$0xAB00] =	vst v5  }
0x6a: {  	v4 =	vld [tilespmem:s13+$0xA810];
	_ =	sdelay $0x2  }
0x6b: {  	v5 =	vld [tilespmem:s13+$0xA890];
	_ =	sdelay $0x1  }
0x6c: {  	v6 =	vsub.s32 v4, v0  }
0x6d: {  	v4 =	vand.u32 $0x7F, v4;
	v6 =	vand.u32 $0xFFFFFF80, v6  }
0x6e: {  	v4 =	vor.u32 v4, v6;
	_ =	sdelay $0x3  }
0x6f: {  	v6 =	vld.idx.msk [tilespmem:v5+s4+$0x0], $0xffff  }
0x70: {  	v4 =	vld.idx.msk [tilespmem:v4+s4+$0x0], $0xffff;
	_ =	sdelay $0x4  }
0x71: {  	v6 =	vand.u32 $0xFFFF0000, v6;
	v4 =	vshll.u32 v4, $0x10  }
0x72: {  	v4 =	vadd.f32 v4, v6;
	_ =	sdelay $0x1  }
0x73: {  	v4 =	vadd.f32 v4, v3;
	_ =	sdelay $0x1  }
0x74: {  	v4 =	vsub.f32 $0.0e+00, v4;
	_ =	sdelay $0x1  }
0x75: {  	v4 =	vmul.f32 $1.442695020e+00, v4;
	_ =	sdelay $0x1  }
0x76: {  	(erf) = vpow2.f32 v4;
	_ =	sdelay $0x8  }
0x77: {  	v4 =	vpop (erf)  }
0x78: {  	v4 =	vadd.f32 $1.000000000e+00, v4;
	_ =	sdelay $0x1  }
0x79: {  	(erf) = vrcp.f32 v4;
	_ =	sdelay $0x8  }
0x7a: {  	v4 =	vpop (erf)  }
0x7b: {  	[tilespmem:$0xAA10] =	vst v4  }
0x7c: {  	[tilespmem:s12+$0xAB10] =	vst v5  }
0x7d: {  	v4 =	vld [tilespmem:s13+$0xA820];
	_ =	sdelay $0x2  }
0x7e: {  	v5 =	vld [tilespmem:s13+$0xA8A0];
	_ =	sdelay $0x1  }
0x7f: {  	v6 =	vsub.s32 v4, v0  }
0x80: {  	v4 =	vand.u32 $0x7F, v4;
	v6 =	vand.u32 $0xFFFFFF80, v6  }
0x81: {  	v4 =	vor.u32 v4, v6;
	_ =	sdelay $0x3  }
0x82: {  	v6 =	vld.idx.msk [tilespmem:v5+s4+$0x0], $0xffff  }
0x83: {  	v4 =	vld.idx.msk [tilespmem:v4+s4+$0x0], $0xffff;
	_ =	sdelay $0x4  }
0x84: {  	v6 =	vand.u32 $0xFFFF0000, v6;
	v4 =	vshll.u32 v4, $0x10  }
0x85: {  	v4 =	vadd.f32 v4, v6;
	_ =	sdelay $0x1  }
0x86: {  	v4 =	vadd.f32 v4, v3;
	_ =	sdelay $0x1  }
0x87: {  	v4 =	vsub.f32 $0.0e+00, v4;
	_ =	sdelay $0x1  }
0x88: {  	v4 =	vmul.f32 $1.442695020e+00, v4;
	_ =	sdelay $0x1  }
0x89: {  	(erf) = vpow2.f32 v4;
	_ =	sdelay $0x8  }
0x8a: {  	v4 =	vpop (erf)  }
0x8b: {  	v4 =	vadd.f32 $1.000000000e+00, v4;
	_ =	sdelay $0x1  }
0x8c: {  	(erf) = vrcp.f32 v4;
	_ =	sdelay $0x8  }
0x8d: {  	v4 =	vpop (erf)  }
0x8e: {  	[tilespmem:$0xAA20] =	vst v4  }
0x8f: {  	[tilespmem:s12+$0xAB20] =	vst v5  }
0x90: {  	v4 =	vld [tilespmem:s13+$0xA830];
	_ =	sdelay $0x2  }
0x91: {  	v5 =	vld [tilespmem:s13+$0xA8B0];
	_ =	sdelay $0x1  }
0x92: {  	v6 =	vsub.s32 v4, v0  }
0x93: {  	v4 =	vand.u32 $0x7F, v4;
	v6 =	vand.u32 $0xFFFFFF80, v6  }
0x94: {  	v4 =	vor.u32 v4, v6;
	_ =	sdelay $0x3  }
0x95: {  	v6 =	vld.idx.msk [tilespmem:v5+s4+$0x0], $0xffff  }
0x96: {  	v4 =	vld.idx.msk [tilespmem:v4+s4+$0x0], $0xffff;
	_ =	sdelay $0x4  }
0x97: {  	v6 =	vand.u32 $0xFFFF0000, v6;
	v4 =	vshll.u32 v4, $0x10  }
0x98: {  	v4 =	vadd.f32 v4, v6;
	_ =	sdelay $0x1  }
0x99: {  	v4 =	vadd.f32 v4, v3;
	_ =	sdelay $0x1  }
0x9a: {  	v4 =	vsub.f32 $0.0e+00, v4;
	_ =	sdelay $0x1  }
0x9b: {  	v4 =	vmul.f32 $1.442695020e+00, v4;
	_ =	sdelay $0x1  }
0x9c: {  	(erf) = vpow2.f32 v4;
	_ =	sdelay $0x8  }
0x9d: {  	v4 =	vpop (erf)  }
0x9e: {  	v4 =	vadd.f32 $1.000000000e+00, v4;
	_ =	sdelay $0x1  }
0x9f: {  	(erf) = vrcp.f32 v4;
	_ =	sdelay $0x8  }
0xa0: {  	v4 =	vpop (erf)  }
0xa1: {  	[tilespmem:$0xAA30] =	vst v4  }
0xa2: {  	[tilespmem:s12+$0xAB30] =	vst v5  }
0xa3: {  	v4 =	vld [tilespmem:s13+$0xA840];
	_ =	sdelay $0x2  }
0xa4: {  	v5 =	vld [tilespmem:s13+$0xA8C0];
	_ =	sdelay $0x1  }
0xa5: {  	v6 =	vsub.s32 v4, v0  }
0xa6: {  	v4 =	vand.u32 $0x7F, v4;
	v6 =	vand.u32 $0xFFFFFF80, v6  }
0xa7: {  	v4 =	vor.u32 v4, v6;
	_ =	sdelay $0x3  }
0xa8: {  	v6 =	vld.idx.msk [tilespmem:v5+s4+$0x0], $0xffff  }
0xa9: {  	v4 =	vld.idx.msk [tilespmem:v4+s4+$0x0], $0xffff;
	_ =	sdelay $0x4  }
0xaa: {  	v6 =	vand.u32 $0xFFFF0000, v6;
	v4 =	vshll.u32 v4, $0x10  }
0xab: {  	v4 =	vadd.f32 v4, v6;
	_ =	sdelay $0x1  }
0xac: {  	v4 =	vadd.f32 v4, v3;
	_ =	sdelay $0x1  }
0xad: {  	v4 =	vsub.f32 $0.0e+00, v4;
	_ =	sdelay $0x1  }
0xae: {  	v4 =	vmul.f32 $1.442695020e+00, v4;
	_ =	sdelay $0x1  }
0xaf: {  	(erf) = vpow2.f32 v4;
	_ =	sdelay $0x8  }
0xb0: {  	v4 =	vpop (erf)  }
0xb1: {  	v4 =	vadd.f32 $1.000000000e+00, v4;
	_ =	sdelay $0x1  }
0xb2: {  	(erf) = vrcp.f32 v4;
	_ =	sdelay $0x8  }
0xb3: {  	v4 =	vpop (erf)  }
0xb4: {  	[tilespmem:$0xAA40] =	vst v4  }
0xb5: {  	[tilespmem:s12+$0xAB40] =	vst v5  }
0xb6: {  	v4 =	vld [tilespmem:s13+$0xA850];
	_ =	sdelay $0x2  }
0xb7: {  	v5 =	vld [tilespmem:s13+$0xA8D0];
	_ =	sdelay $0x1  }
0xb8: {  	v6 =	vsub.s32 v4, v0  }
0xb9: {  	v4 =	vand.u32 $0x7F, v4;
	v6 =	vand.u32 $0xFFFFFF80, v6  }
0xba: {  	v4 =	vor.u32 v4, v6;
	_ =	sdelay $0x3  }
0xbb: {  	v6 =	vld.idx.msk [tilespmem:v5+s4+$0x0], $0xffff  }
0xbc: {  	v4 =	vld.idx.msk [tilespmem:v4+s4+$0x0], $0xffff;
	_ =	sdelay $0x4  }
0xbd: {  	v6 =	vand.u32 $0xFFFF0000, v6;
	v4 =	vshll.u32 v4, $0x10  }
0xbe: {  	v4 =	vadd.f32 v4, v6;
	_ =	sdelay $0x1  }
0xbf: {  	v4 =	vadd.f32 v4, v3;
	_ =	sdelay $0x1  }
0xc0: {  	v4 =	vsub.f32 $0.0e+00, v4;
	_ =	sdelay $0x1  }
0xc1: {  	v4 =	vmul.f32 $1.442695020e+00, v4;
	_ =	sdelay $0x1  }
0xc2: {  	(erf) = vpow2.f32 v4;
	_ =	sdelay $0x8  }
0xc3: {  	v4 =	vpop (erf)  }
0xc4: {  	v4 =	vadd.f32 $1.000000000e+00, v4;
	_ =	sdelay $0x1  }
0xc5: {  	(erf) = vrcp.f32 v4;
	_ =	sdelay $0x8  }
0xc6: {  	v4 =	vpop (erf)  }
0xc7: {  	[tilespmem:$0xAA50] =	vst v4  }
0xc8: {  	[tilespmem:s12+$0xAB50] =	vst v5  }
0xc9: {  	v4 =	vld [tilespmem:s13+$0xA860];
	_ =	sdelay $0x2  }
0xca: {  	v5 =	vld [tilespmem:s13+$0xA8E0];
	_ =	sdelay $0x1  }
0xcb: {  	v6 =	vsub.s32 v4, v0  }
0xcc: {  	v4 =	vand.u32 $0x7F, v4;
	v6 =	vand.u32 $0xFFFFFF80, v6  }
0xcd: {  	v4 =	vor.u32 v4, v6;
	_ =	sdelay $0x3  }
0xce: {  	v6 =	vld.idx.msk [tilespmem:v5+s4+$0x0], $0xffff  }
0xcf: {  	v4 =	vld.idx.msk [tilespmem:v4+s4+$0x0], $0xffff;
	_ =	sdelay $0x4  }
0xd0: {  	v6 =	vand.u32 $0xFFFF0000, v6;
	v4 =	vshll.u32 v4, $0x10  }
0xd1: {  	v4 =	vadd.f32 v4, v6;
	_ =	sdelay $0x1  }
0xd2: {  	v4 =	vadd.f32 v4, v3;
	_ =	sdelay $0x1  }
0xd3: {  	v4 =	vsub.f32 $0.0e+00, v4;
	_ =	sdelay $0x1  }
0xd4: {  	v4 =	vmul.f32 $1.442695020e+00, v4;
	_ =	sdelay $0x1  }
0xd5: {  	(erf) = vpow2.f32 v4;
	_ =	sdelay $0x8  }
0xd6: {  	v4 =	vpop (erf)  }
0xd7: {  	v4 =	vadd.f32 $1.000000000e+00, v4;
	_ =	sdelay $0x1  }
0xd8: {  	(erf) = vrcp.f32 v4;
	_ =	sdelay $0x8  }
0xd9: {  	v4 =	vpop (erf)  }
0xda: {  	[tilespmem:$0xAA60] =	vst v4  }
0xdb: {  	[tilespmem:s12+$0xAB60] =	vst v5  }
0xdc: {  	v4 =	vld [tilespmem:s13+$0xA870];
	_ =	sdelay $0x2  }
0xdd: {  	v5 =	vld [tilespmem:s13+$0xA8F0];
	_ =	sdelay $0x1  }
0xde: {  	v6 =	vsub.s32 v4, v0  }
0xdf: {  	v4 =	vand.u32 $0x7F, v4;
	v6 =	vand.u32 $0xFFFFFF80, v6  }
0xe0: {  	v4 =	vor.u32 v4, v6;
	_ =	sdelay $0x3  }
0xe1: {  	v6 =	vld.idx.msk [tilespmem:v5+s4+$0x0], $0xffff  }
0xe2: {  	v4 =	vld.idx.msk [tilespmem:v4+s4+$0x0], $0xffff;
	_ =	sdelay $0x4  }
0xe3: {  	v6 =	vand.u32 $0xFFFF0000, v6;
	v4 =	vshll.u32 v4, $0x10  }
0xe4: {  	v4 =	vadd.f32 v4, v6;
	_ =	sdelay $0x1  }
0xe5: {  	v4 =	vadd.f32 v4, v3;
	_ =	sdelay $0x1  }
0xe6: {  	v4 =	vsub.f32 $0.0e+00, v4;
	_ =	sdelay $0x1  }
0xe7: {  	v4 =	vmul.f32 $1.442695020e+00, v4;
	_ =	sdelay $0x1  }
0xe8: {  	(erf) = vpow2.f32 v4;
	_ =	sdelay $0x8  }
0xe9: {  	v4 =	vpop (erf)  }
0xea: {  	v4 =	vadd.f32 $1.000000000e+00, v4;
	_ =	sdelay $0x1  }
0xeb: {  	(erf) = vrcp.f32 v4;
	_ =	sdelay $0x8  }
0xec: {  	v4 =	vpop (erf)  }
0xed: {  	p2 =	seq.s32 s6, $0x0;
	[tilespmem:$0xAA70] =	vst v4  }
0xee: {  	s9 =	simm.s32 @!p2 $0x1;
	[tilespmem:s12+$0xAB70] =	vst v5  }
0xef: {  	_ =	swait.ge @!p2 [sflag:s9], $0x4000  }
0xf0: {  	p1 =	sge.u32 s6, s20;
	[sflag:s9] =	ssyncset.done @!p2 $0x0  }
0xf1: {  	[sflag:s9] =	ssyncadd.s32 @!p2 $0xFFFFC000;
	s9 =	simm.s32 @!p1 $0x2  }
0xf2: {  	_ =	swait.ge @!p1 [sflag:s9], $0x80  }
0xf3: {  	[sflag:s9] =	ssyncset.done @!p1 $0x0  }
0xf4: {  	s14 =	sxor.u32 $0x1, s11;
	[sflag:s9] =	ssyncadd.s32 @!p1 $0xFFFFFF80  }
0xf5: {  	s26 =	sshll.u32 @!p1 s14, $0x8;
	_ =	swait.ge @!p1 [sflag:s9], $0x80  }
0xf6: {  	s14 =	sshll.u32 @!p1 s14, $0xE;
	s26 =	sor.u32 @!p1 $0xA800, s26;
	[sflag:s9] =	ssyncset.done @!p1 $0x0  }
0xf7: {  	[sflag:s9] =	ssyncadd.s32 @!p1 $0xFFFFFF80;
	s9 =	sor.u32 @!p1 $0x2800, s14;
	s14 =	simm.s32 @!p1 $0x80  }
0xf8: {  	[tilespmem:s9], [sflag:$0x3] =	stream.indirect.gather @!p1 [hbm4b:s5+s14], $0x80, s26, s14, $0xb8;
	[tilespmem:$0x1E880] =	vst v63  }
0xf9: {  	p1 =	sge.u32 s6, s24  }
0xfa: {  	s14 =	sadd.s32 @!p1 s8, s6  }
0xfb: {  	s9 =	simm.s32 $0x1;
	s26 =	sor.u32 $0xA800, s13;
	s14 =	sshll.u32 @!p1 s14, $0x8  }
0xfc: {  	s9 =	simm.s32 @!p0 $0x0;
	_ =	swait.ge [sflag:s0], $0x4000;
	s14 =	sadd.s32 @!p1 s14, s21  }
0xfd: {  	s29 =	simm.s32 @!p1 $0x0;
	[sflag:s0] =	ssyncset.done $0x0;
	s14 =	sshrl.u32 @!p1 s14, $0x3  }
0xfe: {  	s9 =	sshll.u32 s9, $0xE;
	[sflag:s0] =	ssyncadd.s32 $0xFFFFC000;
	s16 =	sadd.s32 @!p1 s1, s14  }
0xff: {  	[tilespmem:s26], [sflag:$0x2] =	stream.linear.gather @!p1 [hbm4b:s16+s29], $0x80, $0x38;
	[tilespmem:$0x1E880] =	vst v63  }
0x100: {  	s13 =	sor.u32 $0xA880, s13;
	s9 =	sor.u32 $0x2A00, s9;
	s14 =	sadd.s32 @!p1 s14, s15  }
0x101: {  	[tilespmem:s13], [sflag:$0x2] =	stream.linear.gather @!p1 [hbm4b:s14+s29], $0x80, $0x38;
	[tilespmem:$0x1E880] =	vst v63  }
0x102: {  	v9 =	vld [tilespmem:s9+$0x1F0]  }
0x103: {  	s29 =	simm.s32 $0x0;
	v10 =	vld [tilespmem:s9+$0x1D0]  }
0x104: {  	v5 =	vld.msk [tilespmem:s29+$0xAA07 ss:$0x0], $0xffff  }
0x105: {  	v11 =	vld.msk [tilespmem:s29+$0xAA06 ss:$0x0], $0xffff  }
0x106: {  	v12 =	vld.msk [tilespmem:s29+$0xAA05 ss:$0x0], $0xffff  }
0x107: {  	v13 =	vld.msk [tilespmem:s29+$0xAA04 ss:$0x0], $0xffff  }
0x108: {  	v14 =	vld.msk [tilespmem:s29+$0xAA03 ss:$0x0], $0xffff  }
0x109: {  	v8 =	vld.msk [tilespmem:s29+$0xAA02 ss:$0x0], $0xffff  }
0x10a: {  	v7 =	vld.msk [tilespmem:s29+$0xAA01 ss:$0x0], $0xffff  }
0x10b: {  	v6 =	vld.msk [tilespmem:s29+$0xAA00 ss:$0x0], $0xffff  }
0x10c: {  	v15 =	vld [tilespmem:s9+$0x1C0]  }
0x10d: {  	v16 =	vld [tilespmem:s9+$0x1B0]  }
0x10e: {  	v17 =	vld [tilespmem:s9+$0x1A0]  }
0x10f: {  	v18 =	vld [tilespmem:s9+$0x190]  }
0x110: {  	v19 =	vld [tilespmem:s9+$0x180];
	v9 =	vmul.f32 v9, v5  }
0x111: {  	v20 =	vld [tilespmem:s9+$0x170];
	v10 =	vmul.f32 v10, v5  }
0x112: {  	v42 =	vld [tilespmem:s9+$0x160];
	v15 =	vmul.f32 v15, v5;
	[tilespmem:s9+$0x1F0] =	vst v9  }
0x113: {  	v49 =	vld [tilespmem:s9+$0xF0];
	v16 =	vmul.f32 v16, v5;
	[tilespmem:s9+$0x1D0] =	vst v10  }
0x114: {  	v58 =	vld [tilespmem:s9+$0x70];
	v17 =	vmul.f32 v17, v5;
	[tilespmem:s9+$0x1C0] =	vst v15  }
0x115: {  	v24 =	vld [tilespmem:s9+$0xFFFFFFF0];
	v18 =	vmul.f32 v18, v5;
	[tilespmem:s9+$0x1B0] =	vst v16  }
0x116: {  	v43 =	vld [tilespmem:s9+$0x150];
	v19 =	vmul.f32 v19, v5;
	[tilespmem:s9+$0x1A0] =	vst v17  }
0x117: {  	v44 =	vld [tilespmem:s9+$0x140];
	v20 =	vmul.f32 v20, v11;
	[tilespmem:s9+$0x190] =	vst v18  }
0x118: {  	v45 =	vld [tilespmem:s9+$0x130];
	v55 =	vmul.f32 v49, v12;
	[tilespmem:s9+$0x180] =	vst v19  }
0x119: {  	v46 =	vld [tilespmem:s9+$0x120];
	v21 =	vmul.f32 v58, v13;
	[tilespmem:s9+$0x170] =	vst v20  }
0x11a: {  	v47 =	vld [tilespmem:s9+$0x110];
	v30 =	vmul.f32 v24, v14;
	[tilespmem:s9+$0xF0] =	vst v55  }
0x11b: {  	v48 =	vld [tilespmem:s9+$0x100];
	v9 =	vmul.f32 v42, v11;
	[tilespmem:s9+$0x70] =	vst v21  }
0x11c: {  	v50 =	vld [tilespmem:s9+$0xE0];
	v10 =	vmul.f32 v43, v11;
	[tilespmem:s9+$0xFFFFFFF0] =	vst v30  }
0x11d: {  	v41 =	vld [tilespmem:s9+$0xFFFFFEF0];
	v15 =	vmul.f32 v44, v11;
	[tilespmem:s9+$0x160] =	vst v9  }
0x11e: {  	v51 =	vld [tilespmem:s9+$0xD0];
	v16 =	vmul.f32 v45, v11;
	[tilespmem:s9+$0x150] =	vst v10  }
0x11f: {  	v52 =	vld [tilespmem:s9+$0xC0];
	v17 =	vmul.f32 v46, v11;
	[tilespmem:s9+$0x140] =	vst v15  }
0x120: {  	v53 =	vld [tilespmem:s9+$0xB0];
	v18 =	vmul.f32 v47, v11;
	[tilespmem:s9+$0x130] =	vst v16  }
0x121: {  	v54 =	vld [tilespmem:s9+$0xA0];
	v11 =	vmul.f32 v48, v11;
	[tilespmem:s9+$0x120] =	vst v17  }
0x122: {  	v56 =	vld [tilespmem:s9+$0x90];
	v47 =	vmul.f32 v41, v7;
	[tilespmem:s9+$0x110] =	vst v18  }
0x123: {  	v57 =	vld [tilespmem:s9+$0x80];
	v9 =	vmul.f32 v50, v12;
	[tilespmem:s9+$0x100] =	vst v11  }
0x124: {  	v59 =	vld [tilespmem:s9+$0x60];
	v10 =	vmul.f32 v51, v12;
	[tilespmem:s9+$0xFFFFFEF0] =	vst v47  }
0x125: {  	v63 =	vld [tilespmem:s9+$0x20];
	v15 =	vmul.f32 v52, v12;
	[tilespmem:s9+$0xE0] =	vst v9  }
0x126: {  	v60 =	vld [tilespmem:s9+$0x50];
	v16 =	vmul.f32 v53, v12;
	[tilespmem:s9+$0xD0] =	vst v10  }
0x127: {  	v61 =	vld [tilespmem:s9+$0x40];
	v17 =	vmul.f32 v54, v12;
	[tilespmem:s9+$0xC0] =	vst v15  }
0x128: {  	v62 =	vld [tilespmem:s9+$0x30];
	v18 =	vmul.f32 v56, v12;
	[tilespmem:s9+$0xB0] =	vst v16  }
0x129: {  	v22 =	vld [tilespmem:s9+$0x10];
	v11 =	vmul.f32 v57, v12;
	[tilespmem:s9+$0xA0] =	vst v17  }
0x12a: {  	v23 =	vld [tilespmem:s9+$0x0];
	v12 =	vmul.f32 v63, v13;
	[tilespmem:s9+$0x90] =	vst v18  }
0x12b: {  	v25 =	vld [tilespmem:s9+$0xFFFFFFE0];
	v9 =	vmul.f32 v59, v13;
	[tilespmem:s9+$0x80] =	vst v11  }
0x12c: {  	v29 =	vld [tilespmem:s9+$0xFFFFFFA0];
	v10 =	vmul.f32 v60, v13;
	[tilespmem:s9+$0x20] =	vst v12  }
0x12d: {  	v31 =	vld [tilespmem:s9+$0xFFFFFF90];
	v15 =	vmul.f32 v61, v13;
	[tilespmem:s9+$0x60] =	vst v9  }
0x12e: {  	v33 =	vld [tilespmem:s9+$0xFFFFFF70];
	v16 =	vmul.f32 v62, v13;
	[tilespmem:s9+$0x50] =	vst v10  }
0x12f: {  	v44 =	vld [tilespmem:s9+$0xFFFFFEC0];
	v18 =	vmul.f32 v22, v13;
	[tilespmem:s9+$0x40] =	vst v15  }
0x130: {  	v45 =	vld [tilespmem:s9+$0xFFFFFEB0];
	v11 =	vmul.f32 v23, v13;
	[tilespmem:s9+$0x30] =	vst v16  }
0x131: {  	v55 =	vld [tilespmem:s9+$0xFFFFFE40];
	v12 =	vmul.f32 v29, v14;
	[tilespmem:s9+$0x10] =	vst v18  }
0x132: {  	v26 =	vld [tilespmem:s9+$0xFFFFFFD0];
	v17 =	vmul.f32 v31, v14;
	[tilespmem:s9+$0x0] =	vst v11  }
0x133: {  	v27 =	vld [tilespmem:s9+$0xFFFFFFC0];
	v13 =	vmul.f32 v33, v8;
	[tilespmem:s9+$0xFFFFFFA0] =	vst v12  }
0x134: {  	v28 =	vld [tilespmem:s9+$0xFFFFFFB0];
	v51 =	vmul.f32 v44, v7;
	[tilespmem:s9+$0xFFFFFF90] =	vst v17  }
0x135: {  	v32 =	vld [tilespmem:s9+$0xFFFFFF80];
	v53 =	vmul.f32 v45, v7;
	[tilespmem:s9+$0xFFFFFF70] =	vst v13  }
0x136: {  	v34 =	vld [tilespmem:s9+$0xFFFFFF60];
	v61 =	vmul.f32 v55, v6;
	[tilespmem:s9+$0xFFFFFEC0] =	vst v51  }
0x137: {  	v38 =	vld [tilespmem:s9+$0xFFFFFF20];
	v9 =	vmul.f32 v25, v14;
	[tilespmem:s9+$0xFFFFFEB0] =	vst v53  }
0x138: {  	v39 =	vld [tilespmem:s9+$0xFFFFFF10];
	v10 =	vmul.f32 v26, v14;
	[tilespmem:s9+$0xFFFFFE40] =	vst v61  }
0x139: {  	v48 =	vld [tilespmem:s9+$0xFFFFFE90];
	v15 =	vmul.f32 v27, v14;
	[tilespmem:s9+$0xFFFFFFE0] =	vst v9  }
0x13a: {  	v50 =	vld [tilespmem:s9+$0xFFFFFE70];
	v16 =	vmul.f32 v28, v14;
	[tilespmem:s9+$0xFFFFFFD0] =	vst v10  }
0x13b: {  	v56 =	vld [tilespmem:s9+$0xFFFFFE30];
	v11 =	vmul.f32 v32, v14;
	[tilespmem:s9+$0xFFFFFFC0] =	vst v15  }
0x13c: {  	v35 =	vld [tilespmem:s9+$0xFFFFFF50];
	v12 =	vmul.f32 v38, v8;
	[tilespmem:s9+$0xFFFFFFB0] =	vst v16  }
0x13d: {  	v36 =	vld [tilespmem:s9+$0xFFFFFF40];
	v14 =	vmul.f32 v39, v8;
	[tilespmem:s9+$0xFFFFFF80] =	vst v11  }
0x13e: {  	v37 =	vld [tilespmem:s9+$0xFFFFFF30];
	v13 =	vmul.f32 v48, v7;
	[tilespmem:s9+$0xFFFFFF20] =	vst v12  }
0x13f: {  	v40 =	vld [tilespmem:s9+$0xFFFFFF00];
	v58 =	vmul.f32 v50, v6;
	[tilespmem:s9+$0xFFFFFF10] =	vst v14  }
0x140: {  	v49 =	vld [tilespmem:s9+$0xFFFFFE80];
	v62 =	vmul.f32 v56, v6;
	[tilespmem:s9+$0xFFFFFE90] =	vst v13  }
0x141: {  	v46 =	vld [tilespmem:s9+$0xFFFFFEA0];
	v9 =	vmul.f32 v34, v8;
	[tilespmem:s9+$0xFFFFFE70] =	vst v58  }
0x142: {  	v59 =	vld [tilespmem:s9+$0xFFFFFE10];
	v10 =	vmul.f32 v35, v8;
	[tilespmem:s9+$0xFFFFFE30] =	vst v62  }
0x143: {  	v42 =	vld [tilespmem:s9+$0xFFFFFEE0];
	v15 =	vmul.f32 v36, v8;
	[tilespmem:s9+$0xFFFFFF60] =	vst v9  }
0x144: {  	v43 =	vld [tilespmem:s9+$0xFFFFFED0];
	v16 =	vmul.f32 v37, v8;
	[tilespmem:s9+$0xFFFFFF50] =	vst v10  }
0x145: {  	v4 =	vld [tilespmem:s9+$0x1E0];
	v8 =	vmul.f32 v40, v8;
	[tilespmem:s9+$0xFFFFFF40] =	vst v15  }
0x146: {  	v54 =	vld [tilespmem:s9+$0xFFFFFE50];
	v11 =	vmul.f32 v46, v7;
	[tilespmem:s9+$0xFFFFFF30] =	vst v16  }
0x147: {  	v52 =	vld [tilespmem:s9+$0xFFFFFE60];
	v63 =	vmul.f32 v59, v6;
	[tilespmem:s9+$0xFFFFFF00] =	vst v8  }
0x148: {  	v57 =	vld [tilespmem:s9+$0xFFFFFE20];
	v9 =	vmul.f32 v42, v7;
	[tilespmem:s9+$0xFFFFFEA0] =	vst v11  }
0x149: {  	v60 =	vld [tilespmem:s9+$0xFFFFFE00];
	v10 =	vmul.f32 v43, v7;
	v7 =	vmul.f32 v49, v7;
	[tilespmem:s9+$0xFFFFFE10] =	vst v63  }
0x14a: {  	[tilespmem:s9+$0xFFFFFEE0] =	vst v9  }
0x14b: {  	[tilespmem:s9+$0xFFFFFE80] =	vst v7;
	v7 =	vmul.f32 v54, v6  }
0x14c: {  	[tilespmem:s9+$0xFFFFFED0] =	vst v10;
	v9 =	vmul.f32 v52, v6  }
0x14d: {  	s11 =	sshll.u32 s11, $0xE;
	[tilespmem:s9+$0xFFFFFE50] =	vst v7;
	v7 =	vmul.f32 v57, v6  }
0x14e: {  	s11 =	sor.u32 $0x2800, s11;
	v4 =	vmul.f32 v4, v5;
	v5 =	vmul.f32 v60, v6;
	[tilespmem:s9+$0xFFFFFE60] =	vst v9  }
0x14f: {  	s12 =	sor.u32 $0xAB00, s12;
	s13 =	simm.s32 $0x20;
	s14 =	sadd.s32 $0x400, s9;
	[tilespmem:s9+$0xFFFFFE20] =	vst v7  }
.LBB2_5:
0x150: {  	s16 =	sshra.s32 s13, $0x2;
	v10 =	vld [tilespmem:s14+$0x1F0];
	p1 =	sne.s32 s13, $0x1E0;
	s13 =	sadd.s32 $0x20, s13;
	[tilespmem:s9+$0xFFFFFE00] =	vst v5  }
0x151: {  	v11 =	vld [tilespmem:s14+$0x1D0];
	[tilespmem:s9+$0x1E0] =	vst v4;
	s9 =	smov.u32 s14  }
0x152: {  	v4 =	vld [tilespmem:s14+$0x1E0]  }
0x153: {  	v12 =	vld.msk [tilespmem:s16+$0xAA07 ss:$0x0], $0xffff  }
0x154: {  	v13 =	vld.msk [tilespmem:s16+$0xAA06 ss:$0x0], $0xffff  }
0x155: {  	v14 =	vld.msk [tilespmem:s16+$0xAA05 ss:$0x0], $0xffff  }
0x156: {  	v9 =	vld.msk [tilespmem:s16+$0xAA04 ss:$0x0], $0xffff  }
0x157: {  	v8 =	vld.msk [tilespmem:s16+$0xAA03 ss:$0x0], $0xffff  }
0x158: {  	v7 =	vld.msk [tilespmem:s16+$0xAA02 ss:$0x0], $0xffff  }
0x159: {  	v6 =	vld.msk [tilespmem:s16+$0xAA01 ss:$0x0], $0xffff  }
0x15a: {  	v5 =	vld.msk [tilespmem:s16+$0xAA00 ss:$0x0], $0xffff  }
0x15b: {  	v15 =	vld [tilespmem:s14+$0x1C0]  }
0x15c: {  	v16 =	vld [tilespmem:s14+$0x1B0]  }
0x15d: {  	v17 =	vld [tilespmem:s14+$0x1A0]  }
0x15e: {  	v4 =	vmul.f32 v4, v12;
	v10 =	vmul.f32 v10, v12;
	v18 =	vld [tilespmem:s14+$0x190]  }
0x15f: {  	v11 =	vmul.f32 v11, v12;
	v19 =	vld [tilespmem:s14+$0x180]  }
0x160: {  	v20 =	vld [tilespmem:s14+$0x170];
	v15 =	vmul.f32 v15, v12;
	[tilespmem:s14+$0x1F0] =	vst v10  }
0x161: {  	v10 =	vld [tilespmem:s14+$0x160];
	v16 =	vmul.f32 v16, v12;
	[tilespmem:s14+$0x1D0] =	vst v11  }
0x162: {  	v11 =	vld [tilespmem:s14+$0x150];
	v17 =	vmul.f32 v17, v12;
	[tilespmem:s14+$0x1C0] =	vst v15  }
0x163: {  	v15 =	vld [tilespmem:s14+$0x140];
	v18 =	vmul.f32 v18, v12;
	[tilespmem:s14+$0x1B0] =	vst v16  }
0x164: {  	v16 =	vld [tilespmem:s14+$0x130];
	v12 =	vmul.f32 v19, v12;
	[tilespmem:s14+$0x1A0] =	vst v17  }
0x165: {  	v17 =	vld [tilespmem:s14+$0x120];
	v19 =	vmul.f32 v20, v13;
	[tilespmem:s14+$0x190] =	vst v18  }
0x166: {  	v18 =	vld [tilespmem:s14+$0x110];
	v10 =	vmul.f32 v10, v13;
	[tilespmem:s14+$0x180] =	vst v12  }
0x167: {  	v12 =	vld [tilespmem:s14+$0x100];
	v11 =	vmul.f32 v11, v13;
	[tilespmem:s14+$0x170] =	vst v19  }
0x168: {  	v19 =	vld [tilespmem:s14+$0xF0];
	v15 =	vmul.f32 v15, v13;
	[tilespmem:s14+$0x160] =	vst v10  }
0x169: {  	v10 =	vld [tilespmem:s14+$0xE0];
	v16 =	vmul.f32 v16, v13;
	[tilespmem:s14+$0x150] =	vst v11  }
0x16a: {  	v11 =	vld [tilespmem:s14+$0xD0];
	v17 =	vmul.f32 v17, v13;
	[tilespmem:s14+$0x140] =	vst v15  }
0x16b: {  	v15 =	vld [tilespmem:s14+$0xC0];
	v18 =	vmul.f32 v18, v13;
	[tilespmem:s14+$0x130] =	vst v16  }
0x16c: {  	v16 =	vld [tilespmem:s14+$0xB0];
	v12 =	vmul.f32 v12, v13;
	[tilespmem:s14+$0x120] =	vst v17  }
0x16d: {  	v13 =	vld [tilespmem:s14+$0xA0];
	v17 =	vmul.f32 v19, v14;
	[tilespmem:s14+$0x110] =	vst v18  }
0x16e: {  	v18 =	vld [tilespmem:s14+$0x90];
	v10 =	vmul.f32 v10, v14;
	[tilespmem:s14+$0x100] =	vst v12  }
0x16f: {  	v12 =	vld [tilespmem:s14+$0x80];
	v11 =	vmul.f32 v11, v14;
	[tilespmem:s14+$0xF0] =	vst v17  }
0x170: {  	v17 =	vld [tilespmem:s14+$0x70];
	v15 =	vmul.f32 v15, v14;
	[tilespmem:s14+$0xE0] =	vst v10  }
0x171: {  	v10 =	vld [tilespmem:s14+$0x60];
	v16 =	vmul.f32 v16, v14;
	[tilespmem:s14+$0xD0] =	vst v11  }
0x172: {  	v11 =	vld [tilespmem:s14+$0x50];
	v13 =	vmul.f32 v13, v14;
	[tilespmem:s14+$0xC0] =	vst v15  }
0x173: {  	v15 =	vld [tilespmem:s14+$0x40];
	v18 =	vmul.f32 v18, v14;
	[tilespmem:s14+$0xB0] =	vst v16  }
0x174: {  	v16 =	vld [tilespmem:s14+$0x30];
	v12 =	vmul.f32 v12, v14;
	[tilespmem:s14+$0xA0] =	vst v13  }
0x175: {  	v13 =	vld [tilespmem:s14+$0x20];
	v14 =	vmul.f32 v17, v9;
	[tilespmem:s14+$0x90] =	vst v18  }
0x176: {  	v17 =	vld [tilespmem:s14+$0x10];
	v10 =	vmul.f32 v10, v9;
	[tilespmem:s14+$0x80] =	vst v12  }
0x177: {  	v12 =	vld [tilespmem:s14+$0x0];
	v11 =	vmul.f32 v11, v9;
	[tilespmem:s14+$0x70] =	vst v14  }
0x178: {  	v14 =	vld [tilespmem:s14+$0xFFFFFFF0];
	v15 =	vmul.f32 v15, v9;
	[tilespmem:s14+$0x60] =	vst v10  }
0x179: {  	v10 =	vld [tilespmem:s14+$0xFFFFFFE0];
	v16 =	vmul.f32 v16, v9;
	[tilespmem:s14+$0x50] =	vst v11  }
0x17a: {  	v11 =	vld [tilespmem:s14+$0xFFFFFFD0];
	v13 =	vmul.f32 v13, v9;
	[tilespmem:s14+$0x40] =	vst v15  }
0x17b: {  	v15 =	vld [tilespmem:s14+$0xFFFFFFC0];
	v17 =	vmul.f32 v17, v9;
	[tilespmem:s14+$0x30] =	vst v16  }
0x17c: {  	v16 =	vld [tilespmem:s14+$0xFFFFFFB0];
	v9 =	vmul.f32 v12, v9;
	[tilespmem:s14+$0x20] =	vst v13  }
0x17d: {  	v12 =	vld [tilespmem:s14+$0xFFFFFFA0];
	v13 =	vmul.f32 v14, v8;
	[tilespmem:s14+$0x10] =	vst v17  }
0x17e: {  	v14 =	vld [tilespmem:s14+$0xFFFFFF90];
	v10 =	vmul.f32 v10, v8;
	[tilespmem:s14+$0x0] =	vst v9  }
0x17f: {  	v9 =	vld [tilespmem:s14+$0xFFFFFF80];
	v11 =	vmul.f32 v11, v8;
	[tilespmem:s14+$0xFFFFFFF0] =	vst v13  }
0x180: {  	v13 =	vld [tilespmem:s14+$0xFFFFFF70];
	v15 =	vmul.f32 v15, v8;
	[tilespmem:s14+$0xFFFFFFE0] =	vst v10  }
0x181: {  	v10 =	vld [tilespmem:s14+$0xFFFFFF60];
	v16 =	vmul.f32 v16, v8;
	[tilespmem:s14+$0xFFFFFFD0] =	vst v11  }
0x182: {  	v11 =	vld [tilespmem:s14+$0xFFFFFF50];
	v12 =	vmul.f32 v12, v8;
	[tilespmem:s14+$0xFFFFFFC0] =	vst v15  }
0x183: {  	v15 =	vld [tilespmem:s14+$0xFFFFFF40];
	v14 =	vmul.f32 v14, v8;
	[tilespmem:s14+$0xFFFFFFB0] =	vst v16  }
0x184: {  	v16 =	vld [tilespmem:s14+$0xFFFFFF30];
	v8 =	vmul.f32 v9, v8;
	[tilespmem:s14+$0xFFFFFFA0] =	vst v12  }
0x185: {  	v9 =	vld [tilespmem:s14+$0xFFFFFF20];
	v12 =	vmul.f32 v13, v7;
	[tilespmem:s14+$0xFFFFFF90] =	vst v14  }
0x186: {  	v13 =	vld [tilespmem:s14+$0xFFFFFF10];
	v10 =	vmul.f32 v10, v7;
	[tilespmem:s14+$0xFFFFFF80] =	vst v8  }
0x187: {  	v8 =	vld [tilespmem:s14+$0xFFFFFF00];
	v11 =	vmul.f32 v11, v7;
	[tilespmem:s14+$0xFFFFFF70] =	vst v12  }
0x188: {  	v12 =	vld [tilespmem:s14+$0xFFFFFEF0];
	v14 =	vmul.f32 v15, v7;
	[tilespmem:s14+$0xFFFFFF60] =	vst v10  }
0x189: {  	v10 =	vld [tilespmem:s14+$0xFFFFFEE0];
	v15 =	vmul.f32 v16, v7;
	[tilespmem:s14+$0xFFFFFF50] =	vst v11  }
0x18a: {  	v11 =	vld [tilespmem:s14+$0xFFFFFED0];
	v9 =	vmul.f32 v9, v7;
	[tilespmem:s14+$0xFFFFFF40] =	vst v14  }
0x18b: {  	v14 =	vld [tilespmem:s14+$0xFFFFFEC0];
	v13 =	vmul.f32 v13, v7;
	[tilespmem:s14+$0xFFFFFF30] =	vst v15  }
0x18c: {  	v15 =	vld [tilespmem:s14+$0xFFFFFEB0];
	v7 =	vmul.f32 v8, v7;
	[tilespmem:s14+$0xFFFFFF20] =	vst v9  }
0x18d: {  	v8 =	vld [tilespmem:s14+$0xFFFFFEA0];
	v9 =	vmul.f32 v12, v6;
	[tilespmem:s14+$0xFFFFFF10] =	vst v13  }
0x18e: {  	v12 =	vld [tilespmem:s14+$0xFFFFFE90];
	v10 =	vmul.f32 v10, v6;
	[tilespmem:s14+$0xFFFFFF00] =	vst v7  }
0x18f: {  	v7 =	vld [tilespmem:s14+$0xFFFFFE80];
	v11 =	vmul.f32 v11, v6;
	[tilespmem:s14+$0xFFFFFEF0] =	vst v9  }
0x190: {  	v9 =	vld [tilespmem:s14+$0xFFFFFE70];
	v13 =	vmul.f32 v14, v6;
	[tilespmem:s14+$0xFFFFFEE0] =	vst v10  }
0x191: {  	v10 =	vld [tilespmem:s14+$0xFFFFFE60];
	v14 =	vmul.f32 v15, v6;
	[tilespmem:s14+$0xFFFFFED0] =	vst v11  }
0x192: {  	v11 =	vld [tilespmem:s14+$0xFFFFFE50];
	v8 =	vmul.f32 v8, v6;
	[tilespmem:s14+$0xFFFFFEC0] =	vst v13  }
0x193: {  	v13 =	vld [tilespmem:s14+$0xFFFFFE40];
	v12 =	vmul.f32 v12, v6;
	[tilespmem:s14+$0xFFFFFEB0] =	vst v14  }
0x194: {  	v14 =	vld [tilespmem:s14+$0xFFFFFE30];
	v6 =	vmul.f32 v7, v6;
	[tilespmem:s14+$0xFFFFFEA0] =	vst v8  }
0x195: {  	v7 =	vld [tilespmem:s14+$0xFFFFFE20];
	v8 =	vmul.f32 v9, v5;
	[tilespmem:s14+$0xFFFFFE90] =	vst v12  }
0x196: {  	v9 =	vld [tilespmem:s14+$0xFFFFFE10];
	v10 =	vmul.f32 v10, v5;
	[tilespmem:s14+$0xFFFFFE80] =	vst v6  }
0x197: {  	v6 =	vld [tilespmem:s14+$0xFFFFFE00];
	v11 =	vmul.f32 v11, v5;
	[tilespmem:s14+$0xFFFFFE70] =	vst v8  }
0x198: {  	v8 =	vmul.f32 v13, v5;
	[tilespmem:s14+$0xFFFFFE60] =	vst v10  }
.Ltmp1:
0x199: {  	v10 =	vmul.f32 v14, v5;
	[tilespmem:s14+$0xFFFFFE50] =	vst v11;
	(pc) =	sbr.rel @p1 .LBB2_5-.Ltmp1, $4  }
0x19a: {  	v7 =	vmul.f32 v7, v5;
	[tilespmem:s14+$0xFFFFFE40] =	vst v8  }
0x19b: {  	v8 =	vmul.f32 v9, v5;
	[tilespmem:s14+$0xFFFFFE30] =	vst v10  }
0x19c: {  	v5 =	vmul.f32 v6, v5;
	[tilespmem:s14+$0xFFFFFE20] =	vst v7  }
0x19d: {  	s14 =	sadd.s32 $0x400, s14;
	[tilespmem:s9+$0xFFFFFE10] =	vst v8  }
0x19e: {  	s6 =	sadd.s32 $0x1, s6  }
0x19f: {  	p1 =	sne.s32 s6, s7  }
.Ltmp2:
0x1a0: {  	_ = 	snop;
	(pc) =	sbr.rel @p1 .LBB2_4-.Ltmp2, $4  }
0x1a1: {  	_ = 	snop  }
0x1a2: {  	[tilespmem:s9+$0xFFFFFE00] =	vst v5  }
0x1a3: {  	[tilespmem:s9+$0x1E0] =	vst v4;
	p0 =	por !p0, !p0  }
0x1a4: {  	[spmem:s2] =	stream.indirect.scatter.add.f32 [tilespmem:s11], [sflag:$0x1], $0x80, s12, s30, $0xb8;
	[tilespmem:$0x1E880] =	vst v63  }
0x1a5: {  	_ =	swait.ge [sflag:s31], $0x4000;
	s6 =	stileid.u32  }
0x1a6: {  	s9 =	sshrl.u32 s10, $0x3;
	s3 =	sadd.s32 $0x1, s3;
	[sflag:s31] =	ssyncset.done $0x0  }
0x1a7: {  	s6 =	sshll.u32 s6, $0x6;
	p0 =	sne.s32 s3, s23;
	[sflag:s31] =	ssyncadd.s32 $0xFFFFC000  }
.Ltmp3:
0x1a8: {  	s6 =	sor.u32 $0x1C04, s6;
	[bflag:$0x0] =	sbarrier.arrive $0xFFFF;
	(pc) =	sbr.rel @p0 .LBB2_1-.Ltmp3, $4  }
0x1a9: {  	[hbm:s22], [sflag:s6] =	dma.local [spmem:s9], $0x2780  }
0x1aa: {  	_ =	swait.ge [sflag:s25], $0x2780  }
0x1ab: {  	[sflag:s25] =	ssyncset.done $0x0  }
0x1ac: {  	[sflag:s25] =	ssyncadd.s32 $0xFFFFD880  }
0x1ad: {  	_ =	sfence.sel $0x180000  }
0x1ae: {  	[bflag:$0x0] =	sbarrier.arrive $0xFFFF  }
0x1af: {  	_ =	strace $0x90000047  }
0x1b0: {  	s0 =	stileid.u32;
	[bflag:$0x2] =	sbarrier.arrive $0xFFFF  }
0x1b1: {  	p0 =	sne.s32 s0, $0x0;
	s0 =	rddreg [dreg:$0x3]  }
0x1b2: {  	s0 =	sadd.s32 @!p0 $0x100000, s0  }
0x1b3: {  	[sflag:s0] =	ssyncadd.tile.s32 @!p0 $0x1;
	_ =	shalt  }
.Lfunc_end2:
_tile_overlayer_lowered:
.L_overlay_start_2:
0x1b4: {  	(tag) =	ssettag $0x2  }
0x1b5: {  	s0 =	rddreg [dreg:$0x0];
	s2 =	stileid.u32  }
0x1b6: {  	s1 =	rddreg [dreg:$0x1];
	p0 =	sne.s32 s2, $0x0  }
0x1b7: {  	s3 =	rddreg [dreg:$0x2];
	[bflag:$0x3] =	sbarrier.arrive $0xFFFF;
	s2 =	simm.s32 @!p0 $0x1C04  }
0x1b8: {  	[timem:s3], [sflag:s2] =	dma.local @!p0 [hbm:s0], s1  }
0x1b9: {  	s0 =	simm.s32 @!p0 $0x4  }
0x1ba: {  	_ =	swait.ge @!p0 [sflag:s0], s1  }
0x1bb: {  	s1 =	ssub.s32 @!p0 $0x0, s1;
	[sflag:s0] =	ssyncset.done @!p0 $0x0  }
0x1bc: {  	[sflag:s0] =	ssyncadd.s32 @!p0 s1  }
0x1bd: {  	[bflag:$0x3] =	sbarrier.arrive $0xFFFF  }
0x1be: {  	_ =	shalt  }

</sc_bundles>
